<compile_context>
chip_gen: v7x
topology: tpu7x:2x2x1
jax: 0.10.2.dev20260603
libtpu: 0.0.44.dev20260713+nightly
codegen_flags: <defaults>
</compile_context>

<pallas_src>
import functools

import jax
import jax.numpy as jnp
from jax import lax
from jax.experimental import pallas as pl
from jax.experimental.pallas import tpu as pltpu
from jax.experimental.pallas import tpu_sc as plsc

_SEMI_LAMBDA = 0.001
_EDGE_LAMBDA = 1.0
_K = 80
_LN2 = 0.6931471805599453


def _ln(w):
    bw = plsc.bitcast(w, jnp.int32)
    ex = ((bw >> 23) & 0xFF) - 127
    m = plsc.bitcast((bw & 0x7FFFFF) | 0x3F800000, jnp.float32)
    s = (m - 1.0) / (m + 1.0)
    s2 = s * s
    poly = 1.0 + s2 * (1.0 / 3.0 + s2 * (1.0 / 5.0 + s2 * (1.0 / 7.0
                                                           + s2 * (1.0 / 9.0))))
    return 2.0 * s * poly + ex.astype(jnp.float32) * _LN2


def _sc_info():
    info = plsc.get_sparse_core_info()
    return info.num_cores, info.num_subcores, info.num_lanes


def _sc_semi(poss_node, e0, e1):
    N, C = poss_node.shape
    E = e0.shape[0]
    NC, NS, L = _sc_info()
    NW = NC * NS
    EPW = E // NW
    assert EPW * NW == E and EPW % _K == 0
    n_chunks = EPW // _K
    assert n_chunks % 2 == 1 and n_chunks >= 3
    T = (n_chunks - 1) // 2
    mesh = plsc.VectorSubcoreMesh(core_axis_name="c", subcore_axis_name="s")

    @functools.partial(
        pl.kernel,
        mesh=mesh,
        compiler_params=pltpu.CompilerParams(needs_layout_passes=False),
        out_type=jax.ShapeDtypeStruct((NW, L), jnp.float32),
        scratch_types=[
            pltpu.VMEM((EPW,), jnp.int32),
            pltpu.VMEM((EPW,), jnp.int32),
            pltpu.VMEM((_K, C), jnp.float32),
            pltpu.VMEM((_K, C), jnp.float32),
            pltpu.VMEM((_K, C), jnp.float32),
            pltpu.VMEM((_K, C), jnp.float32),
            pltpu.VMEM((L,), jnp.float32),
            pltpu.SemaphoreType.DMA,
            pltpu.SemaphoreType.DMA,
        ],
    )
    def sc_k(pn_hbm, e0_hbm, e1_hbm, semi_out,
             e0_v, e1_v, ru0, rv0, ru1, rv1, st0, sem0, sem1):
        wid = lax.axis_index("s") * NC + lax.axis_index("c")
        base = wid * EPW
        bufs = ((ru0, rv0, sem0), (ru1, rv1, sem1))
        pltpu.sync_copy(e0_hbm.at[pl.ds(base, EPW)], e0_v)
        pltpu.sync_copy(e1_hbm.at[pl.ds(base, EPW)], e1_v)

        def start(c, b):
            ru, rv, sem = bufs[b]
            loc = c * _K
            pltpu.async_copy(pn_hbm.at[e0_v.at[pl.ds(loc, _K)]], ru, sem)
            pltpu.async_copy(pn_hbm.at[e1_v.at[pl.ds(loc, _K)]], rv, sem)

        def wait(b):
            ru, rv, sem = bufs[b]
            pltpu.make_async_copy(pn_hbm.at[e0_v.at[pl.ds(0, _K)]], ru,
                                  sem).wait()
            pltpu.make_async_copy(pn_hbm.at[e1_v.at[pl.ds(0, _K)]], rv,
                                  sem).wait()

        def compute(b, semi_acc):
            ru, rv, _ = bufs[b]

            def row(r, acc):
                for cc in range(C // L):
                    a = ru[r, pl.ds(cc * L, L)]
                    bb = rv[r, pl.ds(cc * L, L)]
                    d = a - bb
                    acc = acc + d * d
                return acc

            return plsc.parallel_loop(0, _K, unroll=4, carry=semi_acc)(row)

        z = jnp.zeros((L,), jnp.float32)
        start(0, 0)
        start(1, 1)
        wait(0)
        carry0 = compute(0, z)

        def body(t, semi_acc):
            start(2 * t + 2, 0)
            wait(1)
            semi_acc = compute(1, semi_acc)

            @pl.when(t < T - 1)
            def _():
                start(2 * t + 3, 1)

            wait(0)
            return compute(0, semi_acc)

        semi_acc = lax.fori_loop(0, T, body, carry0)
        st0[...] = semi_acc
        pltpu.sync_copy(st0, semi_out.at[wid])

    return sc_k(poss_node, e0, e1)


def _sc_edge(pe_flat, gm, e0, e1):
    N = gm.shape[0]
    E = e0.shape[0]
    C = 128
    NC, NS, L = _sc_info()
    NW = NC * NS
    EPW = E // NW
    n_chunks = EPW // _K
    T = (n_chunks - 1) // 2
    mesh = plsc.VectorSubcoreMesh(core_axis_name="c", subcore_axis_name="s")

    @functools.partial(
        pl.kernel,
        mesh=mesh,
        compiler_params=pltpu.CompilerParams(needs_layout_passes=False),
        out_type=[
            jax.ShapeDtypeStruct((NW, L), jnp.float32),
            jax.ShapeDtypeStruct((NW, L), jnp.float32),
        ],
        scratch_types=[
            pltpu.VMEM((N,), jnp.int32),
            pltpu.VMEM((EPW,), jnp.int32),
            pltpu.VMEM((EPW,), jnp.int32),
            pltpu.VMEM((_K,), jnp.int32),
            pltpu.VMEM((_K,), jnp.int32),
            pltpu.VMEM((_K,), jnp.int32),
            pltpu.VMEM((_K,), jnp.int32),
            pltpu.VMEM((_K,), jnp.float32),
            pltpu.VMEM((_K,), jnp.float32),
            pltpu.VMEM((_K,), jnp.float32),
            pltpu.VMEM((_K,), jnp.float32),
            pltpu.VMEM((_K,), jnp.float32),
            pltpu.VMEM((_K,), jnp.float32),
            pltpu.VMEM((_K,), jnp.float32),
            pltpu.VMEM((_K,), jnp.float32),
            pltpu.VMEM((L,), jnp.float32),
            pltpu.VMEM((L,), jnp.float32),
            pltpu.SemaphoreType.DMA,
            pltpu.SemaphoreType.DMA,
        ],
    )
    def sc_k(pe_hbm, gm_hbm, e0_hbm, e1_hbm,
             edge_out, cnt_out,
             gm_v, e0_v, e1_v, iu0, iv0, iu1, iv1, vu0, vv0, vu1, vv1,
             bo0, bo1, lb0, lb1, st0, st1, sem0, sem1):
        wid = lax.axis_index("s") * NC + lax.axis_index("c")
        base = wid * EPW
        bufs = ((iu0, iv0, vu0, vv0, bo0, lb0, sem0),
                (iu1, iv1, vu1, vv1, bo1, lb1, sem1))
        pltpu.sync_copy(gm_hbm, gm_v)
        pltpu.sync_copy(e0_hbm.at[pl.ds(base, EPW)], e0_v)
        pltpu.sync_copy(e1_hbm.at[pl.ds(base, EPW)], e1_v)

        def build(c, b):
            iu, iv, _, _, bo, lb, _ = bufs[b]
            loc = c * _K
            for i in range(_K // L):
                ev0 = e0_v[pl.ds(loc + i * L, L)]
                ev1 = e1_v[pl.ds(loc + i * L, L)]
                pm0 = plsc.load_gather(gm_v, [ev0])
                pm1 = plsc.load_gather(gm_v, [ev1])
                g0 = pm0 & 255
                g1 = pm1 & 255
                m0 = pm0 >> 8
                m1 = pm1 >> 8
                eg = lax.iota(jnp.int32, L) + (base + loc + i * L)
                iu[pl.ds(i * L, L)] = eg * C + g0
                iv[pl.ds(i * L, L)] = eg * C + g1
                bo[pl.ds(i * L, L)] = (m0 * m1).astype(jnp.float32)
                lb[pl.ds(i * L, L)] = jnp.maximum(m0, m1).astype(jnp.float32)

        def start(b):
            iu, iv, vu, vv, _, _, sem = bufs[b]
            pltpu.async_copy(pe_hbm.at[iu], vu, sem)
            pltpu.async_copy(pe_hbm.at[iv], vv, sem)

        def wait(b):
            iu, iv, vu, vv, _, _, sem = bufs[b]
            pltpu.make_async_copy(pe_hbm.at[iu], vu, sem).wait()
            pltpu.make_async_copy(pe_hbm.at[iv], vv, sem).wait()

        def lnacc(b, edge_acc, cnt_acc):
            _, _, vu, vv, bo, lb, _ = bufs[b]
            for i in range(_K // L):
                v0 = vu[pl.ds(i * L, L)]
                v1 = vv[pl.ds(i * L, L)]
                bf = bo[pl.ds(i * L, L)]
                edge_acc = edge_acc + bf * _ln(v0 * v1)
                cnt_acc = cnt_acc + lb[pl.ds(i * L, L)]
            return edge_acc, cnt_acc

        z = jnp.zeros((L,), jnp.float32)
        build(0, 0)
        start(0)
        build(1, 1)
        start(1)
        wait(0)
        carry0 = lnacc(0, z, z)

        def body(t, carry):
            edge_acc, cnt_acc = carry
            build(2 * t + 2, 0)
            start(0)
            wait(1)
            edge_acc, cnt_acc = lnacc(1, edge_acc, cnt_acc)

            @pl.when(t < T - 1)
            def _():
                build(2 * t + 3, 1)
                start(1)

            wait(0)
            return lnacc(0, edge_acc, cnt_acc)

        edge_acc, cnt_acc = lax.fori_loop(0, T, body, carry0)
        st0[...] = edge_acc
        pltpu.sync_copy(st0, edge_out.at[wid])
        st1[...] = cnt_acc
        pltpu.sync_copy(st1, cnt_out.at[wid])

    return sc_k(pe_flat, gm, e0, e1)


def _tc_node(poss_node, gt3, msk3):
    G, NB, _ = gt3.shape
    C = poss_node.shape[1]

    def k(pn_ref, gt_ref, msk_ref, out_ref):
        i = pl.program_id(0)
        pn = pn_ref[...]
        gtb = gt_ref[0]
        mb = msk_ref[0]
        cols = lax.broadcasted_iota(jnp.int32, (NB, C), 1)
        chosen = jnp.sum(jnp.where(cols == gtb, pn, 0.0), axis=1,
                         keepdims=True)
        num = jnp.sum(jnp.log(chosen) * mb)
        den = jnp.sum(mb)
        lane = lax.broadcasted_iota(jnp.int32, (1, C), 1)
        row = jnp.where(lane == 0, num, jnp.where(lane == 1, den, 0.0))

        @pl.when(i == 0)
        def _first():
            out_ref[...] = row

        @pl.when(i > 0)
        def _rest():
            out_ref[...] += row

    return pl.pallas_call(
        k,
        grid=(G,),
        in_specs=[
            pl.BlockSpec((NB, C), lambda i: (i, 0)),
            pl.BlockSpec((1, NB, 1), lambda i: (i, 0, 0)),
            pl.BlockSpec((1, NB, 1), lambda i: (i, 0, 0)),
        ],
        out_specs=pl.BlockSpec((1, C), lambda i: (0, 0)),
        out_shape=jax.ShapeDtypeStruct((1, C), jnp.float32),
    )(poss_node, gt3, msk3)


def _tc_combine(node_acc, semi_parts, cnt_parts, edge_parts):
    C = node_acc.shape[1]

    def k(nd_ref, se_ref, ct_ref, ed_ref, out_ref):
        nd = nd_ref[...]
        lane = lax.broadcasted_iota(jnp.int32, (1, C), 1)
        num = jnp.sum(jnp.where(lane == 0, nd, 0.0))
        den = jnp.sum(jnp.where(lane == 1, nd, 0.0))
        semi = 0.5 * jnp.sum(se_ref[...])
        cnt = jnp.sum(ct_ref[...])
        esum = jnp.sum(ed_ref[...])
        nll = -num / den
        edge = (-0.5 * _EDGE_LAMBDA) * esum / cnt
        out_ref[...] = jnp.full((1, 1), nll + _SEMI_LAMBDA * semi + edge,
                                jnp.float32)

    return pl.pallas_call(
        k,
        out_shape=jax.ShapeDtypeStruct((1, 1), jnp.float32),
    )(node_acc, semi_parts, cnt_parts, edge_parts)


def kernel(poss_node, poss_edge, groundTruth, mask, edges, weights):
    N, C = poss_node.shape
    E = poss_edge.shape[0]
    e0 = edges[:, 0]
    e1 = edges[:, 1]
    gm = groundTruth | (mask.astype(jnp.int32) << 8)
    pe_flat = poss_edge[:, :C].reshape(-1)
    semi_parts = _sc_semi(poss_node, e0, e1)
    edge_parts, cnt_parts = _sc_edge(pe_flat, gm, e0, e1)
    G = 10
    gt3 = groundTruth.reshape(G, N // G, 1)
    msk3 = mask.astype(jnp.float32).reshape(G, N // G, 1)
    node_acc = _tc_node(poss_node, gt3, msk3)
    loss = _tc_combine(node_acc, semi_parts, cnt_parts, edge_parts)
    return loss[0, 0]

# --- scband reference (transcript-rebuilt; emitter-appended) ---
"""Pipeline reference for scband-edge-loss-10617159156457 (READ-ONLY COPY).

The authoritative reference and input builder live on the scoring server;
editing this copy changes nothing except your own understanding.
"""

import jax, jax.numpy as jnp
import numpy as np

N = 10000
E = 320000
C = 128
SEMI_LAMBDA = 0.001
EDGE_LAMBDA = 1.0


def setup_inputs(seed: int = 0) -> dict:
    key = jax.random.key(seed)
    k1, k2, k3, k4, k5, k6 = jax.random.split(key, 6)
    poss_node = jax.random.uniform(k1, (N, C), dtype=jnp.float32, minval=1e-6, maxval=1.0)
    poss_edge = jax.random.uniform(k2, (E, C + 1), dtype=jnp.float32, minval=1e-6, maxval=1.0)
    groundTruth = jax.random.randint(k3, (N,), 0, C, dtype=jnp.int32)
    mask = jax.random.randint(k4, (N,), 0, 2, dtype=jnp.int32).astype(bool)
    edges = jax.random.randint(k5, (E, 2), 0, N, dtype=jnp.int32)
    weights = jax.random.uniform(k6, (E,), dtype=jnp.float32)
    return {
        'poss_node': poss_node,
        'poss_edge': poss_edge,
        'groundTruth': groundTruth,
        'mask': mask,
        'edges': edges,
        'weights': weights,
    }


def reference(poss_node, poss_edge, groundTruth, mask, edges, weights):
    gt = groundTruth
    msk = mask
    eg = edges

    n_nodes = poss_node.shape[0]
    n_edges = poss_edge.shape[0]

    # ---- 'task' term: NLL over masked nodes (F.nll_loss with mean reduction) ----
    node_log = jnp.log(poss_node[jnp.arange(n_nodes), gt])
    mf = msk.astype(jnp.float32)
    nll = -jnp.sum(node_log * mf) / jnp.sum(mf)
    loss = nll

    # ---- 'semi' term: graph Laplacian smoothness over edges ----
    d = poss_node[eg[:, 0]] - poss_node[eg[:, 1]]
    semi_loss = 0.5 * jnp.sum(jnp.sum(d * d, axis=1))
    loss = loss + SEMI_LAMBDA * semi_loss

    # ---- 'edge' term ----
    m0 = msk[eg[:, 0]]
    m1 = msk[eg[:, 1]]
    label_mask = m0 | m1
    both_label = m0 & m1
    g0 = gt[eg[:, 0]]
    g1 = gt[eg[:, 1]]
    same = g0 == g1
    same_mask = (both_label & same).astype(jnp.float32)
    diff_mask = (both_label & ~same).astype(jnp.float32)

    log0 = jnp.log(poss_edge[jnp.arange(n_edges), g0])
    log1 = jnp.log(poss_edge[jnp.arange(n_edges), g1])

    edge_loss = -jnp.sum(same_mask * log0)
    edge_loss = edge_loss - jnp.sum(
        diff_mask * (0.5 * log0 + 0.5 * log1)
    )
    edge_loss = edge_loss * EDGE_LAMBDA
    edge_loss = edge_loss / label_mask.sum().astype(jnp.float32)
    loss = loss + edge_loss
    return loss

if __name__ == "__main__":
    import jax
    _d = setup_inputs()
    print(jax.jit(kernel)(*tuple(_d.values())))

</pallas_src>

<mosaic_0001>
#map = affine_map<(d0, d1) -> (0, 0)>
#map1 = affine_map<(d0, d1) -> (0)>
module attributes {stable_mosaic.version = 14 : i64} {
  func.func @sc_k(%arg0: i32, %arg1: i32, %arg2: memref<10000x128xf32, #tpu.memory_space<hbm>>, %arg3: memref<320000xi32, #tpu.memory_space<hbm>>, %arg4: memref<320000xi32, #tpu.memory_space<hbm>>, %arg5: memref<32x16xf32, #tpu.memory_space<hbm>>, %arg6: memref<10000xi32, #tpu.memory_space<vmem>>, %arg7: memref<10000xi32, #tpu.memory_space<vmem>>, %arg8: memref<80x128xf32, #tpu.memory_space<vmem>>, %arg9: memref<80x128xf32, #tpu.memory_space<vmem>>, %arg10: memref<80x128xf32, #tpu.memory_space<vmem>>, %arg11: memref<80x128xf32, #tpu.memory_space<vmem>>, %arg12: memref<16xf32, #tpu.memory_space<vmem>>, %arg13: memref<!tpu.dma_semaphore, #tpu.memory_space<semaphore_mem>>, %arg14: memref<!tpu.dma_semaphore, #tpu.memory_space<semaphore_mem>>) attributes {dimension_semantics = [#tpu.dimension_semantics<core_parallel>, #tpu.dimension_semantics<subcore_parallel>], iteration_bounds = array<i64: 2, 16>, scalar_prefetch = 0 : i64, scratch_operands = 9 : i64, tpu.core_type = #tpu.core_type<sc_vector_subcore>, window_params = [{transform_indices = #map}, {transform_indices = #map1}, {transform_indices = #map1}, {transform_indices = #map}]} {
    %mul3A = arith.constant 2 : i32
    %mul3A_0 = arith.muli %arg1, %mul3A : i32
    %add3A = arith.addi %mul3A_0, %arg0 : i32
    %mul3A_1 = arith.constant 10000 : i32
    %mul3A_2 = arith.muli %add3A, %mul3A_1 : i32
    "tpu.region"() ({
      %run_scoped3A = tpu.sem_alloc : memref<!tpu.dma_semaphore, #tpu.memory_space<semaphore_mem>>
      %dma_start3A_41 = tpu.memref_slice %arg3[%mul3A_2] : memref<320000xi32, #tpu.memory_space<hbm>> -> memref<10000xi32, #tpu.memory_space<hbm>>
      %dma_start3A_42 = tpu.memref_slice %arg3[%mul3A_2] : memref<320000xi32, #tpu.memory_space<hbm>> -> memref<10000xi32, #tpu.memory_space<hbm>>
      tpu.enqueue_dma source(%dma_start3A_42 : memref<10000xi32, #tpu.memory_space<hbm>>) target(%arg6 : memref<10000xi32, #tpu.memory_space<vmem>>) target_semaphore(%run_scoped3A : memref<!tpu.dma_semaphore, #tpu.memory_space<semaphore_mem>>)
      %dma_wait3A_43 = tpu.memref_slice %arg3[%mul3A_2] : memref<320000xi32, #tpu.memory_space<hbm>> -> memref<10000xi32, #tpu.memory_space<hbm>>
      %dma_wait3A_44 = tpu.memref_slice %arg3[%mul3A_2] : memref<320000xi32, #tpu.memory_space<hbm>> -> memref<10000xi32, #tpu.memory_space<hbm>>
      tpu.wait_dma2 semaphore(%run_scoped3A : memref<!tpu.dma_semaphore, #tpu.memory_space<semaphore_mem>>) src(%dma_wait3A_44 : memref<10000xi32, #tpu.memory_space<hbm>>) dst(%arg6 : memref<10000xi32, #tpu.memory_space<vmem>>)
      tpu.yield
    }) : () -> ()
    "tpu.region"() ({
      %run_scoped3A = tpu.sem_alloc : memref<!tpu.dma_semaphore, #tpu.memory_space<semaphore_mem>>
      %dma_start3A_41 = tpu.memref_slice %arg4[%mul3A_2] : memref<320000xi32, #tpu.memory_space<hbm>> -> memref<10000xi32, #tpu.memory_space<hbm>>
      %dma_start3A_42 = tpu.memref_slice %arg4[%mul3A_2] : memref<320000xi32, #tpu.memory_space<hbm>> -> memref<10000xi32, #tpu.memory_space<hbm>>
      tpu.enqueue_dma source(%dma_start3A_42 : memref<10000xi32, #tpu.memory_space<hbm>>) target(%arg7 : memref<10000xi32, #tpu.memory_space<vmem>>) target_semaphore(%run_scoped3A : memref<!tpu.dma_semaphore, #tpu.memory_space<semaphore_mem>>)
      %dma_wait3A_43 = tpu.memref_slice %arg4[%mul3A_2] : memref<320000xi32, #tpu.memory_space<hbm>> -> memref<10000xi32, #tpu.memory_space<hbm>>
      %dma_wait3A_44 = tpu.memref_slice %arg4[%mul3A_2] : memref<320000xi32, #tpu.memory_space<hbm>> -> memref<10000xi32, #tpu.memory_space<hbm>>
      tpu.wait_dma2 semaphore(%run_scoped3A : memref<!tpu.dma_semaphore, #tpu.memory_space<semaphore_mem>>) src(%dma_wait3A_44 : memref<10000xi32, #tpu.memory_space<hbm>>) dst(%arg7 : memref<10000xi32, #tpu.memory_space<vmem>>)
      tpu.yield
    }) : () -> ()
    %broadcast_in_dim3A = arith.constant 0.000000e+00 : f32
    %broadcast_in_dim3A_3 = vector.broadcast %broadcast_in_dim3A : f32 to vector<16xf32>
    %dma_start3A = arith.constant 0 : i32
    %dma_start3A_4 = tpu.memref_slice %arg6[%dma_start3A] : memref<10000xi32, #tpu.memory_space<vmem>> -> memref<80xi32, #tpu.memory_space<vmem>>
    %dma_start3A_5 = arith.constant 0 : i32
    %dma_start3A_6 = arith.constant 0 : i32
    %dma_start3A_7 = tpu.memref_slice %arg2[%dma_start3A_5, %dma_start3A_6] : memref<10000x128xf32, #tpu.memory_space<hbm>> -> memref<10000x128xf32, #tpu.memory_space<hbm>>
    tpu.enqueue_indirect_dma source(%dma_start3A_7 : memref<10000x128xf32, #tpu.memory_space<hbm>>) target(%arg8 : memref<80x128xf32, #tpu.memory_space<vmem>>) offsets(%dma_start3A_4 : memref<80xi32, #tpu.memory_space<vmem>>) semaphore(%arg13 : memref<!tpu.dma_semaphore, #tpu.memory_space<semaphore_mem>>)
    %dma_start3A_8 = arith.constant 0 : i32
    %dma_start3A_9 = tpu.memref_slice %arg7[%dma_start3A_8] : memref<10000xi32, #tpu.memory_space<vmem>> -> memref<80xi32, #tpu.memory_space<vmem>>
    %dma_start3A_10 = arith.constant 0 : i32
    %dma_start3A_11 = arith.constant 0 : i32
    %dma_start3A_12 = tpu.memref_slice %arg2[%dma_start3A_10, %dma_start3A_11] : memref<10000x128xf32, #tpu.memory_space<hbm>> -> memref<10000x128xf32, #tpu.memory_space<hbm>>
    tpu.enqueue_indirect_dma source(%dma_start3A_12 : memref<10000x128xf32, #tpu.memory_space<hbm>>) target(%arg9 : memref<80x128xf32, #tpu.memory_space<vmem>>) offsets(%dma_start3A_9 : memref<80xi32, #tpu.memory_space<vmem>>) semaphore(%arg13 : memref<!tpu.dma_semaphore, #tpu.memory_space<semaphore_mem>>)
    %dma_start3A_13 = arith.constant 80 : i32
    %dma_start3A_14 = tpu.memref_slice %arg6[%dma_start3A_13] : memref<10000xi32, #tpu.memory_space<vmem>> -> memref<80xi32, #tpu.memory_space<vmem>>
    %dma_start3A_15 = arith.constant 0 : i32
    %dma_start3A_16 = arith.constant 0 : i32
    %dma_start3A_17 = tpu.memref_slice %arg2[%dma_start3A_15, %dma_start3A_16] : memref<10000x128xf32, #tpu.memory_space<hbm>> -> memref<10000x128xf32, #tpu.memory_space<hbm>>
    tpu.enqueue_indirect_dma source(%dma_start3A_17 : memref<10000x128xf32, #tpu.memory_space<hbm>>) target(%arg10 : memref<80x128xf32, #tpu.memory_space<vmem>>) offsets(%dma_start3A_14 : memref<80xi32, #tpu.memory_space<vmem>>) semaphore(%arg14 : memref<!tpu.dma_semaphore, #tpu.memory_space<semaphore_mem>>)
    %dma_start3A_18 = arith.constant 80 : i32
    %dma_start3A_19 = tpu.memref_slice %arg7[%dma_start3A_18] : memref<10000xi32, #tpu.memory_space<vmem>> -> memref<80xi32, #tpu.memory_space<vmem>>
    %dma_start3A_20 = arith.constant 0 : i32
    %dma_start3A_21 = arith.constant 0 : i32
    %dma_start3A_22 = tpu.memref_slice %arg2[%dma_start3A_20, %dma_start3A_21] : memref<10000x128xf32, #tpu.memory_space<hbm>> -> memref<10000x128xf32, #tpu.memory_space<hbm>>
    tpu.enqueue_indirect_dma source(%dma_start3A_22 : memref<10000x128xf32, #tpu.memory_space<hbm>>) target(%arg11 : memref<80x128xf32, #tpu.memory_space<vmem>>) offsets(%dma_start3A_19 : memref<80xi32, #tpu.memory_space<vmem>>) semaphore(%arg14 : memref<!tpu.dma_semaphore, #tpu.memory_space<semaphore_mem>>)
    %dma_wait3A = arith.constant 0 : i32
    %dma_wait3A_23 = tpu.memref_slice %arg6[%dma_wait3A] : memref<10000xi32, #tpu.memory_space<vmem>> -> memref<80xi32, #tpu.memory_space<vmem>>
    %dma_wait3A_24 = arith.constant 0 : i32
    %dma_wait3A_25 = arith.constant 0 : i32
    %dma_wait3A_26 = tpu.memref_slice %arg2[%dma_wait3A_24, %dma_wait3A_25] : memref<10000x128xf32, #tpu.memory_space<hbm>> -> memref<10000x128xf32, #tpu.memory_space<hbm>>
    tpu.wait_indirect_dma semaphore(%arg13 : memref<!tpu.dma_semaphore, #tpu.memory_space<semaphore_mem>>) src(%dma_wait3A_26 : memref<10000x128xf32, #tpu.memory_space<hbm>>) dst(%arg8 : memref<80x128xf32, #tpu.memory_space<vmem>>)
    %dma_wait3A_27 = arith.constant 0 : i32
    %dma_wait3A_28 = tpu.memref_slice %arg7[%dma_wait3A_27] : memref<10000xi32, #tpu.memory_space<vmem>> -> memref<80xi32, #tpu.memory_space<vmem>>
    %dma_wait3A_29 = arith.constant 0 : i32
    %dma_wait3A_30 = arith.constant 0 : i32
    %dma_wait3A_31 = tpu.memref_slice %arg2[%dma_wait3A_29, %dma_wait3A_30] : memref<10000x128xf32, #tpu.memory_space<hbm>> -> memref<10000x128xf32, #tpu.memory_space<hbm>>
    tpu.wait_indirect_dma semaphore(%arg13 : memref<!tpu.dma_semaphore, #tpu.memory_space<semaphore_mem>>) src(%dma_wait3A_31 : memref<10000x128xf32, #tpu.memory_space<hbm>>) dst(%arg9 : memref<80x128xf32, #tpu.memory_space<vmem>>)
    %parallel_loop3A = arith.constant 0 : i32
    %parallel_loop3A_32 = arith.constant 80 : i32
    %parallel_loop3A_33 = arith.constant 1 : i32
    %parallel_loop3A_34 = scf.for %parallel_loop3A_41 = %parallel_loop3A to %parallel_loop3A_32 step %parallel_loop3A_33 iter_args(%parallel_loop3A_42 = %broadcast_in_dim3A_3) -> (vector<16xf32>)  : i32 {
      %parallel_loop3A_43 = arith.index_cast %parallel_loop3A_41 : i32 to index
      %parallel_loop3A_44 = arith.constant 0 : index
      %parallel_loop3A_45 = tpu.vector_load %arg8[%parallel_loop3A_43, %parallel_loop3A_44] {strides = array<i32>} : memref<80x128xf32, #tpu.memory_space<vmem>>, vector<16xf32>,
      %parallel_loop3A_46 = arith.index_cast %parallel_loop3A_41 : i32 to index
      %parallel_loop3A_47 = arith.constant 0 : index
      %parallel_loop3A_48 = tpu.vector_load %arg9[%parallel_loop3A_46, %parallel_loop3A_47] {strides = array<i32>} : memref<80x128xf32, #tpu.memory_space<vmem>>, vector<16xf32>,
      %parallel_loop3A_49 = arith.subf %parallel_loop3A_45, %parallel_loop3A_48 : vector<16xf32>
      %parallel_loop3A_50 = arith.mulf %parallel_loop3A_49, %parallel_loop3A_49 : vector<16xf32>
      %parallel_loop3A_51 = arith.addf %parallel_loop3A_42, %parallel_loop3A_50 : vector<16xf32>
      %parallel_loop3A_52 = arith.index_cast %parallel_loop3A_41 : i32 to index
      %parallel_loop3A_53 = arith.constant 16 : index
      %parallel_loop3A_54 = tpu.vector_load %arg8[%parallel_loop3A_52, %parallel_loop3A_53] {strides = array<i32>} : memref<80x128xf32, #tpu.memory_space<vmem>>, vector<16xf32>,
      %parallel_loop3A_55 = arith.index_cast %parallel_loop3A_41 : i32 to index
      %parallel_loop3A_56 = arith.constant 16 : index
      %parallel_loop3A_57 = tpu.vector_load %arg9[%parallel_loop3A_55, %parallel_loop3A_56] {strides = array<i32>} : memref<80x128xf32, #tpu.memory_space<vmem>>, vector<16xf32>,
      %parallel_loop3A_58 = arith.subf %parallel_loop3A_54, %parallel_loop3A_57 : vector<16xf32>
      %parallel_loop3A_59 = arith.mulf %parallel_loop3A_58, %parallel_loop3A_58 : vector<16xf32>
      %parallel_loop3A_60 = arith.addf %parallel_loop3A_51, %parallel_loop3A_59 : vector<16xf32>
      %parallel_loop3A_61 = arith.index_cast %parallel_loop3A_41 : i32 to index
      %parallel_loop3A_62 = arith.constant 32 : index
      %parallel_loop3A_63 = tpu.vector_load %arg8[%parallel_loop3A_61, %parallel_loop3A_62] {strides = array<i32>} : memref<80x128xf32, #tpu.memory_space<vmem>>, vector<16xf32>,
      %parallel_loop3A_64 = arith.index_cast %parallel_loop3A_41 : i32 to index
      %parallel_loop3A_65 = arith.constant 32 : index
      %parallel_loop3A_66 = tpu.vector_load %arg9[%parallel_loop3A_64, %parallel_loop3A_65] {strides = array<i32>} : memref<80x128xf32, #tpu.memory_space<vmem>>, vector<16xf32>,
      %parallel_loop3A_67 = arith.subf %parallel_loop3A_63, %parallel_loop3A_66 : vector<16xf32>
      %parallel_loop3A_68 = arith.mulf %parallel_loop3A_67, %parallel_loop3A_67 : vector<16xf32>
      %parallel_loop3A_69 = arith.addf %parallel_loop3A_60, %parallel_loop3A_68 : vector<16xf32>
      %parallel_loop3A_70 = arith.index_cast %parallel_loop3A_41 : i32 to index
      %parallel_loop3A_71 = arith.constant 48 : index
      %parallel_loop3A_72 = tpu.vector_load %arg8[%parallel_loop3A_70, %parallel_loop3A_71] {strides = array<i32>} : memref<80x128xf32, #tpu.memory_space<vmem>>, vector<16xf32>,
      %parallel_loop3A_73 = arith.index_cast %parallel_loop3A_41 : i32 to index
      %parallel_loop3A_74 = arith.constant 48 : index
      %parallel_loop3A_75 = tpu.vector_load %arg9[%parallel_loop3A_73, %parallel_loop3A_74] {strides = array<i32>} : memref<80x128xf32, #tpu.memory_space<vmem>>, vector<16xf32>,
      %parallel_loop3A_76 = arith.subf %parallel_loop3A_72, %parallel_loop3A_75 : vector<16xf32>
      %parallel_loop3A_77 = arith.mulf %parallel_loop3A_76, %parallel_loop3A_76 : vector<16xf32>
      %parallel_loop3A_78 = arith.addf %parallel_loop3A_69, %parallel_loop3A_77 : vector<16xf32>
      %parallel_loop3A_79 = arith.index_cast %parallel_loop3A_41 : i32 to index
      %parallel_loop3A_80 = arith.constant 64 : index
      %parallel_loop3A_81 = tpu.vector_load %arg8[%parallel_loop3A_79, %parallel_loop3A_80] {strides = array<i32>} : memref<80x128xf32, #tpu.memory_space<vmem>>, vector<16xf32>,
      %parallel_loop3A_82 = arith.index_cast %parallel_loop3A_41 : i32 to index
      %parallel_loop3A_83 = arith.constant 64 : index
      %parallel_loop3A_84 = tpu.vector_load %arg9[%parallel_loop3A_82, %parallel_loop3A_83] {strides = array<i32>} : memref<80x128xf32, #tpu.memory_space<vmem>>, vector<16xf32>,
      %parallel_loop3A_85 = arith.subf %parallel_loop3A_81, %parallel_loop3A_84 : vector<16xf32>
      %parallel_loop3A_86 = arith.mulf %parallel_loop3A_85, %parallel_loop3A_85 : vector<16xf32>
      %parallel_loop3A_87 = arith.addf %parallel_loop3A_78, %parallel_loop3A_86 : vector<16xf32>
      %parallel_loop3A_88 = arith.index_cast %parallel_loop3A_41 : i32 to index
      %parallel_loop3A_89 = arith.constant 80 : index
      %parallel_loop3A_90 = tpu.vector_load %arg8[%parallel_loop3A_88, %parallel_loop3A_89] {strides = array<i32>} : memref<80x128xf32, #tpu.memory_space<vmem>>, vector<16xf32>,
      %parallel_loop3A_91 = arith.index_cast %parallel_loop3A_41 : i32 to index
      %parallel_loop3A_92 = arith.constant 80 : index
      %parallel_loop3A_93 = tpu.vector_load %arg9[%parallel_loop3A_91, %parallel_loop3A_92] {strides = array<i32>} : memref<80x128xf32, #tpu.memory_space<vmem>>, vector<16xf32>,
      %parallel_loop3A_94 = arith.subf %parallel_loop3A_90, %parallel_loop3A_93 : vector<16xf32>
      %parallel_loop3A_95 = arith.mulf %parallel_loop3A_94, %parallel_loop3A_94 : vector<16xf32>
      %parallel_loop3A_96 = arith.addf %parallel_loop3A_87, %parallel_loop3A_95 : vector<16xf32>
      %parallel_loop3A_97 = arith.index_cast %parallel_loop3A_41 : i32 to index
      %parallel_loop3A_98 = arith.constant 96 : index
      %parallel_loop3A_99 = tpu.vector_load %arg8[%parallel_loop3A_97, %parallel_loop3A_98] {strides = array<i32>} : memref<80x128xf32, #tpu.memory_space<vmem>>, vector<16xf32>,
      %parallel_loop3A_100 = arith.index_cast %parallel_loop3A_41 : i32 to index
      %parallel_loop3A_101 = arith.constant 96 : index
      %parallel_loop3A_102 = tpu.vector_load %arg9[%parallel_loop3A_100, %parallel_loop3A_101] {strides = array<i32>} : memref<80x128xf32, #tpu.memory_space<vmem>>, vector<16xf32>,
      %parallel_loop3A_103 = arith.subf %parallel_loop3A_99, %parallel_loop3A_102 : vector<16xf32>
      %parallel_loop3A_104 = arith.mulf %parallel_loop3A_103, %parallel_loop3A_103 : vector<16xf32>
      %parallel_loop3A_105 = arith.addf %parallel_loop3A_96, %parallel_loop3A_104 : vector<16xf32>
      %parallel_loop3A_106 = arith.index_cast %parallel_loop3A_41 : i32 to index
      %parallel_loop3A_107 = arith.constant 112 : index
      %parallel_loop3A_108 = tpu.vector_load %arg8[%parallel_loop3A_106, %parallel_loop3A_107] {strides = array<i32>} : memref<80x128xf32, #tpu.memory_space<vmem>>, vector<16xf32>,
      %parallel_loop3A_109 = arith.index_cast %parallel_loop3A_41 : i32 to index
      %parallel_loop3A_110 = arith.constant 112 : index
      %parallel_loop3A_111 = tpu.vector_load %arg9[%parallel_loop3A_109, %parallel_loop3A_110] {strides = array<i32>} : memref<80x128xf32, #tpu.memory_space<vmem>>, vector<16xf32>,
      %parallel_loop3A_112 = arith.subf %parallel_loop3A_108, %parallel_loop3A_111 : vector<16xf32>
      %parallel_loop3A_113 = arith.mulf %parallel_loop3A_112, %parallel_loop3A_112 : vector<16xf32>
      %parallel_loop3A_114 = arith.addf %parallel_loop3A_105, %parallel_loop3A_113 : vector<16xf32>
      scf.yield %parallel_loop3A_114 : vector<16xf32>
    } {sc.loop_unroll_factor = 4 : i64, sc.parallel_access}
    %scan3A = arith.constant 0 : i32
    %scan3A_35 = arith.constant 62 : i32
    %scan3A_36 = arith.addi %scan3A, %scan3A_35 : i32
    %scan3A_37 = arith.constant 1 : i32
    %scan3A_38 = scf.for %scan3A_41 = %scan3A to %scan3A_36 step %scan3A_37 iter_args(%scan3A_42 = %parallel_loop3A_34) -> (vector<16xf32>)  : i32 {
      %mul3A_43 = arith.constant 2 : i32
      %mul3A_44 = arith.muli %mul3A_43, %scan3A_41 : i32
      %add3A_45 = arith.constant 2 : i32
      %add3A_46 = arith.addi %mul3A_44, %add3A_45 : i32
      %mul3A_47 = arith.constant 80 : i32
      %mul3A_48 = arith.muli %add3A_46, %mul3A_47 : i32
      %dma_start3A_49 = tpu.memref_slice %arg6[%mul3A_48] : memref<10000xi32, #tpu.memory_space<vmem>> -> memref<80xi32, #tpu.memory_space<vmem>>
      %dma_start3A_50 = arith.constant 0 : i32
      %dma_start3A_51 = arith.constant 0 : i32
      %dma_start3A_52 = tpu.memref_slice %arg2[%dma_start3A_50, %dma_start3A_51] : memref<10000x128xf32, #tpu.memory_space<hbm>> -> memref<10000x128xf32, #tpu.memory_space<hbm>>
      tpu.enqueue_indirect_dma source(%dma_start3A_52 : memref<10000x128xf32, #tpu.memory_space<hbm>>) target(%arg8 : memref<80x128xf32, #tpu.memory_space<vmem>>) offsets(%dma_start3A_49 : memref<80xi32, #tpu.memory_space<vmem>>) semaphore(%arg13 : memref<!tpu.dma_semaphore, #tpu.memory_space<semaphore_mem>>)
      %dma_start3A_53 = tpu.memref_slice %arg7[%mul3A_48] : memref<10000xi32, #tpu.memory_space<vmem>> -> memref<80xi32, #tpu.memory_space<vmem>>
      %dma_start3A_54 = arith.constant 0 : i32
      %dma_start3A_55 = arith.constant 0 : i32
      %dma_start3A_56 = tpu.memref_slice %arg2[%dma_start3A_54, %dma_start3A_55] : memref<10000x128xf32, #tpu.memory_space<hbm>> -> memref<10000x128xf32, #tpu.memory_space<hbm>>
      tpu.enqueue_indirect_dma source(%dma_start3A_56 : memref<10000x128xf32, #tpu.memory_space<hbm>>) target(%arg9 : memref<80x128xf32, #tpu.memory_space<vmem>>) offsets(%dma_start3A_53 : memref<80xi32, #tpu.memory_space<vmem>>) semaphore(%arg13 : memref<!tpu.dma_semaphore, #tpu.memory_space<semaphore_mem>>)
      %dma_wait3A_57 = arith.constant 0 : i32
      %dma_wait3A_58 = tpu.memref_slice %arg6[%dma_wait3A_57] : memref<10000xi32, #tpu.memory_space<vmem>> -> memref<80xi32, #tpu.memory_space<vmem>>
      %dma_wait3A_59 = arith.constant 0 : i32
      %dma_wait3A_60 = arith.constant 0 : i32
      %dma_wait3A_61 = tpu.memref_slice %arg2[%dma_wait3A_59, %dma_wait3A_60] : memref<10000x128xf32, #tpu.memory_space<hbm>> -> memref<10000x128xf32, #tpu.memory_space<hbm>>
      tpu.wait_indirect_dma semaphore(%arg14 : memref<!tpu.dma_semaphore, #tpu.memory_space<semaphore_mem>>) src(%dma_wait3A_61 : memref<10000x128xf32, #tpu.memory_space<hbm>>) dst(%arg10 : memref<80x128xf32, #tpu.memory_space<vmem>>)
      %dma_wait3A_62 = arith.constant 0 : i32
      %dma_wait3A_63 = tpu.memref_slice %arg7[%dma_wait3A_62] : memref<10000xi32, #tpu.memory_space<vmem>> -> memref<80xi32, #tpu.memory_space<vmem>>
      %dma_wait3A_64 = arith.constant 0 : i32
      %dma_wait3A_65 = arith.constant 0 : i32
      %dma_wait3A_66 = tpu.memref_slice %arg2[%dma_wait3A_64, %dma_wait3A_65] : memref<10000x128xf32, #tpu.memory_space<hbm>> -> memref<10000x128xf32, #tpu.memory_space<hbm>>
      tpu.wait_indirect_dma semaphore(%arg14 : memref<!tpu.dma_semaphore, #tpu.memory_space<semaphore_mem>>) src(%dma_wait3A_66 : memref<10000x128xf32, #tpu.memory_space<hbm>>) dst(%arg11 : memref<80x128xf32, #tpu.memory_space<vmem>>)
      %parallel_loop3A_67 = arith.constant 0 : i32
      %parallel_loop3A_68 = arith.constant 80 : i32
      %parallel_loop3A_69 = arith.constant 1 : i32
      %parallel_loop3A_70 = scf.for %parallel_loop3A_87 = %parallel_loop3A_67 to %parallel_loop3A_68 step %parallel_loop3A_69 iter_args(%parallel_loop3A_88 = %scan3A_42) -> (vector<16xf32>)  : i32 {
        %parallel_loop3A_89 = arith.index_cast %parallel_loop3A_87 : i32 to index
        %parallel_loop3A_90 = arith.constant 0 : index
        %parallel_loop3A_91 = tpu.vector_load %arg10[%parallel_loop3A_89, %parallel_loop3A_90] {strides = array<i32>} : memref<80x128xf32, #tpu.memory_space<vmem>>, vector<16xf32>,
        %parallel_loop3A_92 = arith.index_cast %parallel_loop3A_87 : i32 to index
        %parallel_loop3A_93 = arith.constant 0 : index
        %parallel_loop3A_94 = tpu.vector_load %arg11[%parallel_loop3A_92, %parallel_loop3A_93] {strides = array<i32>} : memref<80x128xf32, #tpu.memory_space<vmem>>, vector<16xf32>,
        %parallel_loop3A_95 = arith.subf %parallel_loop3A_91, %parallel_loop3A_94 : vector<16xf32>
        %parallel_loop3A_96 = arith.mulf %parallel_loop3A_95, %parallel_loop3A_95 : vector<16xf32>
        %parallel_loop3A_97 = arith.addf %parallel_loop3A_88, %parallel_loop3A_96 : vector<16xf32>
        %parallel_loop3A_98 = arith.index_cast %parallel_loop3A_87 : i32 to index
        %parallel_loop3A_99 = arith.constant 16 : index
        %parallel_loop3A_100 = tpu.vector_load %arg10[%parallel_loop3A_98, %parallel_loop3A_99] {strides = array<i32>} : memref<80x128xf32, #tpu.memory_space<vmem>>, vector<16xf32>,
        %parallel_loop3A_101 = arith.index_cast %parallel_loop3A_87 : i32 to index
        %parallel_loop3A_102 = arith.constant 16 : index
        %parallel_loop3A_103 = tpu.vector_load %arg11[%parallel_loop3A_101, %parallel_loop3A_102] {strides = array<i32>} : memref<80x128xf32, #tpu.memory_space<vmem>>, vector<16xf32>,
        %parallel_loop3A_104 = arith.subf %parallel_loop3A_100, %parallel_loop3A_103 : vector<16xf32>
        %parallel_loop3A_105 = arith.mulf %parallel_loop3A_104, %parallel_loop3A_104 : vector<16xf32>
        %parallel_loop3A_106 = arith.addf %parallel_loop3A_97, %parallel_loop3A_105 : vector<16xf32>
        %parallel_loop3A_107 = arith.index_cast %parallel_loop3A_87 : i32 to index
        %parallel_loop3A_108 = arith.constant 32 : index
        %parallel_loop3A_109 = tpu.vector_load %arg10[%parallel_loop3A_107, %parallel_loop3A_108] {strides = array<i32>} : memref<80x128xf32, #tpu.memory_space<vmem>>, vector<16xf32>,
        %parallel_loop3A_110 = arith.index_cast %parallel_loop3A_87 : i32 to index
        %parallel_loop3A_111 = arith.constant 32 : index
        %parallel_loop3A_112 = tpu.vector_load %arg11[%parallel_loop3A_110, %parallel_loop3A_111] {strides = array<i32>} : memref<80x128xf32, #tpu.memory_space<vmem>>, vector<16xf32>,
        %parallel_loop3A_113 = arith.subf %parallel_loop3A_109, %parallel_loop3A_112 : vector<16xf32>
        %parallel_loop3A_114 = arith.mulf %parallel_loop3A_113, %parallel_loop3A_113 : vector<16xf32>
        %parallel_loop3A_115 = arith.addf %parallel_loop3A_106, %parallel_loop3A_114 : vector<16xf32>
        %parallel_loop3A_116 = arith.index_cast %parallel_loop3A_87 : i32 to index
        %parallel_loop3A_117 = arith.constant 48 : index
        %parallel_loop3A_118 = tpu.vector_load %arg10[%parallel_loop3A_116, %parallel_loop3A_117] {strides = array<i32>} : memref<80x128xf32, #tpu.memory_space<vmem>>, vector<16xf32>,
        %parallel_loop3A_119 = arith.index_cast %parallel_loop3A_87 : i32 to index
        %parallel_loop3A_120 = arith.constant 48 : index
        %parallel_loop3A_121 = tpu.vector_load %arg11[%parallel_loop3A_119, %parallel_loop3A_120] {strides = array<i32>} : memref<80x128xf32, #tpu.memory_space<vmem>>, vector<16xf32>,
        %parallel_loop3A_122 = arith.subf %parallel_loop3A_118, %parallel_loop3A_121 : vector<16xf32>
        %parallel_loop3A_123 = arith.mulf %parallel_loop3A_122, %parallel_loop3A_122 : vector<16xf32>
        %parallel_loop3A_124 = arith.addf %parallel_loop3A_115, %parallel_loop3A_123 : vector<16xf32>
        %parallel_loop3A_125 = arith.index_cast %parallel_loop3A_87 : i32 to index
        %parallel_loop3A_126 = arith.constant 64 : index
        %parallel_loop3A_127 = tpu.vector_load %arg10[%parallel_loop3A_125, %parallel_loop3A_126] {strides = array<i32>} : memref<80x128xf32, #tpu.memory_space<vmem>>, vector<16xf32>,
        %parallel_loop3A_128 = arith.index_cast %parallel_loop3A_87 : i32 to index
        %parallel_loop3A_129 = arith.constant 64 : index
        %parallel_loop3A_130 = tpu.vector_load %arg11[%parallel_loop3A_128, %parallel_loop3A_129] {strides = array<i32>} : memref<80x128xf32, #tpu.memory_space<vmem>>, vector<16xf32>,
        %parallel_loop3A_131 = arith.subf %parallel_loop3A_127, %parallel_loop3A_130 : vector<16xf32>
        %parallel_loop3A_132 = arith.mulf %parallel_loop3A_131, %parallel_loop3A_131 : vector<16xf32>
        %parallel_loop3A_133 = arith.addf %parallel_loop3A_124, %parallel_loop3A_132 : vector<16xf32>
        %parallel_loop3A_134 = arith.index_cast %parallel_loop3A_87 : i32 to index
        %parallel_loop3A_135 = arith.constant 80 : index
        %parallel_loop3A_136 = tpu.vector_load %arg10[%parallel_loop3A_134, %parallel_loop3A_135] {strides = array<i32>} : memref<80x128xf32, #tpu.memory_space<vmem>>, vector<16xf32>,
        %parallel_loop3A_137 = arith.index_cast %parallel_loop3A_87 : i32 to index
        %parallel_loop3A_138 = arith.constant 80 : index
        %parallel_loop3A_139 = tpu.vector_load %arg11[%parallel_loop3A_137, %parallel_loop3A_138] {strides = array<i32>} : memref<80x128xf32, #tpu.memory_space<vmem>>, vector<16xf32>,
        %parallel_loop3A_140 = arith.subf %parallel_loop3A_136, %parallel_loop3A_139 : vector<16xf32>
        %parallel_loop3A_141 = arith.mulf %parallel_loop3A_140, %parallel_loop3A_140 : vector<16xf32>
        %parallel_loop3A_142 = arith.addf %parallel_loop3A_133, %parallel_loop3A_141 : vector<16xf32>
        %parallel_loop3A_143 = arith.index_cast %parallel_loop3A_87 : i32 to index
        %parallel_loop3A_144 = arith.constant 96 : index
        %parallel_loop3A_145 = tpu.vector_load %arg10[%parallel_loop3A_143, %parallel_loop3A_144] {strides = array<i32>} : memref<80x128xf32, #tpu.memory_space<vmem>>, vector<16xf32>,
        %parallel_loop3A_146 = arith.index_cast %parallel_loop3A_87 : i32 to index
        %parallel_loop3A_147 = arith.constant 96 : index
        %parallel_loop3A_148 = tpu.vector_load %arg11[%parallel_loop3A_146, %parallel_loop3A_147] {strides = array<i32>} : memref<80x128xf32, #tpu.memory_space<vmem>>, vector<16xf32>,
        %parallel_loop3A_149 = arith.subf %parallel_loop3A_145, %parallel_loop3A_148 : vector<16xf32>
        %parallel_loop3A_150 = arith.mulf %parallel_loop3A_149, %parallel_loop3A_149 : vector<16xf32>
        %parallel_loop3A_151 = arith.addf %parallel_loop3A_142, %parallel_loop3A_150 : vector<16xf32>
        %parallel_loop3A_152 = arith.index_cast %parallel_loop3A_87 : i32 to index
        %parallel_loop3A_153 = arith.constant 112 : index
        %parallel_loop3A_154 = tpu.vector_load %arg10[%parallel_loop3A_152, %parallel_loop3A_153] {strides = array<i32>} : memref<80x128xf32, #tpu.memory_space<vmem>>, vector<16xf32>,
        %parallel_loop3A_155 = arith.index_cast %parallel_loop3A_87 : i32 to index
        %parallel_loop3A_156 = arith.constant 112 : index
        %parallel_loop3A_157 = tpu.vector_load %arg11[%parallel_loop3A_155, %parallel_loop3A_156] {strides = array<i32>} : memref<80x128xf32, #tpu.memory_space<vmem>>, vector<16xf32>,
        %parallel_loop3A_158 = arith.subf %parallel_loop3A_154, %parallel_loop3A_157 : vector<16xf32>
        %parallel_loop3A_159 = arith.mulf %parallel_loop3A_158, %parallel_loop3A_158 : vector<16xf32>
        %parallel_loop3A_160 = arith.addf %parallel_loop3A_151, %parallel_loop3A_159 : vector<16xf32>
        scf.yield %parallel_loop3A_160 : vector<16xf32>
      } {sc.loop_unroll_factor = 4 : i64, sc.parallel_access}
      %lt3A = arith.constant 61 : i32
      %lt3A_71 = arith.cmpi slt, %scan3A_41, %lt3A : i32
      %convert_element_type3A = arith.extui %lt3A_71 : i1 to i32
      %cond3A = arith.constant 0 : i32
      %cond3A_72 = arith.cmpi ne, %convert_element_type3A, %cond3A : i32
      scf.if %cond3A_72 {
        %mul3A_87 = arith.constant 2 : i32
        %mul3A_88 = arith.muli %mul3A_87, %scan3A_41 : i32
        %add3A_89 = arith.constant 3 : i32
        %add3A_90 = arith.addi %mul3A_88, %add3A_89 : i32
        %mul3A_91 = arith.constant 80 : i32
        %mul3A_92 = arith.muli %add3A_90, %mul3A_91 : i32
        %dma_start3A_93 = tpu.memref_slice %arg6[%mul3A_92] : memref<10000xi32, #tpu.memory_space<vmem>> -> memref<80xi32, #tpu.memory_space<vmem>>
        %dma_start3A_94 = arith.constant 0 : i32
        %dma_start3A_95 = arith.constant 0 : i32
        %dma_start3A_96 = tpu.memref_slice %arg2[%dma_start3A_94, %dma_start3A_95] : memref<10000x128xf32, #tpu.memory_space<hbm>> -> memref<10000x128xf32, #tpu.memory_space<hbm>>
        tpu.enqueue_indirect_dma source(%dma_start3A_96 : memref<10000x128xf32, #tpu.memory_space<hbm>>) target(%arg10 : memref<80x128xf32, #tpu.memory_space<vmem>>) offsets(%dma_start3A_93 : memref<80xi32, #tpu.memory_space<vmem>>) semaphore(%arg14 : memref<!tpu.dma_semaphore, #tpu.memory_space<semaphore_mem>>)
        %dma_start3A_97 = tpu.memref_slice %arg7[%mul3A_92] : memref<10000xi32, #tpu.memory_space<vmem>> -> memref<80xi32, #tpu.memory_space<vmem>>
        %dma_start3A_98 = arith.constant 0 : i32
        %dma_start3A_99 = arith.constant 0 : i32
        %dma_start3A_100 = tpu.memref_slice %arg2[%dma_start3A_98, %dma_start3A_99] : memref<10000x128xf32, #tpu.memory_space<hbm>> -> memref<10000x128xf32, #tpu.memory_space<hbm>>
        tpu.enqueue_indirect_dma source(%dma_start3A_100 : memref<10000x128xf32, #tpu.memory_space<hbm>>) target(%arg11 : memref<80x128xf32, #tpu.memory_space<vmem>>) offsets(%dma_start3A_97 : memref<80xi32, #tpu.memory_space<vmem>>) semaphore(%arg14 : memref<!tpu.dma_semaphore, #tpu.memory_space<semaphore_mem>>)
      } else {
      }
      %dma_wait3A_73 = arith.constant 0 : i32
      %dma_wait3A_74 = tpu.memref_slice %arg6[%dma_wait3A_73] : memref<10000xi32, #tpu.memory_space<vmem>> -> memref<80xi32, #tpu.memory_space<vmem>>
      %dma_wait3A_75 = arith.constant 0 : i32
      %dma_wait3A_76 = arith.constant 0 : i32
      %dma_wait3A_77 = tpu.memref_slice %arg2[%dma_wait3A_75, %dma_wait3A_76] : memref<10000x128xf32, #tpu.memory_space<hbm>> -> memref<10000x128xf32, #tpu.memory_space<hbm>>
      tpu.wait_indirect_dma semaphore(%arg13 : memref<!tpu.dma_semaphore, #tpu.memory_space<semaphore_mem>>) src(%dma_wait3A_77 : memref<10000x128xf32, #tpu.memory_space<hbm>>) dst(%arg8 : memref<80x128xf32, #tpu.memory_space<vmem>>)
      %dma_wait3A_78 = arith.constant 0 : i32
      %dma_wait3A_79 = tpu.memref_slice %arg7[%dma_wait3A_78] : memref<10000xi32, #tpu.memory_space<vmem>> -> memref<80xi32, #tpu.memory_space<vmem>>
      %dma_wait3A_80 = arith.constant 0 : i32
      %dma_wait3A_81 = arith.constant 0 : i32
      %dma_wait3A_82 = tpu.memref_slice %arg2[%dma_wait3A_80, %dma_wait3A_81] : memref<10000x128xf32, #tpu.memory_space<hbm>> -> memref<10000x128xf32, #tpu.memory_space<hbm>>
      tpu.wait_indirect_dma semaphore(%arg13 : memref<!tpu.dma_semaphore, #tpu.memory_space<semaphore_mem>>) src(%dma_wait3A_82 : memref<10000x128xf32, #tpu.memory_space<hbm>>) dst(%arg9 : memref<80x128xf32, #tpu.memory_space<vmem>>)
      %parallel_loop3A_83 = arith.constant 0 : i32
      %parallel_loop3A_84 = arith.constant 80 : i32
      %parallel_loop3A_85 = arith.constant 1 : i32
      %parallel_loop3A_86 = scf.for %parallel_loop3A_87 = %parallel_loop3A_83 to %parallel_loop3A_84 step %parallel_loop3A_85 iter_args(%parallel_loop3A_88 = %parallel_loop3A_70) -> (vector<16xf32>)  : i32 {
        %parallel_loop3A_89 = arith.index_cast %parallel_loop3A_87 : i32 to index
        %parallel_loop3A_90 = arith.constant 0 : index
        %parallel_loop3A_91 = tpu.vector_load %arg8[%parallel_loop3A_89, %parallel_loop3A_90] {strides = array<i32>} : memref<80x128xf32, #tpu.memory_space<vmem>>, vector<16xf32>,
        %parallel_loop3A_92 = arith.index_cast %parallel_loop3A_87 : i32 to index
        %parallel_loop3A_93 = arith.constant 0 : index
        %parallel_loop3A_94 = tpu.vector_load %arg9[%parallel_loop3A_92, %parallel_loop3A_93] {strides = array<i32>} : memref<80x128xf32, #tpu.memory_space<vmem>>, vector<16xf32>,
        %parallel_loop3A_95 = arith.subf %parallel_loop3A_91, %parallel_loop3A_94 : vector<16xf32>
        %parallel_loop3A_96 = arith.mulf %parallel_loop3A_95, %parallel_loop3A_95 : vector<16xf32>
        %parallel_loop3A_97 = arith.addf %parallel_loop3A_88, %parallel_loop3A_96 : vector<16xf32>
        %parallel_loop3A_98 = arith.index_cast %parallel_loop3A_87 : i32 to index
        %parallel_loop3A_99 = arith.constant 16 : index
        %parallel_loop3A_100 = tpu.vector_load %arg8[%parallel_loop3A_98, %parallel_loop3A_99] {strides = array<i32>} : memref<80x128xf32, #tpu.memory_space<vmem>>, vector<16xf32>,
        %parallel_loop3A_101 = arith.index_cast %parallel_loop3A_87 : i32 to index
        %parallel_loop3A_102 = arith.constant 16 : index
        %parallel_loop3A_103 = tpu.vector_load %arg9[%parallel_loop3A_101, %parallel_loop3A_102] {strides = array<i32>} : memref<80x128xf32, #tpu.memory_space<vmem>>, vector<16xf32>,
        %parallel_loop3A_104 = arith.subf %parallel_loop3A_100, %parallel_loop3A_103 : vector<16xf32>
        %parallel_loop3A_105 = arith.mulf %parallel_loop3A_104, %parallel_loop3A_104 : vector<16xf32>
        %parallel_loop3A_106 = arith.addf %parallel_loop3A_97, %parallel_loop3A_105 : vector<16xf32>
        %parallel_loop3A_107 = arith.index_cast %parallel_loop3A_87 : i32 to index
        %parallel_loop3A_108 = arith.constant 32 : index
        %parallel_loop3A_109 = tpu.vector_load %arg8[%parallel_loop3A_107, %parallel_loop3A_108] {strides = array<i32>} : memref<80x128xf32, #tpu.memory_space<vmem>>, vector<16xf32>,
        %parallel_loop3A_110 = arith.index_cast %parallel_loop3A_87 : i32 to index
        %parallel_loop3A_111 = arith.constant 32 : index
        %parallel_loop3A_112 = tpu.vector_load %arg9[%parallel_loop3A_110, %parallel_loop3A_111] {strides = array<i32>} : memref<80x128xf32, #tpu.memory_space<vmem>>, vector<16xf32>,
        %parallel_loop3A_113 = arith.subf %parallel_loop3A_109, %parallel_loop3A_112 : vector<16xf32>
        %parallel_loop3A_114 = arith.mulf %parallel_loop3A_113, %parallel_loop3A_113 : vector<16xf32>
        %parallel_loop3A_115 = arith.addf %parallel_loop3A_106, %parallel_loop3A_114 : vector<16xf32>
        %parallel_loop3A_116 = arith.index_cast %parallel_loop3A_87 : i32 to index
        %parallel_loop3A_117 = arith.constant 48 : index
        %parallel_loop3A_118 = tpu.vector_load %arg8[%parallel_loop3A_116, %parallel_loop3A_117] {strides = array<i32>} : memref<80x128xf32, #tpu.memory_space<vmem>>, vector<16xf32>,
        %parallel_loop3A_119 = arith.index_cast %parallel_loop3A_87 : i32 to index
        %parallel_loop3A_120 = arith.constant 48 : index
        %parallel_loop3A_121 = tpu.vector_load %arg9[%parallel_loop3A_119, %parallel_loop3A_120] {strides = array<i32>} : memref<80x128xf32, #tpu.memory_space<vmem>>, vector<16xf32>,
        %parallel_loop3A_122 = arith.subf %parallel_loop3A_118, %parallel_loop3A_121 : vector<16xf32>
        %parallel_loop3A_123 = arith.mulf %parallel_loop3A_122, %parallel_loop3A_122 : vector<16xf32>
        %parallel_loop3A_124 = arith.addf %parallel_loop3A_115, %parallel_loop3A_123 : vector<16xf32>
        %parallel_loop3A_125 = arith.index_cast %parallel_loop3A_87 : i32 to index
        %parallel_loop3A_126 = arith.constant 64 : index
        %parallel_loop3A_127 = tpu.vector_load %arg8[%parallel_loop3A_125, %parallel_loop3A_126] {strides = array<i32>} : memref<80x128xf32, #tpu.memory_space<vmem>>, vector<16xf32>,
        %parallel_loop3A_128 = arith.index_cast %parallel_loop3A_87 : i32 to index
        %parallel_loop3A_129 = arith.constant 64 : index
        %parallel_loop3A_130 = tpu.vector_load %arg9[%parallel_loop3A_128, %parallel_loop3A_129] {strides = array<i32>} : memref<80x128xf32, #tpu.memory_space<vmem>>, vector<16xf32>,
        %parallel_loop3A_131 = arith.subf %parallel_loop3A_127, %parallel_loop3A_130 : vector<16xf32>
        %parallel_loop3A_132 = arith.mulf %parallel_loop3A_131, %parallel_loop3A_131 : vector<16xf32>
        %parallel_loop3A_133 = arith.addf %parallel_loop3A_124, %parallel_loop3A_132 : vector<16xf32>
        %parallel_loop3A_134 = arith.index_cast %parallel_loop3A_87 : i32 to index
        %parallel_loop3A_135 = arith.constant 80 : index
        %parallel_loop3A_136 = tpu.vector_load %arg8[%parallel_loop3A_134, %parallel_loop3A_135] {strides = array<i32>} : memref<80x128xf32, #tpu.memory_space<vmem>>, vector<16xf32>,
        %parallel_loop3A_137 = arith.index_cast %parallel_loop3A_87 : i32 to index
        %parallel_loop3A_138 = arith.constant 80 : index
        %parallel_loop3A_139 = tpu.vector_load %arg9[%parallel_loop3A_137, %parallel_loop3A_138] {strides = array<i32>} : memref<80x128xf32, #tpu.memory_space<vmem>>, vector<16xf32>,
        %parallel_loop3A_140 = arith.subf %parallel_loop3A_136, %parallel_loop3A_139 : vector<16xf32>
        %parallel_loop3A_141 = arith.mulf %parallel_loop3A_140, %parallel_loop3A_140 : vector<16xf32>
        %parallel_loop3A_142 = arith.addf %parallel_loop3A_133, %parallel_loop3A_141 : vector<16xf32>
        %parallel_loop3A_143 = arith.index_cast %parallel_loop3A_87 : i32 to index
        %parallel_loop3A_144 = arith.constant 96 : index
        %parallel_loop3A_145 = tpu.vector_load %arg8[%parallel_loop3A_143, %parallel_loop3A_144] {strides = array<i32>} : memref<80x128xf32, #tpu.memory_space<vmem>>, vector<16xf32>,
        %parallel_loop3A_146 = arith.index_cast %parallel_loop3A_87 : i32 to index
        %parallel_loop3A_147 = arith.constant 96 : index
        %parallel_loop3A_148 = tpu.vector_load %arg9[%parallel_loop3A_146, %parallel_loop3A_147] {strides = array<i32>} : memref<80x128xf32, #tpu.memory_space<vmem>>, vector<16xf32>,
        %parallel_loop3A_149 = arith.subf %parallel_loop3A_145, %parallel_loop3A_148 : vector<16xf32>
        %parallel_loop3A_150 = arith.mulf %parallel_loop3A_149, %parallel_loop3A_149 : vector<16xf32>
        %parallel_loop3A_151 = arith.addf %parallel_loop3A_142, %parallel_loop3A_150 : vector<16xf32>
        %parallel_loop3A_152 = arith.index_cast %parallel_loop3A_87 : i32 to index
        %parallel_loop3A_153 = arith.constant 112 : index
        %parallel_loop3A_154 = tpu.vector_load %arg8[%parallel_loop3A_152, %parallel_loop3A_153] {strides = array<i32>} : memref<80x128xf32, #tpu.memory_space<vmem>>, vector<16xf32>,
        %parallel_loop3A_155 = arith.index_cast %parallel_loop3A_87 : i32 to index
        %parallel_loop3A_156 = arith.constant 112 : index
        %parallel_loop3A_157 = tpu.vector_load %arg9[%parallel_loop3A_155, %parallel_loop3A_156] {strides = array<i32>} : memref<80x128xf32, #tpu.memory_space<vmem>>, vector<16xf32>,
        %parallel_loop3A_158 = arith.subf %parallel_loop3A_154, %parallel_loop3A_157 : vector<16xf32>
        %parallel_loop3A_159 = arith.mulf %parallel_loop3A_158, %parallel_loop3A_158 : vector<16xf32>
        %parallel_loop3A_160 = arith.addf %parallel_loop3A_151, %parallel_loop3A_159 : vector<16xf32>
        scf.yield %parallel_loop3A_160 : vector<16xf32>
      } {sc.loop_unroll_factor = 4 : i64, sc.parallel_access}
      scf.yield %parallel_loop3A_86 : vector<16xf32>
    }
    %scan3A_39 = arith.constant 62 : i32
    %swap3A = arith.constant 0 : index
    %swap3A_40 = tpu.vector_load %arg12[%swap3A] {strides = array<i32>} : memref<16xf32, #tpu.memory_space<vmem>>, vector<16xf32>,
    tpu.vector_store %arg12[%swap3A], %scan3A_38 {strides = array<i32>} : memref<16xf32, #tpu.memory_space<vmem>>, vector<16xf32>,
    "tpu.region"() ({
      %run_scoped3A = tpu.sem_alloc : memref<!tpu.dma_semaphore, #tpu.memory_space<semaphore_mem>>
      %dma_start3A_41 = arith.constant 0 : i32
      %dma_start3A_42 = tpu.memref_slice %arg5[%add3A, %dma_start3A_41] : memref<32x16xf32, #tpu.memory_space<hbm>> -> memref<1x16xf32, #tpu.memory_space<hbm>>
      %dma_start3A_43 = tpu.memref_squeeze %dma_start3A_42 : memref<1x16xf32, #tpu.memory_space<hbm>> -> memref<16xf32, #tpu.memory_space<hbm>>
      %dma_start3A_44 = arith.constant 0 : i32
      %dma_start3A_45 = tpu.memref_slice %arg5[%add3A, %dma_start3A_44] : memref<32x16xf32, #tpu.memory_space<hbm>> -> memref<1x16xf32, #tpu.memory_space<hbm>>
      %dma_start3A_46 = tpu.memref_squeeze %dma_start3A_45 : memref<1x16xf32, #tpu.memory_space<hbm>> -> memref<16xf32, #tpu.memory_space<hbm>>
      tpu.enqueue_dma source(%arg12 : memref<16xf32, #tpu.memory_space<vmem>>) target(%dma_start3A_46 : memref<16xf32, #tpu.memory_space<hbm>>) target_semaphore(%run_scoped3A : memref<!tpu.dma_semaphore, #tpu.memory_space<semaphore_mem>>)
      %dma_wait3A_47 = arith.constant 0 : i32
      %dma_wait3A_48 = tpu.memref_slice %arg5[%add3A, %dma_wait3A_47] : memref<32x16xf32, #tpu.memory_space<hbm>> -> memref<1x16xf32, #tpu.memory_space<hbm>>
      %dma_wait3A_49 = tpu.memref_squeeze %dma_wait3A_48 : memref<1x16xf32, #tpu.memory_space<hbm>> -> memref<16xf32, #tpu.memory_space<hbm>>
      %dma_wait3A_50 = arith.constant 0 : i32
      %dma_wait3A_51 = tpu.memref_slice %arg5[%add3A, %dma_wait3A_50] : memref<32x16xf32, #tpu.memory_space<hbm>> -> memref<1x16xf32, #tpu.memory_space<hbm>>
      %dma_wait3A_52 = tpu.memref_squeeze %dma_wait3A_51 : memref<1x16xf32, #tpu.memory_space<hbm>> -> memref<16xf32, #tpu.memory_space<hbm>>
      tpu.wait_dma2 semaphore(%run_scoped3A : memref<!tpu.dma_semaphore, #tpu.memory_space<semaphore_mem>>) src(%arg12 : memref<16xf32, #tpu.memory_space<vmem>>) dst(%dma_wait3A_52 : memref<16xf32, #tpu.memory_space<hbm>>)
      tpu.yield
    }) : () -> ()
    return
  }
}

#map = affine_map<(d0, d1) -> (0)>
#map1 = affine_map<(d0, d1) -> (0, 0)>
module attributes {stable_mosaic.version = 14 : i64} {
  func.func @sc_k(%arg0: i32, %arg1: i32, %arg2: memref<40960000xf32, #tpu.memory_space<hbm>>, %arg3: memref<10000xi32, #tpu.memory_space<hbm>>, %arg4: memref<320000xi32, #tpu.memory_space<hbm>>, %arg5: memref<320000xi32, #tpu.memory_space<hbm>>, %arg6: memref<32x16xf32, #tpu.memory_space<hbm>>, %arg7: memref<32x16xf32, #tpu.memory_space<hbm>>, %arg8: memref<10000xi32, #tpu.memory_space<vmem>>, %arg9: memref<10000xi32, #tpu.memory_space<vmem>>, %arg10: memref<10000xi32, #tpu.memory_space<vmem>>, %arg11: memref<80xi32, #tpu.memory_space<vmem>>, %arg12: memref<80xi32, #tpu.memory_space<vmem>>, %arg13: memref<80xi32, #tpu.memory_space<vmem>>, %arg14: memref<80xi32, #tpu.memory_space<vmem>>, %arg15: memref<80xf32, #tpu.memory_space<vmem>>, %arg16: memref<80xf32, #tpu.memory_space<vmem>>, %arg17: memref<80xf32, #tpu.memory_space<vmem>>, %arg18: memref<80xf32, #tpu.memory_space<vmem>>, %arg19: memref<80xf32, #tpu.memory_space<vmem>>, %arg20: memref<80xf32, #tpu.memory_space<vmem>>, %arg21: memref<80xf32, #tpu.memory_space<vmem>>, %arg22: memref<80xf32, #tpu.memory_space<vmem>>, %arg23: memref<16xf32, #tpu.memory_space<vmem>>, %arg24: memref<16xf32, #tpu.memory_space<vmem>>, %arg25: memref<!tpu.dma_semaphore, #tpu.memory_space<semaphore_mem>>, %arg26: memref<!tpu.dma_semaphore, #tpu.memory_space<semaphore_mem>>) attributes {dimension_semantics = [#tpu.dimension_semantics<core_parallel>, #tpu.dimension_semantics<subcore_parallel>], iteration_bounds = array<i64: 2, 16>, scalar_prefetch = 0 : i64, scratch_operands = 19 : i64, tpu.core_type = #tpu.core_type<sc_vector_subcore>, window_params = [{transform_indices = #map}, {transform_indices = #map}, {transform_indices = #map}, {transform_indices = #map}, {transform_indices = #map1}, {transform_indices = #map1}]} {
    %mul3A = arith.constant 2 : i32
    %mul3A_0 = arith.muli %arg1, %mul3A : i32
    %add3A = arith.addi %mul3A_0, %arg0 : i32
    %mul3A_1 = arith.constant 10000 : i32
    %mul3A_2 = arith.muli %add3A, %mul3A_1 : i32
    "tpu.region"() ({
      %run_scoped3A = tpu.sem_alloc : memref<!tpu.dma_semaphore, #tpu.memory_space<semaphore_mem>>
      tpu.enqueue_dma source(%arg3 : memref<10000xi32, #tpu.memory_space<hbm>>) target(%arg8 : memref<10000xi32, #tpu.memory_space<vmem>>) target_semaphore(%run_scoped3A : memref<!tpu.dma_semaphore, #tpu.memory_space<semaphore_mem>>)
      tpu.wait_dma2 semaphore(%run_scoped3A : memref<!tpu.dma_semaphore, #tpu.memory_space<semaphore_mem>>) src(%arg3 : memref<10000xi32, #tpu.memory_space<hbm>>) dst(%arg8 : memref<10000xi32, #tpu.memory_space<vmem>>)
      tpu.yield
    }) : () -> ()
    "tpu.region"() ({
      %run_scoped3A = tpu.sem_alloc : memref<!tpu.dma_semaphore, #tpu.memory_space<semaphore_mem>>
      %dma_start3A_781 = tpu.memref_slice %arg4[%mul3A_2] : memref<320000xi32, #tpu.memory_space<hbm>> -> memref<10000xi32, #tpu.memory_space<hbm>>
      %dma_start3A_782 = tpu.memref_slice %arg4[%mul3A_2] : memref<320000xi32, #tpu.memory_space<hbm>> -> memref<10000xi32, #tpu.memory_space<hbm>>
      tpu.enqueue_dma source(%dma_start3A_782 : memref<10000xi32, #tpu.memory_space<hbm>>) target(%arg9 : memref<10000xi32, #tpu.memory_space<vmem>>) target_semaphore(%run_scoped3A : memref<!tpu.dma_semaphore, #tpu.memory_space<semaphore_mem>>)
      %dma_wait3A_783 = tpu.memref_slice %arg4[%mul3A_2] : memref<320000xi32, #tpu.memory_space<hbm>> -> memref<10000xi32, #tpu.memory_space<hbm>>
      %dma_wait3A_784 = tpu.memref_slice %arg4[%mul3A_2] : memref<320000xi32, #tpu.memory_space<hbm>> -> memref<10000xi32, #tpu.memory_space<hbm>>
      tpu.wait_dma2 semaphore(%run_scoped3A : memref<!tpu.dma_semaphore, #tpu.memory_space<semaphore_mem>>) src(%dma_wait3A_784 : memref<10000xi32, #tpu.memory_space<hbm>>) dst(%arg9 : memref<10000xi32, #tpu.memory_space<vmem>>)
      tpu.yield
    }) : () -> ()
    "tpu.region"() ({
      %run_scoped3A = tpu.sem_alloc : memref<!tpu.dma_semaphore, #tpu.memory_space<semaphore_mem>>
      %dma_start3A_781 = tpu.memref_slice %arg5[%mul3A_2] : memref<320000xi32, #tpu.memory_space<hbm>> -> memref<10000xi32, #tpu.memory_space<hbm>>
      %dma_start3A_782 = tpu.memref_slice %arg5[%mul3A_2] : memref<320000xi32, #tpu.memory_space<hbm>> -> memref<10000xi32, #tpu.memory_space<hbm>>
      tpu.enqueue_dma source(%dma_start3A_782 : memref<10000xi32, #tpu.memory_space<hbm>>) target(%arg10 : memref<10000xi32, #tpu.memory_space<vmem>>) target_semaphore(%run_scoped3A : memref<!tpu.dma_semaphore, #tpu.memory_space<semaphore_mem>>)
      %dma_wait3A_783 = tpu.memref_slice %arg5[%mul3A_2] : memref<320000xi32, #tpu.memory_space<hbm>> -> memref<10000xi32, #tpu.memory_space<hbm>>
      %dma_wait3A_784 = tpu.memref_slice %arg5[%mul3A_2] : memref<320000xi32, #tpu.memory_space<hbm>> -> memref<10000xi32, #tpu.memory_space<hbm>>
      tpu.wait_dma2 semaphore(%run_scoped3A : memref<!tpu.dma_semaphore, #tpu.memory_space<semaphore_mem>>) src(%dma_wait3A_784 : memref<10000xi32, #tpu.memory_space<hbm>>) dst(%arg10 : memref<10000xi32, #tpu.memory_space<vmem>>)
      tpu.yield
    }) : () -> ()
    %broadcast_in_dim3A = arith.constant 0.000000e+00 : f32
    %broadcast_in_dim3A_3 = vector.broadcast %broadcast_in_dim3A : f32 to vector<16xf32>
    %get3A = arith.constant 0 : index
    %get3A_4 = tpu.vector_load %arg9[%get3A] {strides = array<i32>} : memref<10000xi32, #tpu.memory_space<vmem>>, vector<16xi32>,
    %get3A_5 = arith.constant 0 : index
    %get3A_6 = tpu.vector_load %arg10[%get3A_5] {strides = array<i32>} : memref<10000xi32, #tpu.memory_space<vmem>>, vector<16xi32>,
    %gather3A = tpu.vector_load_idx %arg8[%get3A_4] : memref<10000xi32, #tpu.memory_space<vmem>>[vector<16xi32>], vector<16xi32>,
    %gather3A_7 = tpu.vector_load_idx %arg8[%get3A_6] : memref<10000xi32, #tpu.memory_space<vmem>>[vector<16xi32>], vector<16xi32>,
    %and3A = arith.constant 255 : i32
    %and3A_8 = vector.broadcast %and3A : i32 to vector<16xi32>
    %and3A_9 = arith.andi %gather3A, %and3A_8 : vector<16xi32>
    %and3A_10 = arith.constant 255 : i32
    %and3A_11 = vector.broadcast %and3A_10 : i32 to vector<16xi32>
    %and3A_12 = arith.andi %gather3A_7, %and3A_11 : vector<16xi32>
    %shift_right_arithmetic3A = arith.constant 8 : i32
    %shift_right_arithmetic3A_13 = vector.broadcast %shift_right_arithmetic3A : i32 to vector<16xi32>
    %shift_right_arithmetic3A_14 = arith.shrsi %gather3A, %shift_right_arithmetic3A_13 : vector<16xi32>
    %shift_right_arithmetic3A_15 = arith.constant 8 : i32
    %shift_right_arithmetic3A_16 = vector.broadcast %shift_right_arithmetic3A_15 : i32 to vector<16xi32>
    %shift_right_arithmetic3A_17 = arith.shrsi %gather3A_7, %shift_right_arithmetic3A_16 : vector<16xi32>
    %iota3A = tpu.iota {dimensions = array<i32: 0>} : vector<16xi32>
    %add3A_18 = arith.constant 0 : i32
    %add3A_19 = arith.addi %mul3A_2, %add3A_18 : i32
    %add3A_20 = arith.constant 0 : i32
    %add3A_21 = arith.addi %add3A_19, %add3A_20 : i32
    %add3A_22 = vector.broadcast %add3A_21 : i32 to vector<16xi32>
    %add3A_23 = arith.addi %iota3A, %add3A_22 : vector<16xi32>
    %mul3A_24 = arith.constant 128 : i32
    %mul3A_25 = vector.broadcast %mul3A_24 : i32 to vector<16xi32>
    %mul3A_26 = arith.muli %add3A_23, %mul3A_25 : vector<16xi32>
    %add3A_27 = arith.addi %mul3A_26, %and3A_9 : vector<16xi32>
    %swap3A = arith.constant 0 : index
    %swap3A_28 = tpu.vector_load %arg11[%swap3A] {strides = array<i32>} : memref<80xi32, #tpu.memory_space<vmem>>, vector<16xi32>,
    tpu.vector_store %arg11[%swap3A], %add3A_27 {strides = array<i32>} : memref<80xi32, #tpu.memory_space<vmem>>, vector<16xi32>,
    %mul3A_29 = arith.constant 128 : i32
    %mul3A_30 = vector.broadcast %mul3A_29 : i32 to vector<16xi32>
    %mul3A_31 = arith.muli %add3A_23, %mul3A_30 : vector<16xi32>
    %add3A_32 = arith.addi %mul3A_31, %and3A_12 : vector<16xi32>
    %swap3A_33 = arith.constant 0 : index
    %swap3A_34 = tpu.vector_load %arg12[%swap3A_33] {strides = array<i32>} : memref<80xi32, #tpu.memory_space<vmem>>, vector<16xi32>,
    tpu.vector_store %arg12[%swap3A_33], %add3A_32 {strides = array<i32>} : memref<80xi32, #tpu.memory_space<vmem>>, vector<16xi32>,
    %mul3A_35 = arith.muli %shift_right_arithmetic3A_14, %shift_right_arithmetic3A_17 : vector<16xi32>
    %convert_element_type3A = arith.sitofp %mul3A_35 : vector<16xi32> to vector<16xf32>
    %swap3A_36 = arith.constant 0 : index
    %swap3A_37 = tpu.vector_load %arg19[%swap3A_36] {strides = array<i32>} : memref<80xf32, #tpu.memory_space<vmem>>, vector<16xf32>,
    tpu.vector_store %arg19[%swap3A_36], %convert_element_type3A {strides = array<i32>} : memref<80xf32, #tpu.memory_space<vmem>>, vector<16xf32>,
    %max3A = arith.maxsi %shift_right_arithmetic3A_14, %shift_right_arithmetic3A_17 : vector<16xi32>
    %convert_element_type3A_38 = arith.sitofp %max3A : vector<16xi32> to vector<16xf32>
    %swap3A_39 = arith.constant 0 : index
    %swap3A_40 = tpu.vector_load %arg21[%swap3A_39] {strides = array<i32>} : memref<80xf32, #tpu.memory_space<vmem>>, vector<16xf32>,
    tpu.vector_store %arg21[%swap3A_39], %convert_element_type3A_38 {strides = array<i32>} : memref<80xf32, #tpu.memory_space<vmem>>, vector<16xf32>,
    %get3A_41 = arith.constant 16 : index
    %get3A_42 = tpu.vector_load %arg9[%get3A_41] {strides = array<i32>} : memref<10000xi32, #tpu.memory_space<vmem>>, vector<16xi32>,
    %get3A_43 = arith.constant 16 : index
    %get3A_44 = tpu.vector_load %arg10[%get3A_43] {strides = array<i32>} : memref<10000xi32, #tpu.memory_space<vmem>>, vector<16xi32>,
    %gather3A_45 = tpu.vector_load_idx %arg8[%get3A_42] : memref<10000xi32, #tpu.memory_space<vmem>>[vector<16xi32>], vector<16xi32>,
    %gather3A_46 = tpu.vector_load_idx %arg8[%get3A_44] : memref<10000xi32, #tpu.memory_space<vmem>>[vector<16xi32>], vector<16xi32>,
    %and3A_47 = arith.constant 255 : i32
    %and3A_48 = vector.broadcast %and3A_47 : i32 to vector<16xi32>
    %and3A_49 = arith.andi %gather3A_45, %and3A_48 : vector<16xi32>
    %and3A_50 = arith.constant 255 : i32
    %and3A_51 = vector.broadcast %and3A_50 : i32 to vector<16xi32>
    %and3A_52 = arith.andi %gather3A_46, %and3A_51 : vector<16xi32>
    %shift_right_arithmetic3A_53 = arith.constant 8 : i32
    %shift_right_arithmetic3A_54 = vector.broadcast %shift_right_arithmetic3A_53 : i32 to vector<16xi32>
    %shift_right_arithmetic3A_55 = arith.shrsi %gather3A_45, %shift_right_arithmetic3A_54 : vector<16xi32>
    %shift_right_arithmetic3A_56 = arith.constant 8 : i32
    %shift_right_arithmetic3A_57 = vector.broadcast %shift_right_arithmetic3A_56 : i32 to vector<16xi32>
    %shift_right_arithmetic3A_58 = arith.shrsi %gather3A_46, %shift_right_arithmetic3A_57 : vector<16xi32>
    %iota3A_59 = tpu.iota {dimensions = array<i32: 0>} : vector<16xi32>
    %add3A_60 = arith.constant 0 : i32
    %add3A_61 = arith.addi %mul3A_2, %add3A_60 : i32
    %add3A_62 = arith.constant 16 : i32
    %add3A_63 = arith.addi %add3A_61, %add3A_62 : i32
    %add3A_64 = vector.broadcast %add3A_63 : i32 to vector<16xi32>
    %add3A_65 = arith.addi %iota3A_59, %add3A_64 : vector<16xi32>
    %mul3A_66 = arith.constant 128 : i32
    %mul3A_67 = vector.broadcast %mul3A_66 : i32 to vector<16xi32>
    %mul3A_68 = arith.muli %add3A_65, %mul3A_67 : vector<16xi32>
    %add3A_69 = arith.addi %mul3A_68, %and3A_49 : vector<16xi32>
    %swap3A_70 = arith.constant 16 : index
    %swap3A_71 = tpu.vector_load %arg11[%swap3A_70] {strides = array<i32>} : memref<80xi32, #tpu.memory_space<vmem>>, vector<16xi32>,
    tpu.vector_store %arg11[%swap3A_70], %add3A_69 {strides = array<i32>} : memref<80xi32, #tpu.memory_space<vmem>>, vector<16xi32>,
    %mul3A_72 = arith.constant 128 : i32
    %mul3A_73 = vector.broadcast %mul3A_72 : i32 to vector<16xi32>
    %mul3A_74 = arith.muli %add3A_65, %mul3A_73 : vector<16xi32>
    %add3A_75 = arith.addi %mul3A_74, %and3A_52 : vector<16xi32>
    %swap3A_76 = arith.constant 16 : index
    %swap3A_77 = tpu.vector_load %arg12[%swap3A_76] {strides = array<i32>} : memref<80xi32, #tpu.memory_space<vmem>>, vector<16xi32>,
    tpu.vector_store %arg12[%swap3A_76], %add3A_75 {strides = array<i32>} : memref<80xi32, #tpu.memory_space<vmem>>, vector<16xi32>,
    %mul3A_78 = arith.muli %shift_right_arithmetic3A_55, %shift_right_arithmetic3A_58 : vector<16xi32>
    %convert_element_type3A_79 = arith.sitofp %mul3A_78 : vector<16xi32> to vector<16xf32>
    %swap3A_80 = arith.constant 16 : index
    %swap3A_81 = tpu.vector_load %arg19[%swap3A_80] {strides = array<i32>} : memref<80xf32, #tpu.memory_space<vmem>>, vector<16xf32>,
    tpu.vector_store %arg19[%swap3A_80], %convert_element_type3A_79 {strides = array<i32>} : memref<80xf32, #tpu.memory_space<vmem>>, vector<16xf32>,
    %max3A_82 = arith.maxsi %shift_right_arithmetic3A_55, %shift_right_arithmetic3A_58 : vector<16xi32>
    %convert_element_type3A_83 = arith.sitofp %max3A_82 : vector<16xi32> to vector<16xf32>
    %swap3A_84 = arith.constant 16 : index
    %swap3A_85 = tpu.vector_load %arg21[%swap3A_84] {strides = array<i32>} : memref<80xf32, #tpu.memory_space<vmem>>, vector<16xf32>,
    tpu.vector_store %arg21[%swap3A_84], %convert_element_type3A_83 {strides = array<i32>} : memref<80xf32, #tpu.memory_space<vmem>>, vector<16xf32>,
    %get3A_86 = arith.constant 32 : index
    %get3A_87 = tpu.vector_load %arg9[%get3A_86] {strides = array<i32>} : memref<10000xi32, #tpu.memory_space<vmem>>, vector<16xi32>,
    %get3A_88 = arith.constant 32 : index
    %get3A_89 = tpu.vector_load %arg10[%get3A_88] {strides = array<i32>} : memref<10000xi32, #tpu.memory_space<vmem>>, vector<16xi32>,
    %gather3A_90 = tpu.vector_load_idx %arg8[%get3A_87] : memref<10000xi32, #tpu.memory_space<vmem>>[vector<16xi32>], vector<16xi32>,
    %gather3A_91 = tpu.vector_load_idx %arg8[%get3A_89] : memref<10000xi32, #tpu.memory_space<vmem>>[vector<16xi32>], vector<16xi32>,
    %and3A_92 = arith.constant 255 : i32
    %and3A_93 = vector.broadcast %and3A_92 : i32 to vector<16xi32>
    %and3A_94 = arith.andi %gather3A_90, %and3A_93 : vector<16xi32>
    %and3A_95 = arith.constant 255 : i32
    %and3A_96 = vector.broadcast %and3A_95 : i32 to vector<16xi32>
    %and3A_97 = arith.andi %gather3A_91, %and3A_96 : vector<16xi32>
    %shift_right_arithmetic3A_98 = arith.constant 8 : i32
    %shift_right_arithmetic3A_99 = vector.broadcast %shift_right_arithmetic3A_98 : i32 to vector<16xi32>
    %shift_right_arithmetic3A_100 = arith.shrsi %gather3A_90, %shift_right_arithmetic3A_99 : vector<16xi32>
    %shift_right_arithmetic3A_101 = arith.constant 8 : i32
    %shift_right_arithmetic3A_102 = vector.broadcast %shift_right_arithmetic3A_101 : i32 to vector<16xi32>
    %shift_right_arithmetic3A_103 = arith.shrsi %gather3A_91, %shift_right_arithmetic3A_102 : vector<16xi32>
    %iota3A_104 = tpu.iota {dimensions = array<i32: 0>} : vector<16xi32>
    %add3A_105 = arith.constant 0 : i32
    %add3A_106 = arith.addi %mul3A_2, %add3A_105 : i32
    %add3A_107 = arith.constant 32 : i32
    %add3A_108 = arith.addi %add3A_106, %add3A_107 : i32
    %add3A_109 = vector.broadcast %add3A_108 : i32 to vector<16xi32>
    %add3A_110 = arith.addi %iota3A_104, %add3A_109 : vector<16xi32>
    %mul3A_111 = arith.constant 128 : i32
    %mul3A_112 = vector.broadcast %mul3A_111 : i32 to vector<16xi32>
    %mul3A_113 = arith.muli %add3A_110, %mul3A_112 : vector<16xi32>
    %add3A_114 = arith.addi %mul3A_113, %and3A_94 : vector<16xi32>
    %swap3A_115 = arith.constant 32 : index
    %swap3A_116 = tpu.vector_load %arg11[%swap3A_115] {strides = array<i32>} : memref<80xi32, #tpu.memory_space<vmem>>, vector<16xi32>,
    tpu.vector_store %arg11[%swap3A_115], %add3A_114 {strides = array<i32>} : memref<80xi32, #tpu.memory_space<vmem>>, vector<16xi32>,
    %mul3A_117 = arith.constant 128 : i32
    %mul3A_118 = vector.broadcast %mul3A_117 : i32 to vector<16xi32>
    %mul3A_119 = arith.muli %add3A_110, %mul3A_118 : vector<16xi32>
    %add3A_120 = arith.addi %mul3A_119, %and3A_97 : vector<16xi32>
    %swap3A_121 = arith.constant 32 : index
    %swap3A_122 = tpu.vector_load %arg12[%swap3A_121] {strides = array<i32>} : memref<80xi32, #tpu.memory_space<vmem>>, vector<16xi32>,
    tpu.vector_store %arg12[%swap3A_121], %add3A_120 {strides = array<i32>} : memref<80xi32, #tpu.memory_space<vmem>>, vector<16xi32>,
    %mul3A_123 = arith.muli %shift_right_arithmetic3A_100, %shift_right_arithmetic3A_103 : vector<16xi32>
    %convert_element_type3A_124 = arith.sitofp %mul3A_123 : vector<16xi32> to vector<16xf32>
    %swap3A_125 = arith.constant 32 : index
    %swap3A_126 = tpu.vector_load %arg19[%swap3A_125] {strides = array<i32>} : memref<80xf32, #tpu.memory_space<vmem>>, vector<16xf32>,
    tpu.vector_store %arg19[%swap3A_125], %convert_element_type3A_124 {strides = array<i32>} : memref<80xf32, #tpu.memory_space<vmem>>, vector<16xf32>,
    %max3A_127 = arith.maxsi %shift_right_arithmetic3A_100, %shift_right_arithmetic3A_103 : vector<16xi32>
    %convert_element_type3A_128 = arith.sitofp %max3A_127 : vector<16xi32> to vector<16xf32>
    %swap3A_129 = arith.constant 32 : index
    %swap3A_130 = tpu.vector_load %arg21[%swap3A_129] {strides = array<i32>} : memref<80xf32, #tpu.memory_space<vmem>>, vector<16xf32>,
    tpu.vector_store %arg21[%swap3A_129], %convert_element_type3A_128 {strides = array<i32>} : memref<80xf32, #tpu.memory_space<vmem>>, vector<16xf32>,
    %get3A_131 = arith.constant 48 : index
    %get3A_132 = tpu.vector_load %arg9[%get3A_131] {strides = array<i32>} : memref<10000xi32, #tpu.memory_space<vmem>>, vector<16xi32>,
    %get3A_133 = arith.constant 48 : index
    %get3A_134 = tpu.vector_load %arg10[%get3A_133] {strides = array<i32>} : memref<10000xi32, #tpu.memory_space<vmem>>, vector<16xi32>,
    %gather3A_135 = tpu.vector_load_idx %arg8[%get3A_132] : memref<10000xi32, #tpu.memory_space<vmem>>[vector<16xi32>], vector<16xi32>,
    %gather3A_136 = tpu.vector_load_idx %arg8[%get3A_134] : memref<10000xi32, #tpu.memory_space<vmem>>[vector<16xi32>], vector<16xi32>,
    %and3A_137 = arith.constant 255 : i32
    %and3A_138 = vector.broadcast %and3A_137 : i32 to vector<16xi32>
    %and3A_139 = arith.andi %gather3A_135, %and3A_138 : vector<16xi32>
    %and3A_140 = arith.constant 255 : i32
    %and3A_141 = vector.broadcast %and3A_140 : i32 to vector<16xi32>
    %and3A_142 = arith.andi %gather3A_136, %and3A_141 : vector<16xi32>
    %shift_right_arithmetic3A_143 = arith.constant 8 : i32
    %shift_right_arithmetic3A_144 = vector.broadcast %shift_right_arithmetic3A_143 : i32 to vector<16xi32>
    %shift_right_arithmetic3A_145 = arith.shrsi %gather3A_135, %shift_right_arithmetic3A_144 : vector<16xi32>
    %shift_right_arithmetic3A_146 = arith.constant 8 : i32
    %shift_right_arithmetic3A_147 = vector.broadcast %shift_right_arithmetic3A_146 : i32 to vector<16xi32>
    %shift_right_arithmetic3A_148 = arith.shrsi %gather3A_136, %shift_right_arithmetic3A_147 : vector<16xi32>
    %iota3A_149 = tpu.iota {dimensions = array<i32: 0>} : vector<16xi32>
    %add3A_150 = arith.constant 0 : i32
    %add3A_151 = arith.addi %mul3A_2, %add3A_150 : i32
    %add3A_152 = arith.constant 48 : i32
    %add3A_153 = arith.addi %add3A_151, %add3A_152 : i32
    %add3A_154 = vector.broadcast %add3A_153 : i32 to vector<16xi32>
    %add3A_155 = arith.addi %iota3A_149, %add3A_154 : vector<16xi32>
    %mul3A_156 = arith.constant 128 : i32
    %mul3A_157 = vector.broadcast %mul3A_156 : i32 to vector<16xi32>
    %mul3A_158 = arith.muli %add3A_155, %mul3A_157 : vector<16xi32>
    %add3A_159 = arith.addi %mul3A_158, %and3A_139 : vector<16xi32>
    %swap3A_160 = arith.constant 48 : index
    %swap3A_161 = tpu.vector_load %arg11[%swap3A_160] {strides = array<i32>} : memref<80xi32, #tpu.memory_space<vmem>>, vector<16xi32>,
    tpu.vector_store %arg11[%swap3A_160], %add3A_159 {strides = array<i32>} : memref<80xi32, #tpu.memory_space<vmem>>, vector<16xi32>,
    %mul3A_162 = arith.constant 128 : i32
    %mul3A_163 = vector.broadcast %mul3A_162 : i32 to vector<16xi32>
    %mul3A_164 = arith.muli %add3A_155, %mul3A_163 : vector<16xi32>
    %add3A_165 = arith.addi %mul3A_164, %and3A_142 : vector<16xi32>
    %swap3A_166 = arith.constant 48 : index
    %swap3A_167 = tpu.vector_load %arg12[%swap3A_166] {strides = array<i32>} : memref<80xi32, #tpu.memory_space<vmem>>, vector<16xi32>,
    tpu.vector_store %arg12[%swap3A_166], %add3A_165 {strides = array<i32>} : memref<80xi32, #tpu.memory_space<vmem>>, vector<16xi32>,
    %mul3A_168 = arith.muli %shift_right_arithmetic3A_145, %shift_right_arithmetic3A_148 : vector<16xi32>
    %convert_element_type3A_169 = arith.sitofp %mul3A_168 : vector<16xi32> to vector<16xf32>
    %swap3A_170 = arith.constant 48 : index
    %swap3A_171 = tpu.vector_load %arg19[%swap3A_170] {strides = array<i32>} : memref<80xf32, #tpu.memory_space<vmem>>, vector<16xf32>,
    tpu.vector_store %arg19[%swap3A_170], %convert_element_type3A_169 {strides = array<i32>} : memref<80xf32, #tpu.memory_space<vmem>>, vector<16xf32>,
    %max3A_172 = arith.maxsi %shift_right_arithmetic3A_145, %shift_right_arithmetic3A_148 : vector<16xi32>
    %convert_element_type3A_173 = arith.sitofp %max3A_172 : vector<16xi32> to vector<16xf32>
    %swap3A_174 = arith.constant 48 : index
    %swap3A_175 = tpu.vector_load %arg21[%swap3A_174] {strides = array<i32>} : memref<80xf32, #tpu.memory_space<vmem>>, vector<16xf32>,
    tpu.vector_store %arg21[%swap3A_174], %convert_element_type3A_173 {strides = array<i32>} : memref<80xf32, #tpu.memory_space<vmem>>, vector<16xf32>,
    %get3A_176 = arith.constant 64 : index
    %get3A_177 = tpu.vector_load %arg9[%get3A_176] {strides = array<i32>} : memref<10000xi32, #tpu.memory_space<vmem>>, vector<16xi32>,
    %get3A_178 = arith.constant 64 : index
    %get3A_179 = tpu.vector_load %arg10[%get3A_178] {strides = array<i32>} : memref<10000xi32, #tpu.memory_space<vmem>>, vector<16xi32>,
    %gather3A_180 = tpu.vector_load_idx %arg8[%get3A_177] : memref<10000xi32, #tpu.memory_space<vmem>>[vector<16xi32>], vector<16xi32>,
    %gather3A_181 = tpu.vector_load_idx %arg8[%get3A_179] : memref<10000xi32, #tpu.memory_space<vmem>>[vector<16xi32>], vector<16xi32>,
    %and3A_182 = arith.constant 255 : i32
    %and3A_183 = vector.broadcast %and3A_182 : i32 to vector<16xi32>
    %and3A_184 = arith.andi %gather3A_180, %and3A_183 : vector<16xi32>
    %and3A_185 = arith.constant 255 : i32
    %and3A_186 = vector.broadcast %and3A_185 : i32 to vector<16xi32>
    %and3A_187 = arith.andi %gather3A_181, %and3A_186 : vector<16xi32>
    %shift_right_arithmetic3A_188 = arith.constant 8 : i32
    %shift_right_arithmetic3A_189 = vector.broadcast %shift_right_arithmetic3A_188 : i32 to vector<16xi32>
    %shift_right_arithmetic3A_190 = arith.shrsi %gather3A_180, %shift_right_arithmetic3A_189 : vector<16xi32>
    %shift_right_arithmetic3A_191 = arith.constant 8 : i32
    %shift_right_arithmetic3A_192 = vector.broadcast %shift_right_arithmetic3A_191 : i32 to vector<16xi32>
    %shift_right_arithmetic3A_193 = arith.shrsi %gather3A_181, %shift_right_arithmetic3A_192 : vector<16xi32>
    %iota3A_194 = tpu.iota {dimensions = array<i32: 0>} : vector<16xi32>
    %add3A_195 = arith.constant 0 : i32
    %add3A_196 = arith.addi %mul3A_2, %add3A_195 : i32
    %add3A_197 = arith.constant 64 : i32
    %add3A_198 = arith.addi %add3A_196, %add3A_197 : i32
    %add3A_199 = vector.broadcast %add3A_198 : i32 to vector<16xi32>
    %add3A_200 = arith.addi %iota3A_194, %add3A_199 : vector<16xi32>
    %mul3A_201 = arith.constant 128 : i32
    %mul3A_202 = vector.broadcast %mul3A_201 : i32 to vector<16xi32>
    %mul3A_203 = arith.muli %add3A_200, %mul3A_202 : vector<16xi32>
    %add3A_204 = arith.addi %mul3A_203, %and3A_184 : vector<16xi32>
    %swap3A_205 = arith.constant 64 : index
    %swap3A_206 = tpu.vector_load %arg11[%swap3A_205] {strides = array<i32>} : memref<80xi32, #tpu.memory_space<vmem>>, vector<16xi32>,
    tpu.vector_store %arg11[%swap3A_205], %add3A_204 {strides = array<i32>} : memref<80xi32, #tpu.memory_space<vmem>>, vector<16xi32>,
    %mul3A_207 = arith.constant 128 : i32
    %mul3A_208 = vector.broadcast %mul3A_207 : i32 to vector<16xi32>
    %mul3A_209 = arith.muli %add3A_200, %mul3A_208 : vector<16xi32>
    %add3A_210 = arith.addi %mul3A_209, %and3A_187 : vector<16xi32>
    %swap3A_211 = arith.constant 64 : index
    %swap3A_212 = tpu.vector_load %arg12[%swap3A_211] {strides = array<i32>} : memref<80xi32, #tpu.memory_space<vmem>>, vector<16xi32>,
    tpu.vector_store %arg12[%swap3A_211], %add3A_210 {strides = array<i32>} : memref<80xi32, #tpu.memory_space<vmem>>, vector<16xi32>,
    %mul3A_213 = arith.muli %shift_right_arithmetic3A_190, %shift_right_arithmetic3A_193 : vector<16xi32>
    %convert_element_type3A_214 = arith.sitofp %mul3A_213 : vector<16xi32> to vector<16xf32>
    %swap3A_215 = arith.constant 64 : index
    %swap3A_216 = tpu.vector_load %arg19[%swap3A_215] {strides = array<i32>} : memref<80xf32, #tpu.memory_space<vmem>>, vector<16xf32>,
    tpu.vector_store %arg19[%swap3A_215], %convert_element_type3A_214 {strides = array<i32>} : memref<80xf32, #tpu.memory_space<vmem>>, vector<16xf32>,
    %max3A_217 = arith.maxsi %shift_right_arithmetic3A_190, %shift_right_arithmetic3A_193 : vector<16xi32>
    %convert_element_type3A_218 = arith.sitofp %max3A_217 : vector<16xi32> to vector<16xf32>
    %swap3A_219 = arith.constant 64 : index
    %swap3A_220 = tpu.vector_load %arg21[%swap3A_219] {strides = array<i32>} : memref<80xf32, #tpu.memory_space<vmem>>, vector<16xf32>,
    tpu.vector_store %arg21[%swap3A_219], %convert_element_type3A_218 {strides = array<i32>} : memref<80xf32, #tpu.memory_space<vmem>>, vector<16xf32>,
    %dma_start3A = arith.constant 0 : i32
    %dma_start3A_221 = tpu.memref_slice %arg2[%dma_start3A] : memref<40960000xf32, #tpu.memory_space<hbm>> -> memref<40960000xf32, #tpu.memory_space<hbm>>
    tpu.enqueue_indirect_dma source(%dma_start3A_221 : memref<40960000xf32, #tpu.memory_space<hbm>>) target(%arg15 : memref<80xf32, #tpu.memory_space<vmem>>) offsets(%arg11 : memref<80xi32, #tpu.memory_space<vmem>>) semaphore(%arg25 : memref<!tpu.dma_semaphore, #tpu.memory_space<semaphore_mem>>)
    %dma_start3A_222 = arith.constant 0 : i32
    %dma_start3A_223 = tpu.memref_slice %arg2[%dma_start3A_222] : memref<40960000xf32, #tpu.memory_space<hbm>> -> memref<40960000xf32, #tpu.memory_space<hbm>>
    tpu.enqueue_indirect_dma source(%dma_start3A_223 : memref<40960000xf32, #tpu.memory_space<hbm>>) target(%arg16 : memref<80xf32, #tpu.memory_space<vmem>>) offsets(%arg12 : memref<80xi32, #tpu.memory_space<vmem>>) semaphore(%arg25 : memref<!tpu.dma_semaphore, #tpu.memory_space<semaphore_mem>>)
    %get3A_224 = arith.constant 80 : index
    %get3A_225 = tpu.vector_load %arg9[%get3A_224] {strides = array<i32>} : memref<10000xi32, #tpu.memory_space<vmem>>, vector<16xi32>,
    %get3A_226 = arith.constant 80 : index
    %get3A_227 = tpu.vector_load %arg10[%get3A_226] {strides = array<i32>} : memref<10000xi32, #tpu.memory_space<vmem>>, vector<16xi32>,
    %gather3A_228 = tpu.vector_load_idx %arg8[%get3A_225] : memref<10000xi32, #tpu.memory_space<vmem>>[vector<16xi32>], vector<16xi32>,
    %gather3A_229 = tpu.vector_load_idx %arg8[%get3A_227] : memref<10000xi32, #tpu.memory_space<vmem>>[vector<16xi32>], vector<16xi32>,
    %and3A_230 = arith.constant 255 : i32
    %and3A_231 = vector.broadcast %and3A_230 : i32 to vector<16xi32>
    %and3A_232 = arith.andi %gather3A_228, %and3A_231 : vector<16xi32>
    %and3A_233 = arith.constant 255 : i32
    %and3A_234 = vector.broadcast %and3A_233 : i32 to vector<16xi32>
    %and3A_235 = arith.andi %gather3A_229, %and3A_234 : vector<16xi32>
    %shift_right_arithmetic3A_236 = arith.constant 8 : i32
    %shift_right_arithmetic3A_237 = vector.broadcast %shift_right_arithmetic3A_236 : i32 to vector<16xi32>
    %shift_right_arithmetic3A_238 = arith.shrsi %gather3A_228, %shift_right_arithmetic3A_237 : vector<16xi32>
    %shift_right_arithmetic3A_239 = arith.constant 8 : i32
    %shift_right_arithmetic3A_240 = vector.broadcast %shift_right_arithmetic3A_239 : i32 to vector<16xi32>
    %shift_right_arithmetic3A_241 = arith.shrsi %gather3A_229, %shift_right_arithmetic3A_240 : vector<16xi32>
    %iota3A_242 = tpu.iota {dimensions = array<i32: 0>} : vector<16xi32>
    %add3A_243 = arith.constant 80 : i32
    %add3A_244 = arith.addi %mul3A_2, %add3A_243 : i32
    %add3A_245 = arith.constant 0 : i32
    %add3A_246 = arith.addi %add3A_244, %add3A_245 : i32
    %add3A_247 = vector.broadcast %add3A_246 : i32 to vector<16xi32>
    %add3A_248 = arith.addi %iota3A_242, %add3A_247 : vector<16xi32>
    %mul3A_249 = arith.constant 128 : i32
    %mul3A_250 = vector.broadcast %mul3A_249 : i32 to vector<16xi32>
    %mul3A_251 = arith.muli %add3A_248, %mul3A_250 : vector<16xi32>
    %add3A_252 = arith.addi %mul3A_251, %and3A_232 : vector<16xi32>
    %swap3A_253 = arith.constant 0 : index
    %swap3A_254 = tpu.vector_load %arg13[%swap3A_253] {strides = array<i32>} : memref<80xi32, #tpu.memory_space<vmem>>, vector<16xi32>,
    tpu.vector_store %arg13[%swap3A_253], %add3A_252 {strides = array<i32>} : memref<80xi32, #tpu.memory_space<vmem>>, vector<16xi32>,
    %mul3A_255 = arith.constant 128 : i32
    %mul3A_256 = vector.broadcast %mul3A_255 : i32 to vector<16xi32>
    %mul3A_257 = arith.muli %add3A_248, %mul3A_256 : vector<16xi32>
    %add3A_258 = arith.addi %mul3A_257, %and3A_235 : vector<16xi32>
    %swap3A_259 = arith.constant 0 : index
    %swap3A_260 = tpu.vector_load %arg14[%swap3A_259] {strides = array<i32>} : memref<80xi32, #tpu.memory_space<vmem>>, vector<16xi32>,
    tpu.vector_store %arg14[%swap3A_259], %add3A_258 {strides = array<i32>} : memref<80xi32, #tpu.memory_space<vmem>>, vector<16xi32>,
    %mul3A_261 = arith.muli %shift_right_arithmetic3A_238, %shift_right_arithmetic3A_241 : vector<16xi32>
    %convert_element_type3A_262 = arith.sitofp %mul3A_261 : vector<16xi32> to vector<16xf32>
    %swap3A_263 = arith.constant 0 : index
    %swap3A_264 = tpu.vector_load %arg20[%swap3A_263] {strides = array<i32>} : memref<80xf32, #tpu.memory_space<vmem>>, vector<16xf32>,
    tpu.vector_store %arg20[%swap3A_263], %convert_element_type3A_262 {strides = array<i32>} : memref<80xf32, #tpu.memory_space<vmem>>, vector<16xf32>,
    %max3A_265 = arith.maxsi %shift_right_arithmetic3A_238, %shift_right_arithmetic3A_241 : vector<16xi32>
    %convert_element_type3A_266 = arith.sitofp %max3A_265 : vector<16xi32> to vector<16xf32>
    %swap3A_267 = arith.constant 0 : index
    %swap3A_268 = tpu.vector_load %arg22[%swap3A_267] {strides = array<i32>} : memref<80xf32, #tpu.memory_space<vmem>>, vector<16xf32>,
    tpu.vector_store %arg22[%swap3A_267], %convert_element_type3A_266 {strides = array<i32>} : memref<80xf32, #tpu.memory_space<vmem>>, vector<16xf32>,
    %get3A_269 = arith.constant 96 : index
    %get3A_270 = tpu.vector_load %arg9[%get3A_269] {strides = array<i32>} : memref<10000xi32, #tpu.memory_space<vmem>>, vector<16xi32>,
    %get3A_271 = arith.constant 96 : index
    %get3A_272 = tpu.vector_load %arg10[%get3A_271] {strides = array<i32>} : memref<10000xi32, #tpu.memory_space<vmem>>, vector<16xi32>,
    %gather3A_273 = tpu.vector_load_idx %arg8[%get3A_270] : memref<10000xi32, #tpu.memory_space<vmem>>[vector<16xi32>], vector<16xi32>,
    %gather3A_274 = tpu.vector_load_idx %arg8[%get3A_272] : memref<10000xi32, #tpu.memory_space<vmem>>[vector<16xi32>], vector<16xi32>,
    %and3A_275 = arith.constant 255 : i32
    %and3A_276 = vector.broadcast %and3A_275 : i32 to vector<16xi32>
    %and3A_277 = arith.andi %gather3A_273, %and3A_276 : vector<16xi32>
    %and3A_278 = arith.constant 255 : i32
    %and3A_279 = vector.broadcast %and3A_278 : i32 to vector<16xi32>
    %and3A_280 = arith.andi %gather3A_274, %and3A_279 : vector<16xi32>
    %shift_right_arithmetic3A_281 = arith.constant 8 : i32
    %shift_right_arithmetic3A_282 = vector.broadcast %shift_right_arithmetic3A_281 : i32 to vector<16xi32>
    %shift_right_arithmetic3A_283 = arith.shrsi %gather3A_273, %shift_right_arithmetic3A_282 : vector<16xi32>
    %shift_right_arithmetic3A_284 = arith.constant 8 : i32
    %shift_right_arithmetic3A_285 = vector.broadcast %shift_right_arithmetic3A_284 : i32 to vector<16xi32>
    %shift_right_arithmetic3A_286 = arith.shrsi %gather3A_274, %shift_right_arithmetic3A_285 : vector<16xi32>
    %iota3A_287 = tpu.iota {dimensions = array<i32: 0>} : vector<16xi32>
    %add3A_288 = arith.constant 80 : i32
    %add3A_289 = arith.addi %mul3A_2, %add3A_288 : i32
    %add3A_290 = arith.constant 16 : i32
    %add3A_291 = arith.addi %add3A_289, %add3A_290 : i32
    %add3A_292 = vector.broadcast %add3A_291 : i32 to vector<16xi32>
    %add3A_293 = arith.addi %iota3A_287, %add3A_292 : vector<16xi32>
    %mul3A_294 = arith.constant 128 : i32
    %mul3A_295 = vector.broadcast %mul3A_294 : i32 to vector<16xi32>
    %mul3A_296 = arith.muli %add3A_293, %mul3A_295 : vector<16xi32>
    %add3A_297 = arith.addi %mul3A_296, %and3A_277 : vector<16xi32>
    %swap3A_298 = arith.constant 16 : index
    %swap3A_299 = tpu.vector_load %arg13[%swap3A_298] {strides = array<i32>} : memref<80xi32, #tpu.memory_space<vmem>>, vector<16xi32>,
    tpu.vector_store %arg13[%swap3A_298], %add3A_297 {strides = array<i32>} : memref<80xi32, #tpu.memory_space<vmem>>, vector<16xi32>,
    %mul3A_300 = arith.constant 128 : i32
    %mul3A_301 = vector.broadcast %mul3A_300 : i32 to vector<16xi32>
    %mul3A_302 = arith.muli %add3A_293, %mul3A_301 : vector<16xi32>
    %add3A_303 = arith.addi %mul3A_302, %and3A_280 : vector<16xi32>
    %swap3A_304 = arith.constant 16 : index
    %swap3A_305 = tpu.vector_load %arg14[%swap3A_304] {strides = array<i32>} : memref<80xi32, #tpu.memory_space<vmem>>, vector<16xi32>,
    tpu.vector_store %arg14[%swap3A_304], %add3A_303 {strides = array<i32>} : memref<80xi32, #tpu.memory_space<vmem>>, vector<16xi32>,
    %mul3A_306 = arith.muli %shift_right_arithmetic3A_283, %shift_right_arithmetic3A_286 : vector<16xi32>
    %convert_element_type3A_307 = arith.sitofp %mul3A_306 : vector<16xi32> to vector<16xf32>
    %swap3A_308 = arith.constant 16 : index
    %swap3A_309 = tpu.vector_load %arg20[%swap3A_308] {strides = array<i32>} : memref<80xf32, #tpu.memory_space<vmem>>, vector<16xf32>,
    tpu.vector_store %arg20[%swap3A_308], %convert_element_type3A_307 {strides = array<i32>} : memref<80xf32, #tpu.memory_space<vmem>>, vector<16xf32>,
    %max3A_310 = arith.maxsi %shift_right_arithmetic3A_283, %shift_right_arithmetic3A_286 : vector<16xi32>
    %convert_element_type3A_311 = arith.sitofp %max3A_310 : vector<16xi32> to vector<16xf32>
    %swap3A_312 = arith.constant 16 : index
    %swap3A_313 = tpu.vector_load %arg22[%swap3A_312] {strides = array<i32>} : memref<80xf32, #tpu.memory_space<vmem>>, vector<16xf32>,
    tpu.vector_store %arg22[%swap3A_312], %convert_element_type3A_311 {strides = array<i32>} : memref<80xf32, #tpu.memory_space<vmem>>, vector<16xf32>,
    %get3A_314 = arith.constant 112 : index
    %get3A_315 = tpu.vector_load %arg9[%get3A_314] {strides = array<i32>} : memref<10000xi32, #tpu.memory_space<vmem>>, vector<16xi32>,
    %get3A_316 = arith.constant 112 : index
    %get3A_317 = tpu.vector_load %arg10[%get3A_316] {strides = array<i32>} : memref<10000xi32, #tpu.memory_space<vmem>>, vector<16xi32>,
    %gather3A_318 = tpu.vector_load_idx %arg8[%get3A_315] : memref<10000xi32, #tpu.memory_space<vmem>>[vector<16xi32>], vector<16xi32>,
    %gather3A_319 = tpu.vector_load_idx %arg8[%get3A_317] : memref<10000xi32, #tpu.memory_space<vmem>>[vector<16xi32>], vector<16xi32>,
    %and3A_320 = arith.constant 255 : i32
    %and3A_321 = vector.broadcast %and3A_320 : i32 to vector<16xi32>
    %and3A_322 = arith.andi %gather3A_318, %and3A_321 : vector<16xi32>
    %and3A_323 = arith.constant 255 : i32
    %and3A_324 = vector.broadcast %and3A_323 : i32 to vector<16xi32>
    %and3A_325 = arith.andi %gather3A_319, %and3A_324 : vector<16xi32>
    %shift_right_arithmetic3A_326 = arith.constant 8 : i32
    %shift_right_arithmetic3A_327 = vector.broadcast %shift_right_arithmetic3A_326 : i32 to vector<16xi32>
    %shift_right_arithmetic3A_328 = arith.shrsi %gather3A_318, %shift_right_arithmetic3A_327 : vector<16xi32>
    %shift_right_arithmetic3A_329 = arith.constant 8 : i32
    %shift_right_arithmetic3A_330 = vector.broadcast %shift_right_arithmetic3A_329 : i32 to vector<16xi32>
    %shift_right_arithmetic3A_331 = arith.shrsi %gather3A_319, %shift_right_arithmetic3A_330 : vector<16xi32>
    %iota3A_332 = tpu.iota {dimensions = array<i32: 0>} : vector<16xi32>
    %add3A_333 = arith.constant 80 : i32
    %add3A_334 = arith.addi %mul3A_2, %add3A_333 : i32
    %add3A_335 = arith.constant 32 : i32
    %add3A_336 = arith.addi %add3A_334, %add3A_335 : i32
    %add3A_337 = vector.broadcast %add3A_336 : i32 to vector<16xi32>
    %add3A_338 = arith.addi %iota3A_332, %add3A_337 : vector<16xi32>
    %mul3A_339 = arith.constant 128 : i32
    %mul3A_340 = vector.broadcast %mul3A_339 : i32 to vector<16xi32>
    %mul3A_341 = arith.muli %add3A_338, %mul3A_340 : vector<16xi32>
    %add3A_342 = arith.addi %mul3A_341, %and3A_322 : vector<16xi32>
    %swap3A_343 = arith.constant 32 : index
    %swap3A_344 = tpu.vector_load %arg13[%swap3A_343] {strides = array<i32>} : memref<80xi32, #tpu.memory_space<vmem>>, vector<16xi32>,
    tpu.vector_store %arg13[%swap3A_343], %add3A_342 {strides = array<i32>} : memref<80xi32, #tpu.memory_space<vmem>>, vector<16xi32>,
    %mul3A_345 = arith.constant 128 : i32
    %mul3A_346 = vector.broadcast %mul3A_345 : i32 to vector<16xi32>
    %mul3A_347 = arith.muli %add3A_338, %mul3A_346 : vector<16xi32>
    %add3A_348 = arith.addi %mul3A_347, %and3A_325 : vector<16xi32>
    %swap3A_349 = arith.constant 32 : index
    %swap3A_350 = tpu.vector_load %arg14[%swap3A_349] {strides = array<i32>} : memref<80xi32, #tpu.memory_space<vmem>>, vector<16xi32>,
    tpu.vector_store %arg14[%swap3A_349], %add3A_348 {strides = array<i32>} : memref<80xi32, #tpu.memory_space<vmem>>, vector<16xi32>,
    %mul3A_351 = arith.muli %shift_right_arithmetic3A_328, %shift_right_arithmetic3A_331 : vector<16xi32>
    %convert_element_type3A_352 = arith.sitofp %mul3A_351 : vector<16xi32> to vector<16xf32>
    %swap3A_353 = arith.constant 32 : index
    %swap3A_354 = tpu.vector_load %arg20[%swap3A_353] {strides = array<i32>} : memref<80xf32, #tpu.memory_space<vmem>>, vector<16xf32>,
    tpu.vector_store %arg20[%swap3A_353], %convert_element_type3A_352 {strides = array<i32>} : memref<80xf32, #tpu.memory_space<vmem>>, vector<16xf32>,
    %max3A_355 = arith.maxsi %shift_right_arithmetic3A_328, %shift_right_arithmetic3A_331 : vector<16xi32>
    %convert_element_type3A_356 = arith.sitofp %max3A_355 : vector<16xi32> to vector<16xf32>
    %swap3A_357 = arith.constant 32 : index
    %swap3A_358 = tpu.vector_load %arg22[%swap3A_357] {strides = array<i32>} : memref<80xf32, #tpu.memory_space<vmem>>, vector<16xf32>,
    tpu.vector_store %arg22[%swap3A_357], %convert_element_type3A_356 {strides = array<i32>} : memref<80xf32, #tpu.memory_space<vmem>>, vector<16xf32>,
    %get3A_359 = arith.constant 128 : index
    %get3A_360 = tpu.vector_load %arg9[%get3A_359] {strides = array<i32>} : memref<10000xi32, #tpu.memory_space<vmem>>, vector<16xi32>,
    %get3A_361 = arith.constant 128 : index
    %get3A_362 = tpu.vector_load %arg10[%get3A_361] {strides = array<i32>} : memref<10000xi32, #tpu.memory_space<vmem>>, vector<16xi32>,
    %gather3A_363 = tpu.vector_load_idx %arg8[%get3A_360] : memref<10000xi32, #tpu.memory_space<vmem>>[vector<16xi32>], vector<16xi32>,
    %gather3A_364 = tpu.vector_load_idx %arg8[%get3A_362] : memref<10000xi32, #tpu.memory_space<vmem>>[vector<16xi32>], vector<16xi32>,
    %and3A_365 = arith.constant 255 : i32
    %and3A_366 = vector.broadcast %and3A_365 : i32 to vector<16xi32>
    %and3A_367 = arith.andi %gather3A_363, %and3A_366 : vector<16xi32>
    %and3A_368 = arith.constant 255 : i32
    %and3A_369 = vector.broadcast %and3A_368 : i32 to vector<16xi32>
    %and3A_370 = arith.andi %gather3A_364, %and3A_369 : vector<16xi32>
    %shift_right_arithmetic3A_371 = arith.constant 8 : i32
    %shift_right_arithmetic3A_372 = vector.broadcast %shift_right_arithmetic3A_371 : i32 to vector<16xi32>
    %shift_right_arithmetic3A_373 = arith.shrsi %gather3A_363, %shift_right_arithmetic3A_372 : vector<16xi32>
    %shift_right_arithmetic3A_374 = arith.constant 8 : i32
    %shift_right_arithmetic3A_375 = vector.broadcast %shift_right_arithmetic3A_374 : i32 to vector<16xi32>
    %shift_right_arithmetic3A_376 = arith.shrsi %gather3A_364, %shift_right_arithmetic3A_375 : vector<16xi32>
    %iota3A_377 = tpu.iota {dimensions = array<i32: 0>} : vector<16xi32>
    %add3A_378 = arith.constant 80 : i32
    %add3A_379 = arith.addi %mul3A_2, %add3A_378 : i32
    %add3A_380 = arith.constant 48 : i32
    %add3A_381 = arith.addi %add3A_379, %add3A_380 : i32
    %add3A_382 = vector.broadcast %add3A_381 : i32 to vector<16xi32>
    %add3A_383 = arith.addi %iota3A_377, %add3A_382 : vector<16xi32>
    %mul3A_384 = arith.constant 128 : i32
    %mul3A_385 = vector.broadcast %mul3A_384 : i32 to vector<16xi32>
    %mul3A_386 = arith.muli %add3A_383, %mul3A_385 : vector<16xi32>
    %add3A_387 = arith.addi %mul3A_386, %and3A_367 : vector<16xi32>
    %swap3A_388 = arith.constant 48 : index
    %swap3A_389 = tpu.vector_load %arg13[%swap3A_388] {strides = array<i32>} : memref<80xi32, #tpu.memory_space<vmem>>, vector<16xi32>,
    tpu.vector_store %arg13[%swap3A_388], %add3A_387 {strides = array<i32>} : memref<80xi32, #tpu.memory_space<vmem>>, vector<16xi32>,
    %mul3A_390 = arith.constant 128 : i32
    %mul3A_391 = vector.broadcast %mul3A_390 : i32 to vector<16xi32>
    %mul3A_392 = arith.muli %add3A_383, %mul3A_391 : vector<16xi32>
    %add3A_393 = arith.addi %mul3A_392, %and3A_370 : vector<16xi32>
    %swap3A_394 = arith.constant 48 : index
    %swap3A_395 = tpu.vector_load %arg14[%swap3A_394] {strides = array<i32>} : memref<80xi32, #tpu.memory_space<vmem>>, vector<16xi32>,
    tpu.vector_store %arg14[%swap3A_394], %add3A_393 {strides = array<i32>} : memref<80xi32, #tpu.memory_space<vmem>>, vector<16xi32>,
    %mul3A_396 = arith.muli %shift_right_arithmetic3A_373, %shift_right_arithmetic3A_376 : vector<16xi32>
    %convert_element_type3A_397 = arith.sitofp %mul3A_396 : vector<16xi32> to vector<16xf32>
    %swap3A_398 = arith.constant 48 : index
    %swap3A_399 = tpu.vector_load %arg20[%swap3A_398] {strides = array<i32>} : memref<80xf32, #tpu.memory_space<vmem>>, vector<16xf32>,
    tpu.vector_store %arg20[%swap3A_398], %convert_element_type3A_397 {strides = array<i32>} : memref<80xf32, #tpu.memory_space<vmem>>, vector<16xf32>,
    %max3A_400 = arith.maxsi %shift_right_arithmetic3A_373, %shift_right_arithmetic3A_376 : vector<16xi32>
    %convert_element_type3A_401 = arith.sitofp %max3A_400 : vector<16xi32> to vector<16xf32>
    %swap3A_402 = arith.constant 48 : index
    %swap3A_403 = tpu.vector_load %arg22[%swap3A_402] {strides = array<i32>} : memref<80xf32, #tpu.memory_space<vmem>>, vector<16xf32>,
    tpu.vector_store %arg22[%swap3A_402], %convert_element_type3A_401 {strides = array<i32>} : memref<80xf32, #tpu.memory_space<vmem>>, vector<16xf32>,
    %get3A_404 = arith.constant 144 : index
    %get3A_405 = tpu.vector_load %arg9[%get3A_404] {strides = array<i32>} : memref<10000xi32, #tpu.memory_space<vmem>>, vector<16xi32>,
    %get3A_406 = arith.constant 144 : index
    %get3A_407 = tpu.vector_load %arg10[%get3A_406] {strides = array<i32>} : memref<10000xi32, #tpu.memory_space<vmem>>, vector<16xi32>,
    %gather3A_408 = tpu.vector_load_idx %arg8[%get3A_405] : memref<10000xi32, #tpu.memory_space<vmem>>[vector<16xi32>], vector<16xi32>,
    %gather3A_409 = tpu.vector_load_idx %arg8[%get3A_407] : memref<10000xi32, #tpu.memory_space<vmem>>[vector<16xi32>], vector<16xi32>,
    %and3A_410 = arith.constant 255 : i32
    %and3A_411 = vector.broadcast %and3A_410 : i32 to vector<16xi32>
    %and3A_412 = arith.andi %gather3A_408, %and3A_411 : vector<16xi32>
    %and3A_413 = arith.constant 255 : i32
    %and3A_414 = vector.broadcast %and3A_413 : i32 to vector<16xi32>
    %and3A_415 = arith.andi %gather3A_409, %and3A_414 : vector<16xi32>
    %shift_right_arithmetic3A_416 = arith.constant 8 : i32
    %shift_right_arithmetic3A_417 = vector.broadcast %shift_right_arithmetic3A_416 : i32 to vector<16xi32>
    %shift_right_arithmetic3A_418 = arith.shrsi %gather3A_408, %shift_right_arithmetic3A_417 : vector<16xi32>
    %shift_right_arithmetic3A_419 = arith.constant 8 : i32
    %shift_right_arithmetic3A_420 = vector.broadcast %shift_right_arithmetic3A_419 : i32 to vector<16xi32>
    %shift_right_arithmetic3A_421 = arith.shrsi %gather3A_409, %shift_right_arithmetic3A_420 : vector<16xi32>
    %iota3A_422 = tpu.iota {dimensions = array<i32: 0>} : vector<16xi32>
    %add3A_423 = arith.constant 80 : i32
    %add3A_424 = arith.addi %mul3A_2, %add3A_423 : i32
    %add3A_425 = arith.constant 64 : i32
    %add3A_426 = arith.addi %add3A_424, %add3A_425 : i32
    %add3A_427 = vector.broadcast %add3A_426 : i32 to vector<16xi32>
    %add3A_428 = arith.addi %iota3A_422, %add3A_427 : vector<16xi32>
    %mul3A_429 = arith.constant 128 : i32
    %mul3A_430 = vector.broadcast %mul3A_429 : i32 to vector<16xi32>
    %mul3A_431 = arith.muli %add3A_428, %mul3A_430 : vector<16xi32>
    %add3A_432 = arith.addi %mul3A_431, %and3A_412 : vector<16xi32>
    %swap3A_433 = arith.constant 64 : index
    %swap3A_434 = tpu.vector_load %arg13[%swap3A_433] {strides = array<i32>} : memref<80xi32, #tpu.memory_space<vmem>>, vector<16xi32>,
    tpu.vector_store %arg13[%swap3A_433], %add3A_432 {strides = array<i32>} : memref<80xi32, #tpu.memory_space<vmem>>, vector<16xi32>,
    %mul3A_435 = arith.constant 128 : i32
    %mul3A_436 = vector.broadcast %mul3A_435 : i32 to vector<16xi32>
    %mul3A_437 = arith.muli %add3A_428, %mul3A_436 : vector<16xi32>
    %add3A_438 = arith.addi %mul3A_437, %and3A_415 : vector<16xi32>
    %swap3A_439 = arith.constant 64 : index
    %swap3A_440 = tpu.vector_load %arg14[%swap3A_439] {strides = array<i32>} : memref<80xi32, #tpu.memory_space<vmem>>, vector<16xi32>,
    tpu.vector_store %arg14[%swap3A_439], %add3A_438 {strides = array<i32>} : memref<80xi32, #tpu.memory_space<vmem>>, vector<16xi32>,
    %mul3A_441 = arith.muli %shift_right_arithmetic3A_418, %shift_right_arithmetic3A_421 : vector<16xi32>
    %convert_element_type3A_442 = arith.sitofp %mul3A_441 : vector<16xi32> to vector<16xf32>
    %swap3A_443 = arith.constant 64 : index
    %swap3A_444 = tpu.vector_load %arg20[%swap3A_443] {strides = array<i32>} : memref<80xf32, #tpu.memory_space<vmem>>, vector<16xf32>,
    tpu.vector_store %arg20[%swap3A_443], %convert_element_type3A_442 {strides = array<i32>} : memref<80xf32, #tpu.memory_space<vmem>>, vector<16xf32>,
    %max3A_445 = arith.maxsi %shift_right_arithmetic3A_418, %shift_right_arithmetic3A_421 : vector<16xi32>
    %convert_element_type3A_446 = arith.sitofp %max3A_445 : vector<16xi32> to vector<16xf32>
    %swap3A_447 = arith.constant 64 : index
    %swap3A_448 = tpu.vector_load %arg22[%swap3A_447] {strides = array<i32>} : memref<80xf32, #tpu.memory_space<vmem>>, vector<16xf32>,
    tpu.vector_store %arg22[%swap3A_447], %convert_element_type3A_446 {strides = array<i32>} : memref<80xf32, #tpu.memory_space<vmem>>, vector<16xf32>,
    %dma_start3A_449 = arith.constant 0 : i32
    %dma_start3A_450 = tpu.memref_slice %arg2[%dma_start3A_449] : memref<40960000xf32, #tpu.memory_space<hbm>> -> memref<40960000xf32, #tpu.memory_space<hbm>>
    tpu.enqueue_indirect_dma source(%dma_start3A_450 : memref<40960000xf32, #tpu.memory_space<hbm>>) target(%arg17 : memref<80xf32, #tpu.memory_space<vmem>>) offsets(%arg13 : memref<80xi32, #tpu.memory_space<vmem>>) semaphore(%arg26 : memref<!tpu.dma_semaphore, #tpu.memory_space<semaphore_mem>>)
    %dma_start3A_451 = arith.constant 0 : i32
    %dma_start3A_452 = tpu.memref_slice %arg2[%dma_start3A_451] : memref<40960000xf32, #tpu.memory_space<hbm>> -> memref<40960000xf32, #tpu.memory_space<hbm>>
    tpu.enqueue_indirect_dma source(%dma_start3A_452 : memref<40960000xf32, #tpu.memory_space<hbm>>) target(%arg18 : memref<80xf32, #tpu.memory_space<vmem>>) offsets(%arg14 : memref<80xi32, #tpu.memory_space<vmem>>) semaphore(%arg26 : memref<!tpu.dma_semaphore, #tpu.memory_space<semaphore_mem>>)
    %dma_wait3A = arith.constant 0 : i32
    %dma_wait3A_453 = tpu.memref_slice %arg2[%dma_wait3A] : memref<40960000xf32, #tpu.memory_space<hbm>> -> memref<40960000xf32, #tpu.memory_space<hbm>>
    tpu.wait_indirect_dma semaphore(%arg25 : memref<!tpu.dma_semaphore, #tpu.memory_space<semaphore_mem>>) src(%dma_wait3A_453 : memref<40960000xf32, #tpu.memory_space<hbm>>) dst(%arg15 : memref<80xf32, #tpu.memory_space<vmem>>)
    %dma_wait3A_454 = arith.constant 0 : i32
    %dma_wait3A_455 = tpu.memref_slice %arg2[%dma_wait3A_454] : memref<40960000xf32, #tpu.memory_space<hbm>> -> memref<40960000xf32, #tpu.memory_space<hbm>>
    tpu.wait_indirect_dma semaphore(%arg25 : memref<!tpu.dma_semaphore, #tpu.memory_space<semaphore_mem>>) src(%dma_wait3A_455 : memref<40960000xf32, #tpu.memory_space<hbm>>) dst(%arg16 : memref<80xf32, #tpu.memory_space<vmem>>)
    %get3A_456 = arith.constant 0 : index
    %get3A_457 = tpu.vector_load %arg15[%get3A_456] {strides = array<i32>} : memref<80xf32, #tpu.memory_space<vmem>>, vector<16xf32>,
    %get3A_458 = arith.constant 0 : index
    %get3A_459 = tpu.vector_load %arg16[%get3A_458] {strides = array<i32>} : memref<80xf32, #tpu.memory_space<vmem>>, vector<16xf32>,
    %get3A_460 = arith.constant 0 : index
    %get3A_461 = tpu.vector_load %arg19[%get3A_460] {strides = array<i32>} : memref<80xf32, #tpu.memory_space<vmem>>, vector<16xf32>,
    %mul3A_462 = arith.mulf %get3A_457, %get3A_459 : vector<16xf32>
    %bitcast3A = vector.bitcast %mul3A_462 : vector<16xf32> to vector<16xi32>
    %shift_right_arithmetic3A_463 = arith.constant 23 : i32
    %shift_right_arithmetic3A_464 = vector.broadcast %shift_right_arithmetic3A_463 : i32 to vector<16xi32>
    %shift_right_arithmetic3A_465 = arith.shrsi %bitcast3A, %shift_right_arithmetic3A_464 : vector<16xi32>
    %and3A_466 = arith.constant 255 : i32
    %and3A_467 = vector.broadcast %and3A_466 : i32 to vector<16xi32>
    %and3A_468 = arith.andi %shift_right_arithmetic3A_465, %and3A_467 : vector<16xi32>
    %sub3A = arith.constant 127 : i32
    %sub3A_469 = vector.broadcast %sub3A : i32 to vector<16xi32>
    %sub3A_470 = arith.subi %and3A_468, %sub3A_469 : vector<16xi32>
    %and3A_471 = arith.constant 8388607 : i32
    %and3A_472 = vector.broadcast %and3A_471 : i32 to vector<16xi32>
    %and3A_473 = arith.andi %bitcast3A, %and3A_472 : vector<16xi32>
    %or3A = arith.constant 1065353216 : i32
    %or3A_474 = vector.broadcast %or3A : i32 to vector<16xi32>
    %or3A_475 = arith.ori %and3A_473, %or3A_474 : vector<16xi32>
    %bitcast3A_476 = vector.bitcast %or3A_475 : vector<16xi32> to vector<16xf32>
    %sub3A_477 = arith.constant 1.000000e+00 : f32
    %sub3A_478 = vector.broadcast %sub3A_477 : f32 to vector<16xf32>
    %sub3A_479 = arith.subf %bitcast3A_476, %sub3A_478 : vector<16xf32>
    %add3A_480 = arith.constant 1.000000e+00 : f32
    %add3A_481 = vector.broadcast %add3A_480 : f32 to vector<16xf32>
    %add3A_482 = arith.addf %bitcast3A_476, %add3A_481 : vector<16xf32>
    %div3A = arith.divf %sub3A_479, %add3A_482 : vector<16xf32>
    %mul3A_483 = arith.mulf %div3A, %div3A : vector<16xf32>
    %mul3A_484 = arith.constant 0.111111112 : f32
    %mul3A_485 = vector.broadcast %mul3A_484 : f32 to vector<16xf32>
    %mul3A_486 = arith.mulf %mul3A_483, %mul3A_485 : vector<16xf32>
    %add3A_487 = arith.constant 0.142857149 : f32
    %add3A_488 = vector.broadcast %add3A_487 : f32 to vector<16xf32>
    %add3A_489 = arith.addf %add3A_488, %mul3A_486 : vector<16xf32>
    %mul3A_490 = arith.mulf %mul3A_483, %add3A_489 : vector<16xf32>
    %add3A_491 = arith.constant 2.000000e-01 : f32
    %add3A_492 = vector.broadcast %add3A_491 : f32 to vector<16xf32>
    %add3A_493 = arith.addf %add3A_492, %mul3A_490 : vector<16xf32>
    %mul3A_494 = arith.mulf %mul3A_483, %add3A_493 : vector<16xf32>
    %add3A_495 = arith.constant 0.333333343 : f32
    %add3A_496 = vector.broadcast %add3A_495 : f32 to vector<16xf32>
    %add3A_497 = arith.addf %add3A_496, %mul3A_494 : vector<16xf32>
    %mul3A_498 = arith.mulf %mul3A_483, %add3A_497 : vector<16xf32>
    %add3A_499 = arith.constant 1.000000e+00 : f32
    %add3A_500 = vector.broadcast %add3A_499 : f32 to vector<16xf32>
    %add3A_501 = arith.addf %add3A_500, %mul3A_498 : vector<16xf32>
    %mul3A_502 = arith.constant 2.000000e+00 : f32
    %mul3A_503 = vector.broadcast %mul3A_502 : f32 to vector<16xf32>
    %mul3A_504 = arith.mulf %mul3A_503, %div3A : vector<16xf32>
    %mul3A_505 = arith.mulf %mul3A_504, %add3A_501 : vector<16xf32>
    %convert_element_type3A_506 = arith.sitofp %sub3A_470 : vector<16xi32> to vector<16xf32>
    %mul3A_507 = arith.constant 0.693147182 : f32
    %mul3A_508 = vector.broadcast %mul3A_507 : f32 to vector<16xf32>
    %mul3A_509 = arith.mulf %convert_element_type3A_506, %mul3A_508 : vector<16xf32>
    %add3A_510 = arith.addf %mul3A_505, %mul3A_509 : vector<16xf32>
    %mul3A_511 = arith.mulf %get3A_461, %add3A_510 : vector<16xf32>
    %add3A_512 = arith.addf %broadcast_in_dim3A_3, %mul3A_511 : vector<16xf32>
    %get3A_513 = arith.constant 0 : index
    %get3A_514 = tpu.vector_load %arg21[%get3A_513] {strides = array<i32>} : memref<80xf32, #tpu.memory_space<vmem>>, vector<16xf32>,
    %add3A_515 = arith.addf %broadcast_in_dim3A_3, %get3A_514 : vector<16xf32>
    %get3A_516 = arith.constant 16 : index
    %get3A_517 = tpu.vector_load %arg15[%get3A_516] {strides = array<i32>} : memref<80xf32, #tpu.memory_space<vmem>>, vector<16xf32>,
    %get3A_518 = arith.constant 16 : index
    %get3A_519 = tpu.vector_load %arg16[%get3A_518] {strides = array<i32>} : memref<80xf32, #tpu.memory_space<vmem>>, vector<16xf32>,
    %get3A_520 = arith.constant 16 : index
    %get3A_521 = tpu.vector_load %arg19[%get3A_520] {strides = array<i32>} : memref<80xf32, #tpu.memory_space<vmem>>, vector<16xf32>,
    %mul3A_522 = arith.mulf %get3A_517, %get3A_519 : vector<16xf32>
    %bitcast3A_523 = vector.bitcast %mul3A_522 : vector<16xf32> to vector<16xi32>
    %shift_right_arithmetic3A_524 = arith.constant 23 : i32
    %shift_right_arithmetic3A_525 = vector.broadcast %shift_right_arithmetic3A_524 : i32 to vector<16xi32>
    %shift_right_arithmetic3A_526 = arith.shrsi %bitcast3A_523, %shift_right_arithmetic3A_525 : vector<16xi32>
    %and3A_527 = arith.constant 255 : i32
    %and3A_528 = vector.broadcast %and3A_527 : i32 to vector<16xi32>
    %and3A_529 = arith.andi %shift_right_arithmetic3A_526, %and3A_528 : vector<16xi32>
    %sub3A_530 = arith.constant 127 : i32
    %sub3A_531 = vector.broadcast %sub3A_530 : i32 to vector<16xi32>
    %sub3A_532 = arith.subi %and3A_529, %sub3A_531 : vector<16xi32>
    %and3A_533 = arith.constant 8388607 : i32
    %and3A_534 = vector.broadcast %and3A_533 : i32 to vector<16xi32>
    %and3A_535 = arith.andi %bitcast3A_523, %and3A_534 : vector<16xi32>
    %or3A_536 = arith.constant 1065353216 : i32
    %or3A_537 = vector.broadcast %or3A_536 : i32 to vector<16xi32>
    %or3A_538 = arith.ori %and3A_535, %or3A_537 : vector<16xi32>
    %bitcast3A_539 = vector.bitcast %or3A_538 : vector<16xi32> to vector<16xf32>
    %sub3A_540 = arith.constant 1.000000e+00 : f32
    %sub3A_541 = vector.broadcast %sub3A_540 : f32 to vector<16xf32>
    %sub3A_542 = arith.subf %bitcast3A_539, %sub3A_541 : vector<16xf32>
    %add3A_543 = arith.constant 1.000000e+00 : f32
    %add3A_544 = vector.broadcast %add3A_543 : f32 to vector<16xf32>
    %add3A_545 = arith.addf %bitcast3A_539, %add3A_544 : vector<16xf32>
    %div3A_546 = arith.divf %sub3A_542, %add3A_545 : vector<16xf32>
    %mul3A_547 = arith.mulf %div3A_546, %div3A_546 : vector<16xf32>
    %mul3A_548 = arith.constant 0.111111112 : f32
    %mul3A_549 = vector.broadcast %mul3A_548 : f32 to vector<16xf32>
    %mul3A_550 = arith.mulf %mul3A_547, %mul3A_549 : vector<16xf32>
    %add3A_551 = arith.constant 0.142857149 : f32
    %add3A_552 = vector.broadcast %add3A_551 : f32 to vector<16xf32>
    %add3A_553 = arith.addf %add3A_552, %mul3A_550 : vector<16xf32>
    %mul3A_554 = arith.mulf %mul3A_547, %add3A_553 : vector<16xf32>
    %add3A_555 = arith.constant 2.000000e-01 : f32
    %add3A_556 = vector.broadcast %add3A_555 : f32 to vector<16xf32>
    %add3A_557 = arith.addf %add3A_556, %mul3A_554 : vector<16xf32>
    %mul3A_558 = arith.mulf %mul3A_547, %add3A_557 : vector<16xf32>
    %add3A_559 = arith.constant 0.333333343 : f32
    %add3A_560 = vector.broadcast %add3A_559 : f32 to vector<16xf32>
    %add3A_561 = arith.addf %add3A_560, %mul3A_558 : vector<16xf32>
    %mul3A_562 = arith.mulf %mul3A_547, %add3A_561 : vector<16xf32>
    %add3A_563 = arith.constant 1.000000e+00 : f32
    %add3A_564 = vector.broadcast %add3A_563 : f32 to vector<16xf32>
    %add3A_565 = arith.addf %add3A_564, %mul3A_562 : vector<16xf32>
    %mul3A_566 = arith.constant 2.000000e+00 : f32
    %mul3A_567 = vector.broadcast %mul3A_566 : f32 to vector<16xf32>
    %mul3A_568 = arith.mulf %mul3A_567, %div3A_546 : vector<16xf32>
    %mul3A_569 = arith.mulf %mul3A_568, %add3A_565 : vector<16xf32>
    %convert_element_type3A_570 = arith.sitofp %sub3A_532 : vector<16xi32> to vector<16xf32>
    %mul3A_571 = arith.constant 0.693147182 : f32
    %mul3A_572 = vector.broadcast %mul3A_571 : f32 to vector<16xf32>
    %mul3A_573 = arith.mulf %convert_element_type3A_570, %mul3A_572 : vector<16xf32>
    %add3A_574 = arith.addf %mul3A_569, %mul3A_573 : vector<16xf32>
    %mul3A_575 = arith.mulf %get3A_521, %add3A_574 : vector<16xf32>
    %add3A_576 = arith.addf %add3A_512, %mul3A_575 : vector<16xf32>
    %get3A_577 = arith.constant 16 : index
    %get3A_578 = tpu.vector_load %arg21[%get3A_577] {strides = array<i32>} : memref<80xf32, #tpu.memory_space<vmem>>, vector<16xf32>,
    %add3A_579 = arith.addf %add3A_515, %get3A_578 : vector<16xf32>
    %get3A_580 = arith.constant 32 : index
    %get3A_581 = tpu.vector_load %arg15[%get3A_580] {strides = array<i32>} : memref<80xf32, #tpu.memory_space<vmem>>, vector<16xf32>,
    %get3A_582 = arith.constant 32 : index
    %get3A_583 = tpu.vector_load %arg16[%get3A_582] {strides = array<i32>} : memref<80xf32, #tpu.memory_space<vmem>>, vector<16xf32>,
    %get3A_584 = arith.constant 32 : index
    %get3A_585 = tpu.vector_load %arg19[%get3A_584] {strides = array<i32>} : memref<80xf32, #tpu.memory_space<vmem>>, vector<16xf32>,
    %mul3A_586 = arith.mulf %get3A_581, %get3A_583 : vector<16xf32>
    %bitcast3A_587 = vector.bitcast %mul3A_586 : vector<16xf32> to vector<16xi32>
    %shift_right_arithmetic3A_588 = arith.constant 23 : i32
    %shift_right_arithmetic3A_589 = vector.broadcast %shift_right_arithmetic3A_588 : i32 to vector<16xi32>
    %shift_right_arithmetic3A_590 = arith.shrsi %bitcast3A_587, %shift_right_arithmetic3A_589 : vector<16xi32>
    %and3A_591 = arith.constant 255 : i32
    %and3A_592 = vector.broadcast %and3A_591 : i32 to vector<16xi32>
    %and3A_593 = arith.andi %shift_right_arithmetic3A_590, %and3A_592 : vector<16xi32>
    %sub3A_594 = arith.constant 127 : i32
    %sub3A_595 = vector.broadcast %sub3A_594 : i32 to vector<16xi32>
    %sub3A_596 = arith.subi %and3A_593, %sub3A_595 : vector<16xi32>
    %and3A_597 = arith.constant 8388607 : i32
    %and3A_598 = vector.broadcast %and3A_597 : i32 to vector<16xi32>
    %and3A_599 = arith.andi %bitcast3A_587, %and3A_598 : vector<16xi32>
    %or3A_600 = arith.constant 1065353216 : i32
    %or3A_601 = vector.broadcast %or3A_600 : i32 to vector<16xi32>
    %or3A_602 = arith.ori %and3A_599, %or3A_601 : vector<16xi32>
    %bitcast3A_603 = vector.bitcast %or3A_602 : vector<16xi32> to vector<16xf32>
    %sub3A_604 = arith.constant 1.000000e+00 : f32
    %sub3A_605 = vector.broadcast %sub3A_604 : f32 to vector<16xf32>
    %sub3A_606 = arith.subf %bitcast3A_603, %sub3A_605 : vector<16xf32>
    %add3A_607 = arith.constant 1.000000e+00 : f32
    %add3A_608 = vector.broadcast %add3A_607 : f32 to vector<16xf32>
    %add3A_609 = arith.addf %bitcast3A_603, %add3A_608 : vector<16xf32>
    %div3A_610 = arith.divf %sub3A_606, %add3A_609 : vector<16xf32>
    %mul3A_611 = arith.mulf %div3A_610, %div3A_610 : vector<16xf32>
    %mul3A_612 = arith.constant 0.111111112 : f32
    %mul3A_613 = vector.broadcast %mul3A_612 : f32 to vector<16xf32>
    %mul3A_614 = arith.mulf %mul3A_611, %mul3A_613 : vector<16xf32>
    %add3A_615 = arith.constant 0.142857149 : f32
    %add3A_616 = vector.broadcast %add3A_615 : f32 to vector<16xf32>
    %add3A_617 = arith.addf %add3A_616, %mul3A_614 : vector<16xf32>
    %mul3A_618 = arith.mulf %mul3A_611, %add3A_617 : vector<16xf32>
    %add3A_619 = arith.constant 2.000000e-01 : f32
    %add3A_620 = vector.broadcast %add3A_619 : f32 to vector<16xf32>
    %add3A_621 = arith.addf %add3A_620, %mul3A_618 : vector<16xf32>
    %mul3A_622 = arith.mulf %mul3A_611, %add3A_621 : vector<16xf32>
    %add3A_623 = arith.constant 0.333333343 : f32
    %add3A_624 = vector.broadcast %add3A_623 : f32 to vector<16xf32>
    %add3A_625 = arith.addf %add3A_624, %mul3A_622 : vector<16xf32>
    %mul3A_626 = arith.mulf %mul3A_611, %add3A_625 : vector<16xf32>
    %add3A_627 = arith.constant 1.000000e+00 : f32
    %add3A_628 = vector.broadcast %add3A_627 : f32 to vector<16xf32>
    %add3A_629 = arith.addf %add3A_628, %mul3A_626 : vector<16xf32>
    %mul3A_630 = arith.constant 2.000000e+00 : f32
    %mul3A_631 = vector.broadcast %mul3A_630 : f32 to vector<16xf32>
    %mul3A_632 = arith.mulf %mul3A_631, %div3A_610 : vector<16xf32>
    %mul3A_633 = arith.mulf %mul3A_632, %add3A_629 : vector<16xf32>
    %convert_element_type3A_634 = arith.sitofp %sub3A_596 : vector<16xi32> to vector<16xf32>
    %mul3A_635 = arith.constant 0.693147182 : f32
    %mul3A_636 = vector.broadcast %mul3A_635 : f32 to vector<16xf32>
    %mul3A_637 = arith.mulf %convert_element_type3A_634, %mul3A_636 : vector<16xf32>
    %add3A_638 = arith.addf %mul3A_633, %mul3A_637 : vector<16xf32>
    %mul3A_639 = arith.mulf %get3A_585, %add3A_638 : vector<16xf32>
    %add3A_640 = arith.addf %add3A_576, %mul3A_639 : vector<16xf32>
    %get3A_641 = arith.constant 32 : index
    %get3A_642 = tpu.vector_load %arg21[%get3A_641] {strides = array<i32>} : memref<80xf32, #tpu.memory_space<vmem>>, vector<16xf32>,
    %add3A_643 = arith.addf %add3A_579, %get3A_642 : vector<16xf32>
    %get3A_644 = arith.constant 48 : index
    %get3A_645 = tpu.vector_load %arg15[%get3A_644] {strides = array<i32>} : memref<80xf32, #tpu.memory_space<vmem>>, vector<16xf32>,
    %get3A_646 = arith.constant 48 : index
    %get3A_647 = tpu.vector_load %arg16[%get3A_646] {strides = array<i32>} : memref<80xf32, #tpu.memory_space<vmem>>, vector<16xf32>,
    %get3A_648 = arith.constant 48 : index
    %get3A_649 = tpu.vector_load %arg19[%get3A_648] {strides = array<i32>} : memref<80xf32, #tpu.memory_space<vmem>>, vector<16xf32>,
    %mul3A_650 = arith.mulf %get3A_645, %get3A_647 : vector<16xf32>
    %bitcast3A_651 = vector.bitcast %mul3A_650 : vector<16xf32> to vector<16xi32>
    %shift_right_arithmetic3A_652 = arith.constant 23 : i32
    %shift_right_arithmetic3A_653 = vector.broadcast %shift_right_arithmetic3A_652 : i32 to vector<16xi32>
    %shift_right_arithmetic3A_654 = arith.shrsi %bitcast3A_651, %shift_right_arithmetic3A_653 : vector<16xi32>
    %and3A_655 = arith.constant 255 : i32
    %and3A_656 = vector.broadcast %and3A_655 : i32 to vector<16xi32>
    %and3A_657 = arith.andi %shift_right_arithmetic3A_654, %and3A_656 : vector<16xi32>
    %sub3A_658 = arith.constant 127 : i32
    %sub3A_659 = vector.broadcast %sub3A_658 : i32 to vector<16xi32>
    %sub3A_660 = arith.subi %and3A_657, %sub3A_659 : vector<16xi32>
    %and3A_661 = arith.constant 8388607 : i32
    %and3A_662 = vector.broadcast %and3A_661 : i32 to vector<16xi32>
    %and3A_663 = arith.andi %bitcast3A_651, %and3A_662 : vector<16xi32>
    %or3A_664 = arith.constant 1065353216 : i32
    %or3A_665 = vector.broadcast %or3A_664 : i32 to vector<16xi32>
    %or3A_666 = arith.ori %and3A_663, %or3A_665 : vector<16xi32>
    %bitcast3A_667 = vector.bitcast %or3A_666 : vector<16xi32> to vector<16xf32>
    %sub3A_668 = arith.constant 1.000000e+00 : f32
    %sub3A_669 = vector.broadcast %sub3A_668 : f32 to vector<16xf32>
    %sub3A_670 = arith.subf %bitcast3A_667, %sub3A_669 : vector<16xf32>
    %add3A_671 = arith.constant 1.000000e+00 : f32
    %add3A_672 = vector.broadcast %add3A_671 : f32 to vector<16xf32>
    %add3A_673 = arith.addf %bitcast3A_667, %add3A_672 : vector<16xf32>
    %div3A_674 = arith.divf %sub3A_670, %add3A_673 : vector<16xf32>
    %mul3A_675 = arith.mulf %div3A_674, %div3A_674 : vector<16xf32>
    %mul3A_676 = arith.constant 0.111111112 : f32
    %mul3A_677 = vector.broadcast %mul3A_676 : f32 to vector<16xf32>
    %mul3A_678 = arith.mulf %mul3A_675, %mul3A_677 : vector<16xf32>
    %add3A_679 = arith.constant 0.142857149 : f32
    %add3A_680 = vector.broadcast %add3A_679 : f32 to vector<16xf32>
    %add3A_681 = arith.addf %add3A_680, %mul3A_678 : vector<16xf32>
    %mul3A_682 = arith.mulf %mul3A_675, %add3A_681 : vector<16xf32>
    %add3A_683 = arith.constant 2.000000e-01 : f32
    %add3A_684 = vector.broadcast %add3A_683 : f32 to vector<16xf32>
    %add3A_685 = arith.addf %add3A_684, %mul3A_682 : vector<16xf32>
    %mul3A_686 = arith.mulf %mul3A_675, %add3A_685 : vector<16xf32>
    %add3A_687 = arith.constant 0.333333343 : f32
    %add3A_688 = vector.broadcast %add3A_687 : f32 to vector<16xf32>
    %add3A_689 = arith.addf %add3A_688, %mul3A_686 : vector<16xf32>
    %mul3A_690 = arith.mulf %mul3A_675, %add3A_689 : vector<16xf32>
    %add3A_691 = arith.constant 1.000000e+00 : f32
    %add3A_692 = vector.broadcast %add3A_691 : f32 to vector<16xf32>
    %add3A_693 = arith.addf %add3A_692, %mul3A_690 : vector<16xf32>
    %mul3A_694 = arith.constant 2.000000e+00 : f32
    %mul3A_695 = vector.broadcast %mul3A_694 : f32 to vector<16xf32>
    %mul3A_696 = arith.mulf %mul3A_695, %div3A_674 : vector<16xf32>
    %mul3A_697 = arith.mulf %mul3A_696, %add3A_693 : vector<16xf32>
    %convert_element_type3A_698 = arith.sitofp %sub3A_660 : vector<16xi32> to vector<16xf32>
    %mul3A_699 = arith.constant 0.693147182 : f32
    %mul3A_700 = vector.broadcast %mul3A_699 : f32 to vector<16xf32>
    %mul3A_701 = arith.mulf %convert_element_type3A_698, %mul3A_700 : vector<16xf32>
    %add3A_702 = arith.addf %mul3A_697, %mul3A_701 : vector<16xf32>
    %mul3A_703 = arith.mulf %get3A_649, %add3A_702 : vector<16xf32>
    %add3A_704 = arith.addf %add3A_640, %mul3A_703 : vector<16xf32>
    %get3A_705 = arith.constant 48 : index
    %get3A_706 = tpu.vector_load %arg21[%get3A_705] {strides = array<i32>} : memref<80xf32, #tpu.memory_space<vmem>>, vector<16xf32>,
    %add3A_707 = arith.addf %add3A_643, %get3A_706 : vector<16xf32>
    %get3A_708 = arith.constant 64 : index
    %get3A_709 = tpu.vector_load %arg15[%get3A_708] {strides = array<i32>} : memref<80xf32, #tpu.memory_space<vmem>>, vector<16xf32>,
    %get3A_710 = arith.constant 64 : index
    %get3A_711 = tpu.vector_load %arg16[%get3A_710] {strides = array<i32>} : memref<80xf32, #tpu.memory_space<vmem>>, vector<16xf32>,
    %get3A_712 = arith.constant 64 : index
    %get3A_713 = tpu.vector_load %arg19[%get3A_712] {strides = array<i32>} : memref<80xf32, #tpu.memory_space<vmem>>, vector<16xf32>,
    %mul3A_714 = arith.mulf %get3A_709, %get3A_711 : vector<16xf32>
    %bitcast3A_715 = vector.bitcast %mul3A_714 : vector<16xf32> to vector<16xi32>
    %shift_right_arithmetic3A_716 = arith.constant 23 : i32
    %shift_right_arithmetic3A_717 = vector.broadcast %shift_right_arithmetic3A_716 : i32 to vector<16xi32>
    %shift_right_arithmetic3A_718 = arith.shrsi %bitcast3A_715, %shift_right_arithmetic3A_717 : vector<16xi32>
    %and3A_719 = arith.constant 255 : i32
    %and3A_720 = vector.broadcast %and3A_719 : i32 to vector<16xi32>
    %and3A_721 = arith.andi %shift_right_arithmetic3A_718, %and3A_720 : vector<16xi32>
    %sub3A_722 = arith.constant 127 : i32
    %sub3A_723 = vector.broadcast %sub3A_722 : i32 to vector<16xi32>
    %sub3A_724 = arith.subi %and3A_721, %sub3A_723 : vector<16xi32>
    %and3A_725 = arith.constant 8388607 : i32
    %and3A_726 = vector.broadcast %and3A_725 : i32 to vector<16xi32>
    %and3A_727 = arith.andi %bitcast3A_715, %and3A_726 : vector<16xi32>
    %or3A_728 = arith.constant 1065353216 : i32
    %or3A_729 = vector.broadcast %or3A_728 : i32 to vector<16xi32>
    %or3A_730 = arith.ori %and3A_727, %or3A_729 : vector<16xi32>
    %bitcast3A_731 = vector.bitcast %or3A_730 : vector<16xi32> to vector<16xf32>
    %sub3A_732 = arith.constant 1.000000e+00 : f32
    %sub3A_733 = vector.broadcast %sub3A_732 : f32 to vector<16xf32>
    %sub3A_734 = arith.subf %bitcast3A_731, %sub3A_733 : vector<16xf32>
    %add3A_735 = arith.constant 1.000000e+00 : f32
    %add3A_736 = vector.broadcast %add3A_735 : f32 to vector<16xf32>
    %add3A_737 = arith.addf %bitcast3A_731, %add3A_736 : vector<16xf32>
    %div3A_738 = arith.divf %sub3A_734, %add3A_737 : vector<16xf32>
    %mul3A_739 = arith.mulf %div3A_738, %div3A_738 : vector<16xf32>
    %mul3A_740 = arith.constant 0.111111112 : f32
    %mul3A_741 = vector.broadcast %mul3A_740 : f32 to vector<16xf32>
    %mul3A_742 = arith.mulf %mul3A_739, %mul3A_741 : vector<16xf32>
    %add3A_743 = arith.constant 0.142857149 : f32
    %add3A_744 = vector.broadcast %add3A_743 : f32 to vector<16xf32>
    %add3A_745 = arith.addf %add3A_744, %mul3A_742 : vector<16xf32>
    %mul3A_746 = arith.mulf %mul3A_739, %add3A_745 : vector<16xf32>
    %add3A_747 = arith.constant 2.000000e-01 : f32
    %add3A_748 = vector.broadcast %add3A_747 : f32 to vector<16xf32>
    %add3A_749 = arith.addf %add3A_748, %mul3A_746 : vector<16xf32>
    %mul3A_750 = arith.mulf %mul3A_739, %add3A_749 : vector<16xf32>
    %add3A_751 = arith.constant 0.333333343 : f32
    %add3A_752 = vector.broadcast %add3A_751 : f32 to vector<16xf32>
    %add3A_753 = arith.addf %add3A_752, %mul3A_750 : vector<16xf32>
    %mul3A_754 = arith.mulf %mul3A_739, %add3A_753 : vector<16xf32>
    %add3A_755 = arith.constant 1.000000e+00 : f32
    %add3A_756 = vector.broadcast %add3A_755 : f32 to vector<16xf32>
    %add3A_757 = arith.addf %add3A_756, %mul3A_754 : vector<16xf32>
    %mul3A_758 = arith.constant 2.000000e+00 : f32
    %mul3A_759 = vector.broadcast %mul3A_758 : f32 to vector<16xf32>
    %mul3A_760 = arith.mulf %mul3A_759, %div3A_738 : vector<16xf32>
    %mul3A_761 = arith.mulf %mul3A_760, %add3A_757 : vector<16xf32>
    %convert_element_type3A_762 = arith.sitofp %sub3A_724 : vector<16xi32> to vector<16xf32>
    %mul3A_763 = arith.constant 0.693147182 : f32
    %mul3A_764 = vector.broadcast %mul3A_763 : f32 to vector<16xf32>
    %mul3A_765 = arith.mulf %convert_element_type3A_762, %mul3A_764 : vector<16xf32>
    %add3A_766 = arith.addf %mul3A_761, %mul3A_765 : vector<16xf32>
    %mul3A_767 = arith.mulf %get3A_713, %add3A_766 : vector<16xf32>
    %add3A_768 = arith.addf %add3A_704, %mul3A_767 : vector<16xf32>
    %get3A_769 = arith.constant 64 : index
    %get3A_770 = tpu.vector_load %arg21[%get3A_769] {strides = array<i32>} : memref<80xf32, #tpu.memory_space<vmem>>, vector<16xf32>,
    %add3A_771 = arith.addf %add3A_707, %get3A_770 : vector<16xf32>
    %scan3A = arith.constant 0 : i32
    %scan3A_772 = arith.constant 62 : i32
    %scan3A_773 = arith.addi %scan3A, %scan3A_772 : i32
    %scan3A_774 = arith.constant 1 : i32
    %scan3A_775:2 = scf.for %scan3A_781 = %scan3A to %scan3A_773 step %scan3A_774 iter_args(%scan3A_782 = %add3A_768, %scan3A_783 = %add3A_771) -> (vector<16xf32>, vector<16xf32>)  : i32 {
      %mul3A_784 = arith.constant 2 : i32
      %mul3A_785 = arith.muli %mul3A_784, %scan3A_781 : i32
      %add3A_786 = arith.constant 2 : i32
      %add3A_787 = arith.addi %mul3A_785, %add3A_786 : i32
      %mul3A_788 = arith.constant 80 : i32
      %mul3A_789 = arith.muli %add3A_787, %mul3A_788 : i32
      %add3A_790 = arith.constant 0 : i32
      %add3A_791 = arith.addi %mul3A_789, %add3A_790 : i32
      %get3A_792 = arith.index_cast %add3A_791 : i32 to index
      %get3A_793 = tpu.vector_load %arg9[%get3A_792] {strides = array<i32>} : memref<10000xi32, #tpu.memory_space<vmem>>, vector<16xi32>,
      %add3A_794 = arith.constant 0 : i32
      %add3A_795 = arith.addi %mul3A_789, %add3A_794 : i32
      %get3A_796 = arith.index_cast %add3A_795 : i32 to index
      %get3A_797 = tpu.vector_load %arg10[%get3A_796] {strides = array<i32>} : memref<10000xi32, #tpu.memory_space<vmem>>, vector<16xi32>,
      %gather3A_798 = tpu.vector_load_idx %arg8[%get3A_793] : memref<10000xi32, #tpu.memory_space<vmem>>[vector<16xi32>], vector<16xi32>,
      %gather3A_799 = tpu.vector_load_idx %arg8[%get3A_797] : memref<10000xi32, #tpu.memory_space<vmem>>[vector<16xi32>], vector<16xi32>,
      %and3A_800 = arith.constant 255 : i32
      %and3A_801 = vector.broadcast %and3A_800 : i32 to vector<16xi32>
      %and3A_802 = arith.andi %gather3A_798, %and3A_801 : vector<16xi32>
      %and3A_803 = arith.constant 255 : i32
      %and3A_804 = vector.broadcast %and3A_803 : i32 to vector<16xi32>
      %and3A_805 = arith.andi %gather3A_799, %and3A_804 : vector<16xi32>
      %shift_right_arithmetic3A_806 = arith.constant 8 : i32
      %shift_right_arithmetic3A_807 = vector.broadcast %shift_right_arithmetic3A_806 : i32 to vector<16xi32>
      %shift_right_arithmetic3A_808 = arith.shrsi %gather3A_798, %shift_right_arithmetic3A_807 : vector<16xi32>
      %shift_right_arithmetic3A_809 = arith.constant 8 : i32
      %shift_right_arithmetic3A_810 = vector.broadcast %shift_right_arithmetic3A_809 : i32 to vector<16xi32>
      %shift_right_arithmetic3A_811 = arith.shrsi %gather3A_799, %shift_right_arithmetic3A_810 : vector<16xi32>
      %iota3A_812 = tpu.iota {dimensions = array<i32: 0>} : vector<16xi32>
      %add3A_813 = arith.addi %mul3A_2, %mul3A_789 : i32
      %add3A_814 = arith.constant 0 : i32
      %add3A_815 = arith.addi %add3A_813, %add3A_814 : i32
      %add3A_816 = vector.broadcast %add3A_815 : i32 to vector<16xi32>
      %add3A_817 = arith.addi %iota3A_812, %add3A_816 : vector<16xi32>
      %mul3A_818 = arith.constant 128 : i32
      %mul3A_819 = vector.broadcast %mul3A_818 : i32 to vector<16xi32>
      %mul3A_820 = arith.muli %add3A_817, %mul3A_819 : vector<16xi32>
      %add3A_821 = arith.addi %mul3A_820, %and3A_802 : vector<16xi32>
      %swap3A_822 = arith.constant 0 : index
      %swap3A_823 = tpu.vector_load %arg11[%swap3A_822] {strides = array<i32>} : memref<80xi32, #tpu.memory_space<vmem>>, vector<16xi32>,
      tpu.vector_store %arg11[%swap3A_822], %add3A_821 {strides = array<i32>} : memref<80xi32, #tpu.memory_space<vmem>>, vector<16xi32>,
      %mul3A_824 = arith.constant 128 : i32
      %mul3A_825 = vector.broadcast %mul3A_824 : i32 to vector<16xi32>
      %mul3A_826 = arith.muli %add3A_817, %mul3A_825 : vector<16xi32>
      %add3A_827 = arith.addi %mul3A_826, %and3A_805 : vector<16xi32>
      %swap3A_828 = arith.constant 0 : index
      %swap3A_829 = tpu.vector_load %arg12[%swap3A_828] {strides = array<i32>} : memref<80xi32, #tpu.memory_space<vmem>>, vector<16xi32>,
      tpu.vector_store %arg12[%swap3A_828], %add3A_827 {strides = array<i32>} : memref<80xi32, #tpu.memory_space<vmem>>, vector<16xi32>,
      %mul3A_830 = arith.muli %shift_right_arithmetic3A_808, %shift_right_arithmetic3A_811 : vector<16xi32>
      %convert_element_type3A_831 = arith.sitofp %mul3A_830 : vector<16xi32> to vector<16xf32>
      %swap3A_832 = arith.constant 0 : index
      %swap3A_833 = tpu.vector_load %arg19[%swap3A_832] {strides = array<i32>} : memref<80xf32, #tpu.memory_space<vmem>>, vector<16xf32>,
      tpu.vector_store %arg19[%swap3A_832], %convert_element_type3A_831 {strides = array<i32>} : memref<80xf32, #tpu.memory_space<vmem>>, vector<16xf32>,
      %max3A_834 = arith.maxsi %shift_right_arithmetic3A_808, %shift_right_arithmetic3A_811 : vector<16xi32>
      %convert_element_type3A_835 = arith.sitofp %max3A_834 : vector<16xi32> to vector<16xf32>
      %swap3A_836 = arith.constant 0 : index
      %swap3A_837 = tpu.vector_load %arg21[%swap3A_836] {strides = array<i32>} : memref<80xf32, #tpu.memory_space<vmem>>, vector<16xf32>,
      tpu.vector_store %arg21[%swap3A_836], %convert_element_type3A_835 {strides = array<i32>} : memref<80xf32, #tpu.memory_space<vmem>>, vector<16xf32>,
      %add3A_838 = arith.constant 16 : i32
      %add3A_839 = arith.addi %mul3A_789, %add3A_838 : i32
      %get3A_840 = arith.index_cast %add3A_839 : i32 to index
      %get3A_841 = tpu.vector_load %arg9[%get3A_840] {strides = array<i32>} : memref<10000xi32, #tpu.memory_space<vmem>>, vector<16xi32>,
      %add3A_842 = arith.constant 16 : i32
      %add3A_843 = arith.addi %mul3A_789, %add3A_842 : i32
      %get3A_844 = arith.index_cast %add3A_843 : i32 to index
      %get3A_845 = tpu.vector_load %arg10[%get3A_844] {strides = array<i32>} : memref<10000xi32, #tpu.memory_space<vmem>>, vector<16xi32>,
      %gather3A_846 = tpu.vector_load_idx %arg8[%get3A_841] : memref<10000xi32, #tpu.memory_space<vmem>>[vector<16xi32>], vector<16xi32>,
      %gather3A_847 = tpu.vector_load_idx %arg8[%get3A_845] : memref<10000xi32, #tpu.memory_space<vmem>>[vector<16xi32>], vector<16xi32>,
      %and3A_848 = arith.constant 255 : i32
      %and3A_849 = vector.broadcast %and3A_848 : i32 to vector<16xi32>
      %and3A_850 = arith.andi %gather3A_846, %and3A_849 : vector<16xi32>
      %and3A_851 = arith.constant 255 : i32
      %and3A_852 = vector.broadcast %and3A_851 : i32 to vector<16xi32>
      %and3A_853 = arith.andi %gather3A_847, %and3A_852 : vector<16xi32>
      %shift_right_arithmetic3A_854 = arith.constant 8 : i32
      %shift_right_arithmetic3A_855 = vector.broadcast %shift_right_arithmetic3A_854 : i32 to vector<16xi32>
      %shift_right_arithmetic3A_856 = arith.shrsi %gather3A_846, %shift_right_arithmetic3A_855 : vector<16xi32>
      %shift_right_arithmetic3A_857 = arith.constant 8 : i32
      %shift_right_arithmetic3A_858 = vector.broadcast %shift_right_arithmetic3A_857 : i32 to vector<16xi32>
      %shift_right_arithmetic3A_859 = arith.shrsi %gather3A_847, %shift_right_arithmetic3A_858 : vector<16xi32>
      %iota3A_860 = tpu.iota {dimensions = array<i32: 0>} : vector<16xi32>
      %add3A_861 = arith.addi %mul3A_2, %mul3A_789 : i32
      %add3A_862 = arith.constant 16 : i32
      %add3A_863 = arith.addi %add3A_861, %add3A_862 : i32
      %add3A_864 = vector.broadcast %add3A_863 : i32 to vector<16xi32>
      %add3A_865 = arith.addi %iota3A_860, %add3A_864 : vector<16xi32>
      %mul3A_866 = arith.constant 128 : i32
      %mul3A_867 = vector.broadcast %mul3A_866 : i32 to vector<16xi32>
      %mul3A_868 = arith.muli %add3A_865, %mul3A_867 : vector<16xi32>
      %add3A_869 = arith.addi %mul3A_868, %and3A_850 : vector<16xi32>
      %swap3A_870 = arith.constant 16 : index
      %swap3A_871 = tpu.vector_load %arg11[%swap3A_870] {strides = array<i32>} : memref<80xi32, #tpu.memory_space<vmem>>, vector<16xi32>,
      tpu.vector_store %arg11[%swap3A_870], %add3A_869 {strides = array<i32>} : memref<80xi32, #tpu.memory_space<vmem>>, vector<16xi32>,
      %mul3A_872 = arith.constant 128 : i32
      %mul3A_873 = vector.broadcast %mul3A_872 : i32 to vector<16xi32>
      %mul3A_874 = arith.muli %add3A_865, %mul3A_873 : vector<16xi32>
      %add3A_875 = arith.addi %mul3A_874, %and3A_853 : vector<16xi32>
      %swap3A_876 = arith.constant 16 : index
      %swap3A_877 = tpu.vector_load %arg12[%swap3A_876] {strides = array<i32>} : memref<80xi32, #tpu.memory_space<vmem>>, vector<16xi32>,
      tpu.vector_store %arg12[%swap3A_876], %add3A_875 {strides = array<i32>} : memref<80xi32, #tpu.memory_space<vmem>>, vector<16xi32>,
      %mul3A_878 = arith.muli %shift_right_arithmetic3A_856, %shift_right_arithmetic3A_859 : vector<16xi32>
      %convert_element_type3A_879 = arith.sitofp %mul3A_878 : vector<16xi32> to vector<16xf32>
      %swap3A_880 = arith.constant 16 : index
      %swap3A_881 = tpu.vector_load %arg19[%swap3A_880] {strides = array<i32>} : memref<80xf32, #tpu.memory_space<vmem>>, vector<16xf32>,
      tpu.vector_store %arg19[%swap3A_880], %convert_element_type3A_879 {strides = array<i32>} : memref<80xf32, #tpu.memory_space<vmem>>, vector<16xf32>,
      %max3A_882 = arith.maxsi %shift_right_arithmetic3A_856, %shift_right_arithmetic3A_859 : vector<16xi32>
      %convert_element_type3A_883 = arith.sitofp %max3A_882 : vector<16xi32> to vector<16xf32>
      %swap3A_884 = arith.constant 16 : index
      %swap3A_885 = tpu.vector_load %arg21[%swap3A_884] {strides = array<i32>} : memref<80xf32, #tpu.memory_space<vmem>>, vector<16xf32>,
      tpu.vector_store %arg21[%swap3A_884], %convert_element_type3A_883 {strides = array<i32>} : memref<80xf32, #tpu.memory_space<vmem>>, vector<16xf32>,
      %add3A_886 = arith.constant 32 : i32
      %add3A_887 = arith.addi %mul3A_789, %add3A_886 : i32
      %get3A_888 = arith.index_cast %add3A_887 : i32 to index
      %get3A_889 = tpu.vector_load %arg9[%get3A_888] {strides = array<i32>} : memref<10000xi32, #tpu.memory_space<vmem>>, vector<16xi32>,
      %add3A_890 = arith.constant 32 : i32
      %add3A_891 = arith.addi %mul3A_789, %add3A_890 : i32
      %get3A_892 = arith.index_cast %add3A_891 : i32 to index
      %get3A_893 = tpu.vector_load %arg10[%get3A_892] {strides = array<i32>} : memref<10000xi32, #tpu.memory_space<vmem>>, vector<16xi32>,
      %gather3A_894 = tpu.vector_load_idx %arg8[%get3A_889] : memref<10000xi32, #tpu.memory_space<vmem>>[vector<16xi32>], vector<16xi32>,
      %gather3A_895 = tpu.vector_load_idx %arg8[%get3A_893] : memref<10000xi32, #tpu.memory_space<vmem>>[vector<16xi32>], vector<16xi32>,
      %and3A_896 = arith.constant 255 : i32
      %and3A_897 = vector.broadcast %and3A_896 : i32 to vector<16xi32>
      %and3A_898 = arith.andi %gather3A_894, %and3A_897 : vector<16xi32>
      %and3A_899 = arith.constant 255 : i32
      %and3A_900 = vector.broadcast %and3A_899 : i32 to vector<16xi32>
      %and3A_901 = arith.andi %gather3A_895, %and3A_900 : vector<16xi32>
      %shift_right_arithmetic3A_902 = arith.constant 8 : i32
      %shift_right_arithmetic3A_903 = vector.broadcast %shift_right_arithmetic3A_902 : i32 to vector<16xi32>
      %shift_right_arithmetic3A_904 = arith.shrsi %gather3A_894, %shift_right_arithmetic3A_903 : vector<16xi32>
      %shift_right_arithmetic3A_905 = arith.constant 8 : i32
      %shift_right_arithmetic3A_906 = vector.broadcast %shift_right_arithmetic3A_905 : i32 to vector<16xi32>
      %shift_right_arithmetic3A_907 = arith.shrsi %gather3A_895, %shift_right_arithmetic3A_906 : vector<16xi32>
      %iota3A_908 = tpu.iota {dimensions = array<i32: 0>} : vector<16xi32>
      %add3A_909 = arith.addi %mul3A_2, %mul3A_789 : i32
      %add3A_910 = arith.constant 32 : i32
      %add3A_911 = arith.addi %add3A_909, %add3A_910 : i32
      %add3A_912 = vector.broadcast %add3A_911 : i32 to vector<16xi32>
      %add3A_913 = arith.addi %iota3A_908, %add3A_912 : vector<16xi32>
      %mul3A_914 = arith.constant 128 : i32
      %mul3A_915 = vector.broadcast %mul3A_914 : i32 to vector<16xi32>
      %mul3A_916 = arith.muli %add3A_913, %mul3A_915 : vector<16xi32>
      %add3A_917 = arith.addi %mul3A_916, %and3A_898 : vector<16xi32>
      %swap3A_918 = arith.constant 32 : index
      %swap3A_919 = tpu.vector_load %arg11[%swap3A_918] {strides = array<i32>} : memref<80xi32, #tpu.memory_space<vmem>>, vector<16xi32>,
      tpu.vector_store %arg11[%swap3A_918], %add3A_917 {strides = array<i32>} : memref<80xi32, #tpu.memory_space<vmem>>, vector<16xi32>,
      %mul3A_920 = arith.constant 128 : i32
      %mul3A_921 = vector.broadcast %mul3A_920 : i32 to vector<16xi32>
      %mul3A_922 = arith.muli %add3A_913, %mul3A_921 : vector<16xi32>
      %add3A_923 = arith.addi %mul3A_922, %and3A_901 : vector<16xi32>
      %swap3A_924 = arith.constant 32 : index
      %swap3A_925 = tpu.vector_load %arg12[%swap3A_924] {strides = array<i32>} : memref<80xi32, #tpu.memory_space<vmem>>, vector<16xi32>,
      tpu.vector_store %arg12[%swap3A_924], %add3A_923 {strides = array<i32>} : memref<80xi32, #tpu.memory_space<vmem>>, vector<16xi32>,
      %mul3A_926 = arith.muli %shift_right_arithmetic3A_904, %shift_right_arithmetic3A_907 : vector<16xi32>
      %convert_element_type3A_927 = arith.sitofp %mul3A_926 : vector<16xi32> to vector<16xf32>
      %swap3A_928 = arith.constant 32 : index
      %swap3A_929 = tpu.vector_load %arg19[%swap3A_928] {strides = array<i32>} : memref<80xf32, #tpu.memory_space<vmem>>, vector<16xf32>,
      tpu.vector_store %arg19[%swap3A_928], %convert_element_type3A_927 {strides = array<i32>} : memref<80xf32, #tpu.memory_space<vmem>>, vector<16xf32>,
      %max3A_930 = arith.maxsi %shift_right_arithmetic3A_904, %shift_right_arithmetic3A_907 : vector<16xi32>
      %convert_element_type3A_931 = arith.sitofp %max3A_930 : vector<16xi32> to vector<16xf32>
      %swap3A_932 = arith.constant 32 : index
      %swap3A_933 = tpu.vector_load %arg21[%swap3A_932] {strides = array<i32>} : memref<80xf32, #tpu.memory_space<vmem>>, vector<16xf32>,
      tpu.vector_store %arg21[%swap3A_932], %convert_element_type3A_931 {strides = array<i32>} : memref<80xf32, #tpu.memory_space<vmem>>, vector<16xf32>,
      %add3A_934 = arith.constant 48 : i32
      %add3A_935 = arith.addi %mul3A_789, %add3A_934 : i32
      %get3A_936 = arith.index_cast %add3A_935 : i32 to index
      %get3A_937 = tpu.vector_load %arg9[%get3A_936] {strides = array<i32>} : memref<10000xi32, #tpu.memory_space<vmem>>, vector<16xi32>,
      %add3A_938 = arith.constant 48 : i32
      %add3A_939 = arith.addi %mul3A_789, %add3A_938 : i32
      %get3A_940 = arith.index_cast %add3A_939 : i32 to index
      %get3A_941 = tpu.vector_load %arg10[%get3A_940] {strides = array<i32>} : memref<10000xi32, #tpu.memory_space<vmem>>, vector<16xi32>,
      %gather3A_942 = tpu.vector_load_idx %arg8[%get3A_937] : memref<10000xi32, #tpu.memory_space<vmem>>[vector<16xi32>], vector<16xi32>,
      %gather3A_943 = tpu.vector_load_idx %arg8[%get3A_941] : memref<10000xi32, #tpu.memory_space<vmem>>[vector<16xi32>], vector<16xi32>,
      %and3A_944 = arith.constant 255 : i32
      %and3A_945 = vector.broadcast %and3A_944 : i32 to vector<16xi32>
      %and3A_946 = arith.andi %gather3A_942, %and3A_945 : vector<16xi32>
      %and3A_947 = arith.constant 255 : i32
      %and3A_948 = vector.broadcast %and3A_947 : i32 to vector<16xi32>
      %and3A_949 = arith.andi %gather3A_943, %and3A_948 : vector<16xi32>
      %shift_right_arithmetic3A_950 = arith.constant 8 : i32
      %shift_right_arithmetic3A_951 = vector.broadcast %shift_right_arithmetic3A_950 : i32 to vector<16xi32>
      %shift_right_arithmetic3A_952 = arith.shrsi %gather3A_942, %shift_right_arithmetic3A_951 : vector<16xi32>
      %shift_right_arithmetic3A_953 = arith.constant 8 : i32
      %shift_right_arithmetic3A_954 = vector.broadcast %shift_right_arithmetic3A_953 : i32 to vector<16xi32>
      %shift_right_arithmetic3A_955 = arith.shrsi %gather3A_943, %shift_right_arithmetic3A_954 : vector<16xi32>
      %iota3A_956 = tpu.iota {dimensions = array<i32: 0>} : vector<16xi32>
      %add3A_957 = arith.addi %mul3A_2, %mul3A_789 : i32
      %add3A_958 = arith.constant 48 : i32
      %add3A_959 = arith.addi %add3A_957, %add3A_958 : i32
      %add3A_960 = vector.broadcast %add3A_959 : i32 to vector<16xi32>
      %add3A_961 = arith.addi %iota3A_956, %add3A_960 : vector<16xi32>
      %mul3A_962 = arith.constant 128 : i32
      %mul3A_963 = vector.broadcast %mul3A_962 : i32 to vector<16xi32>
      %mul3A_964 = arith.muli %add3A_961, %mul3A_963 : vector<16xi32>
      %add3A_965 = arith.addi %mul3A_964, %and3A_946 : vector<16xi32>
      %swap3A_966 = arith.constant 48 : index
      %swap3A_967 = tpu.vector_load %arg11[%swap3A_966] {strides = array<i32>} : memref<80xi32, #tpu.memory_space<vmem>>, vector<16xi32>,
      tpu.vector_store %arg11[%swap3A_966], %add3A_965 {strides = array<i32>} : memref<80xi32, #tpu.memory_space<vmem>>, vector<16xi32>,
      %mul3A_968 = arith.constant 128 : i32
      %mul3A_969 = vector.broadcast %mul3A_968 : i32 to vector<16xi32>
      %mul3A_970 = arith.muli %add3A_961, %mul3A_969 : vector<16xi32>
      %add3A_971 = arith.addi %mul3A_970, %and3A_949 : vector<16xi32>
      %swap3A_972 = arith.constant 48 : index
      %swap3A_973 = tpu.vector_load %arg12[%swap3A_972] {strides = array<i32>} : memref<80xi32, #tpu.memory_space<vmem>>, vector<16xi32>,
      tpu.vector_store %arg12[%swap3A_972], %add3A_971 {strides = array<i32>} : memref<80xi32, #tpu.memory_space<vmem>>, vector<16xi32>,
      %mul3A_974 = arith.muli %shift_right_arithmetic3A_952, %shift_right_arithmetic3A_955 : vector<16xi32>
      %convert_element_type3A_975 = arith.sitofp %mul3A_974 : vector<16xi32> to vector<16xf32>
      %swap3A_976 = arith.constant 48 : index
      %swap3A_977 = tpu.vector_load %arg19[%swap3A_976] {strides = array<i32>} : memref<80xf32, #tpu.memory_space<vmem>>, vector<16xf32>,
      tpu.vector_store %arg19[%swap3A_976], %convert_element_type3A_975 {strides = array<i32>} : memref<80xf32, #tpu.memory_space<vmem>>, vector<16xf32>,
      %max3A_978 = arith.maxsi %shift_right_arithmetic3A_952, %shift_right_arithmetic3A_955 : vector<16xi32>
      %convert_element_type3A_979 = arith.sitofp %max3A_978 : vector<16xi32> to vector<16xf32>
      %swap3A_980 = arith.constant 48 : index
      %swap3A_981 = tpu.vector_load %arg21[%swap3A_980] {strides = array<i32>} : memref<80xf32, #tpu.memory_space<vmem>>, vector<16xf32>,
      tpu.vector_store %arg21[%swap3A_980], %convert_element_type3A_979 {strides = array<i32>} : memref<80xf32, #tpu.memory_space<vmem>>, vector<16xf32>,
      %add3A_982 = arith.constant 64 : i32
      %add3A_983 = arith.addi %mul3A_789, %add3A_982 : i32
      %get3A_984 = arith.index_cast %add3A_983 : i32 to index
      %get3A_985 = tpu.vector_load %arg9[%get3A_984] {strides = array<i32>} : memref<10000xi32, #tpu.memory_space<vmem>>, vector<16xi32>,
      %add3A_986 = arith.constant 64 : i32
      %add3A_987 = arith.addi %mul3A_789, %add3A_986 : i32
      %get3A_988 = arith.index_cast %add3A_987 : i32 to index
      %get3A_989 = tpu.vector_load %arg10[%get3A_988] {strides = array<i32>} : memref<10000xi32, #tpu.memory_space<vmem>>, vector<16xi32>,
      %gather3A_990 = tpu.vector_load_idx %arg8[%get3A_985] : memref<10000xi32, #tpu.memory_space<vmem>>[vector<16xi32>], vector<16xi32>,
      %gather3A_991 = tpu.vector_load_idx %arg8[%get3A_989] : memref<10000xi32, #tpu.memory_space<vmem>>[vector<16xi32>], vector<16xi32>,
      %and3A_992 = arith.constant 255 : i32
      %and3A_993 = vector.broadcast %and3A_992 : i32 to vector<16xi32>
      %and3A_994 = arith.andi %gather3A_990, %and3A_993 : vector<16xi32>
      %and3A_995 = arith.constant 255 : i32
      %and3A_996 = vector.broadcast %and3A_995 : i32 to vector<16xi32>
      %and3A_997 = arith.andi %gather3A_991, %and3A_996 : vector<16xi32>
      %shift_right_arithmetic3A_998 = arith.constant 8 : i32
      %shift_right_arithmetic3A_999 = vector.broadcast %shift_right_arithmetic3A_998 : i32 to vector<16xi32>
      %shift_right_arithmetic3A_1000 = arith.shrsi %gather3A_990, %shift_right_arithmetic3A_999 : vector<16xi32>
      %shift_right_arithmetic3A_1001 = arith.constant 8 : i32
      %shift_right_arithmetic3A_1002 = vector.broadcast %shift_right_arithmetic3A_1001 : i32 to vector<16xi32>
      %shift_right_arithmetic3A_1003 = arith.shrsi %gather3A_991, %shift_right_arithmetic3A_1002 : vector<16xi32>
      %iota3A_1004 = tpu.iota {dimensions = array<i32: 0>} : vector<16xi32>
      %add3A_1005 = arith.addi %mul3A_2, %mul3A_789 : i32
      %add3A_1006 = arith.constant 64 : i32
      %add3A_1007 = arith.addi %add3A_1005, %add3A_1006 : i32
      %add3A_1008 = vector.broadcast %add3A_1007 : i32 to vector<16xi32>
      %add3A_1009 = arith.addi %iota3A_1004, %add3A_1008 : vector<16xi32>
      %mul3A_1010 = arith.constant 128 : i32
      %mul3A_1011 = vector.broadcast %mul3A_1010 : i32 to vector<16xi32>
      %mul3A_1012 = arith.muli %add3A_1009, %mul3A_1011 : vector<16xi32>
      %add3A_1013 = arith.addi %mul3A_1012, %and3A_994 : vector<16xi32>
      %swap3A_1014 = arith.constant 64 : index
      %swap3A_1015 = tpu.vector_load %arg11[%swap3A_1014] {strides = array<i32>} : memref<80xi32, #tpu.memory_space<vmem>>, vector<16xi32>,
      tpu.vector_store %arg11[%swap3A_1014], %add3A_1013 {strides = array<i32>} : memref<80xi32, #tpu.memory_space<vmem>>, vector<16xi32>,
      %mul3A_1016 = arith.constant 128 : i32
      %mul3A_1017 = vector.broadcast %mul3A_1016 : i32 to vector<16xi32>
      %mul3A_1018 = arith.muli %add3A_1009, %mul3A_1017 : vector<16xi32>
      %add3A_1019 = arith.addi %mul3A_1018, %and3A_997 : vector<16xi32>
      %swap3A_1020 = arith.constant 64 : index
      %swap3A_1021 = tpu.vector_load %arg12[%swap3A_1020] {strides = array<i32>} : memref<80xi32, #tpu.memory_space<vmem>>, vector<16xi32>,
      tpu.vector_store %arg12[%swap3A_1020], %add3A_1019 {strides = array<i32>} : memref<80xi32, #tpu.memory_space<vmem>>, vector<16xi32>,
      %mul3A_1022 = arith.muli %shift_right_arithmetic3A_1000, %shift_right_arithmetic3A_1003 : vector<16xi32>
      %convert_element_type3A_1023 = arith.sitofp %mul3A_1022 : vector<16xi32> to vector<16xf32>
      %swap3A_1024 = arith.constant 64 : index
      %swap3A_1025 = tpu.vector_load %arg19[%swap3A_1024] {strides = array<i32>} : memref<80xf32, #tpu.memory_space<vmem>>, vector<16xf32>,
      tpu.vector_store %arg19[%swap3A_1024], %convert_element_type3A_1023 {strides = array<i32>} : memref<80xf32, #tpu.memory_space<vmem>>, vector<16xf32>,
      %max3A_1026 = arith.maxsi %shift_right_arithmetic3A_1000, %shift_right_arithmetic3A_1003 : vector<16xi32>
      %convert_element_type3A_1027 = arith.sitofp %max3A_1026 : vector<16xi32> to vector<16xf32>
      %swap3A_1028 = arith.constant 64 : index
      %swap3A_1029 = tpu.vector_load %arg21[%swap3A_1028] {strides = array<i32>} : memref<80xf32, #tpu.memory_space<vmem>>, vector<16xf32>,
      tpu.vector_store %arg21[%swap3A_1028], %convert_element_type3A_1027 {strides = array<i32>} : memref<80xf32, #tpu.memory_space<vmem>>, vector<16xf32>,
      %dma_start3A_1030 = arith.constant 0 : i32
      %dma_start3A_1031 = tpu.memref_slice %arg2[%dma_start3A_1030] : memref<40960000xf32, #tpu.memory_space<hbm>> -> memref<40960000xf32, #tpu.memory_space<hbm>>
      tpu.enqueue_indirect_dma source(%dma_start3A_1031 : memref<40960000xf32, #tpu.memory_space<hbm>>) target(%arg15 : memref<80xf32, #tpu.memory_space<vmem>>) offsets(%arg11 : memref<80xi32, #tpu.memory_space<vmem>>) semaphore(%arg25 : memref<!tpu.dma_semaphore, #tpu.memory_space<semaphore_mem>>)
      %dma_start3A_1032 = arith.constant 0 : i32
      %dma_start3A_1033 = tpu.memref_slice %arg2[%dma_start3A_1032] : memref<40960000xf32, #tpu.memory_space<hbm>> -> memref<40960000xf32, #tpu.memory_space<hbm>>
      tpu.enqueue_indirect_dma source(%dma_start3A_1033 : memref<40960000xf32, #tpu.memory_space<hbm>>) target(%arg16 : memref<80xf32, #tpu.memory_space<vmem>>) offsets(%arg12 : memref<80xi32, #tpu.memory_space<vmem>>) semaphore(%arg25 : memref<!tpu.dma_semaphore, #tpu.memory_space<semaphore_mem>>)
      %dma_wait3A_1034 = arith.constant 0 : i32
      %dma_wait3A_1035 = tpu.memref_slice %arg2[%dma_wait3A_1034] : memref<40960000xf32, #tpu.memory_space<hbm>> -> memref<40960000xf32, #tpu.memory_space<hbm>>
      tpu.wait_indirect_dma semaphore(%arg26 : memref<!tpu.dma_semaphore, #tpu.memory_space<semaphore_mem>>) src(%dma_wait3A_1035 : memref<40960000xf32, #tpu.memory_space<hbm>>) dst(%arg17 : memref<80xf32, #tpu.memory_space<vmem>>)
      %dma_wait3A_1036 = arith.constant 0 : i32
      %dma_wait3A_1037 = tpu.memref_slice %arg2[%dma_wait3A_1036] : memref<40960000xf32, #tpu.memory_space<hbm>> -> memref<40960000xf32, #tpu.memory_space<hbm>>
      tpu.wait_indirect_dma semaphore(%arg26 : memref<!tpu.dma_semaphore, #tpu.memory_space<semaphore_mem>>) src(%dma_wait3A_1037 : memref<40960000xf32, #tpu.memory_space<hbm>>) dst(%arg18 : memref<80xf32, #tpu.memory_space<vmem>>)
      %get3A_1038 = arith.constant 0 : index
      %get3A_1039 = tpu.vector_load %arg17[%get3A_1038] {strides = array<i32>} : memref<80xf32, #tpu.memory_space<vmem>>, vector<16xf32>,
      %get3A_1040 = arith.constant 0 : index
      %get3A_1041 = tpu.vector_load %arg18[%get3A_1040] {strides = array<i32>} : memref<80xf32, #tpu.memory_space<vmem>>, vector<16xf32>,
      %get3A_1042 = arith.constant 0 : index
      %get3A_1043 = tpu.vector_load %arg20[%get3A_1042] {strides = array<i32>} : memref<80xf32, #tpu.memory_space<vmem>>, vector<16xf32>,
      %mul3A_1044 = arith.mulf %get3A_1039, %get3A_1041 : vector<16xf32>
      %bitcast3A_1045 = vector.bitcast %mul3A_1044 : vector<16xf32> to vector<16xi32>
      %shift_right_arithmetic3A_1046 = arith.constant 23 : i32
      %shift_right_arithmetic3A_1047 = vector.broadcast %shift_right_arithmetic3A_1046 : i32 to vector<16xi32>
      %shift_right_arithmetic3A_1048 = arith.shrsi %bitcast3A_1045, %shift_right_arithmetic3A_1047 : vector<16xi32>
      %and3A_1049 = arith.constant 255 : i32
      %and3A_1050 = vector.broadcast %and3A_1049 : i32 to vector<16xi32>
      %and3A_1051 = arith.andi %shift_right_arithmetic3A_1048, %and3A_1050 : vector<16xi32>
      %sub3A_1052 = arith.constant 127 : i32
      %sub3A_1053 = vector.broadcast %sub3A_1052 : i32 to vector<16xi32>
      %sub3A_1054 = arith.subi %and3A_1051, %sub3A_1053 : vector<16xi32>
      %and3A_1055 = arith.constant 8388607 : i32
      %and3A_1056 = vector.broadcast %and3A_1055 : i32 to vector<16xi32>
      %and3A_1057 = arith.andi %bitcast3A_1045, %and3A_1056 : vector<16xi32>
      %or3A_1058 = arith.constant 1065353216 : i32
      %or3A_1059 = vector.broadcast %or3A_1058 : i32 to vector<16xi32>
      %or3A_1060 = arith.ori %and3A_1057, %or3A_1059 : vector<16xi32>
      %bitcast3A_1061 = vector.bitcast %or3A_1060 : vector<16xi32> to vector<16xf32>
      %sub3A_1062 = arith.constant 1.000000e+00 : f32
      %sub3A_1063 = vector.broadcast %sub3A_1062 : f32 to vector<16xf32>
      %sub3A_1064 = arith.subf %bitcast3A_1061, %sub3A_1063 : vector<16xf32>
      %add3A_1065 = arith.constant 1.000000e+00 : f32
      %add3A_1066 = vector.broadcast %add3A_1065 : f32 to vector<16xf32>
      %add3A_1067 = arith.addf %bitcast3A_1061, %add3A_1066 : vector<16xf32>
      %div3A_1068 = arith.divf %sub3A_1064, %add3A_1067 : vector<16xf32>
      %mul3A_1069 = arith.mulf %div3A_1068, %div3A_1068 : vector<16xf32>
      %mul3A_1070 = arith.constant 0.111111112 : f32
      %mul3A_1071 = vector.broadcast %mul3A_1070 : f32 to vector<16xf32>
      %mul3A_1072 = arith.mulf %mul3A_1069, %mul3A_1071 : vector<16xf32>
      %add3A_1073 = arith.constant 0.142857149 : f32
      %add3A_1074 = vector.broadcast %add3A_1073 : f32 to vector<16xf32>
      %add3A_1075 = arith.addf %add3A_1074, %mul3A_1072 : vector<16xf32>
      %mul3A_1076 = arith.mulf %mul3A_1069, %add3A_1075 : vector<16xf32>
      %add3A_1077 = arith.constant 2.000000e-01 : f32
      %add3A_1078 = vector.broadcast %add3A_1077 : f32 to vector<16xf32>
      %add3A_1079 = arith.addf %add3A_1078, %mul3A_1076 : vector<16xf32>
      %mul3A_1080 = arith.mulf %mul3A_1069, %add3A_1079 : vector<16xf32>
      %add3A_1081 = arith.constant 0.333333343 : f32
      %add3A_1082 = vector.broadcast %add3A_1081 : f32 to vector<16xf32>
      %add3A_1083 = arith.addf %add3A_1082, %mul3A_1080 : vector<16xf32>
      %mul3A_1084 = arith.mulf %mul3A_1069, %add3A_1083 : vector<16xf32>
      %add3A_1085 = arith.constant 1.000000e+00 : f32
      %add3A_1086 = vector.broadcast %add3A_1085 : f32 to vector<16xf32>
      %add3A_1087 = arith.addf %add3A_1086, %mul3A_1084 : vector<16xf32>
      %mul3A_1088 = arith.constant 2.000000e+00 : f32
      %mul3A_1089 = vector.broadcast %mul3A_1088 : f32 to vector<16xf32>
      %mul3A_1090 = arith.mulf %mul3A_1089, %div3A_1068 : vector<16xf32>
      %mul3A_1091 = arith.mulf %mul3A_1090, %add3A_1087 : vector<16xf32>
      %convert_element_type3A_1092 = arith.sitofp %sub3A_1054 : vector<16xi32> to vector<16xf32>
      %mul3A_1093 = arith.constant 0.693147182 : f32
      %mul3A_1094 = vector.broadcast %mul3A_1093 : f32 to vector<16xf32>
      %mul3A_1095 = arith.mulf %convert_element_type3A_1092, %mul3A_1094 : vector<16xf32>
      %add3A_1096 = arith.addf %mul3A_1091, %mul3A_1095 : vector<16xf32>
      %mul3A_1097 = arith.mulf %get3A_1043, %add3A_1096 : vector<16xf32>
      %add3A_1098 = arith.addf %scan3A_782, %mul3A_1097 : vector<16xf32>
      %get3A_1099 = arith.constant 0 : index
      %get3A_1100 = tpu.vector_load %arg22[%get3A_1099] {strides = array<i32>} : memref<80xf32, #tpu.memory_space<vmem>>, vector<16xf32>,
      %add3A_1101 = arith.addf %scan3A_783, %get3A_1100 : vector<16xf32>
      %get3A_1102 = arith.constant 16 : index
      %get3A_1103 = tpu.vector_load %arg17[%get3A_1102] {strides = array<i32>} : memref<80xf32, #tpu.memory_space<vmem>>, vector<16xf32>,
      %get3A_1104 = arith.constant 16 : index
      %get3A_1105 = tpu.vector_load %arg18[%get3A_1104] {strides = array<i32>} : memref<80xf32, #tpu.memory_space<vmem>>, vector<16xf32>,
      %get3A_1106 = arith.constant 16 : index
      %get3A_1107 = tpu.vector_load %arg20[%get3A_1106] {strides = array<i32>} : memref<80xf32, #tpu.memory_space<vmem>>, vector<16xf32>,
      %mul3A_1108 = arith.mulf %get3A_1103, %get3A_1105 : vector<16xf32>
      %bitcast3A_1109 = vector.bitcast %mul3A_1108 : vector<16xf32> to vector<16xi32>
      %shift_right_arithmetic3A_1110 = arith.constant 23 : i32
      %shift_right_arithmetic3A_1111 = vector.broadcast %shift_right_arithmetic3A_1110 : i32 to vector<16xi32>
      %shift_right_arithmetic3A_1112 = arith.shrsi %bitcast3A_1109, %shift_right_arithmetic3A_1111 : vector<16xi32>
      %and3A_1113 = arith.constant 255 : i32
      %and3A_1114 = vector.broadcast %and3A_1113 : i32 to vector<16xi32>
      %and3A_1115 = arith.andi %shift_right_arithmetic3A_1112, %and3A_1114 : vector<16xi32>
      %sub3A_1116 = arith.constant 127 : i32
      %sub3A_1117 = vector.broadcast %sub3A_1116 : i32 to vector<16xi32>
      %sub3A_1118 = arith.subi %and3A_1115, %sub3A_1117 : vector<16xi32>
      %and3A_1119 = arith.constant 8388607 : i32
      %and3A_1120 = vector.broadcast %and3A_1119 : i32 to vector<16xi32>
      %and3A_1121 = arith.andi %bitcast3A_1109, %and3A_1120 : vector<16xi32>
      %or3A_1122 = arith.constant 1065353216 : i32
      %or3A_1123 = vector.broadcast %or3A_1122 : i32 to vector<16xi32>
      %or3A_1124 = arith.ori %and3A_1121, %or3A_1123 : vector<16xi32>
      %bitcast3A_1125 = vector.bitcast %or3A_1124 : vector<16xi32> to vector<16xf32>
      %sub3A_1126 = arith.constant 1.000000e+00 : f32
      %sub3A_1127 = vector.broadcast %sub3A_1126 : f32 to vector<16xf32>
      %sub3A_1128 = arith.subf %bitcast3A_1125, %sub3A_1127 : vector<16xf32>
      %add3A_1129 = arith.constant 1.000000e+00 : f32
      %add3A_1130 = vector.broadcast %add3A_1129 : f32 to vector<16xf32>
      %add3A_1131 = arith.addf %bitcast3A_1125, %add3A_1130 : vector<16xf32>
      %div3A_1132 = arith.divf %sub3A_1128, %add3A_1131 : vector<16xf32>
      %mul3A_1133 = arith.mulf %div3A_1132, %div3A_1132 : vector<16xf32>
      %mul3A_1134 = arith.constant 0.111111112 : f32
      %mul3A_1135 = vector.broadcast %mul3A_1134 : f32 to vector<16xf32>
      %mul3A_1136 = arith.mulf %mul3A_1133, %mul3A_1135 : vector<16xf32>
      %add3A_1137 = arith.constant 0.142857149 : f32
      %add3A_1138 = vector.broadcast %add3A_1137 : f32 to vector<16xf32>
      %add3A_1139 = arith.addf %add3A_1138, %mul3A_1136 : vector<16xf32>
      %mul3A_1140 = arith.mulf %mul3A_1133, %add3A_1139 : vector<16xf32>
      %add3A_1141 = arith.constant 2.000000e-01 : f32
      %add3A_1142 = vector.broadcast %add3A_1141 : f32 to vector<16xf32>
      %add3A_1143 = arith.addf %add3A_1142, %mul3A_1140 : vector<16xf32>
      %mul3A_1144 = arith.mulf %mul3A_1133, %add3A_1143 : vector<16xf32>
      %add3A_1145 = arith.constant 0.333333343 : f32
      %add3A_1146 = vector.broadcast %add3A_1145 : f32 to vector<16xf32>
      %add3A_1147 = arith.addf %add3A_1146, %mul3A_1144 : vector<16xf32>
      %mul3A_1148 = arith.mulf %mul3A_1133, %add3A_1147 : vector<16xf32>
      %add3A_1149 = arith.constant 1.000000e+00 : f32
      %add3A_1150 = vector.broadcast %add3A_1149 : f32 to vector<16xf32>
      %add3A_1151 = arith.addf %add3A_1150, %mul3A_1148 : vector<16xf32>
      %mul3A_1152 = arith.constant 2.000000e+00 : f32
      %mul3A_1153 = vector.broadcast %mul3A_1152 : f32 to vector<16xf32>
      %mul3A_1154 = arith.mulf %mul3A_1153, %div3A_1132 : vector<16xf32>
      %mul3A_1155 = arith.mulf %mul3A_1154, %add3A_1151 : vector<16xf32>
      %convert_element_type3A_1156 = arith.sitofp %sub3A_1118 : vector<16xi32> to vector<16xf32>
      %mul3A_1157 = arith.constant 0.693147182 : f32
      %mul3A_1158 = vector.broadcast %mul3A_1157 : f32 to vector<16xf32>
      %mul3A_1159 = arith.mulf %convert_element_type3A_1156, %mul3A_1158 : vector<16xf32>
      %add3A_1160 = arith.addf %mul3A_1155, %mul3A_1159 : vector<16xf32>
      %mul3A_1161 = arith.mulf %get3A_1107, %add3A_1160 : vector<16xf32>
      %add3A_1162 = arith.addf %add3A_1098, %mul3A_1161 : vector<16xf32>
      %get3A_1163 = arith.constant 16 : index
      %get3A_1164 = tpu.vector_load %arg22[%get3A_1163] {strides = array<i32>} : memref<80xf32, #tpu.memory_space<vmem>>, vector<16xf32>,
      %add3A_1165 = arith.addf %add3A_1101, %get3A_1164 : vector<16xf32>
      %get3A_1166 = arith.constant 32 : index
      %get3A_1167 = tpu.vector_load %arg17[%get3A_1166] {strides = array<i32>} : memref<80xf32, #tpu.memory_space<vmem>>, vector<16xf32>,
      %get3A_1168 = arith.constant 32 : index
      %get3A_1169 = tpu.vector_load %arg18[%get3A_1168] {strides = array<i32>} : memref<80xf32, #tpu.memory_space<vmem>>, vector<16xf32>,
      %get3A_1170 = arith.constant 32 : index
      %get3A_1171 = tpu.vector_load %arg20[%get3A_1170] {strides = array<i32>} : memref<80xf32, #tpu.memory_space<vmem>>, vector<16xf32>,
      %mul3A_1172 = arith.mulf %get3A_1167, %get3A_1169 : vector<16xf32>
      %bitcast3A_1173 = vector.bitcast %mul3A_1172 : vector<16xf32> to vector<16xi32>
      %shift_right_arithmetic3A_1174 = arith.constant 23 : i32
      %shift_right_arithmetic3A_1175 = vector.broadcast %shift_right_arithmetic3A_1174 : i32 to vector<16xi32>
      %shift_right_arithmetic3A_1176 = arith.shrsi %bitcast3A_1173, %shift_right_arithmetic3A_1175 : vector<16xi32>
      %and3A_1177 = arith.constant 255 : i32
      %and3A_1178 = vector.broadcast %and3A_1177 : i32 to vector<16xi32>
      %and3A_1179 = arith.andi %shift_right_arithmetic3A_1176, %and3A_1178 : vector<16xi32>
      %sub3A_1180 = arith.constant 127 : i32
      %sub3A_1181 = vector.broadcast %sub3A_1180 : i32 to vector<16xi32>
      %sub3A_1182 = arith.subi %and3A_1179, %sub3A_1181 : vector<16xi32>
      %and3A_1183 = arith.constant 8388607 : i32
      %and3A_1184 = vector.broadcast %and3A_1183 : i32 to vector<16xi32>
      %and3A_1185 = arith.andi %bitcast3A_1173, %and3A_1184 : vector<16xi32>
      %or3A_1186 = arith.constant 1065353216 : i32
      %or3A_1187 = vector.broadcast %or3A_1186 : i32 to vector<16xi32>
      %or3A_1188 = arith.ori %and3A_1185, %or3A_1187 : vector<16xi32>
      %bitcast3A_1189 = vector.bitcast %or3A_1188 : vector<16xi32> to vector<16xf32>
      %sub3A_1190 = arith.constant 1.000000e+00 : f32
      %sub3A_1191 = vector.broadcast %sub3A_1190 : f32 to vector<16xf32>
      %sub3A_1192 = arith.subf %bitcast3A_1189, %sub3A_1191 : vector<16xf32>
      %add3A_1193 = arith.constant 1.000000e+00 : f32
      %add3A_1194 = vector.broadcast %add3A_1193 : f32 to vector<16xf32>
      %add3A_1195 = arith.addf %bitcast3A_1189, %add3A_1194 : vector<16xf32>
      %div3A_1196 = arith.divf %sub3A_1192, %add3A_1195 : vector<16xf32>
      %mul3A_1197 = arith.mulf %div3A_1196, %div3A_1196 : vector<16xf32>
      %mul3A_1198 = arith.constant 0.111111112 : f32
      %mul3A_1199 = vector.broadcast %mul3A_1198 : f32 to vector<16xf32>
      %mul3A_1200 = arith.mulf %mul3A_1197, %mul3A_1199 : vector<16xf32>
      %add3A_1201 = arith.constant 0.142857149 : f32
      %add3A_1202 = vector.broadcast %add3A_1201 : f32 to vector<16xf32>
      %add3A_1203 = arith.addf %add3A_1202, %mul3A_1200 : vector<16xf32>
      %mul3A_1204 = arith.mulf %mul3A_1197, %add3A_1203 : vector<16xf32>
      %add3A_1205 = arith.constant 2.000000e-01 : f32
      %add3A_1206 = vector.broadcast %add3A_1205 : f32 to vector<16xf32>
      %add3A_1207 = arith.addf %add3A_1206, %mul3A_1204 : vector<16xf32>
      %mul3A_1208 = arith.mulf %mul3A_1197, %add3A_1207 : vector<16xf32>
      %add3A_1209 = arith.constant 0.333333343 : f32
      %add3A_1210 = vector.broadcast %add3A_1209 : f32 to vector<16xf32>
      %add3A_1211 = arith.addf %add3A_1210, %mul3A_1208 : vector<16xf32>
      %mul3A_1212 = arith.mulf %mul3A_1197, %add3A_1211 : vector<16xf32>
      %add3A_1213 = arith.constant 1.000000e+00 : f32
      %add3A_1214 = vector.broadcast %add3A_1213 : f32 to vector<16xf32>
      %add3A_1215 = arith.addf %add3A_1214, %mul3A_1212 : vector<16xf32>
      %mul3A_1216 = arith.constant 2.000000e+00 : f32
      %mul3A_1217 = vector.broadcast %mul3A_1216 : f32 to vector<16xf32>
      %mul3A_1218 = arith.mulf %mul3A_1217, %div3A_1196 : vector<16xf32>
      %mul3A_1219 = arith.mulf %mul3A_1218, %add3A_1215 : vector<16xf32>
      %convert_element_type3A_1220 = arith.sitofp %sub3A_1182 : vector<16xi32> to vector<16xf32>
      %mul3A_1221 = arith.constant 0.693147182 : f32
      %mul3A_1222 = vector.broadcast %mul3A_1221 : f32 to vector<16xf32>
      %mul3A_1223 = arith.mulf %convert_element_type3A_1220, %mul3A_1222 : vector<16xf32>
      %add3A_1224 = arith.addf %mul3A_1219, %mul3A_1223 : vector<16xf32>
      %mul3A_1225 = arith.mulf %get3A_1171, %add3A_1224 : vector<16xf32>
      %add3A_1226 = arith.addf %add3A_1162, %mul3A_1225 : vector<16xf32>
      %get3A_1227 = arith.constant 32 : index
      %get3A_1228 = tpu.vector_load %arg22[%get3A_1227] {strides = array<i32>} : memref<80xf32, #tpu.memory_space<vmem>>, vector<16xf32>,
      %add3A_1229 = arith.addf %add3A_1165, %get3A_1228 : vector<16xf32>
      %get3A_1230 = arith.constant 48 : index
      %get3A_1231 = tpu.vector_load %arg17[%get3A_1230] {strides = array<i32>} : memref<80xf32, #tpu.memory_space<vmem>>, vector<16xf32>,
      %get3A_1232 = arith.constant 48 : index
      %get3A_1233 = tpu.vector_load %arg18[%get3A_1232] {strides = array<i32>} : memref<80xf32, #tpu.memory_space<vmem>>, vector<16xf32>,
      %get3A_1234 = arith.constant 48 : index
      %get3A_1235 = tpu.vector_load %arg20[%get3A_1234] {strides = array<i32>} : memref<80xf32, #tpu.memory_space<vmem>>, vector<16xf32>,
      %mul3A_1236 = arith.mulf %get3A_1231, %get3A_1233 : vector<16xf32>
      %bitcast3A_1237 = vector.bitcast %mul3A_1236 : vector<16xf32> to vector<16xi32>
      %shift_right_arithmetic3A_1238 = arith.constant 23 : i32
      %shift_right_arithmetic3A_1239 = vector.broadcast %shift_right_arithmetic3A_1238 : i32 to vector<16xi32>
      %shift_right_arithmetic3A_1240 = arith.shrsi %bitcast3A_1237, %shift_right_arithmetic3A_1239 : vector<16xi32>
      %and3A_1241 = arith.constant 255 : i32
      %and3A_1242 = vector.broadcast %and3A_1241 : i32 to vector<16xi32>
      %and3A_1243 = arith.andi %shift_right_arithmetic3A_1240, %and3A_1242 : vector<16xi32>
      %sub3A_1244 = arith.constant 127 : i32
      %sub3A_1245 = vector.broadcast %sub3A_1244 : i32 to vector<16xi32>
      %sub3A_1246 = arith.subi %and3A_1243, %sub3A_1245 : vector<16xi32>
      %and3A_1247 = arith.constant 8388607 : i32
      %and3A_1248 = vector.broadcast %and3A_1247 : i32 to vector<16xi32>
      %and3A_1249 = arith.andi %bitcast3A_1237, %and3A_1248 : vector<16xi32>
      %or3A_1250 = arith.constant 1065353216 : i32
      %or3A_1251 = vector.broadcast %or3A_1250 : i32 to vector<16xi32>
      %or3A_1252 = arith.ori %and3A_1249, %or3A_1251 : vector<16xi32>
      %bitcast3A_1253 = vector.bitcast %or3A_1252 : vector<16xi32> to vector<16xf32>
      %sub3A_1254 = arith.constant 1.000000e+00 : f32
      %sub3A_1255 = vector.broadcast %sub3A_1254 : f32 to vector<16xf32>
      %sub3A_1256 = arith.subf %bitcast3A_1253, %sub3A_1255 : vector<16xf32>
      %add3A_1257 = arith.constant 1.000000e+00 : f32
      %add3A_1258 = vector.broadcast %add3A_1257 : f32 to vector<16xf32>
      %add3A_1259 = arith.addf %bitcast3A_1253, %add3A_1258 : vector<16xf32>
      %div3A_1260 = arith.divf %sub3A_1256, %add3A_1259 : vector<16xf32>
      %mul3A_1261 = arith.mulf %div3A_1260, %div3A_1260 : vector<16xf32>
      %mul3A_1262 = arith.constant 0.111111112 : f32
      %mul3A_1263 = vector.broadcast %mul3A_1262 : f32 to vector<16xf32>
      %mul3A_1264 = arith.mulf %mul3A_1261, %mul3A_1263 : vector<16xf32>
      %add3A_1265 = arith.constant 0.142857149 : f32
      %add3A_1266 = vector.broadcast %add3A_1265 : f32 to vector<16xf32>
      %add3A_1267 = arith.addf %add3A_1266, %mul3A_1264 : vector<16xf32>
      %mul3A_1268 = arith.mulf %mul3A_1261, %add3A_1267 : vector<16xf32>
      %add3A_1269 = arith.constant 2.000000e-01 : f32
      %add3A_1270 = vector.broadcast %add3A_1269 : f32 to vector<16xf32>
      %add3A_1271 = arith.addf %add3A_1270, %mul3A_1268 : vector<16xf32>
      %mul3A_1272 = arith.mulf %mul3A_1261, %add3A_1271 : vector<16xf32>
      %add3A_1273 = arith.constant 0.333333343 : f32
      %add3A_1274 = vector.broadcast %add3A_1273 : f32 to vector<16xf32>
      %add3A_1275 = arith.addf %add3A_1274, %mul3A_1272 : vector<16xf32>
      %mul3A_1276 = arith.mulf %mul3A_1261, %add3A_1275 : vector<16xf32>
      %add3A_1277 = arith.constant 1.000000e+00 : f32
      %add3A_1278 = vector.broadcast %add3A_1277 : f32 to vector<16xf32>
      %add3A_1279 = arith.addf %add3A_1278, %mul3A_1276 : vector<16xf32>
      %mul3A_1280 = arith.constant 2.000000e+00 : f32
      %mul3A_1281 = vector.broadcast %mul3A_1280 : f32 to vector<16xf32>
      %mul3A_1282 = arith.mulf %mul3A_1281, %div3A_1260 : vector<16xf32>
      %mul3A_1283 = arith.mulf %mul3A_1282, %add3A_1279 : vector<16xf32>
      %convert_element_type3A_1284 = arith.sitofp %sub3A_1246 : vector<16xi32> to vector<16xf32>
      %mul3A_1285 = arith.constant 0.693147182 : f32
      %mul3A_1286 = vector.broadcast %mul3A_1285 : f32 to vector<16xf32>
      %mul3A_1287 = arith.mulf %convert_element_type3A_1284, %mul3A_1286 : vector<16xf32>
      %add3A_1288 = arith.addf %mul3A_1283, %mul3A_1287 : vector<16xf32>
      %mul3A_1289 = arith.mulf %get3A_1235, %add3A_1288 : vector<16xf32>
      %add3A_1290 = arith.addf %add3A_1226, %mul3A_1289 : vector<16xf32>
      %get3A_1291 = arith.constant 48 : index
      %get3A_1292 = tpu.vector_load %arg22[%get3A_1291] {strides = array<i32>} : memref<80xf32, #tpu.memory_space<vmem>>, vector<16xf32>,
      %add3A_1293 = arith.addf %add3A_1229, %get3A_1292 : vector<16xf32>
      %get3A_1294 = arith.constant 64 : index
      %get3A_1295 = tpu.vector_load %arg17[%get3A_1294] {strides = array<i32>} : memref<80xf32, #tpu.memory_space<vmem>>, vector<16xf32>,
      %get3A_1296 = arith.constant 64 : index
      %get3A_1297 = tpu.vector_load %arg18[%get3A_1296] {strides = array<i32>} : memref<80xf32, #tpu.memory_space<vmem>>, vector<16xf32>,
      %get3A_1298 = arith.constant 64 : index
      %get3A_1299 = tpu.vector_load %arg20[%get3A_1298] {strides = array<i32>} : memref<80xf32, #tpu.memory_space<vmem>>, vector<16xf32>,
      %mul3A_1300 = arith.mulf %get3A_1295, %get3A_1297 : vector<16xf32>
      %bitcast3A_1301 = vector.bitcast %mul3A_1300 : vector<16xf32> to vector<16xi32>
      %shift_right_arithmetic3A_1302 = arith.constant 23 : i32
      %shift_right_arithmetic3A_1303 = vector.broadcast %shift_right_arithmetic3A_1302 : i32 to vector<16xi32>
      %shift_right_arithmetic3A_1304 = arith.shrsi %bitcast3A_1301, %shift_right_arithmetic3A_1303 : vector<16xi32>
      %and3A_1305 = arith.constant 255 : i32
      %and3A_1306 = vector.broadcast %and3A_1305 : i32 to vector<16xi32>
      %and3A_1307 = arith.andi %shift_right_arithmetic3A_1304, %and3A_1306 : vector<16xi32>
      %sub3A_1308 = arith.constant 127 : i32
      %sub3A_1309 = vector.broadcast %sub3A_1308 : i32 to vector<16xi32>
      %sub3A_1310 = arith.subi %and3A_1307, %sub3A_1309 : vector<16xi32>
      %and3A_1311 = arith.constant 8388607 : i32
      %and3A_1312 = vector.broadcast %and3A_1311 : i32 to vector<16xi32>
      %and3A_1313 = arith.andi %bitcast3A_1301, %and3A_1312 : vector<16xi32>
      %or3A_1314 = arith.constant 1065353216 : i32
      %or3A_1315 = vector.broadcast %or3A_1314 : i32 to vector<16xi32>
      %or3A_1316 = arith.ori %and3A_1313, %or3A_1315 : vector<16xi32>
      %bitcast3A_1317 = vector.bitcast %or3A_1316 : vector<16xi32> to vector<16xf32>
      %sub3A_1318 = arith.constant 1.000000e+00 : f32
      %sub3A_1319 = vector.broadcast %sub3A_1318 : f32 to vector<16xf32>
      %sub3A_1320 = arith.subf %bitcast3A_1317, %sub3A_1319 : vector<16xf32>
      %add3A_1321 = arith.constant 1.000000e+00 : f32
      %add3A_1322 = vector.broadcast %add3A_1321 : f32 to vector<16xf32>
      %add3A_1323 = arith.addf %bitcast3A_1317, %add3A_1322 : vector<16xf32>
      %div3A_1324 = arith.divf %sub3A_1320, %add3A_1323 : vector<16xf32>
      %mul3A_1325 = arith.mulf %div3A_1324, %div3A_1324 : vector<16xf32>
      %mul3A_1326 = arith.constant 0.111111112 : f32
      %mul3A_1327 = vector.broadcast %mul3A_1326 : f32 to vector<16xf32>
      %mul3A_1328 = arith.mulf %mul3A_1325, %mul3A_1327 : vector<16xf32>
      %add3A_1329 = arith.constant 0.142857149 : f32
      %add3A_1330 = vector.broadcast %add3A_1329 : f32 to vector<16xf32>
      %add3A_1331 = arith.addf %add3A_1330, %mul3A_1328 : vector<16xf32>
      %mul3A_1332 = arith.mulf %mul3A_1325, %add3A_1331 : vector<16xf32>
      %add3A_1333 = arith.constant 2.000000e-01 : f32
      %add3A_1334 = vector.broadcast %add3A_1333 : f32 to vector<16xf32>
      %add3A_1335 = arith.addf %add3A_1334, %mul3A_1332 : vector<16xf32>
      %mul3A_1336 = arith.mulf %mul3A_1325, %add3A_1335 : vector<16xf32>
      %add3A_1337 = arith.constant 0.333333343 : f32
      %add3A_1338 = vector.broadcast %add3A_1337 : f32 to vector<16xf32>
      %add3A_1339 = arith.addf %add3A_1338, %mul3A_1336 : vector<16xf32>
      %mul3A_1340 = arith.mulf %mul3A_1325, %add3A_1339 : vector<16xf32>
      %add3A_1341 = arith.constant 1.000000e+00 : f32
      %add3A_1342 = vector.broadcast %add3A_1341 : f32 to vector<16xf32>
      %add3A_1343 = arith.addf %add3A_1342, %mul3A_1340 : vector<16xf32>
      %mul3A_1344 = arith.constant 2.000000e+00 : f32
      %mul3A_1345 = vector.broadcast %mul3A_1344 : f32 to vector<16xf32>
      %mul3A_1346 = arith.mulf %mul3A_1345, %div3A_1324 : vector<16xf32>
      %mul3A_1347 = arith.mulf %mul3A_1346, %add3A_1343 : vector<16xf32>
      %convert_element_type3A_1348 = arith.sitofp %sub3A_1310 : vector<16xi32> to vector<16xf32>
      %mul3A_1349 = arith.constant 0.693147182 : f32
      %mul3A_1350 = vector.broadcast %mul3A_1349 : f32 to vector<16xf32>
      %mul3A_1351 = arith.mulf %convert_element_type3A_1348, %mul3A_1350 : vector<16xf32>
      %add3A_1352 = arith.addf %mul3A_1347, %mul3A_1351 : vector<16xf32>
      %mul3A_1353 = arith.mulf %get3A_1299, %add3A_1352 : vector<16xf32>
      %add3A_1354 = arith.addf %add3A_1290, %mul3A_1353 : vector<16xf32>
      %get3A_1355 = arith.constant 64 : index
      %get3A_1356 = tpu.vector_load %arg22[%get3A_1355] {strides = array<i32>} : memref<80xf32, #tpu.memory_space<vmem>>, vector<16xf32>,
      %add3A_1357 = arith.addf %add3A_1293, %get3A_1356 : vector<16xf32>
      %lt3A = arith.constant 61 : i32
      %lt3A_1358 = arith.cmpi slt, %scan3A_781, %lt3A : i32
      %convert_element_type3A_1359 = arith.extui %lt3A_1358 : i1 to i32
      %cond3A = arith.constant 0 : i32
      %cond3A_1360 = arith.cmpi ne, %convert_element_type3A_1359, %cond3A : i32
      scf.if %cond3A_1360 {
        %mul3A_1685 = arith.constant 2 : i32
        %mul3A_1686 = arith.muli %mul3A_1685, %scan3A_781 : i32
        %add3A_1687 = arith.constant 3 : i32
        %add3A_1688 = arith.addi %mul3A_1686, %add3A_1687 : i32
        %mul3A_1689 = arith.constant 80 : i32
        %mul3A_1690 = arith.muli %add3A_1688, %mul3A_1689 : i32
        %add3A_1691 = arith.constant 0 : i32
        %add3A_1692 = arith.addi %mul3A_1690, %add3A_1691 : i32
        %get3A_1693 = arith.index_cast %add3A_1692 : i32 to index
        %get3A_1694 = tpu.vector_load %arg9[%get3A_1693] {strides = array<i32>} : memref<10000xi32, #tpu.memory_space<vmem>>, vector<16xi32>,
        %add3A_1695 = arith.constant 0 : i32
        %add3A_1696 = arith.addi %mul3A_1690, %add3A_1695 : i32
        %get3A_1697 = arith.index_cast %add3A_1696 : i32 to index
        %get3A_1698 = tpu.vector_load %arg10[%get3A_1697] {strides = array<i32>} : memref<10000xi32, #tpu.memory_space<vmem>>, vector<16xi32>,
        %gather3A_1699 = tpu.vector_load_idx %arg8[%get3A_1694] : memref<10000xi32, #tpu.memory_space<vmem>>[vector<16xi32>], vector<16xi32>,
        %gather3A_1700 = tpu.vector_load_idx %arg8[%get3A_1698] : memref<10000xi32, #tpu.memory_space<vmem>>[vector<16xi32>], vector<16xi32>,
        %and3A_1701 = arith.constant 255 : i32
        %and3A_1702 = vector.broadcast %and3A_1701 : i32 to vector<16xi32>
        %and3A_1703 = arith.andi %gather3A_1699, %and3A_1702 : vector<16xi32>
        %and3A_1704 = arith.constant 255 : i32
        %and3A_1705 = vector.broadcast %and3A_1704 : i32 to vector<16xi32>
        %and3A_1706 = arith.andi %gather3A_1700, %and3A_1705 : vector<16xi32>
        %shift_right_arithmetic3A_1707 = arith.constant 8 : i32
        %shift_right_arithmetic3A_1708 = vector.broadcast %shift_right_arithmetic3A_1707 : i32 to vector<16xi32>
        %shift_right_arithmetic3A_1709 = arith.shrsi %gather3A_1699, %shift_right_arithmetic3A_1708 : vector<16xi32>
        %shift_right_arithmetic3A_1710 = arith.constant 8 : i32
        %shift_right_arithmetic3A_1711 = vector.broadcast %shift_right_arithmetic3A_1710 : i32 to vector<16xi32>
        %shift_right_arithmetic3A_1712 = arith.shrsi %gather3A_1700, %shift_right_arithmetic3A_1711 : vector<16xi32>
        %iota3A_1713 = tpu.iota {dimensions = array<i32: 0>} : vector<16xi32>
        %add3A_1714 = arith.addi %mul3A_2, %mul3A_1690 : i32
        %add3A_1715 = arith.constant 0 : i32
        %add3A_1716 = arith.addi %add3A_1714, %add3A_1715 : i32
        %add3A_1717 = vector.broadcast %add3A_1716 : i32 to vector<16xi32>
        %add3A_1718 = arith.addi %iota3A_1713, %add3A_1717 : vector<16xi32>
        %mul3A_1719 = arith.constant 128 : i32
        %mul3A_1720 = vector.broadcast %mul3A_1719 : i32 to vector<16xi32>
        %mul3A_1721 = arith.muli %add3A_1718, %mul3A_1720 : vector<16xi32>
        %add3A_1722 = arith.addi %mul3A_1721, %and3A_1703 : vector<16xi32>
        %swap3A_1723 = arith.constant 0 : index
        %swap3A_1724 = tpu.vector_load %arg13[%swap3A_1723] {strides = array<i32>} : memref<80xi32, #tpu.memory_space<vmem>>, vector<16xi32>,
        tpu.vector_store %arg13[%swap3A_1723], %add3A_1722 {strides = array<i32>} : memref<80xi32, #tpu.memory_space<vmem>>, vector<16xi32>,
        %mul3A_1725 = arith.constant 128 : i32
        %mul3A_1726 = vector.broadcast %mul3A_1725 : i32 to vector<16xi32>
        %mul3A_1727 = arith.muli %add3A_1718, %mul3A_1726 : vector<16xi32>
        %add3A_1728 = arith.addi %mul3A_1727, %and3A_1706 : vector<16xi32>
        %swap3A_1729 = arith.constant 0 : index
        %swap3A_1730 = tpu.vector_load %arg14[%swap3A_1729] {strides = array<i32>} : memref<80xi32, #tpu.memory_space<vmem>>, vector<16xi32>,
        tpu.vector_store %arg14[%swap3A_1729], %add3A_1728 {strides = array<i32>} : memref<80xi32, #tpu.memory_space<vmem>>, vector<16xi32>,
        %mul3A_1731 = arith.muli %shift_right_arithmetic3A_1709, %shift_right_arithmetic3A_1712 : vector<16xi32>
        %convert_element_type3A_1732 = arith.sitofp %mul3A_1731 : vector<16xi32> to vector<16xf32>
        %swap3A_1733 = arith.constant 0 : index
        %swap3A_1734 = tpu.vector_load %arg20[%swap3A_1733] {strides = array<i32>} : memref<80xf32, #tpu.memory_space<vmem>>, vector<16xf32>,
        tpu.vector_store %arg20[%swap3A_1733], %convert_element_type3A_1732 {strides = array<i32>} : memref<80xf32, #tpu.memory_space<vmem>>, vector<16xf32>,
        %max3A_1735 = arith.maxsi %shift_right_arithmetic3A_1709, %shift_right_arithmetic3A_1712 : vector<16xi32>
        %convert_element_type3A_1736 = arith.sitofp %max3A_1735 : vector<16xi32> to vector<16xf32>
        %swap3A_1737 = arith.constant 0 : index
        %swap3A_1738 = tpu.vector_load %arg22[%swap3A_1737] {strides = array<i32>} : memref<80xf32, #tpu.memory_space<vmem>>, vector<16xf32>,
        tpu.vector_store %arg22[%swap3A_1737], %convert_element_type3A_1736 {strides = array<i32>} : memref<80xf32, #tpu.memory_space<vmem>>, vector<16xf32>,
        %add3A_1739 = arith.constant 16 : i32
        %add3A_1740 = arith.addi %mul3A_1690, %add3A_1739 : i32
        %get3A_1741 = arith.index_cast %add3A_1740 : i32 to index
        %get3A_1742 = tpu.vector_load %arg9[%get3A_1741] {strides = array<i32>} : memref<10000xi32, #tpu.memory_space<vmem>>, vector<16xi32>,
        %add3A_1743 = arith.constant 16 : i32
        %add3A_1744 = arith.addi %mul3A_1690, %add3A_1743 : i32
        %get3A_1745 = arith.index_cast %add3A_1744 : i32 to index
        %get3A_1746 = tpu.vector_load %arg10[%get3A_1745] {strides = array<i32>} : memref<10000xi32, #tpu.memory_space<vmem>>, vector<16xi32>,
        %gather3A_1747 = tpu.vector_load_idx %arg8[%get3A_1742] : memref<10000xi32, #tpu.memory_space<vmem>>[vector<16xi32>], vector<16xi32>,
        %gather3A_1748 = tpu.vector_load_idx %arg8[%get3A_1746] : memref<10000xi32, #tpu.memory_space<vmem>>[vector<16xi32>], vector<16xi32>,
        %and3A_1749 = arith.constant 255 : i32
        %and3A_1750 = vector.broadcast %and3A_1749 : i32 to vector<16xi32>
        %and3A_1751 = arith.andi %gather3A_1747, %and3A_1750 : vector<16xi32>
        %and3A_1752 = arith.constant 255 : i32
        %and3A_1753 = vector.broadcast %and3A_1752 : i32 to vector<16xi32>
        %and3A_1754 = arith.andi %gather3A_1748, %and3A_1753 : vector<16xi32>
        %shift_right_arithmetic3A_1755 = arith.constant 8 : i32
        %shift_right_arithmetic3A_1756 = vector.broadcast %shift_right_arithmetic3A_1755 : i32 to vector<16xi32>
        %shift_right_arithmetic3A_1757 = arith.shrsi %gather3A_1747, %shift_right_arithmetic3A_1756 : vector<16xi32>
        %shift_right_arithmetic3A_1758 = arith.constant 8 : i32
        %shift_right_arithmetic3A_1759 = vector.broadcast %shift_right_arithmetic3A_1758 : i32 to vector<16xi32>
        %shift_right_arithmetic3A_1760 = arith.shrsi %gather3A_1748, %shift_right_arithmetic3A_1759 : vector<16xi32>
        %iota3A_1761 = tpu.iota {dimensions = array<i32: 0>} : vector<16xi32>
        %add3A_1762 = arith.addi %mul3A_2, %mul3A_1690 : i32
        %add3A_1763 = arith.constant 16 : i32
        %add3A_1764 = arith.addi %add3A_1762, %add3A_1763 : i32
        %add3A_1765 = vector.broadcast %add3A_1764 : i32 to vector<16xi32>
        %add3A_1766 = arith.addi %iota3A_1761, %add3A_1765 : vector<16xi32>
        %mul3A_1767 = arith.constant 128 : i32
        %mul3A_1768 = vector.broadcast %mul3A_1767 : i32 to vector<16xi32>
        %mul3A_1769 = arith.muli %add3A_1766, %mul3A_1768 : vector<16xi32>
        %add3A_1770 = arith.addi %mul3A_1769, %and3A_1751 : vector<16xi32>
        %swap3A_1771 = arith.constant 16 : index
        %swap3A_1772 = tpu.vector_load %arg13[%swap3A_1771] {strides = array<i32>} : memref<80xi32, #tpu.memory_space<vmem>>, vector<16xi32>,
        tpu.vector_store %arg13[%swap3A_1771], %add3A_1770 {strides = array<i32>} : memref<80xi32, #tpu.memory_space<vmem>>, vector<16xi32>,
        %mul3A_1773 = arith.constant 128 : i32
        %mul3A_1774 = vector.broadcast %mul3A_1773 : i32 to vector<16xi32>
        %mul3A_1775 = arith.muli %add3A_1766, %mul3A_1774 : vector<16xi32>
        %add3A_1776 = arith.addi %mul3A_1775, %and3A_1754 : vector<16xi32>
        %swap3A_1777 = arith.constant 16 : index
        %swap3A_1778 = tpu.vector_load %arg14[%swap3A_1777] {strides = array<i32>} : memref<80xi32, #tpu.memory_space<vmem>>, vector<16xi32>,
        tpu.vector_store %arg14[%swap3A_1777], %add3A_1776 {strides = array<i32>} : memref<80xi32, #tpu.memory_space<vmem>>, vector<16xi32>,
        %mul3A_1779 = arith.muli %shift_right_arithmetic3A_1757, %shift_right_arithmetic3A_1760 : vector<16xi32>
        %convert_element_type3A_1780 = arith.sitofp %mul3A_1779 : vector<16xi32> to vector<16xf32>
        %swap3A_1781 = arith.constant 16 : index
        %swap3A_1782 = tpu.vector_load %arg20[%swap3A_1781] {strides = array<i32>} : memref<80xf32, #tpu.memory_space<vmem>>, vector<16xf32>,
        tpu.vector_store %arg20[%swap3A_1781], %convert_element_type3A_1780 {strides = array<i32>} : memref<80xf32, #tpu.memory_space<vmem>>, vector<16xf32>,
        %max3A_1783 = arith.maxsi %shift_right_arithmetic3A_1757, %shift_right_arithmetic3A_1760 : vector<16xi32>
        %convert_element_type3A_1784 = arith.sitofp %max3A_1783 : vector<16xi32> to vector<16xf32>
        %swap3A_1785 = arith.constant 16 : index
        %swap3A_1786 = tpu.vector_load %arg22[%swap3A_1785] {strides = array<i32>} : memref<80xf32, #tpu.memory_space<vmem>>, vector<16xf32>,
        tpu.vector_store %arg22[%swap3A_1785], %convert_element_type3A_1784 {strides = array<i32>} : memref<80xf32, #tpu.memory_space<vmem>>, vector<16xf32>,
        %add3A_1787 = arith.constant 32 : i32
        %add3A_1788 = arith.addi %mul3A_1690, %add3A_1787 : i32
        %get3A_1789 = arith.index_cast %add3A_1788 : i32 to index
        %get3A_1790 = tpu.vector_load %arg9[%get3A_1789] {strides = array<i32>} : memref<10000xi32, #tpu.memory_space<vmem>>, vector<16xi32>,
        %add3A_1791 = arith.constant 32 : i32
        %add3A_1792 = arith.addi %mul3A_1690, %add3A_1791 : i32
        %get3A_1793 = arith.index_cast %add3A_1792 : i32 to index
        %get3A_1794 = tpu.vector_load %arg10[%get3A_1793] {strides = array<i32>} : memref<10000xi32, #tpu.memory_space<vmem>>, vector<16xi32>,
        %gather3A_1795 = tpu.vector_load_idx %arg8[%get3A_1790] : memref<10000xi32, #tpu.memory_space<vmem>>[vector<16xi32>], vector<16xi32>,
        %gather3A_1796 = tpu.vector_load_idx %arg8[%get3A_1794] : memref<10000xi32, #tpu.memory_space<vmem>>[vector<16xi32>], vector<16xi32>,
        %and3A_1797 = arith.constant 255 : i32
        %and3A_1798 = vector.broadcast %and3A_1797 : i32 to vector<16xi32>
        %and3A_1799 = arith.andi %gather3A_1795, %and3A_1798 : vector<16xi32>
        %and3A_1800 = arith.constant 255 : i32
        %and3A_1801 = vector.broadcast %and3A_1800 : i32 to vector<16xi32>
        %and3A_1802 = arith.andi %gather3A_1796, %and3A_1801 : vector<16xi32>
        %shift_right_arithmetic3A_1803 = arith.constant 8 : i32
        %shift_right_arithmetic3A_1804 = vector.broadcast %shift_right_arithmetic3A_1803 : i32 to vector<16xi32>
        %shift_right_arithmetic3A_1805 = arith.shrsi %gather3A_1795, %shift_right_arithmetic3A_1804 : vector<16xi32>
        %shift_right_arithmetic3A_1806 = arith.constant 8 : i32
        %shift_right_arithmetic3A_1807 = vector.broadcast %shift_right_arithmetic3A_1806 : i32 to vector<16xi32>
        %shift_right_arithmetic3A_1808 = arith.shrsi %gather3A_1796, %shift_right_arithmetic3A_1807 : vector<16xi32>
        %iota3A_1809 = tpu.iota {dimensions = array<i32: 0>} : vector<16xi32>
        %add3A_1810 = arith.addi %mul3A_2, %mul3A_1690 : i32
        %add3A_1811 = arith.constant 32 : i32
        %add3A_1812 = arith.addi %add3A_1810, %add3A_1811 : i32
        %add3A_1813 = vector.broadcast %add3A_1812 : i32 to vector<16xi32>
        %add3A_1814 = arith.addi %iota3A_1809, %add3A_1813 : vector<16xi32>
        %mul3A_1815 = arith.constant 128 : i32
        %mul3A_1816 = vector.broadcast %mul3A_1815 : i32 to vector<16xi32>
        %mul3A_1817 = arith.muli %add3A_1814, %mul3A_1816 : vector<16xi32>
        %add3A_1818 = arith.addi %mul3A_1817, %and3A_1799 : vector<16xi32>
        %swap3A_1819 = arith.constant 32 : index
        %swap3A_1820 = tpu.vector_load %arg13[%swap3A_1819] {strides = array<i32>} : memref<80xi32, #tpu.memory_space<vmem>>, vector<16xi32>,
        tpu.vector_store %arg13[%swap3A_1819], %add3A_1818 {strides = array<i32>} : memref<80xi32, #tpu.memory_space<vmem>>, vector<16xi32>,
        %mul3A_1821 = arith.constant 128 : i32
        %mul3A_1822 = vector.broadcast %mul3A_1821 : i32 to vector<16xi32>
        %mul3A_1823 = arith.muli %add3A_1814, %mul3A_1822 : vector<16xi32>
        %add3A_1824 = arith.addi %mul3A_1823, %and3A_1802 : vector<16xi32>
        %swap3A_1825 = arith.constant 32 : index
        %swap3A_1826 = tpu.vector_load %arg14[%swap3A_1825] {strides = array<i32>} : memref<80xi32, #tpu.memory_space<vmem>>, vector<16xi32>,
        tpu.vector_store %arg14[%swap3A_1825], %add3A_1824 {strides = array<i32>} : memref<80xi32, #tpu.memory_space<vmem>>, vector<16xi32>,
        %mul3A_1827 = arith.muli %shift_right_arithmetic3A_1805, %shift_right_arithmetic3A_1808 : vector<16xi32>
        %convert_element_type3A_1828 = arith.sitofp %mul3A_1827 : vector<16xi32> to vector<16xf32>
        %swap3A_1829 = arith.constant 32 : index
        %swap3A_1830 = tpu.vector_load %arg20[%swap3A_1829] {strides = array<i32>} : memref<80xf32, #tpu.memory_space<vmem>>, vector<16xf32>,
        tpu.vector_store %arg20[%swap3A_1829], %convert_element_type3A_1828 {strides = array<i32>} : memref<80xf32, #tpu.memory_space<vmem>>, vector<16xf32>,
        %max3A_1831 = arith.maxsi %shift_right_arithmetic3A_1805, %shift_right_arithmetic3A_1808 : vector<16xi32>
        %convert_element_type3A_1832 = arith.sitofp %max3A_1831 : vector<16xi32> to vector<16xf32>
        %swap3A_1833 = arith.constant 32 : index
        %swap3A_1834 = tpu.vector_load %arg22[%swap3A_1833] {strides = array<i32>} : memref<80xf32, #tpu.memory_space<vmem>>, vector<16xf32>,
        tpu.vector_store %arg22[%swap3A_1833], %convert_element_type3A_1832 {strides = array<i32>} : memref<80xf32, #tpu.memory_space<vmem>>, vector<16xf32>,
        %add3A_1835 = arith.constant 48 : i32
        %add3A_1836 = arith.addi %mul3A_1690, %add3A_1835 : i32
        %get3A_1837 = arith.index_cast %add3A_1836 : i32 to index
        %get3A_1838 = tpu.vector_load %arg9[%get3A_1837] {strides = array<i32>} : memref<10000xi32, #tpu.memory_space<vmem>>, vector<16xi32>,
        %add3A_1839 = arith.constant 48 : i32
        %add3A_1840 = arith.addi %mul3A_1690, %add3A_1839 : i32
        %get3A_1841 = arith.index_cast %add3A_1840 : i32 to index
        %get3A_1842 = tpu.vector_load %arg10[%get3A_1841] {strides = array<i32>} : memref<10000xi32, #tpu.memory_space<vmem>>, vector<16xi32>,
        %gather3A_1843 = tpu.vector_load_idx %arg8[%get3A_1838] : memref<10000xi32, #tpu.memory_space<vmem>>[vector<16xi32>], vector<16xi32>,
        %gather3A_1844 = tpu.vector_load_idx %arg8[%get3A_1842] : memref<10000xi32, #tpu.memory_space<vmem>>[vector<16xi32>], vector<16xi32>,
        %and3A_1845 = arith.constant 255 : i32
        %and3A_1846 = vector.broadcast %and3A_1845 : i32 to vector<16xi32>
        %and3A_1847 = arith.andi %gather3A_1843, %and3A_1846 : vector<16xi32>
        %and3A_1848 = arith.constant 255 : i32
        %and3A_1849 = vector.broadcast %and3A_1848 : i32 to vector<16xi32>
        %and3A_1850 = arith.andi %gather3A_1844, %and3A_1849 : vector<16xi32>
        %shift_right_arithmetic3A_1851 = arith.constant 8 : i32
        %shift_right_arithmetic3A_1852 = vector.broadcast %shift_right_arithmetic3A_1851 : i32 to vector<16xi32>
        %shift_right_arithmetic3A_1853 = arith.shrsi %gather3A_1843, %shift_right_arithmetic3A_1852 : vector<16xi32>
        %shift_right_arithmetic3A_1854 = arith.constant 8 : i32
        %shift_right_arithmetic3A_1855 = vector.broadcast %shift_right_arithmetic3A_1854 : i32 to vector<16xi32>
        %shift_right_arithmetic3A_1856 = arith.shrsi %gather3A_1844, %shift_right_arithmetic3A_1855 : vector<16xi32>
        %iota3A_1857 = tpu.iota {dimensions = array<i32: 0>} : vector<16xi32>
        %add3A_1858 = arith.addi %mul3A_2, %mul3A_1690 : i32
        %add3A_1859 = arith.constant 48 : i32
        %add3A_1860 = arith.addi %add3A_1858, %add3A_1859 : i32
        %add3A_1861 = vector.broadcast %add3A_1860 : i32 to vector<16xi32>
        %add3A_1862 = arith.addi %iota3A_1857, %add3A_1861 : vector<16xi32>
        %mul3A_1863 = arith.constant 128 : i32
        %mul3A_1864 = vector.broadcast %mul3A_1863 : i32 to vector<16xi32>
        %mul3A_1865 = arith.muli %add3A_1862, %mul3A_1864 : vector<16xi32>
        %add3A_1866 = arith.addi %mul3A_1865, %and3A_1847 : vector<16xi32>
        %swap3A_1867 = arith.constant 48 : index
        %swap3A_1868 = tpu.vector_load %arg13[%swap3A_1867] {strides = array<i32>} : memref<80xi32, #tpu.memory_space<vmem>>, vector<16xi32>,
        tpu.vector_store %arg13[%swap3A_1867], %add3A_1866 {strides = array<i32>} : memref<80xi32, #tpu.memory_space<vmem>>, vector<16xi32>,
        %mul3A_1869 = arith.constant 128 : i32
        %mul3A_1870 = vector.broadcast %mul3A_1869 : i32 to vector<16xi32>
        %mul3A_1871 = arith.muli %add3A_1862, %mul3A_1870 : vector<16xi32>
        %add3A_1872 = arith.addi %mul3A_1871, %and3A_1850 : vector<16xi32>
        %swap3A_1873 = arith.constant 48 : index
        %swap3A_1874 = tpu.vector_load %arg14[%swap3A_1873] {strides = array<i32>} : memref<80xi32, #tpu.memory_space<vmem>>, vector<16xi32>,
        tpu.vector_store %arg14[%swap3A_1873], %add3A_1872 {strides = array<i32>} : memref<80xi32, #tpu.memory_space<vmem>>, vector<16xi32>,
        %mul3A_1875 = arith.muli %shift_right_arithmetic3A_1853, %shift_right_arithmetic3A_1856 : vector<16xi32>
        %convert_element_type3A_1876 = arith.sitofp %mul3A_1875 : vector<16xi32> to vector<16xf32>
        %swap3A_1877 = arith.constant 48 : index
        %swap3A_1878 = tpu.vector_load %arg20[%swap3A_1877] {strides = array<i32>} : memref<80xf32, #tpu.memory_space<vmem>>, vector<16xf32>,
        tpu.vector_store %arg20[%swap3A_1877], %convert_element_type3A_1876 {strides = array<i32>} : memref<80xf32, #tpu.memory_space<vmem>>, vector<16xf32>,
        %max3A_1879 = arith.maxsi %shift_right_arithmetic3A_1853, %shift_right_arithmetic3A_1856 : vector<16xi32>
        %convert_element_type3A_1880 = arith.sitofp %max3A_1879 : vector<16xi32> to vector<16xf32>
        %swap3A_1881 = arith.constant 48 : index
        %swap3A_1882 = tpu.vector_load %arg22[%swap3A_1881] {strides = array<i32>} : memref<80xf32, #tpu.memory_space<vmem>>, vector<16xf32>,
        tpu.vector_store %arg22[%swap3A_1881], %convert_element_type3A_1880 {strides = array<i32>} : memref<80xf32, #tpu.memory_space<vmem>>, vector<16xf32>,
        %add3A_1883 = arith.constant 64 : i32
        %add3A_1884 = arith.addi %mul3A_1690, %add3A_1883 : i32
        %get3A_1885 = arith.index_cast %add3A_1884 : i32 to index
        %get3A_1886 = tpu.vector_load %arg9[%get3A_1885] {strides = array<i32>} : memref<10000xi32, #tpu.memory_space<vmem>>, vector<16xi32>,
        %add3A_1887 = arith.constant 64 : i32
        %add3A_1888 = arith.addi %mul3A_1690, %add3A_1887 : i32
        %get3A_1889 = arith.index_cast %add3A_1888 : i32 to index
        %get3A_1890 = tpu.vector_load %arg10[%get3A_1889] {strides = array<i32>} : memref<10000xi32, #tpu.memory_space<vmem>>, vector<16xi32>,
        %gather3A_1891 = tpu.vector_load_idx %arg8[%get3A_1886] : memref<10000xi32, #tpu.memory_space<vmem>>[vector<16xi32>], vector<16xi32>,
        %gather3A_1892 = tpu.vector_load_idx %arg8[%get3A_1890] : memref<10000xi32, #tpu.memory_space<vmem>>[vector<16xi32>], vector<16xi32>,
        %and3A_1893 = arith.constant 255 : i32
        %and3A_1894 = vector.broadcast %and3A_1893 : i32 to vector<16xi32>
        %and3A_1895 = arith.andi %gather3A_1891, %and3A_1894 : vector<16xi32>
        %and3A_1896 = arith.constant 255 : i32
        %and3A_1897 = vector.broadcast %and3A_1896 : i32 to vector<16xi32>
        %and3A_1898 = arith.andi %gather3A_1892, %and3A_1897 : vector<16xi32>
        %shift_right_arithmetic3A_1899 = arith.constant 8 : i32
        %shift_right_arithmetic3A_1900 = vector.broadcast %shift_right_arithmetic3A_1899 : i32 to vector<16xi32>
        %shift_right_arithmetic3A_1901 = arith.shrsi %gather3A_1891, %shift_right_arithmetic3A_1900 : vector<16xi32>
        %shift_right_arithmetic3A_1902 = arith.constant 8 : i32
        %shift_right_arithmetic3A_1903 = vector.broadcast %shift_right_arithmetic3A_1902 : i32 to vector<16xi32>
        %shift_right_arithmetic3A_1904 = arith.shrsi %gather3A_1892, %shift_right_arithmetic3A_1903 : vector<16xi32>
        %iota3A_1905 = tpu.iota {dimensions = array<i32: 0>} : vector<16xi32>
        %add3A_1906 = arith.addi %mul3A_2, %mul3A_1690 : i32
        %add3A_1907 = arith.constant 64 : i32
        %add3A_1908 = arith.addi %add3A_1906, %add3A_1907 : i32
        %add3A_1909 = vector.broadcast %add3A_1908 : i32 to vector<16xi32>
        %add3A_1910 = arith.addi %iota3A_1905, %add3A_1909 : vector<16xi32>
        %mul3A_1911 = arith.constant 128 : i32
        %mul3A_1912 = vector.broadcast %mul3A_1911 : i32 to vector<16xi32>
        %mul3A_1913 = arith.muli %add3A_1910, %mul3A_1912 : vector<16xi32>
        %add3A_1914 = arith.addi %mul3A_1913, %and3A_1895 : vector<16xi32>
        %swap3A_1915 = arith.constant 64 : index
        %swap3A_1916 = tpu.vector_load %arg13[%swap3A_1915] {strides = array<i32>} : memref<80xi32, #tpu.memory_space<vmem>>, vector<16xi32>,
        tpu.vector_store %arg13[%swap3A_1915], %add3A_1914 {strides = array<i32>} : memref<80xi32, #tpu.memory_space<vmem>>, vector<16xi32>,
        %mul3A_1917 = arith.constant 128 : i32
        %mul3A_1918 = vector.broadcast %mul3A_1917 : i32 to vector<16xi32>
        %mul3A_1919 = arith.muli %add3A_1910, %mul3A_1918 : vector<16xi32>
        %add3A_1920 = arith.addi %mul3A_1919, %and3A_1898 : vector<16xi32>
        %swap3A_1921 = arith.constant 64 : index
        %swap3A_1922 = tpu.vector_load %arg14[%swap3A_1921] {strides = array<i32>} : memref<80xi32, #tpu.memory_space<vmem>>, vector<16xi32>,
        tpu.vector_store %arg14[%swap3A_1921], %add3A_1920 {strides = array<i32>} : memref<80xi32, #tpu.memory_space<vmem>>, vector<16xi32>,
        %mul3A_1923 = arith.muli %shift_right_arithmetic3A_1901, %shift_right_arithmetic3A_1904 : vector<16xi32>
        %convert_element_type3A_1924 = arith.sitofp %mul3A_1923 : vector<16xi32> to vector<16xf32>
        %swap3A_1925 = arith.constant 64 : index
        %swap3A_1926 = tpu.vector_load %arg20[%swap3A_1925] {strides = array<i32>} : memref<80xf32, #tpu.memory_space<vmem>>, vector<16xf32>,
        tpu.vector_store %arg20[%swap3A_1925], %convert_element_type3A_1924 {strides = array<i32>} : memref<80xf32, #tpu.memory_space<vmem>>, vector<16xf32>,
        %max3A_1927 = arith.maxsi %shift_right_arithmetic3A_1901, %shift_right_arithmetic3A_1904 : vector<16xi32>
        %convert_element_type3A_1928 = arith.sitofp %max3A_1927 : vector<16xi32> to vector<16xf32>
        %swap3A_1929 = arith.constant 64 : index
        %swap3A_1930 = tpu.vector_load %arg22[%swap3A_1929] {strides = array<i32>} : memref<80xf32, #tpu.memory_space<vmem>>, vector<16xf32>,
        tpu.vector_store %arg22[%swap3A_1929], %convert_element_type3A_1928 {strides = array<i32>} : memref<80xf32, #tpu.memory_space<vmem>>, vector<16xf32>,
        %dma_start3A_1931 = arith.constant 0 : i32
        %dma_start3A_1932 = tpu.memref_slice %arg2[%dma_start3A_1931] : memref<40960000xf32, #tpu.memory_space<hbm>> -> memref<40960000xf32, #tpu.memory_space<hbm>>
        tpu.enqueue_indirect_dma source(%dma_start3A_1932 : memref<40960000xf32, #tpu.memory_space<hbm>>) target(%arg17 : memref<80xf32, #tpu.memory_space<vmem>>) offsets(%arg13 : memref<80xi32, #tpu.memory_space<vmem>>) semaphore(%arg26 : memref<!tpu.dma_semaphore, #tpu.memory_space<semaphore_mem>>)
        %dma_start3A_1933 = arith.constant 0 : i32
        %dma_start3A_1934 = tpu.memref_slice %arg2[%dma_start3A_1933] : memref<40960000xf32, #tpu.memory_space<hbm>> -> memref<40960000xf32, #tpu.memory_space<hbm>>
        tpu.enqueue_indirect_dma source(%dma_start3A_1934 : memref<40960000xf32, #tpu.memory_space<hbm>>) target(%arg18 : memref<80xf32, #tpu.memory_space<vmem>>) offsets(%arg14 : memref<80xi32, #tpu.memory_space<vmem>>) semaphore(%arg26 : memref<!tpu.dma_semaphore, #tpu.memory_space<semaphore_mem>>)
      } else {
      }
      %dma_wait3A_1361 = arith.constant 0 : i32
      %dma_wait3A_1362 = tpu.memref_slice %arg2[%dma_wait3A_1361] : memref<40960000xf32, #tpu.memory_space<hbm>> -> memref<40960000xf32, #tpu.memory_space<hbm>>
      tpu.wait_indirect_dma semaphore(%arg25 : memref<!tpu.dma_semaphore, #tpu.memory_space<semaphore_mem>>) src(%dma_wait3A_1362 : memref<40960000xf32, #tpu.memory_space<hbm>>) dst(%arg15 : memref<80xf32, #tpu.memory_space<vmem>>)
      %dma_wait3A_1363 = arith.constant 0 : i32
      %dma_wait3A_1364 = tpu.memref_slice %arg2[%dma_wait3A_1363] : memref<40960000xf32, #tpu.memory_space<hbm>> -> memref<40960000xf32, #tpu.memory_space<hbm>>
      tpu.wait_indirect_dma semaphore(%arg25 : memref<!tpu.dma_semaphore, #tpu.memory_space<semaphore_mem>>) src(%dma_wait3A_1364 : memref<40960000xf32, #tpu.memory_space<hbm>>) dst(%arg16 : memref<80xf32, #tpu.memory_space<vmem>>)
      %get3A_1365 = arith.constant 0 : index
      %get3A_1366 = tpu.vector_load %arg15[%get3A_1365] {strides = array<i32>} : memref<80xf32, #tpu.memory_space<vmem>>, vector<16xf32>,
      %get3A_1367 = arith.constant 0 : index
      %get3A_1368 = tpu.vector_load %arg16[%get3A_1367] {strides = array<i32>} : memref<80xf32, #tpu.memory_space<vmem>>, vector<16xf32>,
      %get3A_1369 = arith.constant 0 : index
      %get3A_1370 = tpu.vector_load %arg19[%get3A_1369] {strides = array<i32>} : memref<80xf32, #tpu.memory_space<vmem>>, vector<16xf32>,
      %mul3A_1371 = arith.mulf %get3A_1366, %get3A_1368 : vector<16xf32>
      %bitcast3A_1372 = vector.bitcast %mul3A_1371 : vector<16xf32> to vector<16xi32>
      %shift_right_arithmetic3A_1373 = arith.constant 23 : i32
      %shift_right_arithmetic3A_1374 = vector.broadcast %shift_right_arithmetic3A_1373 : i32 to vector<16xi32>
      %shift_right_arithmetic3A_1375 = arith.shrsi %bitcast3A_1372, %shift_right_arithmetic3A_1374 : vector<16xi32>
      %and3A_1376 = arith.constant 255 : i32
      %and3A_1377 = vector.broadcast %and3A_1376 : i32 to vector<16xi32>
      %and3A_1378 = arith.andi %shift_right_arithmetic3A_1375, %and3A_1377 : vector<16xi32>
      %sub3A_1379 = arith.constant 127 : i32
      %sub3A_1380 = vector.broadcast %sub3A_1379 : i32 to vector<16xi32>
      %sub3A_1381 = arith.subi %and3A_1378, %sub3A_1380 : vector<16xi32>
      %and3A_1382 = arith.constant 8388607 : i32
      %and3A_1383 = vector.broadcast %and3A_1382 : i32 to vector<16xi32>
      %and3A_1384 = arith.andi %bitcast3A_1372, %and3A_1383 : vector<16xi32>
      %or3A_1385 = arith.constant 1065353216 : i32
      %or3A_1386 = vector.broadcast %or3A_1385 : i32 to vector<16xi32>
      %or3A_1387 = arith.ori %and3A_1384, %or3A_1386 : vector<16xi32>
      %bitcast3A_1388 = vector.bitcast %or3A_1387 : vector<16xi32> to vector<16xf32>
      %sub3A_1389 = arith.constant 1.000000e+00 : f32
      %sub3A_1390 = vector.broadcast %sub3A_1389 : f32 to vector<16xf32>
      %sub3A_1391 = arith.subf %bitcast3A_1388, %sub3A_1390 : vector<16xf32>
      %add3A_1392 = arith.constant 1.000000e+00 : f32
      %add3A_1393 = vector.broadcast %add3A_1392 : f32 to vector<16xf32>
      %add3A_1394 = arith.addf %bitcast3A_1388, %add3A_1393 : vector<16xf32>
      %div3A_1395 = arith.divf %sub3A_1391, %add3A_1394 : vector<16xf32>
      %mul3A_1396 = arith.mulf %div3A_1395, %div3A_1395 : vector<16xf32>
      %mul3A_1397 = arith.constant 0.111111112 : f32
      %mul3A_1398 = vector.broadcast %mul3A_1397 : f32 to vector<16xf32>
      %mul3A_1399 = arith.mulf %mul3A_1396, %mul3A_1398 : vector<16xf32>
      %add3A_1400 = arith.constant 0.142857149 : f32
      %add3A_1401 = vector.broadcast %add3A_1400 : f32 to vector<16xf32>
      %add3A_1402 = arith.addf %add3A_1401, %mul3A_1399 : vector<16xf32>
      %mul3A_1403 = arith.mulf %mul3A_1396, %add3A_1402 : vector<16xf32>
      %add3A_1404 = arith.constant 2.000000e-01 : f32
      %add3A_1405 = vector.broadcast %add3A_1404 : f32 to vector<16xf32>
      %add3A_1406 = arith.addf %add3A_1405, %mul3A_1403 : vector<16xf32>
      %mul3A_1407 = arith.mulf %mul3A_1396, %add3A_1406 : vector<16xf32>
      %add3A_1408 = arith.constant 0.333333343 : f32
      %add3A_1409 = vector.broadcast %add3A_1408 : f32 to vector<16xf32>
      %add3A_1410 = arith.addf %add3A_1409, %mul3A_1407 : vector<16xf32>
      %mul3A_1411 = arith.mulf %mul3A_1396, %add3A_1410 : vector<16xf32>
      %add3A_1412 = arith.constant 1.000000e+00 : f32
      %add3A_1413 = vector.broadcast %add3A_1412 : f32 to vector<16xf32>
      %add3A_1414 = arith.addf %add3A_1413, %mul3A_1411 : vector<16xf32>
      %mul3A_1415 = arith.constant 2.000000e+00 : f32
      %mul3A_1416 = vector.broadcast %mul3A_1415 : f32 to vector<16xf32>
      %mul3A_1417 = arith.mulf %mul3A_1416, %div3A_1395 : vector<16xf32>
      %mul3A_1418 = arith.mulf %mul3A_1417, %add3A_1414 : vector<16xf32>
      %convert_element_type3A_1419 = arith.sitofp %sub3A_1381 : vector<16xi32> to vector<16xf32>
      %mul3A_1420 = arith.constant 0.693147182 : f32
      %mul3A_1421 = vector.broadcast %mul3A_1420 : f32 to vector<16xf32>
      %mul3A_1422 = arith.mulf %convert_element_type3A_1419, %mul3A_1421 : vector<16xf32>
      %add3A_1423 = arith.addf %mul3A_1418, %mul3A_1422 : vector<16xf32>
      %mul3A_1424 = arith.mulf %get3A_1370, %add3A_1423 : vector<16xf32>
      %add3A_1425 = arith.addf %add3A_1354, %mul3A_1424 : vector<16xf32>
      %get3A_1426 = arith.constant 0 : index
      %get3A_1427 = tpu.vector_load %arg21[%get3A_1426] {strides = array<i32>} : memref<80xf32, #tpu.memory_space<vmem>>, vector<16xf32>,
      %add3A_1428 = arith.addf %add3A_1357, %get3A_1427 : vector<16xf32>
      %get3A_1429 = arith.constant 16 : index
      %get3A_1430 = tpu.vector_load %arg15[%get3A_1429] {strides = array<i32>} : memref<80xf32, #tpu.memory_space<vmem>>, vector<16xf32>,
      %get3A_1431 = arith.constant 16 : index
      %get3A_1432 = tpu.vector_load %arg16[%get3A_1431] {strides = array<i32>} : memref<80xf32, #tpu.memory_space<vmem>>, vector<16xf32>,
      %get3A_1433 = arith.constant 16 : index
      %get3A_1434 = tpu.vector_load %arg19[%get3A_1433] {strides = array<i32>} : memref<80xf32, #tpu.memory_space<vmem>>, vector<16xf32>,
      %mul3A_1435 = arith.mulf %get3A_1430, %get3A_1432 : vector<16xf32>
      %bitcast3A_1436 = vector.bitcast %mul3A_1435 : vector<16xf32> to vector<16xi32>
      %shift_right_arithmetic3A_1437 = arith.constant 23 : i32
      %shift_right_arithmetic3A_1438 = vector.broadcast %shift_right_arithmetic3A_1437 : i32 to vector<16xi32>
      %shift_right_arithmetic3A_1439 = arith.shrsi %bitcast3A_1436, %shift_right_arithmetic3A_1438 : vector<16xi32>
      %and3A_1440 = arith.constant 255 : i32
      %and3A_1441 = vector.broadcast %and3A_1440 : i32 to vector<16xi32>
      %and3A_1442 = arith.andi %shift_right_arithmetic3A_1439, %and3A_1441 : vector<16xi32>
      %sub3A_1443 = arith.constant 127 : i32
      %sub3A_1444 = vector.broadcast %sub3A_1443 : i32 to vector<16xi32>
      %sub3A_1445 = arith.subi %and3A_1442, %sub3A_1444 : vector<16xi32>
      %and3A_1446 = arith.constant 8388607 : i32
      %and3A_1447 = vector.broadcast %and3A_1446 : i32 to vector<16xi32>
      %and3A_1448 = arith.andi %bitcast3A_1436, %and3A_1447 : vector<16xi32>
      %or3A_1449 = arith.constant 1065353216 : i32
      %or3A_1450 = vector.broadcast %or3A_1449 : i32 to vector<16xi32>
      %or3A_1451 = arith.ori %and3A_1448, %or3A_1450 : vector<16xi32>
      %bitcast3A_1452 = vector.bitcast %or3A_1451 : vector<16xi32> to vector<16xf32>
      %sub3A_1453 = arith.constant 1.000000e+00 : f32
      %sub3A_1454 = vector.broadcast %sub3A_1453 : f32 to vector<16xf32>
      %sub3A_1455 = arith.subf %bitcast3A_1452, %sub3A_1454 : vector<16xf32>
      %add3A_1456 = arith.constant 1.000000e+00 : f32
      %add3A_1457 = vector.broadcast %add3A_1456 : f32 to vector<16xf32>
      %add3A_1458 = arith.addf %bitcast3A_1452, %add3A_1457 : vector<16xf32>
      %div3A_1459 = arith.divf %sub3A_1455, %add3A_1458 : vector<16xf32>
      %mul3A_1460 = arith.mulf %div3A_1459, %div3A_1459 : vector<16xf32>
      %mul3A_1461 = arith.constant 0.111111112 : f32
      %mul3A_1462 = vector.broadcast %mul3A_1461 : f32 to vector<16xf32>
      %mul3A_1463 = arith.mulf %mul3A_1460, %mul3A_1462 : vector<16xf32>
      %add3A_1464 = arith.constant 0.142857149 : f32
      %add3A_1465 = vector.broadcast %add3A_1464 : f32 to vector<16xf32>
      %add3A_1466 = arith.addf %add3A_1465, %mul3A_1463 : vector<16xf32>
      %mul3A_1467 = arith.mulf %mul3A_1460, %add3A_1466 : vector<16xf32>
      %add3A_1468 = arith.constant 2.000000e-01 : f32
      %add3A_1469 = vector.broadcast %add3A_1468 : f32 to vector<16xf32>
      %add3A_1470 = arith.addf %add3A_1469, %mul3A_1467 : vector<16xf32>
      %mul3A_1471 = arith.mulf %mul3A_1460, %add3A_1470 : vector<16xf32>
      %add3A_1472 = arith.constant 0.333333343 : f32
      %add3A_1473 = vector.broadcast %add3A_1472 : f32 to vector<16xf32>
      %add3A_1474 = arith.addf %add3A_1473, %mul3A_1471 : vector<16xf32>
      %mul3A_1475 = arith.mulf %mul3A_1460, %add3A_1474 : vector<16xf32>
      %add3A_1476 = arith.constant 1.000000e+00 : f32
      %add3A_1477 = vector.broadcast %add3A_1476 : f32 to vector<16xf32>
      %add3A_1478 = arith.addf %add3A_1477, %mul3A_1475 : vector<16xf32>
      %mul3A_1479 = arith.constant 2.000000e+00 : f32
      %mul3A_1480 = vector.broadcast %mul3A_1479 : f32 to vector<16xf32>
      %mul3A_1481 = arith.mulf %mul3A_1480, %div3A_1459 : vector<16xf32>
      %mul3A_1482 = arith.mulf %mul3A_1481, %add3A_1478 : vector<16xf32>
      %convert_element_type3A_1483 = arith.sitofp %sub3A_1445 : vector<16xi32> to vector<16xf32>
      %mul3A_1484 = arith.constant 0.693147182 : f32
      %mul3A_1485 = vector.broadcast %mul3A_1484 : f32 to vector<16xf32>
      %mul3A_1486 = arith.mulf %convert_element_type3A_1483, %mul3A_1485 : vector<16xf32>
      %add3A_1487 = arith.addf %mul3A_1482, %mul3A_1486 : vector<16xf32>
      %mul3A_1488 = arith.mulf %get3A_1434, %add3A_1487 : vector<16xf32>
      %add3A_1489 = arith.addf %add3A_1425, %mul3A_1488 : vector<16xf32>
      %get3A_1490 = arith.constant 16 : index
      %get3A_1491 = tpu.vector_load %arg21[%get3A_1490] {strides = array<i32>} : memref<80xf32, #tpu.memory_space<vmem>>, vector<16xf32>,
      %add3A_1492 = arith.addf %add3A_1428, %get3A_1491 : vector<16xf32>
      %get3A_1493 = arith.constant 32 : index
      %get3A_1494 = tpu.vector_load %arg15[%get3A_1493] {strides = array<i32>} : memref<80xf32, #tpu.memory_space<vmem>>, vector<16xf32>,
      %get3A_1495 = arith.constant 32 : index
      %get3A_1496 = tpu.vector_load %arg16[%get3A_1495] {strides = array<i32>} : memref<80xf32, #tpu.memory_space<vmem>>, vector<16xf32>,
      %get3A_1497 = arith.constant 32 : index
      %get3A_1498 = tpu.vector_load %arg19[%get3A_1497] {strides = array<i32>} : memref<80xf32, #tpu.memory_space<vmem>>, vector<16xf32>,
      %mul3A_1499 = arith.mulf %get3A_1494, %get3A_1496 : vector<16xf32>
      %bitcast3A_1500 = vector.bitcast %mul3A_1499 : vector<16xf32> to vector<16xi32>
      %shift_right_arithmetic3A_1501 = arith.constant 23 : i32
      %shift_right_arithmetic3A_1502 = vector.broadcast %shift_right_arithmetic3A_1501 : i32 to vector<16xi32>
      %shift_right_arithmetic3A_1503 = arith.shrsi %bitcast3A_1500, %shift_right_arithmetic3A_1502 : vector<16xi32>
      %and3A_1504 = arith.constant 255 : i32
      %and3A_1505 = vector.broadcast %and3A_1504 : i32 to vector<16xi32>
      %and3A_1506 = arith.andi %shift_right_arithmetic3A_1503, %and3A_1505 : vector<16xi32>
      %sub3A_1507 = arith.constant 127 : i32
      %sub3A_1508 = vector.broadcast %sub3A_1507 : i32 to vector<16xi32>
      %sub3A_1509 = arith.subi %and3A_1506, %sub3A_1508 : vector<16xi32>
      %and3A_1510 = arith.constant 8388607 : i32
      %and3A_1511 = vector.broadcast %and3A_1510 : i32 to vector<16xi32>
      %and3A_1512 = arith.andi %bitcast3A_1500, %and3A_1511 : vector<16xi32>
      %or3A_1513 = arith.constant 1065353216 : i32
      %or3A_1514 = vector.broadcast %or3A_1513 : i32 to vector<16xi32>
      %or3A_1515 = arith.ori %and3A_1512, %or3A_1514 : vector<16xi32>
      %bitcast3A_1516 = vector.bitcast %or3A_1515 : vector<16xi32> to vector<16xf32>
      %sub3A_1517 = arith.constant 1.000000e+00 : f32
      %sub3A_1518 = vector.broadcast %sub3A_1517 : f32 to vector<16xf32>
      %sub3A_1519 = arith.subf %bitcast3A_1516, %sub3A_1518 : vector<16xf32>
      %add3A_1520 = arith.constant 1.000000e+00 : f32
      %add3A_1521 = vector.broadcast %add3A_1520 : f32 to vector<16xf32>
      %add3A_1522 = arith.addf %bitcast3A_1516, %add3A_1521 : vector<16xf32>
      %div3A_1523 = arith.divf %sub3A_1519, %add3A_1522 : vector<16xf32>
      %mul3A_1524 = arith.mulf %div3A_1523, %div3A_1523 : vector<16xf32>
      %mul3A_1525 = arith.constant 0.111111112 : f32
      %mul3A_1526 = vector.broadcast %mul3A_1525 : f32 to vector<16xf32>
      %mul3A_1527 = arith.mulf %mul3A_1524, %mul3A_1526 : vector<16xf32>
      %add3A_1528 = arith.constant 0.142857149 : f32
      %add3A_1529 = vector.broadcast %add3A_1528 : f32 to vector<16xf32>
      %add3A_1530 = arith.addf %add3A_1529, %mul3A_1527 : vector<16xf32>
      %mul3A_1531 = arith.mulf %mul3A_1524, %add3A_1530 : vector<16xf32>
      %add3A_1532 = arith.constant 2.000000e-01 : f32
      %add3A_1533 = vector.broadcast %add3A_1532 : f32 to vector<16xf32>
      %add3A_1534 = arith.addf %add3A_1533, %mul3A_1531 : vector<16xf32>
      %mul3A_1535 = arith.mulf %mul3A_1524, %add3A_1534 : vector<16xf32>
      %add3A_1536 = arith.constant 0.333333343 : f32
      %add3A_1537 = vector.broadcast %add3A_1536 : f32 to vector<16xf32>
      %add3A_1538 = arith.addf %add3A_1537, %mul3A_1535 : vector<16xf32>
      %mul3A_1539 = arith.mulf %mul3A_1524, %add3A_1538 : vector<16xf32>
      %add3A_1540 = arith.constant 1.000000e+00 : f32
      %add3A_1541 = vector.broadcast %add3A_1540 : f32 to vector<16xf32>
      %add3A_1542 = arith.addf %add3A_1541, %mul3A_1539 : vector<16xf32>
      %mul3A_1543 = arith.constant 2.000000e+00 : f32
      %mul3A_1544 = vector.broadcast %mul3A_1543 : f32 to vector<16xf32>
      %mul3A_1545 = arith.mulf %mul3A_1544, %div3A_1523 : vector<16xf32>
      %mul3A_1546 = arith.mulf %mul3A_1545, %add3A_1542 : vector<16xf32>
      %convert_element_type3A_1547 = arith.sitofp %sub3A_1509 : vector<16xi32> to vector<16xf32>
      %mul3A_1548 = arith.constant 0.693147182 : f32
      %mul3A_1549 = vector.broadcast %mul3A_1548 : f32 to vector<16xf32>
      %mul3A_1550 = arith.mulf %convert_element_type3A_1547, %mul3A_1549 : vector<16xf32>
      %add3A_1551 = arith.addf %mul3A_1546, %mul3A_1550 : vector<16xf32>
      %mul3A_1552 = arith.mulf %get3A_1498, %add3A_1551 : vector<16xf32>
      %add3A_1553 = arith.addf %add3A_1489, %mul3A_1552 : vector<16xf32>
      %get3A_1554 = arith.constant 32 : index
      %get3A_1555 = tpu.vector_load %arg21[%get3A_1554] {strides = array<i32>} : memref<80xf32, #tpu.memory_space<vmem>>, vector<16xf32>,
      %add3A_1556 = arith.addf %add3A_1492, %get3A_1555 : vector<16xf32>
      %get3A_1557 = arith.constant 48 : index
      %get3A_1558 = tpu.vector_load %arg15[%get3A_1557] {strides = array<i32>} : memref<80xf32, #tpu.memory_space<vmem>>, vector<16xf32>,
      %get3A_1559 = arith.constant 48 : index
      %get3A_1560 = tpu.vector_load %arg16[%get3A_1559] {strides = array<i32>} : memref<80xf32, #tpu.memory_space<vmem>>, vector<16xf32>,
      %get3A_1561 = arith.constant 48 : index
      %get3A_1562 = tpu.vector_load %arg19[%get3A_1561] {strides = array<i32>} : memref<80xf32, #tpu.memory_space<vmem>>, vector<16xf32>,
      %mul3A_1563 = arith.mulf %get3A_1558, %get3A_1560 : vector<16xf32>
      %bitcast3A_1564 = vector.bitcast %mul3A_1563 : vector<16xf32> to vector<16xi32>
      %shift_right_arithmetic3A_1565 = arith.constant 23 : i32
      %shift_right_arithmetic3A_1566 = vector.broadcast %shift_right_arithmetic3A_1565 : i32 to vector<16xi32>
      %shift_right_arithmetic3A_1567 = arith.shrsi %bitcast3A_1564, %shift_right_arithmetic3A_1566 : vector<16xi32>
      %and3A_1568 = arith.constant 255 : i32
      %and3A_1569 = vector.broadcast %and3A_1568 : i32 to vector<16xi32>
      %and3A_1570 = arith.andi %shift_right_arithmetic3A_1567, %and3A_1569 : vector<16xi32>
      %sub3A_1571 = arith.constant 127 : i32
      %sub3A_1572 = vector.broadcast %sub3A_1571 : i32 to vector<16xi32>
      %sub3A_1573 = arith.subi %and3A_1570, %sub3A_1572 : vector<16xi32>
      %and3A_1574 = arith.constant 8388607 : i32
      %and3A_1575 = vector.broadcast %and3A_1574 : i32 to vector<16xi32>
      %and3A_1576 = arith.andi %bitcast3A_1564, %and3A_1575 : vector<16xi32>
      %or3A_1577 = arith.constant 1065353216 : i32
      %or3A_1578 = vector.broadcast %or3A_1577 : i32 to vector<16xi32>
      %or3A_1579 = arith.ori %and3A_1576, %or3A_1578 : vector<16xi32>
      %bitcast3A_1580 = vector.bitcast %or3A_1579 : vector<16xi32> to vector<16xf32>
      %sub3A_1581 = arith.constant 1.000000e+00 : f32
      %sub3A_1582 = vector.broadcast %sub3A_1581 : f32 to vector<16xf32>
      %sub3A_1583 = arith.subf %bitcast3A_1580, %sub3A_1582 : vector<16xf32>
      %add3A_1584 = arith.constant 1.000000e+00 : f32
      %add3A_1585 = vector.broadcast %add3A_1584 : f32 to vector<16xf32>
      %add3A_1586 = arith.addf %bitcast3A_1580, %add3A_1585 : vector<16xf32>
      %div3A_1587 = arith.divf %sub3A_1583, %add3A_1586 : vector<16xf32>
      %mul3A_1588 = arith.mulf %div3A_1587, %div3A_1587 : vector<16xf32>
      %mul3A_1589 = arith.constant 0.111111112 : f32
      %mul3A_1590 = vector.broadcast %mul3A_1589 : f32 to vector<16xf32>
      %mul3A_1591 = arith.mulf %mul3A_1588, %mul3A_1590 : vector<16xf32>
      %add3A_1592 = arith.constant 0.142857149 : f32
      %add3A_1593 = vector.broadcast %add3A_1592 : f32 to vector<16xf32>
      %add3A_1594 = arith.addf %add3A_1593, %mul3A_1591 : vector<16xf32>
      %mul3A_1595 = arith.mulf %mul3A_1588, %add3A_1594 : vector<16xf32>
      %add3A_1596 = arith.constant 2.000000e-01 : f32
      %add3A_1597 = vector.broadcast %add3A_1596 : f32 to vector<16xf32>
      %add3A_1598 = arith.addf %add3A_1597, %mul3A_1595 : vector<16xf32>
      %mul3A_1599 = arith.mulf %mul3A_1588, %add3A_1598 : vector<16xf32>
      %add3A_1600 = arith.constant 0.333333343 : f32
      %add3A_1601 = vector.broadcast %add3A_1600 : f32 to vector<16xf32>
      %add3A_1602 = arith.addf %add3A_1601, %mul3A_1599 : vector<16xf32>
      %mul3A_1603 = arith.mulf %mul3A_1588, %add3A_1602 : vector<16xf32>
      %add3A_1604 = arith.constant 1.000000e+00 : f32
      %add3A_1605 = vector.broadcast %add3A_1604 : f32 to vector<16xf32>
      %add3A_1606 = arith.addf %add3A_1605, %mul3A_1603 : vector<16xf32>
      %mul3A_1607 = arith.constant 2.000000e+00 : f32
      %mul3A_1608 = vector.broadcast %mul3A_1607 : f32 to vector<16xf32>
      %mul3A_1609 = arith.mulf %mul3A_1608, %div3A_1587 : vector<16xf32>
      %mul3A_1610 = arith.mulf %mul3A_1609, %add3A_1606 : vector<16xf32>
      %convert_element_type3A_1611 = arith.sitofp %sub3A_1573 : vector<16xi32> to vector<16xf32>
      %mul3A_1612 = arith.constant 0.693147182 : f32
      %mul3A_1613 = vector.broadcast %mul3A_1612 : f32 to vector<16xf32>
      %mul3A_1614 = arith.mulf %convert_element_type3A_1611, %mul3A_1613 : vector<16xf32>
      %add3A_1615 = arith.addf %mul3A_1610, %mul3A_1614 : vector<16xf32>
      %mul3A_1616 = arith.mulf %get3A_1562, %add3A_1615 : vector<16xf32>
      %add3A_1617 = arith.addf %add3A_1553, %mul3A_1616 : vector<16xf32>
      %get3A_1618 = arith.constant 48 : index
      %get3A_1619 = tpu.vector_load %arg21[%get3A_1618] {strides = array<i32>} : memref<80xf32, #tpu.memory_space<vmem>>, vector<16xf32>,
      %add3A_1620 = arith.addf %add3A_1556, %get3A_1619 : vector<16xf32>
      %get3A_1621 = arith.constant 64 : index
      %get3A_1622 = tpu.vector_load %arg15[%get3A_1621] {strides = array<i32>} : memref<80xf32, #tpu.memory_space<vmem>>, vector<16xf32>,
      %get3A_1623 = arith.constant 64 : index
      %get3A_1624 = tpu.vector_load %arg16[%get3A_1623] {strides = array<i32>} : memref<80xf32, #tpu.memory_space<vmem>>, vector<16xf32>,
      %get3A_1625 = arith.constant 64 : index
      %get3A_1626 = tpu.vector_load %arg19[%get3A_1625] {strides = array<i32>} : memref<80xf32, #tpu.memory_space<vmem>>, vector<16xf32>,
      %mul3A_1627 = arith.mulf %get3A_1622, %get3A_1624 : vector<16xf32>
      %bitcast3A_1628 = vector.bitcast %mul3A_1627 : vector<16xf32> to vector<16xi32>
      %shift_right_arithmetic3A_1629 = arith.constant 23 : i32
      %shift_right_arithmetic3A_1630 = vector.broadcast %shift_right_arithmetic3A_1629 : i32 to vector<16xi32>
      %shift_right_arithmetic3A_1631 = arith.shrsi %bitcast3A_1628, %shift_right_arithmetic3A_1630 : vector<16xi32>
      %and3A_1632 = arith.constant 255 : i32
      %and3A_1633 = vector.broadcast %and3A_1632 : i32 to vector<16xi32>
      %and3A_1634 = arith.andi %shift_right_arithmetic3A_1631, %and3A_1633 : vector<16xi32>
      %sub3A_1635 = arith.constant 127 : i32
      %sub3A_1636 = vector.broadcast %sub3A_1635 : i32 to vector<16xi32>
      %sub3A_1637 = arith.subi %and3A_1634, %sub3A_1636 : vector<16xi32>
      %and3A_1638 = arith.constant 8388607 : i32
      %and3A_1639 = vector.broadcast %and3A_1638 : i32 to vector<16xi32>
      %and3A_1640 = arith.andi %bitcast3A_1628, %and3A_1639 : vector<16xi32>
      %or3A_1641 = arith.constant 1065353216 : i32
      %or3A_1642 = vector.broadcast %or3A_1641 : i32 to vector<16xi32>
      %or3A_1643 = arith.ori %and3A_1640, %or3A_1642 : vector<16xi32>
      %bitcast3A_1644 = vector.bitcast %or3A_1643 : vector<16xi32> to vector<16xf32>
      %sub3A_1645 = arith.constant 1.000000e+00 : f32
      %sub3A_1646 = vector.broadcast %sub3A_1645 : f32 to vector<16xf32>
      %sub3A_1647 = arith.subf %bitcast3A_1644, %sub3A_1646 : vector<16xf32>
      %add3A_1648 = arith.constant 1.000000e+00 : f32
      %add3A_1649 = vector.broadcast %add3A_1648 : f32 to vector<16xf32>
      %add3A_1650 = arith.addf %bitcast3A_1644, %add3A_1649 : vector<16xf32>
      %div3A_1651 = arith.divf %sub3A_1647, %add3A_1650 : vector<16xf32>
      %mul3A_1652 = arith.mulf %div3A_1651, %div3A_1651 : vector<16xf32>
      %mul3A_1653 = arith.constant 0.111111112 : f32
      %mul3A_1654 = vector.broadcast %mul3A_1653 : f32 to vector<16xf32>
      %mul3A_1655 = arith.mulf %mul3A_1652, %mul3A_1654 : vector<16xf32>
      %add3A_1656 = arith.constant 0.142857149 : f32
      %add3A_1657 = vector.broadcast %add3A_1656 : f32 to vector<16xf32>
      %add3A_1658 = arith.addf %add3A_1657, %mul3A_1655 : vector<16xf32>
      %mul3A_1659 = arith.mulf %mul3A_1652, %add3A_1658 : vector<16xf32>
      %add3A_1660 = arith.constant 2.000000e-01 : f32
      %add3A_1661 = vector.broadcast %add3A_1660 : f32 to vector<16xf32>
      %add3A_1662 = arith.addf %add3A_1661, %mul3A_1659 : vector<16xf32>
      %mul3A_1663 = arith.mulf %mul3A_1652, %add3A_1662 : vector<16xf32>
      %add3A_1664 = arith.constant 0.333333343 : f32
      %add3A_1665 = vector.broadcast %add3A_1664 : f32 to vector<16xf32>
      %add3A_1666 = arith.addf %add3A_1665, %mul3A_1663 : vector<16xf32>
      %mul3A_1667 = arith.mulf %mul3A_1652, %add3A_1666 : vector<16xf32>
      %add3A_1668 = arith.constant 1.000000e+00 : f32
      %add3A_1669 = vector.broadcast %add3A_1668 : f32 to vector<16xf32>
      %add3A_1670 = arith.addf %add3A_1669, %mul3A_1667 : vector<16xf32>
      %mul3A_1671 = arith.constant 2.000000e+00 : f32
      %mul3A_1672 = vector.broadcast %mul3A_1671 : f32 to vector<16xf32>
      %mul3A_1673 = arith.mulf %mul3A_1672, %div3A_1651 : vector<16xf32>
      %mul3A_1674 = arith.mulf %mul3A_1673, %add3A_1670 : vector<16xf32>
      %convert_element_type3A_1675 = arith.sitofp %sub3A_1637 : vector<16xi32> to vector<16xf32>
      %mul3A_1676 = arith.constant 0.693147182 : f32
      %mul3A_1677 = vector.broadcast %mul3A_1676 : f32 to vector<16xf32>
      %mul3A_1678 = arith.mulf %convert_element_type3A_1675, %mul3A_1677 : vector<16xf32>
      %add3A_1679 = arith.addf %mul3A_1674, %mul3A_1678 : vector<16xf32>
      %mul3A_1680 = arith.mulf %get3A_1626, %add3A_1679 : vector<16xf32>
      %add3A_1681 = arith.addf %add3A_1617, %mul3A_1680 : vector<16xf32>
      %get3A_1682 = arith.constant 64 : index
      %get3A_1683 = tpu.vector_load %arg21[%get3A_1682] {strides = array<i32>} : memref<80xf32, #tpu.memory_space<vmem>>, vector<16xf32>,
      %add3A_1684 = arith.addf %add3A_1620, %get3A_1683 : vector<16xf32>
      scf.yield %add3A_1681, %add3A_1684 : vector<16xf32>, vector<16xf32>
    }
    %scan3A_776 = arith.constant 62 : i32
    %swap3A_777 = arith.constant 0 : index
    %swap3A_778 = tpu.vector_load %arg23[%swap3A_777] {strides = array<i32>} : memref<16xf32, #tpu.memory_space<vmem>>, vector<16xf32>,
    tpu.vector_store %arg23[%swap3A_777], %scan3A_775#0 {strides = array<i32>} : memref<16xf32, #tpu.memory_space<vmem>>, vector<16xf32>,
    "tpu.region"() ({
      %run_scoped3A = tpu.sem_alloc : memref<!tpu.dma_semaphore, #tpu.memory_space<semaphore_mem>>
      %dma_start3A_781 = arith.constant 0 : i32
      %dma_start3A_782 = tpu.memref_slice %arg6[%add3A, %dma_start3A_781] : memref<32x16xf32, #tpu.memory_space<hbm>> -> memref<1x16xf32, #tpu.memory_space<hbm>>
      %dma_start3A_783 = tpu.memref_squeeze %dma_start3A_782 : memref<1x16xf32, #tpu.memory_space<hbm>> -> memref<16xf32, #tpu.memory_space<hbm>>
      %dma_start3A_784 = arith.constant 0 : i32
      %dma_start3A_785 = tpu.memref_slice %arg6[%add3A, %dma_start3A_784] : memref<32x16xf32, #tpu.memory_space<hbm>> -> memref<1x16xf32, #tpu.memory_space<hbm>>
      %dma_start3A_786 = tpu.memref_squeeze %dma_start3A_785 : memref<1x16xf32, #tpu.memory_space<hbm>> -> memref<16xf32, #tpu.memory_space<hbm>>
      tpu.enqueue_dma source(%arg23 : memref<16xf32, #tpu.memory_space<vmem>>) target(%dma_start3A_786 : memref<16xf32, #tpu.memory_space<hbm>>) target_semaphore(%run_scoped3A : memref<!tpu.dma_semaphore, #tpu.memory_space<semaphore_mem>>)
      %dma_wait3A_787 = arith.constant 0 : i32
      %dma_wait3A_788 = tpu.memref_slice %arg6[%add3A, %dma_wait3A_787] : memref<32x16xf32, #tpu.memory_space<hbm>> -> memref<1x16xf32, #tpu.memory_space<hbm>>
      %dma_wait3A_789 = tpu.memref_squeeze %dma_wait3A_788 : memref<1x16xf32, #tpu.memory_space<hbm>> -> memref<16xf32, #tpu.memory_space<hbm>>
      %dma_wait3A_790 = arith.constant 0 : i32
      %dma_wait3A_791 = tpu.memref_slice %arg6[%add3A, %dma_wait3A_790] : memref<32x16xf32, #tpu.memory_space<hbm>> -> memref<1x16xf32, #tpu.memory_space<hbm>>
      %dma_wait3A_792 = tpu.memref_squeeze %dma_wait3A_791 : memref<1x16xf32, #tpu.memory_space<hbm>> -> memref<16xf32, #tpu.memory_space<hbm>>
      tpu.wait_dma2 semaphore(%run_scoped3A : memref<!tpu.dma_semaphore, #tpu.memory_space<semaphore_mem>>) src(%arg23 : memref<16xf32, #tpu.memory_space<vmem>>) dst(%dma_wait3A_792 : memref<16xf32, #tpu.memory_space<hbm>>)
      tpu.yield
    }) : () -> ()
    %swap3A_779 = arith.constant 0 : index
    %swap3A_780 = tpu.vector_load %arg24[%swap3A_779] {strides = array<i32>} : memref<16xf32, #tpu.memory_space<vmem>>, vector<16xf32>,
    tpu.vector_store %arg24[%swap3A_779], %scan3A_775#1 {strides = array<i32>} : memref<16xf32, #tpu.memory_space<vmem>>, vector<16xf32>,
    "tpu.region"() ({
      %run_scoped3A = tpu.sem_alloc : memref<!tpu.dma_semaphore, #tpu.memory_space<semaphore_mem>>
      %dma_start3A_781 = arith.constant 0 : i32
      %dma_start3A_782 = tpu.memref_slice %arg7[%add3A, %dma_start3A_781] : memref<32x16xf32, #tpu.memory_space<hbm>> -> memref<1x16xf32, #tpu.memory_space<hbm>>
      %dma_start3A_783 = tpu.memref_squeeze %dma_start3A_782 : memref<1x16xf32, #tpu.memory_space<hbm>> -> memref<16xf32, #tpu.memory_space<hbm>>
      %dma_start3A_784 = arith.constant 0 : i32
      %dma_start3A_785 = tpu.memref_slice %arg7[%add3A, %dma_start3A_784] : memref<32x16xf32, #tpu.memory_space<hbm>> -> memref<1x16xf32, #tpu.memory_space<hbm>>
      %dma_start3A_786 = tpu.memref_squeeze %dma_start3A_785 : memref<1x16xf32, #tpu.memory_space<hbm>> -> memref<16xf32, #tpu.memory_space<hbm>>
      tpu.enqueue_dma source(%arg24 : memref<16xf32, #tpu.memory_space<vmem>>) target(%dma_start3A_786 : memref<16xf32, #tpu.memory_space<hbm>>) target_semaphore(%run_scoped3A : memref<!tpu.dma_semaphore, #tpu.memory_space<semaphore_mem>>)
      %dma_wait3A_787 = arith.constant 0 : i32
      %dma_wait3A_788 = tpu.memref_slice %arg7[%add3A, %dma_wait3A_787] : memref<32x16xf32, #tpu.memory_space<hbm>> -> memref<1x16xf32, #tpu.memory_space<hbm>>
      %dma_wait3A_789 = tpu.memref_squeeze %dma_wait3A_788 : memref<1x16xf32, #tpu.memory_space<hbm>> -> memref<16xf32, #tpu.memory_space<hbm>>
      %dma_wait3A_790 = arith.constant 0 : i32
      %dma_wait3A_791 = tpu.memref_slice %arg7[%add3A, %dma_wait3A_790] : memref<32x16xf32, #tpu.memory_space<hbm>> -> memref<1x16xf32, #tpu.memory_space<hbm>>
      %dma_wait3A_792 = tpu.memref_squeeze %dma_wait3A_791 : memref<1x16xf32, #tpu.memory_space<hbm>> -> memref<16xf32, #tpu.memory_space<hbm>>
      tpu.wait_dma2 semaphore(%run_scoped3A : memref<!tpu.dma_semaphore, #tpu.memory_space<semaphore_mem>>) src(%arg24 : memref<16xf32, #tpu.memory_space<vmem>>) dst(%dma_wait3A_792 : memref<16xf32, #tpu.memory_space<hbm>>)
      tpu.yield
    }) : () -> ()
    return
  }
}

module attributes {stable_mosaic.version = 14 : i64} {
  func.func @k(%arg0: i32, %arg1: memref<1000x128xf32, #tpu.memory_space<vmem>>, %arg2: memref<1x1000x1xi32, #tpu.memory_space<vmem>>, %arg3: memref<1x1000x1xf32, #tpu.memory_space<vmem>>, %arg4: memref<1x128xf32, #tpu.memory_space<vmem>>) attributes {dimension_semantics = [#tpu.dimension_semantics<arbitrary>], iteration_bounds = array<i64: 10>, scalar_prefetch = 0 : i64, scratch_operands = 0 : i64, tpu.core_type = #tpu.core_type<tc>, window_params = [{transform_indices = @transform_0, window_bounds = array<i64: 1000, 128>}, {transform_indices = @transform_1, window_bounds = array<i64: 1, 1000, 1>}, {transform_indices = @transform_2, window_bounds = array<i64: 1, 1000, 1>}, {pipeline_mode = #tpu.pipeline_mode<synchronous>, transform_indices = @transform_3, window_bounds = array<i64: 1, 128>}]} {
    %get3A = arith.constant 0 : index
    %get3A_0 = arith.constant 0 : index
    %get3A_1 = vector.load %arg1[%get3A, %get3A_0] : memref<1000x128xf32, #tpu.memory_space<vmem>>, vector<1000x128xf32>
    %get3A_2 = arith.constant 0 : index
    %get3A_3 = arith.constant 0 : index
    %get3A_4 = arith.constant 0 : index
    %get3A_5 = vector.load %arg2[%get3A_2, %get3A_3, %get3A_4] : memref<1x1000x1xi32, #tpu.memory_space<vmem>>, vector<1x1000x1xi32>
    %get3A_6 = vector.shape_cast %get3A_5 : vector<1x1000x1xi32> to vector<1000x1xi32>
    %get3A_7 = arith.constant 0 : index
    %get3A_8 = arith.constant 0 : index
    %get3A_9 = arith.constant 0 : index
    %get3A_10 = vector.load %arg3[%get3A_7, %get3A_8, %get3A_9] : memref<1x1000x1xf32, #tpu.memory_space<vmem>>, vector<1x1000x1xf32>
    %get3A_11 = vector.shape_cast %get3A_10 : vector<1x1000x1xf32> to vector<1000x1xf32>
    %iota3A = tpu.iota {dimensions = array<i32: 1>} : vector<1000x128xi32>
    %eq3A = vector.broadcast %get3A_6 : vector<1000x1xi32> to vector<1000x128xi32>
    %eq3A_12 = arith.cmpi eq, %iota3A, %eq3A : vector<1000x128xi32>
    %jit3A = arith.constant 0.000000e+00 : f32
    %broadcast_in_dim3A = vector.broadcast %jit3A : f32 to vector<1000x128xf32>
    %select_n3A = arith.select %eq3A_12, %get3A_1, %broadcast_in_dim3A : vector<1000x128xi1>, vector<1000x128xf32>
    %reduce_sum3A = arith.constant dense<0.000000e+00> : vector<1000xf32>
    %reduce_sum3A_13 = vector.multi_reduction <add>, %select_n3A, %reduce_sum3A [1] : vector<1000x128xf32> to vector<1000xf32>
    %broadcast_in_dim3A_14 = vector.shape_cast %reduce_sum3A_13 : vector<1000xf32> to vector<1000x1xf32>
    %log3A = math.log %broadcast_in_dim3A_14 : vector<1000x1xf32>
    %mul3A = arith.mulf %log3A, %get3A_11 : vector<1000x1xf32>
    %reduce_sum3A_15 = vector.shape_cast %mul3A : vector<1000x1xf32> to vector<1x1000x1xf32>
    %reduce_sum3A_16 = arith.constant dense<0.000000e+00> : vector<1xf32>
    %reduce_sum3A_17 = vector.multi_reduction <add>, %reduce_sum3A_15, %reduce_sum3A_16 [1, 2] : vector<1x1000x1xf32> to vector<1xf32>
    %reduce_sum3A_18 = vector.shape_cast %reduce_sum3A_17 : vector<1xf32> to vector<1x1x1xf32>
    %reduce_sum3A_19 = vector.extract %reduce_sum3A_18[0, 0, 0] : f32 from vector<1x1x1xf32>
    %reduce_sum3A_20 = vector.shape_cast %get3A_11 : vector<1000x1xf32> to vector<1x1000x1xf32>
    %reduce_sum3A_21 = arith.constant dense<0.000000e+00> : vector<1xf32>
    %reduce_sum3A_22 = vector.multi_reduction <add>, %reduce_sum3A_20, %reduce_sum3A_21 [1, 2] : vector<1x1000x1xf32> to vector<1xf32>
    %reduce_sum3A_23 = vector.shape_cast %reduce_sum3A_22 : vector<1xf32> to vector<1x1x1xf32>
    %reduce_sum3A_24 = vector.extract %reduce_sum3A_23[0, 0, 0] : f32 from vector<1x1x1xf32>
    %iota3A_25 = tpu.iota {dimensions = array<i32: 1>} : vector<1x128xi32>
    %eq3A_26 = arith.constant 0 : i32
    %eq3A_27 = vector.broadcast %eq3A_26 : i32 to vector<1x128xi32>
    %eq3A_28 = arith.cmpi eq, %iota3A_25, %eq3A_27 : vector<1x128xi32>
    %eq3A_29 = arith.constant 1 : i32
    %eq3A_30 = vector.broadcast %eq3A_29 : i32 to vector<1x128xi32>
    %eq3A_31 = arith.cmpi eq, %iota3A_25, %eq3A_30 : vector<1x128xi32>
    %jit3A_32 = arith.constant 0.000000e+00 : f32
    %broadcast_in_dim3A_33 = vector.broadcast %reduce_sum3A_24 : f32 to vector<1x128xf32>
    %broadcast_in_dim3A_34 = vector.broadcast %jit3A_32 : f32 to vector<1x128xf32>
    %select_n3A_35 = arith.select %eq3A_31, %broadcast_in_dim3A_33, %broadcast_in_dim3A_34 : vector<1x128xi1>, vector<1x128xf32>
    %broadcast_in_dim3A_36 = vector.broadcast %reduce_sum3A_19 : f32 to vector<1x128xf32>
    %select_n3A_37 = arith.select %eq3A_28, %broadcast_in_dim3A_36, %select_n3A_35 : vector<1x128xi1>, vector<1x128xf32>
    %eq3A_38 = arith.constant 0 : i32
    %eq3A_39 = arith.cmpi eq, %arg0, %eq3A_38 : i32
    %convert_element_type3A = arith.extui %eq3A_39 : i1 to i32
    %cond3A = arith.constant 0 : i32
    %cond3A_40 = arith.cmpi ne, %convert_element_type3A, %cond3A : i32
    scf.if %cond3A_40 {
      %swap3A = arith.constant 0 : index
      %swap3A_45 = arith.constant 0 : index
      %swap3A_46 = vector.load %arg4[%swap3A, %swap3A_45] : memref<1x128xf32, #tpu.memory_space<vmem>>, vector<1x128xf32>
      tpu.vector_store %arg4[%swap3A, %swap3A_45], %select_n3A_37 {strides = array<i32>} : memref<1x128xf32, #tpu.memory_space<vmem>>, vector<1x128xf32>,
    } else {
    }
    %gt3A = arith.constant 0 : i32
    %gt3A_41 = arith.cmpi sgt, %arg0, %gt3A : i32
    %convert_element_type3A_42 = arith.extui %gt3A_41 : i1 to i32
    %cond3A_43 = arith.constant 0 : i32
    %cond3A_44 = arith.cmpi ne, %convert_element_type3A_42, %cond3A_43 : i32
    scf.if %cond3A_44 {
      %get3A_45 = arith.constant 0 : index
      %get3A_46 = arith.constant 0 : index
      %get3A_47 = vector.load %arg4[%get3A_45, %get3A_46] : memref<1x128xf32, #tpu.memory_space<vmem>>, vector<1x128xf32>
      %add3A = arith.addf %get3A_47, %select_n3A_37 : vector<1x128xf32>
      %swap3A = arith.constant 0 : index
      %swap3A_48 = arith.constant 0 : index
      %swap3A_49 = vector.load %arg4[%swap3A, %swap3A_48] : memref<1x128xf32, #tpu.memory_space<vmem>>, vector<1x128xf32>
      tpu.vector_store %arg4[%swap3A, %swap3A_48], %add3A {strides = array<i32>} : memref<1x128xf32, #tpu.memory_space<vmem>>, vector<1x128xf32>,
    } else {
    }
    return
  }
  func.func @transform_0(%arg0: i32) -> (i32, i32) {
    %c0_i32 = arith.constant 0 : i32
    %c0_i32_0 = arith.constant 0 : i32
    return %arg0, %c0_i32 : i32, i32
  }
  func.func @transform_1(%arg0: i32) -> (i32, i32, i32) {
    %c0_i32 = arith.constant 0 : i32
    %c0_i32_0 = arith.constant 0 : i32
    %c0_i32_1 = arith.constant 0 : i32
    return %arg0, %c0_i32, %c0_i32_0 : i32, i32, i32
  }
  func.func @transform_2(%arg0: i32) -> (i32, i32, i32) {
    %c0_i32 = arith.constant 0 : i32
    %c0_i32_0 = arith.constant 0 : i32
    %c0_i32_1 = arith.constant 0 : i32
    return %arg0, %c0_i32, %c0_i32_0 : i32, i32, i32
  }
  func.func @transform_3(%arg0: i32) -> (i32, i32) {
    %c0_i32 = arith.constant 0 : i32
    %c0_i32_0 = arith.constant 0 : i32
    %c0_i32_1 = arith.constant 0 : i32
    return %c0_i32, %c0_i32_0 : i32, i32
  }
}

module attributes {stable_mosaic.version = 14 : i64} {
  func.func @k(%arg0: memref<1x128xf32, #tpu.memory_space<vmem>>, %arg1: memref<32x16xf32, #tpu.memory_space<vmem>>, %arg2: memref<32x16xf32, #tpu.memory_space<vmem>>, %arg3: memref<32x16xf32, #tpu.memory_space<vmem>>, %arg4: memref<1x1xf32, #tpu.memory_space<vmem>>) attributes {dimension_semantics = [], scalar_prefetch = 0 : i64, scratch_operands = 0 : i64, tpu.core_type = #tpu.core_type<tc>} {
    %get3A = arith.constant 0 : index
    %get3A_0 = arith.constant 0 : index
    %get3A_1 = vector.load %arg0[%get3A, %get3A_0] : memref<1x128xf32, #tpu.memory_space<vmem>>, vector<1x128xf32>
    %iota3A = tpu.iota {dimensions = array<i32: 1>} : vector<1x128xi32>
    %eq3A = arith.constant 0 : i32
    %eq3A_2 = vector.broadcast %eq3A : i32 to vector<1x128xi32>
    %eq3A_3 = arith.cmpi eq, %iota3A, %eq3A_2 : vector<1x128xi32>
    %jit3A = arith.constant 0.000000e+00 : f32
    %broadcast_in_dim3A = vector.broadcast %jit3A : f32 to vector<1x128xf32>
    %select_n3A = arith.select %eq3A_3, %get3A_1, %broadcast_in_dim3A : vector<1x128xi1>, vector<1x128xf32>
    %reduce_sum3A = vector.shape_cast %select_n3A : vector<1x128xf32> to vector<1x1x128xf32>
    %reduce_sum3A_4 = arith.constant dense<0.000000e+00> : vector<1xf32>
    %reduce_sum3A_5 = vector.multi_reduction <add>, %reduce_sum3A, %reduce_sum3A_4 [1, 2] : vector<1x1x128xf32> to vector<1xf32>
    %reduce_sum3A_6 = vector.shape_cast %reduce_sum3A_5 : vector<1xf32> to vector<1x1x1xf32>
    %reduce_sum3A_7 = vector.extract %reduce_sum3A_6[0, 0, 0] : f32 from vector<1x1x1xf32>
    %eq3A_8 = arith.constant 1 : i32
    %eq3A_9 = vector.broadcast %eq3A_8 : i32 to vector<1x128xi32>
    %eq3A_10 = arith.cmpi eq, %iota3A, %eq3A_9 : vector<1x128xi32>
    %jit3A_11 = arith.constant 0.000000e+00 : f32
    %broadcast_in_dim3A_12 = vector.broadcast %jit3A_11 : f32 to vector<1x128xf32>
    %select_n3A_13 = arith.select %eq3A_10, %get3A_1, %broadcast_in_dim3A_12 : vector<1x128xi1>, vector<1x128xf32>
    %reduce_sum3A_14 = vector.shape_cast %select_n3A_13 : vector<1x128xf32> to vector<1x1x128xf32>
    %reduce_sum3A_15 = arith.constant dense<0.000000e+00> : vector<1xf32>
    %reduce_sum3A_16 = vector.multi_reduction <add>, %reduce_sum3A_14, %reduce_sum3A_15 [1, 2] : vector<1x1x128xf32> to vector<1xf32>
    %reduce_sum3A_17 = vector.shape_cast %reduce_sum3A_16 : vector<1xf32> to vector<1x1x1xf32>
    %reduce_sum3A_18 = vector.extract %reduce_sum3A_17[0, 0, 0] : f32 from vector<1x1x1xf32>
    %get3A_19 = arith.constant 0 : index
    %get3A_20 = arith.constant 0 : index
    %get3A_21 = vector.load %arg1[%get3A_19, %get3A_20] : memref<32x16xf32, #tpu.memory_space<vmem>>, vector<32x16xf32>
    %reduce_sum3A_22 = vector.shape_cast %get3A_21 : vector<32x16xf32> to vector<1x32x16xf32>
    %reduce_sum3A_23 = arith.constant dense<0.000000e+00> : vector<1xf32>
    %reduce_sum3A_24 = vector.multi_reduction <add>, %reduce_sum3A_22, %reduce_sum3A_23 [1, 2] : vector<1x32x16xf32> to vector<1xf32>
    %reduce_sum3A_25 = vector.shape_cast %reduce_sum3A_24 : vector<1xf32> to vector<1x1x1xf32>
    %reduce_sum3A_26 = vector.extract %reduce_sum3A_25[0, 0, 0] : f32 from vector<1x1x1xf32>
    %mul3A = arith.constant 5.000000e-01 : f32
    %mul3A_27 = arith.mulf %mul3A, %reduce_sum3A_26 : f32
    %get3A_28 = arith.constant 0 : index
    %get3A_29 = arith.constant 0 : index
    %get3A_30 = vector.load %arg2[%get3A_28, %get3A_29] : memref<32x16xf32, #tpu.memory_space<vmem>>, vector<32x16xf32>
    %reduce_sum3A_31 = vector.shape_cast %get3A_30 : vector<32x16xf32> to vector<1x32x16xf32>
    %reduce_sum3A_32 = arith.constant dense<0.000000e+00> : vector<1xf32>
    %reduce_sum3A_33 = vector.multi_reduction <add>, %reduce_sum3A_31, %reduce_sum3A_32 [1, 2] : vector<1x32x16xf32> to vector<1xf32>
    %reduce_sum3A_34 = vector.shape_cast %reduce_sum3A_33 : vector<1xf32> to vector<1x1x1xf32>
    %reduce_sum3A_35 = vector.extract %reduce_sum3A_34[0, 0, 0] : f32 from vector<1x1x1xf32>
    %get3A_36 = arith.constant 0 : index
    %get3A_37 = arith.constant 0 : index
    %get3A_38 = vector.load %arg3[%get3A_36, %get3A_37] : memref<32x16xf32, #tpu.memory_space<vmem>>, vector<32x16xf32>
    %reduce_sum3A_39 = vector.shape_cast %get3A_38 : vector<32x16xf32> to vector<1x32x16xf32>
    %reduce_sum3A_40 = arith.constant dense<0.000000e+00> : vector<1xf32>
    %reduce_sum3A_41 = vector.multi_reduction <add>, %reduce_sum3A_39, %reduce_sum3A_40 [1, 2] : vector<1x32x16xf32> to vector<1xf32>
    %reduce_sum3A_42 = vector.shape_cast %reduce_sum3A_41 : vector<1xf32> to vector<1x1x1xf32>
    %reduce_sum3A_43 = vector.extract %reduce_sum3A_42[0, 0, 0] : f32 from vector<1x1x1xf32>
    %neg3A = arith.constant 0.000000e+00 : f32
    %neg3A_44 = arith.subf %neg3A, %reduce_sum3A_7 : f32
    %div3A = arith.divf %neg3A_44, %reduce_sum3A_18 : f32
    %mul3A_45 = arith.constant -5.000000e-01 : f32
    %mul3A_46 = arith.mulf %mul3A_45, %reduce_sum3A_43 : f32
    %div3A_47 = arith.divf %mul3A_46, %reduce_sum3A_35 : f32
    %mul3A_48 = arith.constant 1.000000e-03 : f32
    %mul3A_49 = arith.mulf %mul3A_48, %mul3A_27 : f32
    %add3A = arith.addf %div3A, %mul3A_49 : f32
    %add3A_50 = arith.addf %add3A, %div3A_47 : f32
    %broadcast_in_dim3A_51 = vector.broadcast %add3A_50 : f32 to vector<1x1xf32>
    %swap3A = arith.constant 0 : index
    %swap3A_52 = arith.constant 0 : index
    %swap3A_53 = vector.load %arg4[%swap3A, %swap3A_52] : memref<1x1xf32, #tpu.memory_space<vmem>>, vector<1x1xf32>
    tpu.vector_store %arg4[%swap3A, %swap3A_52], %broadcast_in_dim3A_51 {strides = array<i32>} : memref<1x1xf32, #tpu.memory_space<vmem>>, vector<1x1xf32>,
    return
  }
}

</mosaic_0001>

<sc_bundles>
// kernel: kernel.6.cloned.1.call-start
scs
__scs_entry_jumppad:
0x0: {  	(pc) =	sbr.rel $0x88, $3  }
0x1: {  	(tag) =	ssettag $0x0;
	lr =	simm.s32 $0x1  }
0x2: {  	[smem:$0x3F9C] =	sst lr;
	_ =	strace $0xD0000000  }
0x3: {  	_ = 	snop  }
0x4: {  	_ = 	snop  }
0x5: {  	_ = 	snop  }
0x6: {  	_ = 	snop  }
0x7: {  	_ = 	snop  }
__scs_overlays_trampoline_lowered:
0x8: {  	[smem:$0x3FAB] =	sst s0  }
0x9: {  	[smem:$0x3FAC] =	sst s1  }
0xa: {  	[smem:$0x3FAD] =	sst s2  }
0xb: {  	[smem:$0x3FAE] =	sst s3  }
0xc: {  	[smem:$0x3FAF] =	sst s4  }
0xd: {  	[smem:$0x3FB0] =	sst s5  }
0xe: {  	[smem:$0x3FB1] =	sst s6  }
0xf: {  	[smem:$0x3FB2] =	sst s7  }
0x10: {  	[smem:$0x3FB3] =	sst s8  }
0x11: {  	[smem:$0x3FB4] =	sst s9;
	s0 =	simm.s32 @!p0 $0x0  }
0x12: {  	s1 =	sld [smem:$0x3F9A];
	s0 =	simm.s32 @p0 $0x1  }
0x13: {  	[smem:$0x3FB5] =	sst s0;
	s0 =	simm.s32 @!p1 $0x0  }
0x14: {  	s2 =	sld [smem:$0x3F99];
	s0 =	simm.s32 @p1 $0x1  }
0x15: {  	[smem:$0x3FB6] =	sst s0;
	s0 =	simm.s32 @!p2 $0x0  }
0x16: {  	s3 =	sld [smem:$0x3FDB];
	s0 =	simm.s32 @p2 $0x1  }
0x17: {  	s4 =	simm.s32 $0x1BF5;
	[smem:$0x3FB8] =	sst s0  }
0x18: {  	s0 =	sld [smem:$0x3F9B];
	_ =	swait.ge [sflag:s4], $0x0  }
0x19: {  	s7 =	sld [smem:$0x3F9C]  }
0x1a: {  	s8 =	sadd.s32 $0xFFFFE003, lr  }
0x1b: {  	s9 =	sadd.s32 $0xFFFFFEF7, lr;
	s5 =	simm.s32 $0xFFFFFFFF;
	p2 =	slt.u32 s8, $0xFFFFF086  }
0x1c: {  	p1 =	slt.u32 s9, $0xF7A;
	s5 =	simm.s32 @!p2 $0x0  }
0x1d: {  	s5 =	simm.s32 @p1 $0x1;
	p0 =	seq.s32 s7, s2  }
0x1e: {  	s7 =	smul.u32 @!p0 $0xF7A, s2;
	p2 =	seq.s32 @!p0 s5, $0x0  }
0x1f: {  	s9 =	smul.u32 $0xF7A, s1;
	s8 =	simm.s32 @!p0 $0x1BF5;
	p2 =	por !p2, p0  }
0x20: {  	[sflag:s8] =	ssyncset.s32 @!p0 $0xFFFFF086;
	s6 =	sadd.s32 @!p0 s3, s7;
	s7 =	simm.s32 @!p0 $0x108  }
0x21: {  	s3 =	sadd.s32 s3, s9;
	s6 =	sadd.s32 @!p0 $0x88, s6;
	s7 =	simm.s32 @p2 $0x1082  }
0x22: {  	[simem:s7], [sflag:s8] =	dma.local @!p0 [hbm:s6], $0xF7A  }
0x23: {  	s9 =	sor.u32 $0xD0000000, s2;
	s6 =	simm.s32 $0x108;
	_ =	swait.ge @!p0 [sflag:s8], $0x0  }
0x24: {  	s3 =	sadd.s32 $0x88, s3;
	s6 =	simm.s32 @!p1 $0x1082;
	[sflag:s4] =	ssyncset.s32 $0xFFFFF086  }
0x25: {  	[simem:s6], [sflag:s4] =	dma.local [hbm:s3], $0xF7A  }
0x26: {  	[smem:$0x3F9C] =	sst s1;
	(tag) =	ssettag s2;
	_ =	strace s9  }
0x27: {  	s1 =	sld [smem:$0x3FAC]  }
0x28: {  	s2 =	sld [smem:$0x3FAD]  }
0x29: {  	s4 =	sld [smem:$0x3FAF]  }
0x2a: {  	p0 =	seq.s32 s5, $0x0;
	s5 =	sld [smem:$0x3FB0]  }
0x2b: {  	s6 =	sld [smem:$0x3FB1]  }
0x2c: {  	s7 =	sld [smem:$0x3FB2]  }
0x2d: {  	s3 =	simm.s32 $0x108;
	s8 =	sld [smem:$0x3FB3]  }
0x2e: {  	s3 =	simm.s32 @!p0 $0x1082;
	s9 =	sld [smem:$0x3FB4]  }
0x2f: {  	lr =	sadd.s32 s0, s3;
	s0 =	sld [smem:$0x3FAB]  }
0x30: {  	s3 =	sld [smem:$0x3FAE]  }
0x31: {  	[smem:$0x3FB7] =	sst s10  }
0x32: {  	s10 =	sld [smem:$0x3FB5];
	_ =	sdelay $0x3  }
0x33: {  	p0 =	seq.s32 s10, $0x1;
	s10 =	sld [smem:$0x3FB7];
	_ =	sdelay $0x3  }
0x34: {  	[smem:$0x3FB7] =	sst s10  }
0x35: {  	s10 =	sld [smem:$0x3FB6];
	_ =	sdelay $0x3  }
0x36: {  	p1 =	seq.s32 s10, $0x1;
	s10 =	sld [smem:$0x3FB7];
	_ =	sdelay $0x3  }
0x37: {  	[smem:$0x3FB7] =	sst s10  }
0x38: {  	s10 =	sld [smem:$0x3FB8]  }
0x39: {  	_ = 	snop;
	(pc) =	sbr.ind lr, $3  }
0x3a: {  	_ = 	snop  }
0x3b: {  	_ = 	snop  }
0x3c: {  	p2 =	seq.s32 s10, $0x1;
	s10 =	sld [smem:$0x3FB7]  }
0x3d: {  	_ =	shalt  }
0x3e: {  	_ =	shalt  }
0x3f: {  	_ =	shalt  }
0x40: {  	_ =	shalt  }
0x41: {  	_ =	shalt  }
0x42: {  	_ =	shalt  }
0x43: {  	_ =	shalt  }
0x44: {  	_ =	shalt  }
0x45: {  	_ =	shalt  }
0x46: {  	_ =	shalt  }
0x47: {  	_ =	shalt  }
0x48: {  	_ =	shalt  }
0x49: {  	_ =	shalt  }
0x4a: {  	_ =	shalt  }
0x4b: {  	_ =	shalt  }
0x4c: {  	_ =	shalt  }
0x4d: {  	_ =	shalt  }
0x4e: {  	_ =	shalt  }
0x4f: {  	_ =	shalt  }
0x50: {  	_ =	shalt  }
0x51: {  	_ =	shalt  }
0x52: {  	_ =	shalt  }
0x53: {  	_ =	shalt  }
0x54: {  	_ =	shalt  }
0x55: {  	_ =	shalt  }
0x56: {  	_ =	shalt  }
0x57: {  	_ =	shalt  }
0x58: {  	_ =	shalt  }
0x59: {  	_ =	shalt  }
0x5a: {  	_ =	shalt  }
0x5b: {  	_ =	shalt  }
0x5c: {  	_ =	shalt  }
0x5d: {  	_ =	shalt  }
0x5e: {  	_ =	shalt  }
0x5f: {  	_ =	shalt  }
0x60: {  	_ =	shalt  }
0x61: {  	_ =	shalt  }
0x62: {  	_ =	shalt  }
0x63: {  	_ =	shalt  }
0x64: {  	_ =	shalt  }
0x65: {  	_ =	shalt  }
0x66: {  	_ =	shalt  }
0x67: {  	_ =	shalt  }
0x68: {  	_ =	shalt  }
0x69: {  	_ =	shalt  }
0x6a: {  	_ =	shalt  }
0x6b: {  	_ =	shalt  }
0x6c: {  	_ =	shalt  }
0x6d: {  	_ =	shalt  }
0x6e: {  	_ =	shalt  }
0x6f: {  	_ =	shalt  }
0x70: {  	_ =	shalt  }
0x71: {  	_ =	shalt  }
0x72: {  	_ =	shalt  }
0x73: {  	_ =	shalt  }
0x74: {  	_ =	shalt  }
0x75: {  	_ =	shalt  }
0x76: {  	_ =	shalt  }
0x77: {  	_ =	shalt  }
0x78: {  	_ =	shalt  }
0x79: {  	_ =	shalt  }
0x7a: {  	_ =	shalt  }
0x7b: {  	_ =	shalt  }
0x7c: {  	_ =	shalt  }
0x7d: {  	_ =	shalt  }
0x7e: {  	_ =	shalt  }
0x7f: {  	_ =	shalt  }
0x80: {  	_ =	shalt  }
0x81: {  	_ =	shalt  }
0x82: {  	_ =	shalt  }
0x83: {  	_ =	shalt  }
0x84: {  	_ =	shalt  }
0x85: {  	_ =	shalt  }
0x86: {  	_ =	shalt  }
0x87: {  	_ =	shalt  }
.Lfunc_end0:
.L_simem_size_0:
called_computation.1_lowered:
.L_overlay_start_0:
0x88: {  	s2 =	sld [smem:$0x3FD9]  }
0x89: {  	s3 =	sld [smem:$0x3FFE];
	_ =	sdelay $0x1  }
0x8a: {  	s1 =	srdreg.scid  }
0x8b: {  	s0 =	sand.u32 $0x1, s1  }
0x8c: {  	s17 =	sshll.u32 s0, $0xA;
	s2 =	sadd.s32 s3, s2  }
0x8d: {  	s2 =	sadd.s32 s2, s17  }
0x8e: {  	[smem:$0x3FC3] =	sst s2  }
0x8f: {  	_ = 	snop  }
0x90: {  	s18 =	sld [smem:$0x3FC9];
	(tm) =	ssettm $0x1  }
0x91: {  	s19 =	sld [smem:$0x3FFB];
	_ =	sdelay $0x3  }
0x92: {  	_ =	strace s19  }
0x93: {  	s2 =	sld [smem:$0x3FFC];
	_ =	sdelay $0x3  }
0x94: {  	_ =	strace s2  }
0x95: {  	s2 =	sld [smem:$0x3FFD];
	_ =	sdelay $0x3  }
0x96: {  	_ =	strace s2  }
0x97: {  	_ =	strace $0x8FFFFFFF  }
0x98: {  	s20 =	sld [smem:$0x3FDB];
	_ =	sdelay $0x1  }
0x99: {  	s4 =	simm.s32 $_scs_section_size  }
0x9a: {  	s5 =	simm.s32 $_size__tile_overlayer_lowered;
	s6 =	simm.s32 $_tile_overlayer_lowered  }
0x9b: {  	s7 =	simm.s32 $0x1BFF;
	s21 =	sshll.u32 s6, $0x1;
	s4 =	sadd.s32 s4, s20  }
0x9c: {  	s22 =	simm.s32 $0x0;
	s5 =	sshll.u32 s5, $0x1;
	s6 =	sadd.s32 s21, s4  }
0x9d: {  	[timem:s22], [sflag:s7] =	dma.local [hbm:s6], s5  }
0x9e: {  	_ =	swait.ge [sflag:s7], s5  }
0x9f: {  	s5 =	ssub.s32 $0x0, s5;
	[sflag:s7] =	ssyncset.done $0x0  }
0xa0: {  	[sflag:s7] =	ssyncadd.s32 s5;
	_ =	sdelay $0x1  }
0xa1: {  	s23 =	simm.s32 $0x1B8B  }
0xa2: {  	_ =	swait.ge [sflag:s23], $0x1  }
0xa3: {  	[sflag:s23] =	ssyncset.done $0x0  }
0xa4: {  	[sflag:s23] =	ssyncadd.s32 $0xFFFFFFFF  }
0xa5: {  	s5 =	sld [smem:$0x0]  }
0xa6: {  	s6 =	sand.u32 $0xFFFFFFFE, s1  }
0xa7: {  	p0 =	sne.s32 s1, s6  }
0xa8: {  	s6 =	sshll.u32 @p0 s6, $0xE  }
0xa9: {  	s6 =	sadd.s32 @p0 $0x11B8D, s6;
	s7 =	sshll.u32 @p0 s5, $0x11  }
0xaa: {  	s6 =	sor.u32 @p0 s7, s6  }
0xab: {  	[sflag:s6] =	ssyncadd.remote.s32 @p0 $0x1;
	_ =	sdelay $0x1  }
0xac: {  	s6 =	simm.s32 @p0 $0x1B8D  }
0xad: {  	_ =	swait.eq @p0 [sflag:s6], $0x1  }
0xae: {  	[sflag:s6] =	ssyncadd.s32 @p0 $0xFFFFFFFF  }
0xaf: {  	s7 =	sshll.u32 @!p0 s1, $0xE  }
0xb0: {  	s7 =	sor.u32 @!p0 $0x4000, s7;
	s6 =	simm.s32 @!p0 $0x1B8D  }
0xb1: {  	s5 =	sshll.u32 @!p0 s5, $0x11;
	s7 =	sadd.s32 @!p0 $0x11B8D, s7;
	_ =	swait.eq @!p0 [sflag:s6], $0x1  }
0xb2: {  	s5 =	sor.u32 @!p0 s5, s7;
	[sflag:s6] =	ssyncadd.s32 @!p0 $0xFFFFFFFF  }
0xb3: {  	s25 =	simm.s32 $0x1B8E;
	s24 =	sld [smem:$0x3FFE];
	[sflag:s5] =	ssyncadd.remote.s32 @!p0 $0x1  }
0xb4: {  	s26 =	simm.s32 $execute0_lowered;
	[smem:$0x3FD2] =	sst s25  }
0xb5: {  	s6 =	sshll.u32 s26, $0x1;
	_ =	strace $0x80000049;
	[dreg:$0x1] =	wrdreg $0xFFFFFFFF  }
0xb6: {  	s28 =	simm.s32 $_size_execute0_lowered;
	s4 =	sadd.s32 s4, s6;
	[dreg:$0x0] =	wrdreg $0x0  }
0xb7: {  	s6 =	sshll.u32 s28, $0x1;
	[dreg:$0x2] =	wrdreg s4  }
0xb8: {  	[dreg:$0x3] =	wrdreg s6  }
0xb9: {  	[dreg:$0x4] =	wrdreg $0xC0  }
0xba: {  	_ =	task [dreg:s22], $0x5FFFF  }
0xbb: {  	[dreg:$0x1] =	wrdreg $0xFFFFFFFF  }
0xbc: {  	[dreg:$0x0] =	wrdreg $0x60  }
0xbd: {  	[dreg:$0x2] =	wrdreg s18  }
0xbe: {  	[dreg:$0x3] =	wrdreg s24  }
0xbf: {  	[dreg:$0x4] =	wrdreg $0x9  }
0xc0: {  	_ =	task.clear_ibuf [dreg:s22], $0x5FFFF;
	_ =	strace $0x90000049  }
0xc1: {  	s29 =	simm.s32 $0x9;
	_ =	strace $0x8000004B  }
0xc2: {  	_ =	swait.ge [sflag:s29], $0x1  }
0xc3: {  	[sflag:s29] =	ssyncadd.s32 $0xFFFFFFFF  }
0xc4: {  	_ =	strace $0x9000004B  }
0xc5: {  	_ =	sfence  }
0xc6: {  	s30 =	sld [smem:$0x0];
	_ =	sdelay $0x2  }
0xc7: {  	s31 =	sshll.u32 s1, $0xD;
	s1 =	sshrl.u32 s1, $0x2  }
0xc8: {  	s4 =	sand.u32 $0x4000, s31;
	s1 =	sadd.s32 s1, s30  }
0xc9: {  	s0 =	sor.u32 s4, s0;
	s1 =	sshll.u32 s1, $0x11  }
0xca: {  	s0 =	sor.u32 s1, s0  }
0xcb: {  	s0 =	sadd.s32 $0x8F2B, s0  }
0xcc: {  	[sflag:s0] =	ssyncadd.remote.s32 $0x1  }
0xcd: {  	_ =	sfence.sel $0xFFFF  }
0xce: {  	[dreg:$0x0] =	wrdreg $0xFFFFFFFF;
	(pc) =	sbr.abs _section_cstart, $3  }
0xcf: {  	[dreg:$0x1] =	wrdreg $0xFFFFFFFF  }
0xd0: {  	_ =	task.clear_ibuf [dreg:s22], $0x2FFFF;
	_ =	strace $0x9FFFFFFF  }
0xd1: {  	(tm) =	ssettm $0x7FFFFFFF  }
tec
execute0_lowered:
.L_overlay_start_1:
0x0: {  	(tag) =	ssettag $0x1  }
0x1: {  	s2 =	rddreg [dreg:$0x0];
	s1 =	srdreg.scid  }
0x2: {  	s0 =	stileid.u32;
	s4 =	rddreg [dreg:$0x1]  }
0x3: {  	s3 =	simm.s32 $0x0;
	s9 =	simm.s32 $0x2780;
	s10 =	simm.s32 $0x50  }
0x4: {  	s11 =	simm.s32 $0x4F00;
	s12 =	simm.s32 $0x7700;
	s13 =	simm.s32 $0x9F00  }
0x5: {  	s14 =	simm.s32 $0x27D0;
	s15 =	simm.s32 $0xC700;
	s16 =	simm.s32 $0x1  }
0x6: {  	s17 =	simm.s32 $0x2;
	s5 =	sand.u32 $0x1, s1;
	s6 =	sshll.u32 s0, $0x1  }
0x7: {  	s18 =	simm.s32 $0xEF00;
	s1 =	rddreg [dreg:$0x2];
	s6 =	sor.u32 s5, s6  }
0x8: {  	s19 =	simm.s32 $0x0;
	[smem:$0x7FF] =	sst s3;
	s7 =	smul.u32 $0x4E2, s6  }
0x9: {  	_ =	strace $0x8000004A;
	s5 =	ssub.s32 $0x2, s5;
	s6 =	sshll.u32 s6, $0x4  }
0xa: {  	s8 =	sshrl.u32 s5, $0x1;
	s6 =	sadd.s32 s6, s4;
	s7 =	sadd.s32 s7, s4  }
0xb: {  	s8 =	ssub.s32 s5, s8;
	s6 =	sadd.s32 $0x9D9800, s6;
	s4 =	sadd.s32 $0x9CFA00, s7  }
0xc: {  	s5 =	sadd.s32 $0x9C5C00, s7;
	s7 =	smax.u32 s8, $0x1;
	s8 =	simm.s32 $0x3  }
.LBB2_1:
0xd: {  	[tilespmem:s3], [sflag:$0x3] =	stream.linear.gather [hbm4b:s4+s3], $0x2710, $0x38;
	[tilespmem:$0xEF80] =	vst v63  }
0xe: {  	_ =	swait.ge [sflag:s8], $0x2710  }
0xf: {  	[sflag:s8] =	ssyncset.done $0x0  }
0x10: {  	[sflag:s8] =	ssyncadd.s32 $0xFFFFD8F0  }
0x11: {  	[tilespmem:s9], [sflag:$0x3] =	stream.linear.gather [hbm4b:s5+s3], $0x2710, $0x38;
	[tilespmem:$0xEF80] =	vst v63  }
0x12: {  	_ =	swait.ge [sflag:s8], $0x2710  }
0x13: {  	[sflag:s8] =	ssyncset.done $0x0  }
0x14: {  	[sflag:s8] =	ssyncadd.s32 $0xFFFFD8F0  }
0x15: {  	[tilespmem:s11], [sflag:$0x1] =	stream.indirect.gather [hbm4b:s2+s10], $0x80, s3, s10, $0xb8;
	[tilespmem:$0xEF80] =	vst v63  }
0x16: {  	_ = 	snop  }
0x17: {  	[tilespmem:s12], [sflag:$0x1] =	stream.indirect.gather [hbm4b:s2+s10], $0x80, s9, s10, $0xb8;
	[tilespmem:$0xEF80] =	vst v63  }
0x18: {  	_ = 	snop  }
0x19: {  	[tilespmem:s13], [sflag:$0x2] =	stream.indirect.gather [hbm4b:s2+s10], $0x80, s10, s10, $0xb8;
	[tilespmem:$0xEF80] =	vst v63  }
0x1a: {  	_ = 	snop  }
0x1b: {  	[tilespmem:s15], [sflag:$0x2] =	stream.indirect.gather [hbm4b:s2+s10], $0x80, s14, s10, $0xb8;
	[tilespmem:$0xEF80] =	vst v63  }
0x1c: {  	_ =	swait.ge [sflag:s16], $0x2800  }
0x1d: {  	[sflag:s16] =	ssyncset.done $0x0  }
0x1e: {  	[sflag:s16] =	ssyncadd.s32 $0xFFFFD800  }
0x1f: {  	_ =	swait.ge [sflag:s16], $0x2800  }
0x20: {  	[sflag:s16] =	ssyncset.done $0x0  }
0x21: {  	s21 =	simm.s32 $0x5000;
	[sflag:s16] =	ssyncadd.s32 $0xFFFFD800  }
0x22: {  	s20 =	simm.s32 $0x7800;
	v0 =	vld [tilespmem:s21+$0xFFFFFF00]  }
0x23: {  	v1 =	vld [tilespmem:s20+$0xFFFFFF00]  }
0x24: {  	v2 =	vld [tilespmem:s21+$0xFFFFFF10]  }
0x25: {  	v3 =	vld [tilespmem:s20+$0xFFFFFF10]  }
0x26: {  	v4 =	vld [tilespmem:s21+$0xFFFFFF20]  }
0x27: {  	v5 =	vld [tilespmem:s20+$0xFFFFFF20]  }
0x28: {  	v6 =	vld [tilespmem:s21+$0xFFFFFF30];
	v0 =	vsub.f32 v0, v1  }
0x29: {  	v1 =	vld [tilespmem:s20+$0xFFFFFF30]  }
0x2a: {  	v7 =	vld [tilespmem:s21+$0xFFFFFF40];
	v2 =	vsub.f32 v2, v3;
	v0 =	vmul.f32 v0, v0  }
0x2b: {  	v8 =	vimm.f32 $0.0e+00;
	v3 =	vld [tilespmem:s20+$0xFFFFFF40]  }
0x2c: {  	v9 =	vld [tilespmem:s21+$0xFFFFFF50];
	v4 =	vsub.f32 v4, v5;
	v2 =	vmul.f32 v2, v2;
	v0 =	vadd.f32 v0, v8  }
0x2d: {  	v5 =	vld [tilespmem:s20+$0xFFFFFF50]  }
0x2e: {  	v8 =	vld [tilespmem:s21+$0xFFFFFF60];
	v1 =	vsub.f32 v6, v1;
	v0 =	vadd.f32 v2, v0;
	v2 =	vmul.f32 v4, v4  }
0x2f: {  	v4 =	vld [tilespmem:s20+$0xFFFFFF60]  }
0x30: {  	v6 =	vld [tilespmem:s21+$0xFFFFFF70];
	v1 =	vmul.f32 v1, v1;
	v0 =	vadd.f32 v2, v0;
	v2 =	vsub.f32 v7, v3  }
0x31: {  	v3 =	vld [tilespmem:s20+$0xFFFFFF70]  }
0x32: {  	v7 =	vld [tilespmem:s21+$0xFFFFFF80];
	v0 =	vadd.f32 v1, v0;
	v1 =	vmul.f32 v2, v2;
	v2 =	vsub.f32 v9, v5  }
0x33: {  	v5 =	vld [tilespmem:s20+$0xFFFFFF80]  }
0x34: {  	v9 =	vld [tilespmem:s21+$0xFFFFFF90];
	v0 =	vadd.f32 v1, v0;
	v1 =	vmul.f32 v2, v2;
	v2 =	vsub.f32 v8, v4  }
0x35: {  	v4 =	vld [tilespmem:s20+$0xFFFFFF90]  }
0x36: {  	v8 =	vld [tilespmem:s21+$0xFFFFFFA0];
	v0 =	vadd.f32 v1, v0;
	v1 =	vmul.f32 v2, v2;
	v2 =	vsub.f32 v6, v3  }
0x37: {  	v3 =	vld [tilespmem:s20+$0xFFFFFFA0]  }
0x38: {  	v6 =	vld [tilespmem:s21+$0xFFFFFFB0];
	v0 =	vadd.f32 v1, v0;
	v1 =	vmul.f32 v2, v2;
	v2 =	vsub.f32 v7, v5  }
0x39: {  	v5 =	vld [tilespmem:s20+$0xFFFFFFB0]  }
0x3a: {  	v7 =	vld [tilespmem:s21+$0xFFFFFFC0];
	v0 =	vadd.f32 v1, v0;
	v1 =	vmul.f32 v2, v2;
	v2 =	vsub.f32 v9, v4  }
0x3b: {  	v4 =	vld [tilespmem:s20+$0xFFFFFFC0]  }
0x3c: {  	v9 =	vld [tilespmem:s21+$0xFFFFFFD0];
	v0 =	vadd.f32 v1, v0;
	v1 =	vmul.f32 v2, v2;
	v2 =	vsub.f32 v8, v3  }
0x3d: {  	v3 =	vld [tilespmem:s20+$0xFFFFFFD0]  }
0x3e: {  	v8 =	vld [tilespmem:s21+$0xFFFFFFE0];
	v0 =	vadd.f32 v1, v0;
	v1 =	vmul.f32 v2, v2;
	v2 =	vsub.f32 v6, v5  }
0x3f: {  	v5 =	vld [tilespmem:s20+$0xFFFFFFE0]  }
0x40: {  	v6 =	vld [tilespmem:s21+$0xFFFFFFF0];
	v0 =	vadd.f32 v1, v0;
	v1 =	vmul.f32 v2, v2;
	v2 =	vsub.f32 v7, v4  }
0x41: {  	v4 =	vld [tilespmem:s20+$0xFFFFFFF0]  }
0x42: {  	v7 =	vld [tilespmem:s21+$0x0];
	v0 =	vadd.f32 v1, v0;
	v1 =	vmul.f32 v2, v2;
	v2 =	vsub.f32 v9, v3  }
0x43: {  	v3 =	vld [tilespmem:s20+$0x0]  }
0x44: {  	v9 =	vld [tilespmem:s21+$0x10];
	v0 =	vadd.f32 v1, v0;
	v1 =	vmul.f32 v2, v2;
	v2 =	vsub.f32 v8, v5  }
0x45: {  	v5 =	vld [tilespmem:s20+$0x10]  }
0x46: {  	v8 =	vld [tilespmem:s21+$0x20];
	v0 =	vadd.f32 v1, v0;
	v1 =	vmul.f32 v2, v2;
	v2 =	vsub.f32 v6, v4  }
0x47: {  	v4 =	vld [tilespmem:s20+$0x20]  }
0x48: {  	v6 =	vld [tilespmem:s21+$0x30];
	v0 =	vadd.f32 v1, v0;
	v1 =	vmul.f32 v2, v2;
	v2 =	vsub.f32 v7, v3  }
0x49: {  	v3 =	vld [tilespmem:s20+$0x30]  }
0x4a: {  	v7 =	vld [tilespmem:s21+$0x40];
	v0 =	vadd.f32 v1, v0;
	v1 =	vmul.f32 v2, v2;
	v2 =	vsub.f32 v9, v5  }
0x4b: {  	v5 =	vld [tilespmem:s20+$0x40]  }
0x4c: {  	v9 =	vld [tilespmem:s21+$0x50];
	v0 =	vadd.f32 v1, v0;
	v1 =	vmul.f32 v2, v2;
	v2 =	vsub.f32 v8, v4  }
0x4d: {  	v4 =	vld [tilespmem:s20+$0x50]  }
0x4e: {  	v8 =	vld [tilespmem:s21+$0x60];
	v0 =	vadd.f32 v1, v0;
	v1 =	vmul.f32 v2, v2;
	v2 =	vsub.f32 v6, v3  }
0x4f: {  	v3 =	vld [tilespmem:s20+$0x60]  }
0x50: {  	v6 =	vld [tilespmem:s21+$0x70];
	v0 =	vadd.f32 v1, v0;
	v1 =	vmul.f32 v2, v2;
	v2 =	vsub.f32 v7, v5  }
0x51: {  	v5 =	vld [tilespmem:s20+$0x70]  }
0x52: {  	v7 =	vld [tilespmem:s21+$0x80];
	v0 =	vadd.f32 v1, v0;
	v1 =	vmul.f32 v2, v2;
	v2 =	vsub.f32 v9, v4  }
0x53: {  	v4 =	vld [tilespmem:s20+$0x80]  }
0x54: {  	v9 =	vld [tilespmem:s21+$0x90];
	v0 =	vadd.f32 v1, v0;
	v1 =	vmul.f32 v2, v2;
	v2 =	vsub.f32 v8, v3  }
0x55: {  	v3 =	vld [tilespmem:s20+$0x90]  }
0x56: {  	v8 =	vld [tilespmem:s21+$0xA0];
	v0 =	vadd.f32 v1, v0;
	v1 =	vmul.f32 v2, v2;
	v2 =	vsub.f32 v6, v5  }
0x57: {  	v5 =	vld [tilespmem:s20+$0xA0]  }
0x58: {  	v6 =	vld [tilespmem:s21+$0xB0];
	v0 =	vadd.f32 v1, v0;
	v1 =	vmul.f32 v2, v2;
	v2 =	vsub.f32 v7, v4  }
0x59: {  	v7 =	vld [tilespmem:s20+$0xB0]  }
0x5a: {  	v10 =	vld [tilespmem:s21+$0xC0];
	v3 =	vsub.f32 v9, v3;
	v0 =	vadd.f32 v1, v0;
	v2 =	vmul.f32 v2, v2  }
0x5b: {  	v9 =	vld [tilespmem:s20+$0xC0]  }
0x5c: {  	v4 =	vld [tilespmem:s20+$0xD0];
	v3 =	vmul.f32 v3, v3;
	v5 =	vsub.f32 v8, v5;
	v2 =	vadd.f32 v2, v0  }
0x5d: {  	v1 =	vld [tilespmem:s21+$0xD0]  }
0x5e: {  	v0 =	vld [tilespmem:s21+$0xE0];
	v5 =	vmul.f32 v5, v5;
	v7 =	vsub.f32 v6, v7;
	v8 =	vadd.f32 v3, v2  }
0x5f: {  	v3 =	vld [tilespmem:s20+$0xE0]  }
0x60: {  	v2 =	vld [tilespmem:s21+$0xF0];
	v7 =	vmul.f32 v7, v7;
	v6 =	vadd.f32 v5, v8;
	v8 =	vsub.f32 v10, v9  }
0x61: {  	s22 =	simm.s32 $0x5200;
	s21 =	simm.s32 $0x0;
	v5 =	vld [tilespmem:s20+$0xF0]  }
.LBB2_2:
0x62: {  	v9 =	vld [tilespmem:s22+$0xFFFFFF00];
	v6 =	vadd.f32 v7, v6;
	v7 =	vmul.f32 v8, v8;
	v1 =	vsub.f32 v1, v4;
	s20 =	sadd.s32 $0x200, s20  }
0x63: {  	s21 =	sadd.s32 $0x4, s21;
	v4 =	vld [tilespmem:s20+$0xFFFFFF00]  }
0x64: {  	p0 =	slt.u32 s21, $0x4C;
	v8 =	vld [tilespmem:s22+$0xFFFFFF10];
	v6 =	vadd.f32 v7, v6;
	v1 =	vmul.f32 v1, v1;
	v0 =	vsub.f32 v0, v3  }
0x65: {  	v3 =	vld [tilespmem:s20+$0xFFFFFF10]  }
0x66: {  	v7 =	vld [tilespmem:s22+$0xFFFFFF20];
	v1 =	vadd.f32 v1, v6;
	v0 =	vmul.f32 v0, v0;
	v2 =	vsub.f32 v2, v5  }
0x67: {  	v5 =	vld [tilespmem:s20+$0xFFFFFF20]  }
0x68: {  	v4 =	vsub.f32 v9, v4;
	v6 =	vld [tilespmem:s22+$0xFFFFFF30];
	v0 =	vadd.f32 v0, v1;
	v1 =	vmul.f32 v2, v2  }
0x69: {  	v2 =	vld [tilespmem:s20+$0xFFFFFF30]  }
0x6a: {  	v4 =	vmul.f32 v4, v4;
	v3 =	vsub.f32 v8, v3;
	v8 =	vld [tilespmem:s22+$0xFFFFFF40];
	v0 =	vadd.f32 v1, v0  }
0x6b: {  	v1 =	vld [tilespmem:s20+$0xFFFFFF40]  }
0x6c: {  	v0 =	vadd.f32 v4, v0;
	v3 =	vmul.f32 v3, v3;
	v4 =	vsub.f32 v7, v5;
	v5 =	vld [tilespmem:s22+$0xFFFFFF50]  }
0x6d: {  	v7 =	vld [tilespmem:s20+$0xFFFFFF50]  }
0x6e: {  	v0 =	vadd.f32 v3, v0;
	v3 =	vmul.f32 v4, v4;
	v2 =	vsub.f32 v6, v2;
	v4 =	vld [tilespmem:s22+$0xFFFFFF60]  }
0x6f: {  	v6 =	vld [tilespmem:s20+$0xFFFFFF60]  }
0x70: {  	v0 =	vadd.f32 v3, v0;
	v2 =	vmul.f32 v2, v2;
	v1 =	vsub.f32 v8, v1;
	v3 =	vld [tilespmem:s22+$0xFFFFFF70]  }
0x71: {  	v8 =	vld [tilespmem:s20+$0xFFFFFF70]  }
0x72: {  	v0 =	vadd.f32 v2, v0;
	v1 =	vmul.f32 v1, v1;
	v2 =	vsub.f32 v5, v7;
	v5 =	vld [tilespmem:s22+$0xFFFFFF80]  }
0x73: {  	v7 =	vld [tilespmem:s20+$0xFFFFFF80]  }
0x74: {  	v0 =	vadd.f32 v1, v0;
	v1 =	vmul.f32 v2, v2;
	v2 =	vsub.f32 v4, v6;
	v4 =	vld [tilespmem:s22+$0xFFFFFF90]  }
0x75: {  	v6 =	vld [tilespmem:s20+$0xFFFFFF90]  }
0x76: {  	v0 =	vadd.f32 v1, v0;
	v1 =	vmul.f32 v2, v2;
	v2 =	vsub.f32 v3, v8;
	v3 =	vld [tilespmem:s22+$0xFFFFFFA0]  }
0x77: {  	v8 =	vld [tilespmem:s20+$0xFFFFFFA0]  }
0x78: {  	v0 =	vadd.f32 v1, v0;
	v1 =	vmul.f32 v2, v2;
	v2 =	vsub.f32 v5, v7;
	v5 =	vld [tilespmem:s22+$0xFFFFFFB0]  }
0x79: {  	v7 =	vld [tilespmem:s20+$0xFFFFFFB0]  }
0x7a: {  	v0 =	vadd.f32 v1, v0;
	v1 =	vmul.f32 v2, v2;
	v2 =	vsub.f32 v4, v6;
	v4 =	vld [tilespmem:s22+$0xFFFFFFC0]  }
0x7b: {  	v6 =	vld [tilespmem:s20+$0xFFFFFFC0]  }
0x7c: {  	v0 =	vadd.f32 v1, v0;
	v1 =	vmul.f32 v2, v2;
	v2 =	vsub.f32 v3, v8;
	v3 =	vld [tilespmem:s22+$0xFFFFFFD0]  }
0x7d: {  	v8 =	vld [tilespmem:s20+$0xFFFFFFD0]  }
0x7e: {  	v0 =	vadd.f32 v1, v0;
	v1 =	vmul.f32 v2, v2;
	v2 =	vsub.f32 v5, v7;
	v5 =	vld [tilespmem:s22+$0xFFFFFFE0]  }
0x7f: {  	v7 =	vld [tilespmem:s20+$0xFFFFFFE0]  }
0x80: {  	v0 =	vadd.f32 v1, v0;
	v1 =	vmul.f32 v2, v2;
	v2 =	vsub.f32 v4, v6;
	v4 =	vld [tilespmem:s22+$0xFFFFFFF0]  }
0x81: {  	v6 =	vld [tilespmem:s20+$0xFFFFFFF0]  }
0x82: {  	v0 =	vadd.f32 v1, v0;
	v1 =	vmul.f32 v2, v2;
	v2 =	vsub.f32 v3, v8;
	v3 =	vld [tilespmem:s22+$0x0]  }
0x83: {  	v8 =	vld [tilespmem:s20+$0x0]  }
0x84: {  	v0 =	vadd.f32 v1, v0;
	v1 =	vmul.f32 v2, v2;
	v2 =	vsub.f32 v5, v7;
	v5 =	vld [tilespmem:s22+$0x10]  }
0x85: {  	v7 =	vld [tilespmem:s20+$0x10]  }
0x86: {  	v0 =	vadd.f32 v1, v0;
	v1 =	vmul.f32 v2, v2;
	v2 =	vsub.f32 v4, v6;
	v4 =	vld [tilespmem:s22+$0x20]  }
0x87: {  	v6 =	vld [tilespmem:s20+$0x20]  }
0x88: {  	v0 =	vadd.f32 v1, v0;
	v1 =	vmul.f32 v2, v2;
	v2 =	vsub.f32 v3, v8;
	v3 =	vld [tilespmem:s22+$0x30]  }
0x89: {  	v8 =	vld [tilespmem:s20+$0x30]  }
0x8a: {  	v0 =	vadd.f32 v1, v0;
	v1 =	vmul.f32 v2, v2;
	v2 =	vsub.f32 v5, v7;
	v5 =	vld [tilespmem:s22+$0x40]  }
0x8b: {  	v7 =	vld [tilespmem:s20+$0x40]  }
0x8c: {  	v0 =	vadd.f32 v1, v0;
	v1 =	vmul.f32 v2, v2;
	v2 =	vsub.f32 v4, v6;
	v4 =	vld [tilespmem:s22+$0x50]  }
0x8d: {  	v6 =	vld [tilespmem:s20+$0x50]  }
0x8e: {  	v0 =	vadd.f32 v1, v0;
	v1 =	vmul.f32 v2, v2;
	v2 =	vsub.f32 v3, v8;
	v3 =	vld [tilespmem:s22+$0x60]  }
0x8f: {  	v8 =	vld [tilespmem:s20+$0x60]  }
0x90: {  	v0 =	vadd.f32 v1, v0;
	v1 =	vmul.f32 v2, v2;
	v2 =	vsub.f32 v5, v7;
	v5 =	vld [tilespmem:s22+$0x70]  }
0x91: {  	v7 =	vld [tilespmem:s20+$0x70]  }
0x92: {  	v0 =	vadd.f32 v1, v0;
	v1 =	vmul.f32 v2, v2;
	v2 =	vsub.f32 v4, v6;
	v4 =	vld [tilespmem:s22+$0x80]  }
0x93: {  	v6 =	vld [tilespmem:s20+$0x80]  }
0x94: {  	v0 =	vadd.f32 v1, v0;
	v1 =	vmul.f32 v2, v2;
	v2 =	vsub.f32 v3, v8;
	v3 =	vld [tilespmem:s22+$0x90]  }
0x95: {  	v8 =	vld [tilespmem:s20+$0x90]  }
0x96: {  	v0 =	vadd.f32 v1, v0;
	v1 =	vmul.f32 v2, v2;
	v2 =	vsub.f32 v5, v7;
	v5 =	vld [tilespmem:s22+$0xA0]  }
0x97: {  	v7 =	vld [tilespmem:s20+$0xA0]  }
0x98: {  	v0 =	vadd.f32 v1, v0;
	v1 =	vmul.f32 v2, v2;
	v2 =	vsub.f32 v4, v6;
	v6 =	vld [tilespmem:s22+$0xB0]  }
0x99: {  	v9 =	vld [tilespmem:s20+$0xB0]  }
0x9a: {  	v0 =	vadd.f32 v1, v0;
	v1 =	vmul.f32 v2, v2;
	v2 =	vsub.f32 v3, v8;
	v8 =	vld [tilespmem:s22+$0xC0]  }
0x9b: {  	v10 =	vld [tilespmem:s20+$0xC0]  }
0x9c: {  	v0 =	vadd.f32 v1, v0;
	v2 =	vmul.f32 v2, v2;
	v3 =	vsub.f32 v5, v7;
	v1 =	vld [tilespmem:s22+$0xD0]  }
.Ltmp0:
0x9d: {  	v4 =	vld [tilespmem:s20+$0xD0];
	(pc) =	sbr.rel @p0 .LBB2_2-.Ltmp0, $4  }
0x9e: {  	v2 =	vadd.f32 v2, v0;
	v5 =	vmul.f32 v3, v3;
	v7 =	vsub.f32 v6, v9;
	v0 =	vld [tilespmem:s22+$0xE0]  }
0x9f: {  	v3 =	vld [tilespmem:s20+$0xE0]  }
0xa0: {  	v6 =	vadd.f32 v5, v2;
	v7 =	vmul.f32 v7, v7;
	v8 =	vsub.f32 v8, v10;
	v2 =	vld [tilespmem:s22+$0xF0]  }
0xa1: {  	s22 =	sadd.s32 $0x200, s22;
	v5 =	vld [tilespmem:s20+$0xF0]  }
0xa2: {  	v6 =	vadd.f32 v7, v6;
	v62 =	vmul.f32 v8, v8;
	v1 =	vsub.f32 v1, v4;
	_ =	sdelay $0x1  }
0xa3: {  	v63 =	vadd.f32 v62, v6;
	v1 =	vmul.f32 v1, v1;
	v0 =	vsub.f32 v0, v3;
	_ =	sdelay $0x1  }
0xa4: {  	v1 =	vadd.f32 v1, v63;
	v0 =	vmul.f32 v0, v0;
	v2 =	vsub.f32 v2, v5;
	_ =	sdelay $0x1  }
0xa5: {  	v0 =	vadd.f32 v0, v1;
	v1 =	vmul.f32 v2, v2;
	_ =	sdelay $0x1  }
0xa6: {  	s20 =	simm.s32 $0x0;
	v0 =	vadd.f32 v1, v0  }
.LBB2_4:
0xa7: {  	s21 =	smul.u32 $0xA0, s20;
	_ =	sdelay $0x1  }
0xa8: {  	s22 =	sadd.s32 $0xA0, s21  }
0xa9: {  	[tilespmem:s11], [sflag:$0x1] =	stream.indirect.gather [hbm4b:s2+s10], $0x80, s22, s10, $0xb8;
	[tilespmem:$0xEF80] =	vst v63  }
0xaa: {  	s31 =	sadd.s32 $0x2820, s21  }
0xab: {  	[tilespmem:s12], [sflag:$0x1] =	stream.indirect.gather [hbm4b:s2+s10], $0x80, s31, s10, $0xb8;
	[tilespmem:$0xEF80] =	vst v63  }
0xac: {  	_ =	swait.ge [sflag:s17], $0x2800  }
0xad: {  	[sflag:s17] =	ssyncset.done $0x0  }
0xae: {  	[sflag:s17] =	ssyncadd.s32 $0xFFFFD800  }
0xaf: {  	_ =	swait.ge [sflag:s17], $0x2800  }
0xb0: {  	[sflag:s17] =	ssyncset.done $0x0  }
0xb1: {  	s23 =	simm.s32 $0xA000;
	[sflag:s17] =	ssyncadd.s32 $0xFFFFD800  }
0xb2: {  	s22 =	simm.s32 $0xC800;
	v1 =	vld [tilespmem:s23+$0xFFFFFF00]  }
0xb3: {  	v2 =	vld [tilespmem:s22+$0xFFFFFF00]  }
0xb4: {  	v3 =	vld [tilespmem:s23+$0xFFFFFF10]  }
0xb5: {  	v4 =	vld [tilespmem:s22+$0xFFFFFF10]  }
0xb6: {  	v5 =	vld [tilespmem:s23+$0xFFFFFF20]  }
0xb7: {  	v6 =	vld [tilespmem:s22+$0xFFFFFF20]  }
0xb8: {  	v7 =	vld [tilespmem:s23+$0xFFFFFF30];
	v1 =	vsub.f32 v1, v2  }
0xb9: {  	v2 =	vld [tilespmem:s22+$0xFFFFFF30]  }
0xba: {  	v8 =	vld [tilespmem:s23+$0xFFFFFF40];
	v3 =	vsub.f32 v3, v4;
	v1 =	vmul.f32 v1, v1  }
0xbb: {  	v4 =	vld [tilespmem:s22+$0xFFFFFF40]  }
0xbc: {  	v9 =	vld [tilespmem:s23+$0xFFFFFF50];
	v0 =	vadd.f32 v1, v0;
	v1 =	vmul.f32 v3, v3;
	v3 =	vsub.f32 v5, v6  }
0xbd: {  	v5 =	vld [tilespmem:s22+$0xFFFFFF50]  }
0xbe: {  	v6 =	vld [tilespmem:s23+$0xFFFFFF60];
	v2 =	vsub.f32 v7, v2;
	v0 =	vadd.f32 v1, v0;
	v1 =	vmul.f32 v3, v3  }
0xbf: {  	v3 =	vld [tilespmem:s22+$0xFFFFFF60]  }
0xc0: {  	v7 =	vld [tilespmem:s23+$0xFFFFFF70];
	v0 =	vadd.f32 v1, v0;
	v1 =	vmul.f32 v2, v2;
	v2 =	vsub.f32 v8, v4  }
0xc1: {  	v4 =	vld [tilespmem:s22+$0xFFFFFF70]  }
0xc2: {  	v8 =	vld [tilespmem:s23+$0xFFFFFF80];
	v0 =	vadd.f32 v1, v0;
	v1 =	vmul.f32 v2, v2;
	v2 =	vsub.f32 v9, v5  }
0xc3: {  	v5 =	vld [tilespmem:s22+$0xFFFFFF80]  }
0xc4: {  	v9 =	vld [tilespmem:s23+$0xFFFFFF90];
	v0 =	vadd.f32 v1, v0;
	v1 =	vmul.f32 v2, v2;
	v2 =	vsub.f32 v6, v3  }
0xc5: {  	v3 =	vld [tilespmem:s22+$0xFFFFFF90]  }
0xc6: {  	v6 =	vld [tilespmem:s23+$0xFFFFFFA0];
	v0 =	vadd.f32 v1, v0;
	v1 =	vmul.f32 v2, v2;
	v2 =	vsub.f32 v7, v4  }
0xc7: {  	v4 =	vld [tilespmem:s22+$0xFFFFFFA0]  }
0xc8: {  	v7 =	vld [tilespmem:s23+$0xFFFFFFB0];
	v0 =	vadd.f32 v1, v0;
	v1 =	vmul.f32 v2, v2;
	v2 =	vsub.f32 v8, v5  }
0xc9: {  	v5 =	vld [tilespmem:s22+$0xFFFFFFB0]  }
0xca: {  	v8 =	vld [tilespmem:s23+$0xFFFFFFC0];
	v0 =	vadd.f32 v1, v0;
	v1 =	vmul.f32 v2, v2;
	v2 =	vsub.f32 v9, v3  }
0xcb: {  	v3 =	vld [tilespmem:s22+$0xFFFFFFC0]  }
0xcc: {  	v9 =	vld [tilespmem:s23+$0xFFFFFFD0];
	v0 =	vadd.f32 v1, v0;
	v1 =	vmul.f32 v2, v2;
	v2 =	vsub.f32 v6, v4  }
0xcd: {  	v4 =	vld [tilespmem:s22+$0xFFFFFFD0]  }
0xce: {  	v6 =	vld [tilespmem:s23+$0xFFFFFFE0];
	v0 =	vadd.f32 v1, v0;
	v1 =	vmul.f32 v2, v2;
	v2 =	vsub.f32 v7, v5  }
0xcf: {  	v5 =	vld [tilespmem:s22+$0xFFFFFFE0]  }
0xd0: {  	v7 =	vld [tilespmem:s23+$0xFFFFFFF0];
	v0 =	vadd.f32 v1, v0;
	v1 =	vmul.f32 v2, v2;
	v2 =	vsub.f32 v8, v3  }
0xd1: {  	v3 =	vld [tilespmem:s22+$0xFFFFFFF0]  }
0xd2: {  	v8 =	vld [tilespmem:s23+$0x0];
	v0 =	vadd.f32 v1, v0;
	v1 =	vmul.f32 v2, v2;
	v2 =	vsub.f32 v9, v4  }
0xd3: {  	v4 =	vld [tilespmem:s22+$0x0]  }
0xd4: {  	v9 =	vld [tilespmem:s23+$0x10];
	v0 =	vadd.f32 v1, v0;
	v1 =	vmul.f32 v2, v2;
	v2 =	vsub.f32 v6, v5  }
0xd5: {  	v5 =	vld [tilespmem:s22+$0x10]  }
0xd6: {  	v6 =	vld [tilespmem:s23+$0x20];
	v0 =	vadd.f32 v1, v0;
	v1 =	vmul.f32 v2, v2;
	v2 =	vsub.f32 v7, v3  }
0xd7: {  	v3 =	vld [tilespmem:s22+$0x20]  }
0xd8: {  	v7 =	vld [tilespmem:s23+$0x30];
	v0 =	vadd.f32 v1, v0;
	v1 =	vmul.f32 v2, v2;
	v2 =	vsub.f32 v8, v4  }
0xd9: {  	v4 =	vld [tilespmem:s22+$0x30]  }
0xda: {  	v8 =	vld [tilespmem:s23+$0x40];
	v0 =	vadd.f32 v1, v0;
	v1 =	vmul.f32 v2, v2;
	v2 =	vsub.f32 v9, v5  }
0xdb: {  	v5 =	vld [tilespmem:s22+$0x40]  }
0xdc: {  	v9 =	vld [tilespmem:s23+$0x50];
	v0 =	vadd.f32 v1, v0;
	v1 =	vmul.f32 v2, v2;
	v2 =	vsub.f32 v6, v3  }
0xdd: {  	v3 =	vld [tilespmem:s22+$0x50]  }
0xde: {  	v6 =	vld [tilespmem:s23+$0x60];
	v0 =	vadd.f32 v1, v0;
	v1 =	vmul.f32 v2, v2;
	v2 =	vsub.f32 v7, v4  }
0xdf: {  	v4 =	vld [tilespmem:s22+$0x60]  }
0xe0: {  	v7 =	vld [tilespmem:s23+$0x70];
	v0 =	vadd.f32 v1, v0;
	v1 =	vmul.f32 v2, v2;
	v2 =	vsub.f32 v8, v5  }
0xe1: {  	v5 =	vld [tilespmem:s22+$0x70]  }
0xe2: {  	v8 =	vld [tilespmem:s23+$0x80];
	v0 =	vadd.f32 v1, v0;
	v1 =	vmul.f32 v2, v2;
	v2 =	vsub.f32 v9, v3  }
0xe3: {  	v3 =	vld [tilespmem:s22+$0x80]  }
0xe4: {  	v9 =	vld [tilespmem:s23+$0x90];
	v0 =	vadd.f32 v1, v0;
	v1 =	vmul.f32 v2, v2;
	v2 =	vsub.f32 v6, v4  }
0xe5: {  	v4 =	vld [tilespmem:s22+$0x90]  }
0xe6: {  	v6 =	vld [tilespmem:s23+$0xA0];
	v0 =	vadd.f32 v1, v0;
	v1 =	vmul.f32 v2, v2;
	v2 =	vsub.f32 v7, v5  }
0xe7: {  	v5 =	vld [tilespmem:s22+$0xA0]  }
0xe8: {  	v7 =	vld [tilespmem:s23+$0xB0];
	v0 =	vadd.f32 v1, v0;
	v1 =	vmul.f32 v2, v2;
	v2 =	vsub.f32 v8, v3  }
0xe9: {  	v3 =	vld [tilespmem:s22+$0xB0]  }
0xea: {  	v8 =	vld [tilespmem:s23+$0xC0];
	v4 =	vsub.f32 v9, v4;
	v0 =	vadd.f32 v1, v0;
	v1 =	vmul.f32 v2, v2  }
0xeb: {  	v9 =	vld [tilespmem:s22+$0xC0]  }
0xec: {  	v2 =	vld [tilespmem:s23+$0xD0];
	v4 =	vmul.f32 v4, v4;
	v6 =	vsub.f32 v6, v5;
	v1 =	vadd.f32 v1, v0  }
0xed: {  	v5 =	vld [tilespmem:s22+$0xD0]  }
0xee: {  	v0 =	vld [tilespmem:s23+$0xE0];
	v6 =	vmul.f32 v6, v6;
	v7 =	vsub.f32 v7, v3;
	v4 =	vadd.f32 v4, v1  }
0xef: {  	v3 =	vld [tilespmem:s22+$0xE0]  }
0xf0: {  	v1 =	vld [tilespmem:s23+$0xF0];
	v8 =	vsub.f32 v8, v9;
	v7 =	vmul.f32 v7, v7;
	v6 =	vadd.f32 v6, v4  }
0xf1: {  	s24 =	simm.s32 $0xA200;
	s23 =	simm.s32 $0x0;
	v4 =	vld [tilespmem:s22+$0xF0]  }
.LBB2_5:
0xf2: {  	v9 =	vld [tilespmem:s24+$0xFFFFFF00];
	v6 =	vadd.f32 v7, v6;
	v7 =	vmul.f32 v8, v8;
	v2 =	vsub.f32 v2, v5;
	s22 =	sadd.s32 $0x200, s22  }
0xf3: {  	s23 =	sadd.s32 $0x4, s23;
	v5 =	vld [tilespmem:s22+$0xFFFFFF00]  }
0xf4: {  	p0 =	slt.u32 s23, $0x4C;
	v8 =	vld [tilespmem:s24+$0xFFFFFF10];
	v6 =	vadd.f32 v7, v6;
	v2 =	vmul.f32 v2, v2;
	v0 =	vsub.f32 v0, v3  }
0xf5: {  	v3 =	vld [tilespmem:s22+$0xFFFFFF10]  }
0xf6: {  	v7 =	vld [tilespmem:s24+$0xFFFFFF20];
	v2 =	vadd.f32 v2, v6;
	v0 =	vmul.f32 v0, v0;
	v1 =	vsub.f32 v1, v4  }
0xf7: {  	v4 =	vld [tilespmem:s22+$0xFFFFFF20]  }
0xf8: {  	v5 =	vsub.f32 v9, v5;
	v6 =	vld [tilespmem:s24+$0xFFFFFF30];
	v0 =	vadd.f32 v0, v2;
	v1 =	vmul.f32 v1, v1  }
0xf9: {  	v2 =	vld [tilespmem:s22+$0xFFFFFF30]  }
0xfa: {  	v5 =	vmul.f32 v5, v5;
	v3 =	vsub.f32 v8, v3;
	v8 =	vld [tilespmem:s24+$0xFFFFFF40];
	v0 =	vadd.f32 v1, v0  }
0xfb: {  	v1 =	vld [tilespmem:s22+$0xFFFFFF40]  }
0xfc: {  	v0 =	vadd.f32 v5, v0;
	v3 =	vmul.f32 v3, v3;
	v4 =	vsub.f32 v7, v4;
	v5 =	vld [tilespmem:s24+$0xFFFFFF50]  }
0xfd: {  	v7 =	vld [tilespmem:s22+$0xFFFFFF50]  }
0xfe: {  	v0 =	vadd.f32 v3, v0;
	v3 =	vmul.f32 v4, v4;
	v2 =	vsub.f32 v6, v2;
	v4 =	vld [tilespmem:s24+$0xFFFFFF60]  }
0xff: {  	v6 =	vld [tilespmem:s22+$0xFFFFFF60]  }
0x100: {  	v0 =	vadd.f32 v3, v0;
	v2 =	vmul.f32 v2, v2;
	v1 =	vsub.f32 v8, v1;
	v3 =	vld [tilespmem:s24+$0xFFFFFF70]  }
0x101: {  	v8 =	vld [tilespmem:s22+$0xFFFFFF70]  }
0x102: {  	v0 =	vadd.f32 v2, v0;
	v1 =	vmul.f32 v1, v1;
	v2 =	vsub.f32 v5, v7;
	v5 =	vld [tilespmem:s24+$0xFFFFFF80]  }
0x103: {  	v7 =	vld [tilespmem:s22+$0xFFFFFF80]  }
0x104: {  	v0 =	vadd.f32 v1, v0;
	v1 =	vmul.f32 v2, v2;
	v2 =	vsub.f32 v4, v6;
	v4 =	vld [tilespmem:s24+$0xFFFFFF90]  }
0x105: {  	v6 =	vld [tilespmem:s22+$0xFFFFFF90]  }
0x106: {  	v0 =	vadd.f32 v1, v0;
	v1 =	vmul.f32 v2, v2;
	v2 =	vsub.f32 v3, v8;
	v3 =	vld [tilespmem:s24+$0xFFFFFFA0]  }
0x107: {  	v8 =	vld [tilespmem:s22+$0xFFFFFFA0]  }
0x108: {  	v0 =	vadd.f32 v1, v0;
	v1 =	vmul.f32 v2, v2;
	v2 =	vsub.f32 v5, v7;
	v5 =	vld [tilespmem:s24+$0xFFFFFFB0]  }
0x109: {  	v7 =	vld [tilespmem:s22+$0xFFFFFFB0]  }
0x10a: {  	v0 =	vadd.f32 v1, v0;
	v1 =	vmul.f32 v2, v2;
	v2 =	vsub.f32 v4, v6;
	v4 =	vld [tilespmem:s24+$0xFFFFFFC0]  }
0x10b: {  	v6 =	vld [tilespmem:s22+$0xFFFFFFC0]  }
0x10c: {  	v0 =	vadd.f32 v1, v0;
	v1 =	vmul.f32 v2, v2;
	v2 =	vsub.f32 v3, v8;
	v3 =	vld [tilespmem:s24+$0xFFFFFFD0]  }
0x10d: {  	v8 =	vld [tilespmem:s22+$0xFFFFFFD0]  }
0x10e: {  	v0 =	vadd.f32 v1, v0;
	v1 =	vmul.f32 v2, v2;
	v2 =	vsub.f32 v5, v7;
	v5 =	vld [tilespmem:s24+$0xFFFFFFE0]  }
0x10f: {  	v7 =	vld [tilespmem:s22+$0xFFFFFFE0]  }
0x110: {  	v0 =	vadd.f32 v1, v0;
	v1 =	vmul.f32 v2, v2;
	v2 =	vsub.f32 v4, v6;
	v4 =	vld [tilespmem:s24+$0xFFFFFFF0]  }
0x111: {  	v6 =	vld [tilespmem:s22+$0xFFFFFFF0]  }
0x112: {  	v0 =	vadd.f32 v1, v0;
	v1 =	vmul.f32 v2, v2;
	v2 =	vsub.f32 v3, v8;
	v3 =	vld [tilespmem:s24+$0x0]  }
0x113: {  	v8 =	vld [tilespmem:s22+$0x0]  }
0x114: {  	v0 =	vadd.f32 v1, v0;
	v1 =	vmul.f32 v2, v2;
	v2 =	vsub.f32 v5, v7;
	v5 =	vld [tilespmem:s24+$0x10]  }
0x115: {  	v7 =	vld [tilespmem:s22+$0x10]  }
0x116: {  	v0 =	vadd.f32 v1, v0;
	v1 =	vmul.f32 v2, v2;
	v2 =	vsub.f32 v4, v6;
	v4 =	vld [tilespmem:s24+$0x20]  }
0x117: {  	v6 =	vld [tilespmem:s22+$0x20]  }
0x118: {  	v0 =	vadd.f32 v1, v0;
	v1 =	vmul.f32 v2, v2;
	v2 =	vsub.f32 v3, v8;
	v3 =	vld [tilespmem:s24+$0x30]  }
0x119: {  	v8 =	vld [tilespmem:s22+$0x30]  }
0x11a: {  	v0 =	vadd.f32 v1, v0;
	v1 =	vmul.f32 v2, v2;
	v2 =	vsub.f32 v5, v7;
	v5 =	vld [tilespmem:s24+$0x40]  }
0x11b: {  	v7 =	vld [tilespmem:s22+$0x40]  }
0x11c: {  	v0 =	vadd.f32 v1, v0;
	v1 =	vmul.f32 v2, v2;
	v2 =	vsub.f32 v4, v6;
	v4 =	vld [tilespmem:s24+$0x50]  }
0x11d: {  	v6 =	vld [tilespmem:s22+$0x50]  }
0x11e: {  	v0 =	vadd.f32 v1, v0;
	v1 =	vmul.f32 v2, v2;
	v2 =	vsub.f32 v3, v8;
	v3 =	vld [tilespmem:s24+$0x60]  }
0x11f: {  	v8 =	vld [tilespmem:s22+$0x60]  }
0x120: {  	v0 =	vadd.f32 v1, v0;
	v1 =	vmul.f32 v2, v2;
	v2 =	vsub.f32 v5, v7;
	v5 =	vld [tilespmem:s24+$0x70]  }
0x121: {  	v7 =	vld [tilespmem:s22+$0x70]  }
0x122: {  	v0 =	vadd.f32 v1, v0;
	v1 =	vmul.f32 v2, v2;
	v2 =	vsub.f32 v4, v6;
	v4 =	vld [tilespmem:s24+$0x80]  }
0x123: {  	v6 =	vld [tilespmem:s22+$0x80]  }
0x124: {  	v0 =	vadd.f32 v1, v0;
	v1 =	vmul.f32 v2, v2;
	v2 =	vsub.f32 v3, v8;
	v3 =	vld [tilespmem:s24+$0x90]  }
0x125: {  	v8 =	vld [tilespmem:s22+$0x90]  }
0x126: {  	v0 =	vadd.f32 v1, v0;
	v1 =	vmul.f32 v2, v2;
	v2 =	vsub.f32 v5, v7;
	v5 =	vld [tilespmem:s24+$0xA0]  }
0x127: {  	v7 =	vld [tilespmem:s22+$0xA0]  }
0x128: {  	v0 =	vadd.f32 v1, v0;
	v1 =	vmul.f32 v2, v2;
	v2 =	vsub.f32 v4, v6;
	v4 =	vld [tilespmem:s24+$0xB0]  }
0x129: {  	v6 =	vld [tilespmem:s22+$0xB0]  }
0x12a: {  	v0 =	vadd.f32 v1, v0;
	v1 =	vmul.f32 v2, v2;
	v2 =	vsub.f32 v3, v8;
	v8 =	vld [tilespmem:s24+$0xC0]  }
0x12b: {  	v9 =	vld [tilespmem:s22+$0xC0]  }
0x12c: {  	v0 =	vadd.f32 v1, v0;
	v1 =	vmul.f32 v2, v2;
	v3 =	vsub.f32 v5, v7;
	v2 =	vld [tilespmem:s24+$0xD0]  }
.Ltmp1:
0x12d: {  	v5 =	vld [tilespmem:s22+$0xD0];
	(pc) =	sbr.rel @p0 .LBB2_5-.Ltmp1, $4  }
0x12e: {  	v1 =	vadd.f32 v1, v0;
	v7 =	vmul.f32 v3, v3;
	v4 =	vsub.f32 v4, v6;
	v0 =	vld [tilespmem:s24+$0xE0]  }
0x12f: {  	v3 =	vld [tilespmem:s22+$0xE0]  }
0x130: {  	v6 =	vadd.f32 v7, v1;
	v7 =	vmul.f32 v4, v4;
	v8 =	vsub.f32 v8, v9;
	v1 =	vld [tilespmem:s24+$0xF0]  }
0x131: {  	s24 =	sadd.s32 $0x200, s24;
	v4 =	vld [tilespmem:s22+$0xF0]  }
0x132: {  	p0 =	seq.s32 s20, $0x3D  }
0x133: {  	s22 =	sadd.s32 @!p0 $0xF0, s21;
	s23 =	simm.s32 @!p0 $0x50;
	s24 =	simm.s32 @!p0 $0x9F00  }
0x134: {  	[tilespmem:s24], [sflag:$0x2] =	stream.indirect.gather @!p0 [hbm4b:s2+s23], $0x80, s22, s23, $0xb8;
	[tilespmem:$0xEF80] =	vst v63  }
0x135: {  	s21 =	sadd.s32 @!p0 $0x2870, s21;
	s22 =	simm.s32 @!p0 $0xC700  }
0x136: {  	[tilespmem:s22], [sflag:$0x2] =	stream.indirect.gather @!p0 [hbm4b:s2+s23], $0x80, s21, s23, $0xb8;
	[tilespmem:$0xEF80] =	vst v63  }
0x137: {  	_ =	swait.ge [sflag:s16], $0x2800  }
0x138: {  	[sflag:s16] =	ssyncset.done $0x0  }
0x139: {  	[sflag:s16] =	ssyncadd.s32 $0xFFFFD800  }
0x13a: {  	_ =	swait.ge [sflag:s16], $0x2800  }
0x13b: {  	[sflag:s16] =	ssyncset.done $0x0  }
0x13c: {  	s31 =	simm.s32 $0x5000;
	[sflag:s16] =	ssyncadd.s32 $0xFFFFD800  }
0x13d: {  	v6 =	vadd.f32 v7, v6;
	v7 =	vmul.f32 v8, v8;
	v2 =	vsub.f32 v2, v5;
	s21 =	simm.s32 $0x7800;
	v9 =	vld [tilespmem:s31+$0xFFFFFF00]  }
0x13e: {  	v5 =	vld [tilespmem:s21+$0xFFFFFF00]  }
0x13f: {  	v6 =	vadd.f32 v7, v6;
	v2 =	vmul.f32 v2, v2;
	v0 =	vsub.f32 v0, v3;
	v8 =	vld [tilespmem:s31+$0xFFFFFF10]  }
0x140: {  	v3 =	vld [tilespmem:s21+$0xFFFFFF10]  }
0x141: {  	v2 =	vadd.f32 v2, v6;
	v0 =	vmul.f32 v0, v0;
	v1 =	vsub.f32 v1, v4;
	v7 =	vld [tilespmem:s31+$0xFFFFFF20]  }
0x142: {  	v4 =	vld [tilespmem:s21+$0xFFFFFF20]  }
0x143: {  	v0 =	vadd.f32 v0, v2;
	v1 =	vmul.f32 v1, v1;
	v6 =	vld [tilespmem:s31+$0xFFFFFF30];
	v2 =	vsub.f32 v9, v5  }
0x144: {  	v5 =	vld [tilespmem:s21+$0xFFFFFF30]  }
0x145: {  	v0 =	vadd.f32 v1, v0;
	v9 =	vld [tilespmem:s31+$0xFFFFFF40];
	v1 =	vmul.f32 v2, v2;
	v2 =	vsub.f32 v8, v3  }
0x146: {  	v3 =	vld [tilespmem:s21+$0xFFFFFF40]  }
0x147: {  	v8 =	vld [tilespmem:s31+$0xFFFFFF50];
	v0 =	vadd.f32 v1, v0;
	v1 =	vmul.f32 v2, v2;
	v2 =	vsub.f32 v7, v4  }
0x148: {  	v4 =	vld [tilespmem:s21+$0xFFFFFF50]  }
0x149: {  	v7 =	vld [tilespmem:s31+$0xFFFFFF60];
	v0 =	vadd.f32 v1, v0;
	v1 =	vmul.f32 v2, v2;
	v2 =	vsub.f32 v6, v5  }
0x14a: {  	v5 =	vld [tilespmem:s21+$0xFFFFFF60]  }
0x14b: {  	v6 =	vld [tilespmem:s31+$0xFFFFFF70];
	v0 =	vadd.f32 v1, v0;
	v1 =	vmul.f32 v2, v2;
	v2 =	vsub.f32 v9, v3  }
0x14c: {  	v3 =	vld [tilespmem:s21+$0xFFFFFF70]  }
0x14d: {  	v9 =	vld [tilespmem:s31+$0xFFFFFF80];
	v0 =	vadd.f32 v1, v0;
	v1 =	vmul.f32 v2, v2;
	v2 =	vsub.f32 v8, v4  }
0x14e: {  	v4 =	vld [tilespmem:s21+$0xFFFFFF80]  }
0x14f: {  	v8 =	vld [tilespmem:s31+$0xFFFFFF90];
	v0 =	vadd.f32 v1, v0;
	v1 =	vmul.f32 v2, v2;
	v2 =	vsub.f32 v7, v5  }
0x150: {  	v5 =	vld [tilespmem:s21+$0xFFFFFF90]  }
0x151: {  	v7 =	vld [tilespmem:s31+$0xFFFFFFA0];
	v0 =	vadd.f32 v1, v0;
	v1 =	vmul.f32 v2, v2;
	v2 =	vsub.f32 v6, v3  }
0x152: {  	v3 =	vld [tilespmem:s21+$0xFFFFFFA0]  }
0x153: {  	v6 =	vld [tilespmem:s31+$0xFFFFFFB0];
	v0 =	vadd.f32 v1, v0;
	v1 =	vmul.f32 v2, v2;
	v2 =	vsub.f32 v9, v4  }
0x154: {  	v4 =	vld [tilespmem:s21+$0xFFFFFFB0]  }
0x155: {  	v9 =	vld [tilespmem:s31+$0xFFFFFFC0];
	v0 =	vadd.f32 v1, v0;
	v1 =	vmul.f32 v2, v2;
	v2 =	vsub.f32 v8, v5  }
0x156: {  	v5 =	vld [tilespmem:s21+$0xFFFFFFC0]  }
0x157: {  	v8 =	vld [tilespmem:s31+$0xFFFFFFD0];
	v0 =	vadd.f32 v1, v0;
	v1 =	vmul.f32 v2, v2;
	v2 =	vsub.f32 v7, v3  }
0x158: {  	v3 =	vld [tilespmem:s21+$0xFFFFFFD0]  }
0x159: {  	v7 =	vld [tilespmem:s31+$0xFFFFFFE0];
	v0 =	vadd.f32 v1, v0;
	v1 =	vmul.f32 v2, v2;
	v2 =	vsub.f32 v6, v4  }
0x15a: {  	v4 =	vld [tilespmem:s21+$0xFFFFFFE0]  }
0x15b: {  	v6 =	vld [tilespmem:s31+$0xFFFFFFF0];
	v0 =	vadd.f32 v1, v0;
	v1 =	vmul.f32 v2, v2;
	v2 =	vsub.f32 v9, v5  }
0x15c: {  	v5 =	vld [tilespmem:s21+$0xFFFFFFF0]  }
0x15d: {  	v9 =	vld [tilespmem:s31+$0x0];
	v0 =	vadd.f32 v1, v0;
	v1 =	vmul.f32 v2, v2;
	v2 =	vsub.f32 v8, v3  }
0x15e: {  	v3 =	vld [tilespmem:s21+$0x0]  }
0x15f: {  	v8 =	vld [tilespmem:s31+$0x10];
	v0 =	vadd.f32 v1, v0;
	v1 =	vmul.f32 v2, v2;
	v2 =	vsub.f32 v7, v4  }
0x160: {  	v4 =	vld [tilespmem:s21+$0x10]  }
0x161: {  	v7 =	vld [tilespmem:s31+$0x20];
	v0 =	vadd.f32 v1, v0;
	v1 =	vmul.f32 v2, v2;
	v2 =	vsub.f32 v6, v5  }
0x162: {  	v5 =	vld [tilespmem:s21+$0x20]  }
0x163: {  	v6 =	vld [tilespmem:s31+$0x30];
	v0 =	vadd.f32 v1, v0;
	v1 =	vmul.f32 v2, v2;
	v2 =	vsub.f32 v9, v3  }
0x164: {  	v3 =	vld [tilespmem:s21+$0x30]  }
0x165: {  	v9 =	vld [tilespmem:s31+$0x40];
	v0 =	vadd.f32 v1, v0;
	v1 =	vmul.f32 v2, v2;
	v2 =	vsub.f32 v8, v4  }
0x166: {  	v4 =	vld [tilespmem:s21+$0x40]  }
0x167: {  	v8 =	vld [tilespmem:s31+$0x50];
	v0 =	vadd.f32 v1, v0;
	v1 =	vmul.f32 v2, v2;
	v2 =	vsub.f32 v7, v5  }
0x168: {  	v5 =	vld [tilespmem:s21+$0x50]  }
0x169: {  	v7 =	vld [tilespmem:s31+$0x60];
	v0 =	vadd.f32 v1, v0;
	v1 =	vmul.f32 v2, v2;
	v2 =	vsub.f32 v6, v3  }
0x16a: {  	v3 =	vld [tilespmem:s21+$0x60]  }
0x16b: {  	v6 =	vld [tilespmem:s31+$0x70];
	v0 =	vadd.f32 v1, v0;
	v1 =	vmul.f32 v2, v2;
	v2 =	vsub.f32 v9, v4  }
0x16c: {  	v4 =	vld [tilespmem:s21+$0x70]  }
0x16d: {  	v9 =	vld [tilespmem:s31+$0x80];
	v0 =	vadd.f32 v1, v0;
	v1 =	vmul.f32 v2, v2;
	v2 =	vsub.f32 v8, v5  }
0x16e: {  	v5 =	vld [tilespmem:s21+$0x80]  }
0x16f: {  	v8 =	vld [tilespmem:s31+$0x90];
	v0 =	vadd.f32 v1, v0;
	v1 =	vmul.f32 v2, v2;
	v2 =	vsub.f32 v7, v3  }
0x170: {  	v3 =	vld [tilespmem:s21+$0x90]  }
0x171: {  	v7 =	vld [tilespmem:s31+$0xA0];
	v0 =	vadd.f32 v1, v0;
	v1 =	vmul.f32 v2, v2;
	v2 =	vsub.f32 v6, v4  }
0x172: {  	v4 =	vld [tilespmem:s21+$0xA0]  }
0x173: {  	v6 =	vld [tilespmem:s31+$0xB0];
	v0 =	vadd.f32 v1, v0;
	v1 =	vmul.f32 v2, v2;
	v2 =	vsub.f32 v9, v5  }
0x174: {  	v5 =	vld [tilespmem:s21+$0xB0]  }
0x175: {  	v9 =	vld [tilespmem:s31+$0xC0];
	v3 =	vsub.f32 v8, v3;
	v0 =	vadd.f32 v1, v0;
	v2 =	vmul.f32 v2, v2  }
0x176: {  	v8 =	vld [tilespmem:s21+$0xC0]  }
0x177: {  	v1 =	vld [tilespmem:s31+$0xD0];
	v3 =	vmul.f32 v3, v3;
	v7 =	vsub.f32 v7, v4;
	v2 =	vadd.f32 v2, v0  }
0x178: {  	v4 =	vld [tilespmem:s21+$0xD0]  }
0x179: {  	v0 =	vld [tilespmem:s31+$0xE0];
	v7 =	vmul.f32 v7, v7;
	v5 =	vsub.f32 v6, v5;
	v10 =	vadd.f32 v3, v2  }
0x17a: {  	v3 =	vld [tilespmem:s21+$0xE0]  }
0x17b: {  	v2 =	vld [tilespmem:s31+$0xF0];
	v8 =	vsub.f32 v9, v8;
	v6 =	vadd.f32 v7, v10;
	v7 =	vmul.f32 v5, v5  }
0x17c: {  	s22 =	simm.s32 $0x0;
	s23 =	simm.s32 $0x5200;
	v5 =	vld [tilespmem:s21+$0xF0]  }
.LBB2_7:
0x17d: {  	v9 =	vld [tilespmem:s23+$0xFFFFFF00];
	v6 =	vadd.f32 v7, v6;
	v7 =	vmul.f32 v8, v8;
	v1 =	vsub.f32 v1, v4;
	s21 =	sadd.s32 $0x200, s21  }
0x17e: {  	s22 =	sadd.s32 $0x4, s22;
	v4 =	vld [tilespmem:s21+$0xFFFFFF00]  }
0x17f: {  	p0 =	slt.u32 s22, $0x4C;
	v8 =	vld [tilespmem:s23+$0xFFFFFF10];
	v6 =	vadd.f32 v7, v6;
	v1 =	vmul.f32 v1, v1;
	v0 =	vsub.f32 v0, v3  }
0x180: {  	v3 =	vld [tilespmem:s21+$0xFFFFFF10]  }
0x181: {  	v7 =	vld [tilespmem:s23+$0xFFFFFF20];
	v1 =	vadd.f32 v1, v6;
	v0 =	vmul.f32 v0, v0;
	v2 =	vsub.f32 v2, v5  }
0x182: {  	v5 =	vld [tilespmem:s21+$0xFFFFFF20]  }
0x183: {  	v4 =	vsub.f32 v9, v4;
	v6 =	vld [tilespmem:s23+$0xFFFFFF30];
	v0 =	vadd.f32 v0, v1;
	v1 =	vmul.f32 v2, v2  }
0x184: {  	v2 =	vld [tilespmem:s21+$0xFFFFFF30]  }
0x185: {  	v4 =	vmul.f32 v4, v4;
	v3 =	vsub.f32 v8, v3;
	v8 =	vld [tilespmem:s23+$0xFFFFFF40];
	v0 =	vadd.f32 v1, v0  }
0x186: {  	v1 =	vld [tilespmem:s21+$0xFFFFFF40]  }
0x187: {  	v0 =	vadd.f32 v4, v0;
	v3 =	vmul.f32 v3, v3;
	v4 =	vsub.f32 v7, v5;
	v5 =	vld [tilespmem:s23+$0xFFFFFF50]  }
0x188: {  	v7 =	vld [tilespmem:s21+$0xFFFFFF50]  }
0x189: {  	v0 =	vadd.f32 v3, v0;
	v3 =	vmul.f32 v4, v4;
	v2 =	vsub.f32 v6, v2;
	v4 =	vld [tilespmem:s23+$0xFFFFFF60]  }
0x18a: {  	v6 =	vld [tilespmem:s21+$0xFFFFFF60]  }
0x18b: {  	v0 =	vadd.f32 v3, v0;
	v2 =	vmul.f32 v2, v2;
	v1 =	vsub.f32 v8, v1;
	v3 =	vld [tilespmem:s23+$0xFFFFFF70]  }
0x18c: {  	v8 =	vld [tilespmem:s21+$0xFFFFFF70]  }
0x18d: {  	v0 =	vadd.f32 v2, v0;
	v1 =	vmul.f32 v1, v1;
	v2 =	vsub.f32 v5, v7;
	v5 =	vld [tilespmem:s23+$0xFFFFFF80]  }
0x18e: {  	v7 =	vld [tilespmem:s21+$0xFFFFFF80]  }
0x18f: {  	v0 =	vadd.f32 v1, v0;
	v1 =	vmul.f32 v2, v2;
	v2 =	vsub.f32 v4, v6;
	v4 =	vld [tilespmem:s23+$0xFFFFFF90]  }
0x190: {  	v6 =	vld [tilespmem:s21+$0xFFFFFF90]  }
0x191: {  	v0 =	vadd.f32 v1, v0;
	v1 =	vmul.f32 v2, v2;
	v2 =	vsub.f32 v3, v8;
	v3 =	vld [tilespmem:s23+$0xFFFFFFA0]  }
0x192: {  	v8 =	vld [tilespmem:s21+$0xFFFFFFA0]  }
0x193: {  	v0 =	vadd.f32 v1, v0;
	v1 =	vmul.f32 v2, v2;
	v2 =	vsub.f32 v5, v7;
	v5 =	vld [tilespmem:s23+$0xFFFFFFB0]  }
0x194: {  	v7 =	vld [tilespmem:s21+$0xFFFFFFB0]  }
0x195: {  	v0 =	vadd.f32 v1, v0;
	v1 =	vmul.f32 v2, v2;
	v2 =	vsub.f32 v4, v6;
	v4 =	vld [tilespmem:s23+$0xFFFFFFC0]  }
0x196: {  	v6 =	vld [tilespmem:s21+$0xFFFFFFC0]  }
0x197: {  	v0 =	vadd.f32 v1, v0;
	v1 =	vmul.f32 v2, v2;
	v2 =	vsub.f32 v3, v8;
	v3 =	vld [tilespmem:s23+$0xFFFFFFD0]  }
0x198: {  	v8 =	vld [tilespmem:s21+$0xFFFFFFD0]  }
0x199: {  	v0 =	vadd.f32 v1, v0;
	v1 =	vmul.f32 v2, v2;
	v2 =	vsub.f32 v5, v7;
	v5 =	vld [tilespmem:s23+$0xFFFFFFE0]  }
0x19a: {  	v7 =	vld [tilespmem:s21+$0xFFFFFFE0]  }
0x19b: {  	v0 =	vadd.f32 v1, v0;
	v1 =	vmul.f32 v2, v2;
	v2 =	vsub.f32 v4, v6;
	v4 =	vld [tilespmem:s23+$0xFFFFFFF0]  }
0x19c: {  	v6 =	vld [tilespmem:s21+$0xFFFFFFF0]  }
0x19d: {  	v0 =	vadd.f32 v1, v0;
	v1 =	vmul.f32 v2, v2;
	v2 =	vsub.f32 v3, v8;
	v3 =	vld [tilespmem:s23+$0x0]  }
0x19e: {  	v8 =	vld [tilespmem:s21+$0x0]  }
0x19f: {  	v0 =	vadd.f32 v1, v0;
	v1 =	vmul.f32 v2, v2;
	v2 =	vsub.f32 v5, v7;
	v5 =	vld [tilespmem:s23+$0x10]  }
0x1a0: {  	v7 =	vld [tilespmem:s21+$0x10]  }
0x1a1: {  	v0 =	vadd.f32 v1, v0;
	v1 =	vmul.f32 v2, v2;
	v2 =	vsub.f32 v4, v6;
	v4 =	vld [tilespmem:s23+$0x20]  }
0x1a2: {  	v6 =	vld [tilespmem:s21+$0x20]  }
0x1a3: {  	v0 =	vadd.f32 v1, v0;
	v1 =	vmul.f32 v2, v2;
	v2 =	vsub.f32 v3, v8;
	v3 =	vld [tilespmem:s23+$0x30]  }
0x1a4: {  	v8 =	vld [tilespmem:s21+$0x30]  }
0x1a5: {  	v0 =	vadd.f32 v1, v0;
	v1 =	vmul.f32 v2, v2;
	v2 =	vsub.f32 v5, v7;
	v5 =	vld [tilespmem:s23+$0x40]  }
0x1a6: {  	v7 =	vld [tilespmem:s21+$0x40]  }
0x1a7: {  	v0 =	vadd.f32 v1, v0;
	v1 =	vmul.f32 v2, v2;
	v2 =	vsub.f32 v4, v6;
	v4 =	vld [tilespmem:s23+$0x50]  }
0x1a8: {  	v6 =	vld [tilespmem:s21+$0x50]  }
0x1a9: {  	v0 =	vadd.f32 v1, v0;
	v1 =	vmul.f32 v2, v2;
	v2 =	vsub.f32 v3, v8;
	v3 =	vld [tilespmem:s23+$0x60]  }
0x1aa: {  	v8 =	vld [tilespmem:s21+$0x60]  }
0x1ab: {  	v0 =	vadd.f32 v1, v0;
	v1 =	vmul.f32 v2, v2;
	v2 =	vsub.f32 v5, v7;
	v5 =	vld [tilespmem:s23+$0x70]  }
0x1ac: {  	v7 =	vld [tilespmem:s21+$0x70]  }
0x1ad: {  	v0 =	vadd.f32 v1, v0;
	v1 =	vmul.f32 v2, v2;
	v2 =	vsub.f32 v4, v6;
	v4 =	vld [tilespmem:s23+$0x80]  }
0x1ae: {  	v6 =	vld [tilespmem:s21+$0x80]  }
0x1af: {  	v0 =	vadd.f32 v1, v0;
	v1 =	vmul.f32 v2, v2;
	v2 =	vsub.f32 v3, v8;
	v3 =	vld [tilespmem:s23+$0x90]  }
0x1b0: {  	v8 =	vld [tilespmem:s21+$0x90]  }
0x1b1: {  	v0 =	vadd.f32 v1, v0;
	v1 =	vmul.f32 v2, v2;
	v2 =	vsub.f32 v5, v7;
	v5 =	vld [tilespmem:s23+$0xA0]  }
0x1b2: {  	v7 =	vld [tilespmem:s21+$0xA0]  }
0x1b3: {  	v0 =	vadd.f32 v1, v0;
	v1 =	vmul.f32 v2, v2;
	v2 =	vsub.f32 v4, v6;
	v6 =	vld [tilespmem:s23+$0xB0]  }
0x1b4: {  	v9 =	vld [tilespmem:s21+$0xB0]  }
0x1b5: {  	v0 =	vadd.f32 v1, v0;
	v1 =	vmul.f32 v2, v2;
	v2 =	vsub.f32 v3, v8;
	v8 =	vld [tilespmem:s23+$0xC0]  }
0x1b6: {  	v10 =	vld [tilespmem:s21+$0xC0]  }
0x1b7: {  	v0 =	vadd.f32 v1, v0;
	v2 =	vmul.f32 v2, v2;
	v3 =	vsub.f32 v5, v7;
	v1 =	vld [tilespmem:s23+$0xD0]  }
.Ltmp2:
0x1b8: {  	v4 =	vld [tilespmem:s21+$0xD0];
	(pc) =	sbr.rel @p0 .LBB2_7-.Ltmp2, $4  }
0x1b9: {  	v2 =	vadd.f32 v2, v0;
	v5 =	vmul.f32 v3, v3;
	v7 =	vsub.f32 v6, v9;
	v0 =	vld [tilespmem:s23+$0xE0]  }
0x1ba: {  	v3 =	vld [tilespmem:s21+$0xE0]  }
0x1bb: {  	v6 =	vadd.f32 v5, v2;
	v7 =	vmul.f32 v7, v7;
	v8 =	vsub.f32 v8, v10;
	v2 =	vld [tilespmem:s23+$0xF0]  }
0x1bc: {  	s23 =	sadd.s32 $0x200, s23;
	v5 =	vld [tilespmem:s21+$0xF0]  }
0x1bd: {  	v6 =	vadd.f32 v7, v6;
	v62 =	vmul.f32 v8, v8;
	v1 =	vsub.f32 v1, v4;
	_ =	sdelay $0x1  }
0x1be: {  	s20 =	sadd.s32 $0x1, s20;
	v63 =	vadd.f32 v62, v6;
	v1 =	vmul.f32 v1, v1;
	v0 =	vsub.f32 v0, v3  }
0x1bf: {  	p0 =	sne.s32 s20, $0x3E  }
.Ltmp3:
0x1c0: {  	v1 =	vadd.f32 v1, v63;
	v0 =	vmul.f32 v0, v0;
	v2 =	vsub.f32 v2, v5;
	(pc) =	sbr.rel @p0 .LBB2_4-.Ltmp3, $3  }
0x1c1: {  	_ = 	snop  }
0x1c2: {  	v0 =	vadd.f32 v0, v1;
	v1 =	vmul.f32 v2, v2;
	_ =	sdelay $0x1  }
0x1c3: {  	v0 =	vadd.f32 v1, v0  }
0x1c4: {  	s19 =	sadd.s32 $0x1, s19  }
0x1c5: {  	p0 =	sne.s32 s19, s7  }
.Ltmp4:
0x1c6: {  	[tilespmem:$0xEF00] =	vst v0;
	(pc) =	sbr.rel @p0 .LBB2_1-.Ltmp4, $4  }
0x1c7: {  	[hbm4b:s6+s3] =	stream.linear.scatter [tilespmem:s18], [sflag:$0x3], $0x80, $0x38;
	[tilespmem:$0xEF80] =	vst v63  }
0x1c8: {  	_ =	swait.ge [sflag:s8], $0x80  }
0x1c9: {  	[sflag:s8] =	ssyncset.done $0x0  }
0x1ca: {  	[sflag:s8] =	ssyncadd.s32 $0xFFFFFF80  }
0x1cb: {  	_ =	sfence.sel $0x180000  }
0x1cc: {  	[bflag:$0x0] =	sbarrier.arrive $0xFFFF  }
0x1cd: {  	p0 =	sne.s32 s0, $0x0;
	_ =	strace $0x9000004A  }
0x1ce: {  	s0 =	sadd.s32 @!p0 $0x100000, s1;
	[bflag:$0x2] =	sbarrier.arrive $0xFFFF  }
0x1cf: {  	[sflag:s0] =	ssyncadd.tile.s32 @!p0 $0x1;
	_ =	shalt  }
.Lfunc_end2:
_tile_overlayer_lowered:
.L_overlay_start_2:
0x1d0: {  	(tag) =	ssettag $0x2  }
0x1d1: {  	s0 =	rddreg [dreg:$0x0];
	s2 =	stileid.u32  }
0x1d2: {  	s1 =	rddreg [dreg:$0x1];
	p0 =	sne.s32 s2, $0x0  }
0x1d3: {  	s3 =	rddreg [dreg:$0x2];
	[bflag:$0x3] =	sbarrier.arrive $0xFFFF;
	s2 =	simm.s32 @!p0 $0x1C03  }
0x1d4: {  	[timem:s3], [sflag:s2] =	dma.local @!p0 [hbm:s0], s1  }
0x1d5: {  	s0 =	simm.s32 @!p0 $0x3  }
0x1d6: {  	_ =	swait.ge @!p0 [sflag:s0], s1  }
0x1d7: {  	s1 =	ssub.s32 @!p0 $0x0, s1;
	[sflag:s0] =	ssyncset.done @!p0 $0x0  }
0x1d8: {  	[sflag:s0] =	ssyncadd.s32 @!p0 s1  }
0x1d9: {  	[bflag:$0x3] =	sbarrier.arrive $0xFFFF  }
0x1da: {  	_ =	shalt  }

// kernel: kernel.9.cloned.1.call-start
scs
__scs_entry_jumppad:
0x0: {  	(pc) =	sbr.rel $0x88, $3  }
0x1: {  	(tag) =	ssettag $0x0;
	lr =	simm.s32 $0x1  }
0x2: {  	[smem:$0x3F9C] =	sst lr;
	_ =	strace $0xD0000000  }
0x3: {  	_ = 	snop  }
0x4: {  	_ = 	snop  }
0x5: {  	_ = 	snop  }
0x6: {  	_ = 	snop  }
0x7: {  	_ = 	snop  }
__scs_overlays_trampoline_lowered:
0x8: {  	[smem:$0x3FAB] =	sst s0  }
0x9: {  	[smem:$0x3FAC] =	sst s1  }
0xa: {  	[smem:$0x3FAD] =	sst s2  }
0xb: {  	[smem:$0x3FAE] =	sst s3  }
0xc: {  	[smem:$0x3FAF] =	sst s4  }
0xd: {  	[smem:$0x3FB0] =	sst s5  }
0xe: {  	[smem:$0x3FB1] =	sst s6  }
0xf: {  	[smem:$0x3FB2] =	sst s7  }
0x10: {  	[smem:$0x3FB3] =	sst s8  }
0x11: {  	[smem:$0x3FB4] =	sst s9;
	s0 =	simm.s32 @!p0 $0x0  }
0x12: {  	s1 =	sld [smem:$0x3F9A];
	s0 =	simm.s32 @p0 $0x1  }
0x13: {  	[smem:$0x3FB5] =	sst s0;
	s0 =	simm.s32 @!p1 $0x0  }
0x14: {  	s2 =	sld [smem:$0x3F99];
	s0 =	simm.s32 @p1 $0x1  }
0x15: {  	[smem:$0x3FB6] =	sst s0;
	s0 =	simm.s32 @!p2 $0x0  }
0x16: {  	s3 =	sld [smem:$0x3FDB];
	s0 =	simm.s32 @p2 $0x1  }
0x17: {  	s4 =	simm.s32 $0x1BF5;
	[smem:$0x3FB8] =	sst s0  }
0x18: {  	s0 =	sld [smem:$0x3F9B];
	_ =	swait.ge [sflag:s4], $0x0  }
0x19: {  	s7 =	sld [smem:$0x3F9C]  }
0x1a: {  	s8 =	sadd.s32 $0xFFFFE003, lr  }
0x1b: {  	s9 =	sadd.s32 $0xFFFFFEF7, lr;
	s5 =	simm.s32 $0xFFFFFFFF;
	p2 =	slt.u32 s8, $0xFFFFF086  }
0x1c: {  	p1 =	slt.u32 s9, $0xF7A;
	s5 =	simm.s32 @!p2 $0x0  }
0x1d: {  	s5 =	simm.s32 @p1 $0x1;
	p0 =	seq.s32 s7, s2  }
0x1e: {  	s7 =	smul.u32 @!p0 $0xF7A, s2;
	p2 =	seq.s32 @!p0 s5, $0x0  }
0x1f: {  	s9 =	smul.u32 $0xF7A, s1;
	s8 =	simm.s32 @!p0 $0x1BF5;
	p2 =	por !p2, p0  }
0x20: {  	[sflag:s8] =	ssyncset.s32 @!p0 $0xFFFFF086;
	s6 =	sadd.s32 @!p0 s3, s7;
	s7 =	simm.s32 @!p0 $0x108  }
0x21: {  	s3 =	sadd.s32 s3, s9;
	s6 =	sadd.s32 @!p0 $0x88, s6;
	s7 =	simm.s32 @p2 $0x1082  }
0x22: {  	[simem:s7], [sflag:s8] =	dma.local @!p0 [hbm:s6], $0xF7A  }
0x23: {  	s9 =	sor.u32 $0xD0000000, s2;
	s6 =	simm.s32 $0x108;
	_ =	swait.ge @!p0 [sflag:s8], $0x0  }
0x24: {  	s3 =	sadd.s32 $0x88, s3;
	s6 =	simm.s32 @!p1 $0x1082;
	[sflag:s4] =	ssyncset.s32 $0xFFFFF086  }
0x25: {  	[simem:s6], [sflag:s4] =	dma.local [hbm:s3], $0xF7A  }
0x26: {  	[smem:$0x3F9C] =	sst s1;
	(tag) =	ssettag s2;
	_ =	strace s9  }
0x27: {  	s1 =	sld [smem:$0x3FAC]  }
0x28: {  	s2 =	sld [smem:$0x3FAD]  }
0x29: {  	s4 =	sld [smem:$0x3FAF]  }
0x2a: {  	p0 =	seq.s32 s5, $0x0;
	s5 =	sld [smem:$0x3FB0]  }
0x2b: {  	s6 =	sld [smem:$0x3FB1]  }
0x2c: {  	s7 =	sld [smem:$0x3FB2]  }
0x2d: {  	s3 =	simm.s32 $0x108;
	s8 =	sld [smem:$0x3FB3]  }
0x2e: {  	s3 =	simm.s32 @!p0 $0x1082;
	s9 =	sld [smem:$0x3FB4]  }
0x2f: {  	lr =	sadd.s32 s0, s3;
	s0 =	sld [smem:$0x3FAB]  }
0x30: {  	s3 =	sld [smem:$0x3FAE]  }
0x31: {  	[smem:$0x3FB7] =	sst s10  }
0x32: {  	s10 =	sld [smem:$0x3FB5];
	_ =	sdelay $0x3  }
0x33: {  	p0 =	seq.s32 s10, $0x1;
	s10 =	sld [smem:$0x3FB7];
	_ =	sdelay $0x3  }
0x34: {  	[smem:$0x3FB7] =	sst s10  }
0x35: {  	s10 =	sld [smem:$0x3FB6];
	_ =	sdelay $0x3  }
0x36: {  	p1 =	seq.s32 s10, $0x1;
	s10 =	sld [smem:$0x3FB7];
	_ =	sdelay $0x3  }
0x37: {  	[smem:$0x3FB7] =	sst s10  }
0x38: {  	s10 =	sld [smem:$0x3FB8]  }
0x39: {  	_ = 	snop;
	(pc) =	sbr.ind lr, $3  }
0x3a: {  	_ = 	snop  }
0x3b: {  	_ = 	snop  }
0x3c: {  	p2 =	seq.s32 s10, $0x1;
	s10 =	sld [smem:$0x3FB7]  }
0x3d: {  	_ =	shalt  }
0x3e: {  	_ =	shalt  }
0x3f: {  	_ =	shalt  }
0x40: {  	_ =	shalt  }
0x41: {  	_ =	shalt  }
0x42: {  	_ =	shalt  }
0x43: {  	_ =	shalt  }
0x44: {  	_ =	shalt  }
0x45: {  	_ =	shalt  }
0x46: {  	_ =	shalt  }
0x47: {  	_ =	shalt  }
0x48: {  	_ =	shalt  }
0x49: {  	_ =	shalt  }
0x4a: {  	_ =	shalt  }
0x4b: {  	_ =	shalt  }
0x4c: {  	_ =	shalt  }
0x4d: {  	_ =	shalt  }
0x4e: {  	_ =	shalt  }
0x4f: {  	_ =	shalt  }
0x50: {  	_ =	shalt  }
0x51: {  	_ =	shalt  }
0x52: {  	_ =	shalt  }
0x53: {  	_ =	shalt  }
0x54: {  	_ =	shalt  }
0x55: {  	_ =	shalt  }
0x56: {  	_ =	shalt  }
0x57: {  	_ =	shalt  }
0x58: {  	_ =	shalt  }
0x59: {  	_ =	shalt  }
0x5a: {  	_ =	shalt  }
0x5b: {  	_ =	shalt  }
0x5c: {  	_ =	shalt  }
0x5d: {  	_ =	shalt  }
0x5e: {  	_ =	shalt  }
0x5f: {  	_ =	shalt  }
0x60: {  	_ =	shalt  }
0x61: {  	_ =	shalt  }
0x62: {  	_ =	shalt  }
0x63: {  	_ =	shalt  }
0x64: {  	_ =	shalt  }
0x65: {  	_ =	shalt  }
0x66: {  	_ =	shalt  }
0x67: {  	_ =	shalt  }
0x68: {  	_ =	shalt  }
0x69: {  	_ =	shalt  }
0x6a: {  	_ =	shalt  }
0x6b: {  	_ =	shalt  }
0x6c: {  	_ =	shalt  }
0x6d: {  	_ =	shalt  }
0x6e: {  	_ =	shalt  }
0x6f: {  	_ =	shalt  }
0x70: {  	_ =	shalt  }
0x71: {  	_ =	shalt  }
0x72: {  	_ =	shalt  }
0x73: {  	_ =	shalt  }
0x74: {  	_ =	shalt  }
0x75: {  	_ =	shalt  }
0x76: {  	_ =	shalt  }
0x77: {  	_ =	shalt  }
0x78: {  	_ =	shalt  }
0x79: {  	_ =	shalt  }
0x7a: {  	_ =	shalt  }
0x7b: {  	_ =	shalt  }
0x7c: {  	_ =	shalt  }
0x7d: {  	_ =	shalt  }
0x7e: {  	_ =	shalt  }
0x7f: {  	_ =	shalt  }
0x80: {  	_ =	shalt  }
0x81: {  	_ =	shalt  }
0x82: {  	_ =	shalt  }
0x83: {  	_ =	shalt  }
0x84: {  	_ =	shalt  }
0x85: {  	_ =	shalt  }
0x86: {  	_ =	shalt  }
0x87: {  	_ =	shalt  }
.Lfunc_end0:
.L_simem_size_0:
called_computation.2_lowered:
.L_overlay_start_0:
0x88: {  	s2 =	sld [smem:$0x3FD9]  }
0x89: {  	s3 =	sld [smem:$0x3FFE];
	_ =	sdelay $0x1  }
0x8a: {  	s1 =	srdreg.scid  }
0x8b: {  	s0 =	sand.u32 $0x1, s1  }
0x8c: {  	s17 =	sshll.u32 s0, $0xA;
	s2 =	sadd.s32 s3, s2  }
0x8d: {  	s2 =	sadd.s32 s2, s17  }
0x8e: {  	[smem:$0x3FC3] =	sst s2  }
0x8f: {  	_ = 	snop  }
0x90: {  	(tm) =	ssettm $0x1  }
0x91: {  	s18 =	sld [smem:$0x3FFB];
	_ =	sdelay $0x3  }
0x92: {  	_ =	strace s18  }
0x93: {  	s2 =	sld [smem:$0x3FFC];
	_ =	sdelay $0x3  }
0x94: {  	_ =	strace s2  }
0x95: {  	s2 =	sld [smem:$0x3FFD];
	_ =	sdelay $0x3  }
0x96: {  	_ =	strace s2  }
0x97: {  	_ =	strace $0x8FFFFFFF  }
0x98: {  	s19 =	sld [smem:$0x3FDB];
	_ =	sdelay $0x1  }
0x99: {  	s20 =	simm.s32 $_scs_section_size  }
0x9a: {  	s4 =	simm.s32 $_size__tile_overlayer_lowered;
	s5 =	simm.s32 $_tile_overlayer_lowered  }
0x9b: {  	s6 =	simm.s32 $0x1BFF;
	s21 =	sshll.u32 s5, $0x1;
	s3 =	sadd.s32 s20, s19  }
0x9c: {  	s22 =	simm.s32 $0x0;
	s4 =	sshll.u32 s4, $0x1;
	s5 =	sadd.s32 s21, s3  }
0x9d: {  	[timem:s22], [sflag:s6] =	dma.local [hbm:s5], s4  }
0x9e: {  	_ =	swait.ge [sflag:s6], s4  }
0x9f: {  	s4 =	ssub.s32 $0x0, s4;
	[sflag:s6] =	ssyncset.done $0x0  }
0xa0: {  	[sflag:s6] =	ssyncadd.s32 s4;
	_ =	sdelay $0x1  }
0xa1: {  	s23 =	simm.s32 $0x1B8B  }
0xa2: {  	_ =	swait.ge [sflag:s23], $0x1  }
0xa3: {  	[sflag:s23] =	ssyncset.done $0x0  }
0xa4: {  	[sflag:s23] =	ssyncadd.s32 $0xFFFFFFFF  }
0xa5: {  	s4 =	sld [smem:$0x0]  }
0xa6: {  	s5 =	sand.u32 $0xFFFFFFFE, s1  }
0xa7: {  	p0 =	sne.s32 s1, s5  }
0xa8: {  	s5 =	sshll.u32 @p0 s5, $0xE  }
0xa9: {  	s5 =	sadd.s32 @p0 $0x11B8D, s5;
	s6 =	sshll.u32 @p0 s4, $0x11  }
0xaa: {  	s5 =	sor.u32 @p0 s6, s5  }
0xab: {  	[sflag:s5] =	ssyncadd.remote.s32 @p0 $0x1;
	_ =	sdelay $0x1  }
0xac: {  	s5 =	simm.s32 @p0 $0x1B8D  }
0xad: {  	_ =	swait.eq @p0 [sflag:s5], $0x1  }
0xae: {  	[sflag:s5] =	ssyncadd.s32 @p0 $0xFFFFFFFF  }
0xaf: {  	s6 =	sshll.u32 @!p0 s1, $0xE  }
0xb0: {  	s6 =	sor.u32 @!p0 $0x4000, s6;
	s5 =	simm.s32 @!p0 $0x1B8D  }
0xb1: {  	s4 =	sshll.u32 @!p0 s4, $0x11;
	s6 =	sadd.s32 @!p0 $0x11B8D, s6;
	_ =	swait.eq @!p0 [sflag:s5], $0x1  }
0xb2: {  	s4 =	sor.u32 @!p0 s4, s6;
	[sflag:s5] =	ssyncadd.s32 @!p0 $0xFFFFFFFF  }
0xb3: {  	s25 =	simm.s32 $0x1B8E;
	s24 =	sld [smem:$0x3FFE];
	[sflag:s4] =	ssyncadd.remote.s32 @!p0 $0x1  }
0xb4: {  	s26 =	simm.s32 $execute0_lowered;
	[smem:$0x3FD2] =	sst s25  }
0xb5: {  	s5 =	sshll.u32 s26, $0x1;
	_ =	strace $0x8000004C;
	[dreg:$0x1] =	wrdreg $0xFFFFFFFF  }
0xb6: {  	s28 =	simm.s32 $_size_execute0_lowered;
	s3 =	sadd.s32 s3, s5;
	[dreg:$0x0] =	wrdreg $0x0  }
0xb7: {  	s5 =	sshll.u32 s28, $0x1;
	[dreg:$0x2] =	wrdreg s3  }
0xb8: {  	[dreg:$0x3] =	wrdreg s5  }
0xb9: {  	[dreg:$0x4] =	wrdreg $0xC0  }
0xba: {  	_ =	task [dreg:s22], $0x5FFFF  }
0xbb: {  	[dreg:$0x1] =	wrdreg $0xFFFFFFFF  }
0xbc: {  	[dreg:$0x0] =	wrdreg $0x60  }
0xbd: {  	[dreg:$0x2] =	wrdreg s24  }
0xbe: {  	[dreg:$0x3] =	wrdreg $0xA  }
0xbf: {  	_ =	task.clear_ibuf [dreg:s22], $0x4FFFF;
	_ =	strace $0x9000004C  }
0xc0: {  	s29 =	simm.s32 $0xA;
	_ =	strace $0x8000004E  }
0xc1: {  	_ =	swait.ge [sflag:s29], $0x1  }
0xc2: {  	[sflag:s29] =	ssyncadd.s32 $0xFFFFFFFF  }
0xc3: {  	_ =	strace $0x9000004E  }
0xc4: {  	_ =	sfence  }
0xc5: {  	s30 =	sld [smem:$0x0];
	_ =	sdelay $0x2  }
0xc6: {  	s31 =	sshll.u32 s1, $0xD;
	s1 =	sshrl.u32 s1, $0x2  }
0xc7: {  	s4 =	sand.u32 $0x4000, s31;
	s1 =	sadd.s32 s1, s30  }
0xc8: {  	s0 =	sor.u32 s4, s0;
	s1 =	sshll.u32 s1, $0x11  }
0xc9: {  	s0 =	sor.u32 s1, s0  }
0xca: {  	s0 =	sadd.s32 $0x8F2B, s0  }
0xcb: {  	[sflag:s0] =	ssyncadd.remote.s32 $0x1  }
0xcc: {  	_ =	sfence.sel $0xFFFF  }
0xcd: {  	[dreg:$0x0] =	wrdreg $0xFFFFFFFF;
	(pc) =	sbr.abs _section_cstart, $3  }
0xce: {  	[dreg:$0x1] =	wrdreg $0xFFFFFFFF  }
0xcf: {  	_ =	task.clear_ibuf [dreg:s22], $0x2FFFF;
	_ =	strace $0x9FFFFFFF  }
0xd0: {  	(tm) =	ssettm $0x7FFFFFFF  }
0xd1: {  	_ =	shalt  }
tec
execute0_lowered:
.L_overlay_start_1:
0x0: {  	(tag) =	ssettag $0x1  }
0x1: {  	s1 =	srdreg.scid  }
0x2: {  	s0 =	stileid.u32;
	s5 =	rddreg [dreg:$0x0]  }
0x3: {  	s2 =	simm.s32 $0x0;
	s15 =	simm.s32 $0x7680;
	s16 =	simm.s32 $0x7880  }
0x4: {  	s17 =	simm.s32 $0x7700;
	s18 =	simm.s32 $0x7900;
	s22 =	simm.s32 $0x7A00  }
0x5: {  	s23 =	simm.s32 $0x1;
	s1 =	sand.u32 $0x1, s1;
	s3 =	sshll.u32 s0, $0x1  }
0x6: {  	s24 =	simm.s32 $0x2;
	s25 =	simm.s32 $0x7C80;
	s6 =	sor.u32 s1, s3  }
0x7: {  	[smem:$0x7FF] =	sst s2;
	s4 =	sadd.s32 $0x9D9A00, s5;
	s7 =	smul.u32 $0x2710, s6  }
0x8: {  	s28 =	simm.s32 $0x0;
	s31 =	smul.u32 $0x4E20, s0;
	_ =	strace $0x8000004D  }
0x9: {  	v0 =	vlaneseq.u32;
	s9 =	ssub.s32 $0x2, s1;
	s1 =	smul.u32 $0x2710, s1;
	v1 =	vmov s7;
	s26 =	sadd.s32 $0x10, s7  }
0xa: {  	v0 =	vmul.u32 $0x80, v0;
	s29 =	sadd.s32 $0x20, s7;
	s12 =	sadd.s32 $0x30, s7;
	s13 =	sadd.s32 $0x40, s7;
	v1 =	vshll.u32 v1, $0x7;
	v2 =	vmov s26  }
0xb: {  	s14 =	sadd.s32 $0x50, s7;
	s30 =	sadd.s32 $0x60, s7;
	s19 =	sadd.s32 $0x70, s7;
	v3 =	vmov s29;
	v4 =	vmov s12;
	v5 =	vmov s13  }
0xc: {  	s6 =	sshll.u32 s6, $0x4;
	s20 =	sadd.s32 $0x80, s7;
	s21 =	sadd.s32 $0x90, s7;
	v6 =	vmov s14;
	v7 =	vmov s30;
	v8 =	vmov s19  }
0xd: {  	s3 =	sadd.s32 $0x4E3C00, s5;
	s10 =	sshrl.u32 s9, $0x1;
	s11 =	sadd.s32 s6, s5;
	v9 =	vmov s20;
	v10 =	vmov s21;
	v1 =	vor.u32 v0, v1  }
0xe: {  	s9 =	ssub.s32 s9, s10;
	s10 =	sadd.s32 s1, s31;
	s8 =	sshrl.u32 s7, $0x3;
	v2 =	vshll.u32 v2, $0x7;
	v3 =	vshll.u32 v3, $0x7;
	v4 =	vshll.u32 v4, $0x7  }
.Ltmp0:
0xf: {  	s7 =	sadd.s32 $0x1C00, s11;
	s9 =	smax.u32 s9, $0x1;
	v5 =	vshll.u32 v5, $0x7;
	v6 =	vshll.u32 v6, $0x7;
	v7 =	vshll.u32 v7, $0x7;
	(pc) =	sbr.rel .LBB2_1-.Ltmp0, $4  }
0x10: {  	s8 =	sadd.s32 s8, s5;
	s12 =	simm.s32 $0x2780;
	s13 =	simm.s32 $0x4F00;
	v8 =	vshll.u32 v8, $0x7;
	v9 =	vshll.u32 v9, $0x7;
	v10 =	vshll.u32 v10, $0x7  }
0x11: {  	s14 =	simm.s32 $0x50;
	s19 =	simm.s32 $0x7780;
	s20 =	simm.s32 $0x7980;
	v2 =	vor.u32 v0, v2;
	v3 =	vor.u32 v0, v3;
	v4 =	vor.u32 v0, v4  }
0x12: {  	s21 =	simm.s32 $0x7800;
	s26 =	simm.s32 $0x7D00;
	s5 =	sadd.s32 $0x9CFA00, s8;
	v5 =	vor.u32 v0, v5;
	v6 =	vor.u32 v0, v6;
	v7 =	vor.u32 v0, v7  }
0x13: {  	s6 =	sadd.s32 $0x9C5C00, s8;
	s8 =	sadd.s32 $0x1E00, s11;
	s11 =	simm.s32 $0x3;
	v8 =	vor.u32 v0, v8;
	v9 =	vor.u32 v0, v9;
	v10 =	vor.u32 v0, v10  }
.LBB2_5:
0x14: {  	[tilespmem:$0x7C80] =	vst v12  }
0x15: {  	[hbm4b:s7+s2] =	stream.linear.scatter [tilespmem:s25], [sflag:$0x3], $0x80, $0x38;
	[tilespmem:$0x7D80] =	vst v63  }
0x16: {  	_ =	swait.ge [sflag:s11], $0x80  }
0x17: {  	s28 =	sadd.s32 $0x1, s28;
	[sflag:s11] =	ssyncset.done $0x0  }
0x18: {  	p0 =	sne.s32 s28, s9;
	[sflag:s11] =	ssyncadd.s32 $0xFFFFFF80  }
.Ltmp1:
0x19: {  	[tilespmem:$0x7D00] =	vst v11;
	(pc) =	sbr.rel @!p0 .LBB2_6-.Ltmp1, $4  }
0x1a: {  	[hbm4b:s8+s2] =	stream.linear.scatter [tilespmem:s26], [sflag:$0x3], $0x80, $0x38;
	[tilespmem:$0x7D80] =	vst v63  }
0x1b: {  	_ =	swait.ge [sflag:s11], $0x80  }
0x1c: {  	[sflag:s11] =	ssyncset.done $0x0  }
0x1d: {  	[sflag:s11] =	ssyncadd.s32 $0xFFFFFF80  }
.LBB2_1:
0x1e: {  	[tilespmem:s2], [sflag:$0x3] =	stream.linear.gather [hbm4b:s4+s2], $0x2780, $0x38;
	[tilespmem:$0x7D80] =	vst v63  }
0x1f: {  	_ =	swait.ge [sflag:s11], $0x2780  }
0x20: {  	[sflag:s11] =	ssyncset.done $0x0  }
0x21: {  	[sflag:s11] =	ssyncadd.s32 $0xFFFFD880  }
0x22: {  	[tilespmem:s12], [sflag:$0x3] =	stream.linear.gather [hbm4b:s5+s2], $0x2710, $0x38;
	[tilespmem:$0x7D80] =	vst v63  }
0x23: {  	_ =	swait.ge [sflag:s11], $0x2710  }
0x24: {  	[sflag:s11] =	ssyncset.done $0x0  }
0x25: {  	[sflag:s11] =	ssyncadd.s32 $0xFFFFD8F0  }
0x26: {  	[tilespmem:s13], [sflag:$0x3] =	stream.linear.gather [hbm4b:s6+s2], $0x2710, $0x38;
	[tilespmem:$0x7D80] =	vst v63  }
0x27: {  	_ =	swait.ge [sflag:s11], $0x2710  }
0x28: {  	[sflag:s11] =	ssyncset.done $0x0  }
0x29: {  	[sflag:s11] =	ssyncadd.s32 $0xFFFFD8F0  }
0x2a: {  	v11 =	vld [tilespmem:$0x2780]  }
0x2b: {  	v12 =	vld [tilespmem:$0x4F00];
	_ =	sdelay $0x6  }
0x2c: {  	v11 =	vld.idx.msk [tilespmem:v11+s2+$0x0], $0xffff  }
0x2d: {  	v12 =	vld.idx.msk [tilespmem:v12+s2+$0x0], $0xffff;
	_ =	sdelay $0x3  }
0x2e: {  	v13 =	vld [tilespmem:$0x2790]  }
0x2f: {  	v16 =	vld [tilespmem:$0x4F10];
	v14 =	vshra.s32 v11, $0x8;
	v15 =	vshra.s32 v12, $0x8  }
0x30: {  	v11 =	vand.u32 $0xFF, v11;
	v17 =	vmul.u32 v14, v15  }
0x31: {  	v12 =	vand.u32 $0xFF, v12;
	v11 =	vadd.s32 v1, v11;
	vm0 =	vgt.s32 v14, v15  }
0x32: {  	[tilespmem:$0x7680] =	vst v11;
	v11 =	vadd.s32 v1, v12;
	v14 =	vsel vm0, v14, v15;
	v12 =	vcvt.s32.f32 v17  }
0x33: {  	[tilespmem:$0x7700] =	vst v11;
	v11 =	vcvt.s32.f32 v14  }
0x34: {  	[tilespmem:$0x7A80] =	vst v12  }
0x35: {  	[tilespmem:$0x7B80] =	vst v11  }
0x36: {  	v11 =	vld.idx.msk [tilespmem:v13+s2+$0x0], $0xffff  }
0x37: {  	v12 =	vld.idx.msk [tilespmem:v16+s2+$0x0], $0xffff;
	_ =	sdelay $0x3  }
0x38: {  	v13 =	vld [tilespmem:$0x27A0]  }
0x39: {  	v20 =	vld [tilespmem:$0x4F20];
	v14 =	vshra.s32 v11, $0x8;
	v15 =	vshra.s32 v12, $0x8  }
0x3a: {  	v11 =	vand.u32 $0xFF, v11;
	v21 =	vmul.u32 v14, v15  }
0x3b: {  	v12 =	vand.u32 $0xFF, v12;
	v11 =	vadd.s32 v2, v11;
	vm7 =	vgt.s32 v14, v15  }
0x3c: {  	[tilespmem:$0x7690] =	vst v11;
	v11 =	vadd.s32 v2, v12;
	v14 =	vsel vm7, v14, v15;
	v12 =	vcvt.s32.f32 v21  }
0x3d: {  	[tilespmem:$0x7710] =	vst v11;
	v11 =	vcvt.s32.f32 v14  }
0x3e: {  	[tilespmem:$0x7A90] =	vst v12  }
0x3f: {  	[tilespmem:$0x7B90] =	vst v11  }
0x40: {  	v11 =	vld.idx.msk [tilespmem:v13+s2+$0x0], $0xffff  }
0x41: {  	v12 =	vld.idx.msk [tilespmem:v20+s2+$0x0], $0xffff;
	_ =	sdelay $0x3  }
0x42: {  	v13 =	vld [tilespmem:$0x27B0]  }
0x43: {  	v22 =	vld [tilespmem:$0x4F30];
	v14 =	vshra.s32 v11, $0x8;
	v15 =	vshra.s32 v12, $0x8  }
0x44: {  	v11 =	vand.u32 $0xFF, v11;
	v23 =	vmul.u32 v14, v15  }
0x45: {  	v12 =	vand.u32 $0xFF, v12;
	v11 =	vadd.s32 v3, v11;
	vm8 =	vgt.s32 v14, v15  }
0x46: {  	[tilespmem:$0x76A0] =	vst v11;
	v11 =	vadd.s32 v3, v12;
	v14 =	vsel vm8, v14, v15;
	v12 =	vcvt.s32.f32 v23  }
0x47: {  	[tilespmem:$0x7720] =	vst v11;
	v11 =	vcvt.s32.f32 v14  }
0x48: {  	[tilespmem:$0x7AA0] =	vst v12  }
0x49: {  	[tilespmem:$0x7BA0] =	vst v11  }
0x4a: {  	v11 =	vld.idx.msk [tilespmem:v13+s2+$0x0], $0xffff  }
0x4b: {  	v12 =	vld.idx.msk [tilespmem:v22+s2+$0x0], $0xffff;
	_ =	sdelay $0x3  }
0x4c: {  	v13 =	vld [tilespmem:$0x27C0]  }
0x4d: {  	v24 =	vld [tilespmem:$0x4F40];
	v14 =	vshra.s32 v11, $0x8;
	v15 =	vshra.s32 v12, $0x8  }
0x4e: {  	v11 =	vand.u32 $0xFF, v11;
	v25 =	vmul.u32 v14, v15  }
0x4f: {  	v12 =	vand.u32 $0xFF, v12;
	v11 =	vadd.s32 v4, v11;
	vm9 =	vgt.s32 v14, v15  }
0x50: {  	[tilespmem:$0x76B0] =	vst v11;
	v11 =	vadd.s32 v4, v12;
	v14 =	vsel vm9, v14, v15;
	v12 =	vcvt.s32.f32 v25  }
0x51: {  	[tilespmem:$0x7730] =	vst v11;
	v11 =	vcvt.s32.f32 v14  }
0x52: {  	[tilespmem:$0x7AB0] =	vst v12  }
0x53: {  	[tilespmem:$0x7BB0] =	vst v11  }
0x54: {  	v11 =	vld.idx.msk [tilespmem:v13+s2+$0x0], $0xffff  }
0x55: {  	v12 =	vld.idx.msk [tilespmem:v24+s2+$0x0], $0xffff;
	_ =	sdelay $0x4  }
0x56: {  	v13 =	vshra.s32 v11, $0x8;
	v14 =	vshra.s32 v12, $0x8  }
0x57: {  	v11 =	vand.u32 $0xFF, v11;
	v15 =	vmul.u32 v13, v14  }
0x58: {  	v12 =	vand.u32 $0xFF, v12;
	v11 =	vadd.s32 v5, v11;
	vm10 =	vgt.s32 v13, v14  }
0x59: {  	[tilespmem:$0x76C0] =	vst v11;
	v11 =	vadd.s32 v5, v12;
	v13 =	vsel vm10, v13, v14;
	v12 =	vcvt.s32.f32 v15  }
0x5a: {  	[tilespmem:$0x7740] =	vst v11;
	v11 =	vcvt.s32.f32 v13  }
0x5b: {  	[tilespmem:$0x7AC0] =	vst v12  }
0x5c: {  	[tilespmem:$0x7BC0] =	vst v11  }
0x5d: {  	[tilespmem:s16], [sflag:$0x1] =	stream.indirect.gather [hbm4b:s3+s14], $0x1, s15, s14, $0xb8;
	[tilespmem:$0x7D80] =	vst v63  }
0x5e: {  	_ = 	snop  }
0x5f: {  	[tilespmem:s18], [sflag:$0x1] =	stream.indirect.gather [hbm4b:s3+s14], $0x1, s17, s14, $0xb8;
	[tilespmem:$0x7D80] =	vst v63  }
0x60: {  	v11 =	vld [tilespmem:$0x27D0]  }
0x61: {  	v12 =	vld [tilespmem:$0x4F50];
	_ =	sdelay $0x6  }
0x62: {  	v11 =	vld.idx.msk [tilespmem:v11+s2+$0x0], $0xffff  }
0x63: {  	v12 =	vld.idx.msk [tilespmem:v12+s2+$0x0], $0xffff;
	_ =	sdelay $0x3  }
0x64: {  	v13 =	vld [tilespmem:$0x27E0]  }
0x65: {  	v26 =	vld [tilespmem:$0x4F60];
	v14 =	vshra.s32 v11, $0x8;
	v15 =	vshra.s32 v12, $0x8  }
0x66: {  	v11 =	vand.u32 $0xFF, v11;
	v27 =	vmul.u32 v14, v15  }
0x67: {  	v12 =	vand.u32 $0xFF, v12;
	v11 =	vadd.s32 v6, v11;
	vm11 =	vgt.s32 v14, v15  }
0x68: {  	[tilespmem:$0x7780] =	vst v11;
	v11 =	vadd.s32 v6, v12;
	v14 =	vsel vm11, v14, v15;
	v12 =	vcvt.s32.f32 v27  }
0x69: {  	[tilespmem:$0x7800] =	vst v11;
	v11 =	vcvt.s32.f32 v14  }
0x6a: {  	[tilespmem:$0x7B00] =	vst v12  }
0x6b: {  	[tilespmem:$0x7C00] =	vst v11  }
0x6c: {  	v11 =	vld.idx.msk [tilespmem:v13+s2+$0x0], $0xffff  }
0x6d: {  	v12 =	vld.idx.msk [tilespmem:v26+s2+$0x0], $0xffff;
	_ =	sdelay $0x3  }
0x6e: {  	v13 =	vld [tilespmem:$0x27F0]  }
0x6f: {  	v28 =	vld [tilespmem:$0x4F70];
	v14 =	vshra.s32 v11, $0x8;
	v15 =	vshra.s32 v12, $0x8  }
0x70: {  	v11 =	vand.u32 $0xFF, v11;
	v29 =	vmul.u32 v14, v15  }
0x71: {  	v12 =	vand.u32 $0xFF, v12;
	v11 =	vadd.s32 v7, v11;
	vm12 =	vgt.s32 v14, v15  }
0x72: {  	[tilespmem:$0x7790] =	vst v11;
	v11 =	vadd.s32 v7, v12;
	v14 =	vsel vm12, v14, v15;
	v12 =	vcvt.s32.f32 v29  }
0x73: {  	[tilespmem:$0x7810] =	vst v11;
	v11 =	vcvt.s32.f32 v14  }
0x74: {  	[tilespmem:$0x7B10] =	vst v12  }
0x75: {  	[tilespmem:$0x7C10] =	vst v11  }
0x76: {  	v11 =	vld.idx.msk [tilespmem:v13+s2+$0x0], $0xffff  }
0x77: {  	v12 =	vld.idx.msk [tilespmem:v28+s2+$0x0], $0xffff;
	_ =	sdelay $0x3  }
0x78: {  	v13 =	vld [tilespmem:$0x2800]  }
0x79: {  	v30 =	vld [tilespmem:$0x4F80];
	v14 =	vshra.s32 v11, $0x8;
	v15 =	vshra.s32 v12, $0x8  }
0x7a: {  	v11 =	vand.u32 $0xFF, v11;
	v31 =	vmul.u32 v14, v15  }
0x7b: {  	v12 =	vand.u32 $0xFF, v12;
	v11 =	vadd.s32 v8, v11;
	vm13 =	vgt.s32 v14, v15  }
0x7c: {  	[tilespmem:$0x77A0] =	vst v11;
	v11 =	vadd.s32 v8, v12;
	v14 =	vsel vm13, v14, v15;
	v12 =	vcvt.s32.f32 v31  }
0x7d: {  	[tilespmem:$0x7820] =	vst v11;
	v11 =	vcvt.s32.f32 v14  }
0x7e: {  	[tilespmem:$0x7B20] =	vst v12  }
0x7f: {  	[tilespmem:$0x7C20] =	vst v11  }
0x80: {  	v11 =	vld.idx.msk [tilespmem:v13+s2+$0x0], $0xffff  }
0x81: {  	v12 =	vld.idx.msk [tilespmem:v30+s2+$0x0], $0xffff;
	_ =	sdelay $0x3  }
0x82: {  	v13 =	vld [tilespmem:$0x2810]  }
0x83: {  	v32 =	vld [tilespmem:$0x4F90];
	v14 =	vshra.s32 v11, $0x8;
	v15 =	vshra.s32 v12, $0x8  }
0x84: {  	v11 =	vand.u32 $0xFF, v11;
	v33 =	vmul.u32 v14, v15  }
0x85: {  	v12 =	vand.u32 $0xFF, v12;
	v11 =	vadd.s32 v9, v11;
	vm14 =	vgt.s32 v14, v15  }
0x86: {  	[tilespmem:$0x77B0] =	vst v11;
	v11 =	vadd.s32 v9, v12;
	v14 =	vsel vm14, v14, v15;
	v12 =	vcvt.s32.f32 v33  }
0x87: {  	[tilespmem:$0x7830] =	vst v11;
	v11 =	vcvt.s32.f32 v14  }
0x88: {  	[tilespmem:$0x7B30] =	vst v12  }
0x89: {  	[tilespmem:$0x7C30] =	vst v11  }
0x8a: {  	v11 =	vld.idx.msk [tilespmem:v13+s2+$0x0], $0xffff  }
0x8b: {  	v12 =	vld.idx.msk [tilespmem:v32+s2+$0x0], $0xffff;
	_ =	sdelay $0x4  }
0x8c: {  	v13 =	vshra.s32 v11, $0x8;
	v14 =	vshra.s32 v12, $0x8  }
0x8d: {  	v11 =	vand.u32 $0xFF, v11;
	v15 =	vmul.u32 v13, v14  }
0x8e: {  	v12 =	vand.u32 $0xFF, v12;
	v11 =	vadd.s32 v10, v11;
	vm15 =	vgt.s32 v13, v14  }
0x8f: {  	[tilespmem:$0x77C0] =	vst v11;
	v11 =	vadd.s32 v10, v12;
	v13 =	vsel vm15, v13, v14;
	v12 =	vcvt.s32.f32 v15  }
0x90: {  	[tilespmem:$0x7840] =	vst v11;
	v11 =	vcvt.s32.f32 v13  }
0x91: {  	[tilespmem:$0x7B40] =	vst v12  }
0x92: {  	[tilespmem:$0x7C40] =	vst v11  }
0x93: {  	[tilespmem:s20], [sflag:$0x2] =	stream.indirect.gather [hbm4b:s3+s14], $0x1, s19, s14, $0xb8;
	[tilespmem:$0x7D80] =	vst v63  }
0x94: {  	_ = 	snop  }
0x95: {  	[tilespmem:s22], [sflag:$0x2] =	stream.indirect.gather [hbm4b:s3+s14], $0x1, s21, s14, $0xb8;
	[tilespmem:$0x7D80] =	vst v63  }
0x96: {  	_ =	swait.ge [sflag:s23], $0x50  }
0x97: {  	[sflag:s23] =	ssyncset.done $0x0  }
0x98: {  	[sflag:s23] =	ssyncadd.s32 $0xFFFFFFB0  }
0x99: {  	_ =	swait.ge [sflag:s23], $0x50  }
0x9a: {  	[sflag:s23] =	ssyncset.done $0x0  }
0x9b: {  	[sflag:s23] =	ssyncadd.s32 $0xFFFFFFB0  }
0x9c: {  	v11 =	vld [tilespmem:$0x7880]  }
0x9d: {  	v12 =	vld [tilespmem:$0x7900];
	_ =	sdelay $0x4  }
0x9e: {  	v11 =	vmul.f32 v12, v11  }
0x9f: {  	v14 =	vld [tilespmem:$0x7910]  }
0xa0: {  	v12 =	vld [tilespmem:$0x7890];
	v13 =	vand.u32 $0x7FFFFF, v11  }
0xa1: {  	v13 =	vor.u32 $0x3F800000, v13  }
0xa2: {  	v15 =	vadd.f32 $1.000000000e+00, v13;
	_ =	sdelay $0x1  }
0xa3: {  	(erf) = vrcp.f32 v15  }
0xa4: {  	v12 =	vmul.f32 v14, v12  }
0xa5: {  	v34 =	vld [tilespmem:$0x78A0]  }
0xa6: {  	v35 =	vld [tilespmem:$0x7920];
	v14 =	vand.u32 $0x7FFFFF, v12  }
0xa7: {  	v14 =	vor.u32 $0x3F800000, v14  }
0xa8: {  	v15 =	vadd.f32 $1.000000000e+00, v14;
	_ =	sdelay $0x1  }
0xa9: {  	(erf) = vrcp.f32 v15  }
0xaa: {  	v16 =	vmul.f32 v35, v34;
	v13 =	vadd.f32 $-1.000000000e+00, v13  }
0xab: {  	v36 =	vld [tilespmem:$0x7930];
	v15 =	vpop (erf)  }
0xac: {  	v19 =	vand.u32 $0x7FFFFF, v16;
	v13 =	vmul.f32 v15, v13;
	v15 =	vld [tilespmem:$0x78B0]  }
0xad: {  	v21 =	vld [tilespmem:$0x78C0];
	v19 =	vor.u32 $0x3F800000, v19  }
0xae: {  	v23 =	vld [tilespmem:$0x7940];
	v22 =	vadd.f32 $1.000000000e+00, v19;
	v18 =	vmul.f32 v13, v13;
	_ =	sdelay $0x1  }
0xaf: {  	(erf) = vrcp.f32 v22;
	v20 =	vmul.f32 $1.111111120e-01, v18  }
0xb0: {  	v14 =	vadd.f32 $-1.000000000e+00, v14;
	v15 =	vmul.f32 v36, v15  }
0xb1: {  	v24 =	vpop (erf);
	v20 =	vadd.f32 $1.428571490e-01, v20  }
0xb2: {  	v21 =	vmul.f32 v23, v21;
	v14 =	vmul.f32 v24, v14;
	v38 =	vand.u32 $0x7FFFFF, v15  }
0xb3: {  	v37 =	vmul.f32 v20, v18;
	v20 =	vor.u32 $0x3F800000, v38  }
0xb4: {  	v42 =	vand.u32 $0x7FFFFF, v21;
	v39 =	vmul.f32 v14, v14;
	v40 =	vadd.f32 $1.000000000e+00, v20  }
0xb5: {  	v24 =	vor.u32 $0x3F800000, v42;
	v17 =	vadd.f32 $2.000000030e-01, v37  }
0xb6: {  	v25 =	vadd.f32 $1.000000000e+00, v24;
	v41 =	vmul.f32 $1.111111120e-01, v39;
	(erf) = vrcp.f32 v40  }
0xb7: {  	v17 =	vmul.f32 v17, v18  }
0xb8: {  	v43 =	vpop (erf);
	v23 =	vadd.f32 $1.428571490e-01, v41;
	(erf) = vrcp.f32 v25  }
0xb9: {  	v19 =	vadd.f32 $-1.000000000e+00, v19;
	v17 =	vadd.f32 $3.333333430e-01, v17  }
0xba: {  	v11 =	vshrl.u32 v11, $0x17;
	v23 =	vmul.f32 v23, v39  }
0xbb: {  	v16 =	vshrl.u32 v16, $0x17;
	v17 =	vmul.f32 v17, v18;
	v18 =	vmul.f32 v43, v19  }
0xbc: {  	v21 =	vshrl.u32 v21, $0x17;
	v11 =	vand.u32 $0xFF, v11;
	v16 =	vand.u32 $0xFF, v16  }
0xbd: {  	v21 =	vand.u32 $0xFF, v21;
	v23 =	vadd.f32 $2.000000030e-01, v23;
	v45 =	vmul.f32 v18, v18  }
0xbe: {  	v11 =	vadd.s32 $0xFFFFFF81, v11;
	v13 =	vadd.f32 v13, v13;
	v20 =	vadd.f32 $-1.000000000e+00, v20  }
0xbf: {  	v44 =	vmul.f32 v23, v39;
	v17 =	vadd.f32 $1.000000000e+00, v17;
	v46 =	vpop (erf);
	v48 =	vmul.f32 $1.111111120e-01, v45  }
0xc0: {  	v11 =	vcvt.s32.f32 v11;
	v24 =	vadd.f32 $-1.000000000e+00, v24;
	v20 =	vmul.f32 v46, v20  }
0xc1: {  	v47 =	vadd.f32 $3.333333430e-01, v44;
	v13 =	vmul.f32 v17, v13;
	v50 =	vpop (erf);
	v19 =	vadd.f32 $1.428571490e-01, v48  }
0xc2: {  	v12 =	vshrl.u32 v12, $0x17;
	v24 =	vmul.f32 v50, v24;
	v49 =	vmul.f32 v20, v20  }
0xc3: {  	v12 =	vand.u32 $0xFF, v12;
	v17 =	vmul.f32 v47, v39;
	v19 =	vmul.f32 v19, v45  }
0xc4: {  	v12 =	vadd.s32 $0xFFFFFF81, v12;
	v53 =	vmul.f32 v24, v24;
	v26 =	vmul.f32 $1.111111120e-01, v49  }
0xc5: {  	v12 =	vcvt.s32.f32 v12;
	v14 =	vadd.f32 v14, v14;
	v17 =	vadd.f32 $1.000000000e+00, v17  }
0xc6: {  	v19 =	vadd.f32 $2.000000030e-01, v19;
	v28 =	vmul.f32 $1.111111120e-01, v53;
	v52 =	vadd.f32 $1.428571490e-01, v26  }
0xc7: {  	v16 =	vadd.s32 $0xFFFFFF81, v16;
	v12 =	vmul.f32 $6.931471820e-01, v12;
	v14 =	vmul.f32 v17, v14  }
0xc8: {  	v19 =	vmul.f32 v19, v45;
	v54 =	vadd.f32 $1.428571490e-01, v28;
	v17 =	vmul.f32 v52, v49  }
0xc9: {  	v16 =	vcvt.s32.f32 v16;
	v15 =	vshrl.u32 v15, $0x17;
	v12 =	vadd.f32 v14, v12  }
0xca: {  	v14 =	vadd.f32 $3.333333430e-01, v19;
	v19 =	vmul.f32 v54, v53;
	v17 =	vadd.f32 $2.000000030e-01, v17  }
0xcb: {  	v51 =	vld [tilespmem:$0x7A80];
	v11 =	vmul.f32 $6.931471820e-01, v11;
	v16 =	vmul.f32 $6.931471820e-01, v16;
	v15 =	vand.u32 $0xFF, v15  }
0xcc: {  	v15 =	vadd.s32 $0xFFFFFF81, v15;
	v19 =	vadd.f32 $2.000000030e-01, v19;
	v17 =	vmul.f32 v17, v49  }
0xcd: {  	v27 =	vld [tilespmem:$0x7A90];
	v59 =	vadd.s32 $0xFFFFFF81, v21;
	v15 =	vcvt.s32.f32 v15;
	v14 =	vmul.f32 v14, v45  }
0xce: {  	v11 =	vadd.f32 v13, v11;
	v13 =	vld [tilespmem:$0x7B80];
	v19 =	vmul.f32 v19, v53;
	v17 =	vadd.f32 $3.333333430e-01, v17  }
0xcf: {  	v55 =	vld [tilespmem:$0x7B90];
	v15 =	vmul.f32 $6.931471820e-01, v15;
	v18 =	vadd.f32 v18, v18;
	v14 =	vadd.f32 $1.000000000e+00, v14  }
0xd0: {  	v56 =	vld [tilespmem:$0x7AA0];
	v11 =	vmul.f32 v11, v51;
	v19 =	vadd.f32 $3.333333430e-01, v19;
	v17 =	vmul.f32 v17, v49  }
0xd1: {  	v20 =	vadd.f32 v20, v20;
	v24 =	vadd.f32 v24, v24;
	v14 =	vmul.f32 v14, v18  }
0xd2: {  	v57 =	vld [tilespmem:$0x7BA0];
	v11 =	vadd.f32 $0.0e+00, v11;
	v19 =	vmul.f32 v19, v53;
	v17 =	vadd.f32 $1.000000000e+00, v17  }
0xd3: {  	v58 =	vld [tilespmem:$0x7AB0];
	v13 =	vadd.f32 $0.0e+00, v13;
	v12 =	vmul.f32 v12, v27;
	v14 =	vadd.f32 v14, v16  }
0xd4: {  	v60 =	vld [tilespmem:$0x7BB0];
	v19 =	vadd.f32 $1.000000000e+00, v19;
	v17 =	vmul.f32 v17, v20;
	v20 =	vcvt.s32.f32 v59  }
0xd5: {  	v11 =	vadd.f32 v12, v11;
	v12 =	vadd.f32 v55, v13;
	v13 =	vmul.f32 v14, v56;
	v14 =	vld [tilespmem:$0x7AC0]  }
0xd6: {  	v61 =	vmul.f32 v19, v24;
	v15 =	vadd.f32 v17, v15;
	v62 =	vmul.f32 $6.931471820e-01, v20  }
0xd7: {  	v11 =	vadd.f32 v13, v11;
	v13 =	vld [tilespmem:$0x7BC0]  }
.Ltmp2:
0xd8: {  	v12 =	vadd.f32 v57, v12;
	v15 =	vmul.f32 v15, v58;
	v63 =	vadd.f32 v61, v62;
	(pc) =	sbr.rel .LBB2_2-.Ltmp2, $3  }
0xd9: {  	_ = 	snop  }
0xda: {  	v11 =	vadd.f32 v15, v11;
	v15 =	vadd.f32 v60, v12;
	v12 =	vmul.f32 v63, v14;
	_ =	sdelay $0x1  }
0xdb: {  	s29 =	simm.s32 $0x5030;
	s30 =	simm.s32 $0x28B0;
	s31 =	simm.s32 $0x0;
	v12 =	vadd.f32 v12, v11;
	v11 =	vadd.f32 v13, v15  }
.LBB2_4:
0xdc: {  	v32 =	vadd.f32 $-1.000000000e+00, v32;
	_ =	sdelay $0x1  }
0xdd: {  	v32 =	vmul.f32 v37, v32;
	_ =	sdelay $0x1  }
0xde: {  	v34 =	vadd.f32 $-1.000000000e+00, v34;
	v37 =	vmul.f32 v32, v32;
	_ =	sdelay $0x1  }
0xdf: {  	v34 =	vmul.f32 v36, v34;
	v38 =	vmul.f32 $1.111111120e-01, v37  }
0xe0: {  	v33 =	vadd.f32 $-1.000000000e+00, v33  }
0xe1: {  	v29 =	vshrl.u32 v29, $0x17;
	v58 =	vmul.f32 v34, v34;
	v38 =	vadd.f32 $1.428571490e-01, v38  }
0xe2: {  	_ =	swait.ge [sflag:s23], $0x50;
	v30 =	vadd.f32 $-1.000000000e+00, v30;
	v26 =	vshrl.u32 v26, $0x17;
	v24 =	vshrl.u32 v24, $0x17  }
0xe3: {  	v25 =	vadd.f32 $-1.000000000e+00, v25;
	[sflag:s23] =	ssyncset.done $0x0;
	v39 =	vmul.f32 $1.111111120e-01, v58;
	v57 =	vmul.f32 v38, v37  }
0xe4: {  	v20 =	vshrl.u32 v20, $0x17;
	v16 =	vshrl.u32 v16, $0x17;
	v29 =	vand.u32 $0xFF, v29;
	[sflag:s23] =	ssyncadd.s32 $0xFFFFFFB0  }
0xe5: {  	v26 =	vand.u32 $0xFF, v26;
	_ =	swait.ge [sflag:s23], $0x50;
	v60 =	vadd.f32 $1.428571490e-01, v39;
	v36 =	vadd.f32 $2.000000030e-01, v57  }
0xe6: {  	v24 =	vand.u32 $0xFF, v24;
	v11 =	vadd.f32 v23, v11;
	v20 =	vand.u32 $0xFF, v20;
	[sflag:s23] =	ssyncset.done $0x0  }
0xe7: {  	v16 =	vand.u32 $0xFF, v16;
	[sflag:s23] =	ssyncadd.s32 $0xFFFFFFB0;
	v59 =	vmul.f32 v36, v37;
	v36 =	vmul.f32 v60, v58  }
0xe8: {  	v33 =	vmul.f32 v35, v33;
	v29 =	vadd.s32 $0xFFFFFF81, v29;
	v30 =	vmul.f32 v31, v30;
	v41 =	vld [tilespmem:$0x7880]  }
0xe9: {  	v25 =	vmul.f32 v27, v25;
	v43 =	vld [tilespmem:$0x7900];
	v35 =	vadd.f32 $3.333333430e-01, v59;
	v36 =	vadd.f32 $2.000000030e-01, v36  }
0xea: {  	v26 =	vadd.s32 $0xFFFFFF81, v26;
	v29 =	vcvt.s32.f32 v29;
	v61 =	vmul.f32 v33, v33  }
0xeb: {  	v24 =	vadd.s32 $0xFFFFFF81, v24;
	v35 =	vmul.f32 v35, v37;
	v36 =	vmul.f32 v36, v58  }
0xec: {  	v26 =	vcvt.s32.f32 v26;
	v32 =	vadd.f32 v32, v32;
	v40 =	vmul.f32 $1.111111120e-01, v61  }
0xed: {  	v24 =	vcvt.s32.f32 v24;
	v35 =	vadd.f32 $1.000000000e+00, v35;
	v63 =	vadd.f32 $3.333333430e-01, v36  }
0xee: {  	v44 =	vmul.f32 v30, v30;
	v62 =	vadd.f32 $1.428571490e-01, v40;
	v31 =	vmul.f32 v43, v41  }
0xef: {  	v20 =	vadd.s32 $0xFFFFFF81, v20;
	v32 =	vmul.f32 v35, v32;
	v35 =	vmul.f32 v63, v58  }
0xf0: {  	v20 =	vcvt.s32.f32 v20;
	v34 =	vadd.f32 v34, v34;
	v37 =	vmul.f32 v62, v61  }
0xf1: {  	v47 =	vmul.f32 $1.111111120e-01, v44;
	v48 =	vand.u32 $0x7FFFFF, v31;
	v35 =	vadd.f32 $1.000000000e+00, v35  }
0xf2: {  	v54 =	vmul.f32 v25, v25;
	v49 =	vor.u32 $0x3F800000, v48;
	v40 =	vadd.f32 $2.000000030e-01, v37  }
0xf3: {  	v52 =	vadd.f32 $1.000000000e+00, v49;
	v46 =	vmul.f32 v35, v34;
	v34 =	vadd.f32 $1.428571490e-01, v47  }
0xf4: {  	v16 =	vadd.s32 $0xFFFFFF81, v16;
	v29 =	vmul.f32 $6.931471820e-01, v29;
	v50 =	vld [tilespmem:$0x7890];
	v42 =	vmul.f32 v40, v61  }
0xf5: {  	v11 =	vadd.f32 v19, v11;
	v53 =	vld [tilespmem:$0x7910];
	(erf) = vrcp.f32 v52;
	v34 =	vmul.f32 v34, v44  }
0xf6: {  	v16 =	vcvt.s32.f32 v16;
	v29 =	vadd.f32 v32, v29;
	v45 =	vadd.f32 $3.333333430e-01, v42  }
0xf7: {  	v26 =	vmul.f32 $6.931471820e-01, v26;
	v57 =	vmul.f32 $1.111111120e-01, v54;
	v51 =	vadd.f32 $2.000000030e-01, v34  }
0xf8: {  	v33 =	vadd.f32 v33, v33;
	v28 =	vmul.f32 v29, v28;
	v29 =	vmul.f32 v45, v61  }
0xf9: {  	v11 =	vadd.f32 v18, v11;
	v58 =	vadd.f32 $1.428571490e-01, v57;
	v55 =	vmul.f32 v51, v44  }
0xfa: {  	v29 =	vadd.f32 $1.000000000e+00, v29;
	v56 =	vadd.f32 v46, v26;
	v26 =	vmul.f32 v53, v50  }
0xfb: {  	v24 =	vmul.f32 $6.931471820e-01, v24;
	v48 =	vld [tilespmem:$0x78C0];
	v12 =	vadd.f32 v28, v12;
	v28 =	vadd.f32 $3.333333430e-01, v55  }
0xfc: {  	v27 =	vadd.f32 $-1.000000000e+00, v49;
	v49 =	vld [tilespmem:$0x7940];
	v29 =	vmul.f32 v29, v33;
	v60 =	vand.u32 $0x7FFFFF, v26  }
0xfd: {  	v23 =	vmul.f32 v58, v54;
	v59 =	vmul.f32 v28, v44;
	v28 =	vor.u32 $0x3F800000, v60  }
0xfe: {  	v36 =	vld [tilespmem:$0x7920];
	v40 =	vmul.f32 $6.931471820e-01, v20;
	v39 =	vpop (erf);
	v24 =	vadd.f32 v29, v24;
	v62 =	vadd.f32 $1.000000000e+00, v28  }
0xff: {  	v63 =	vld [tilespmem:$0x78A0];
	v61 =	vadd.f32 v30, v30;
	v23 =	vadd.f32 $2.000000030e-01, v23;
	v41 =	vmul.f32 v39, v27  }
0x100: {  	v42 =	vld [tilespmem:$0x78B0];
	v21 =	vmul.f32 v24, v21;
	v24 =	vadd.f32 $1.000000000e+00, v59;
	(erf) = vrcp.f32 v62  }
0x101: {  	v11 =	vadd.f32 v14, v11;
	v27 =	vmul.f32 v49, v48;
	v46 =	vmul.f32 v41, v41;
	v44 =	vld [tilespmem:$0x7930]  }
0x102: {  	v25 =	vadd.f32 v25, v25;
	v37 =	vmul.f32 v23, v54;
	v24 =	vmul.f32 v24, v61  }
0x103: {  	v11 =	vadd.f32 v13, v11;
	v22 =	vmul.f32 v56, v22;
	v47 =	vmul.f32 $1.111111120e-01, v46  }
0x104: {  	v20 =	vadd.f32 v41, v41;
	v45 =	vadd.f32 v24, v40;
	v24 =	vmul.f32 v36, v63  }
0x105: {  	v57 =	vand.u32 $0x7FFFFF, v27;
	v12 =	vadd.f32 v22, v12;
	v18 =	vadd.f32 $1.428571490e-01, v47  }
0x106: {  	v43 =	vadd.f32 $3.333333430e-01, v37;
	v22 =	vmul.f32 v44, v42;
	v29 =	vand.u32 $0x7FFFFF, v24  }
0x107: {  	v18 =	vmul.f32 v18, v46;
	v12 =	vadd.f32 v21, v12;
	v29 =	vor.u32 $0x3F800000, v29  }
0x108: {  	v50 =	vadd.f32 $-1.000000000e+00, v28;
	v53 =	vand.u32 $0x7FFFFF, v22;
	v51 =	vadd.f32 $1.000000000e+00, v29  }
0x109: {  	v21 =	vmul.f32 v43, v54;
	v28 =	vor.u32 $0x3F800000, v57;
	v54 =	vor.u32 $0x3F800000, v53;
	v52 =	vpop (erf)  }
0x10a: {  	v55 =	vadd.f32 $1.000000000e+00, v54;
	(erf) = vrcp.f32 v51;
	v23 =	vmul.f32 v52, v50  }
0x10b: {  	v16 =	vmul.f32 $6.931471820e-01, v16;
	v18 =	vadd.f32 $2.000000030e-01, v18;
	v59 =	vadd.f32 $1.000000000e+00, v28  }
0x10c: {  	v21 =	vadd.f32 $1.000000000e+00, v21;
	(erf) = vrcp.f32 v55;
	v56 =	vmul.f32 v23, v23  }
0x10d: {  	v39 =	vshrl.u32 v26, $0x17;
	v18 =	vmul.f32 v18, v46;
	(erf) = vrcp.f32 v59  }
0x10e: {  	v60 =	vshrl.u32 v31, $0x17;
	v21 =	vmul.f32 v21, v25;
	v58 =	vmul.f32 $1.111111120e-01, v56  }
0x10f: {  	v57 =	vshrl.u32 v27, $0x17;
	v38 =	vadd.f32 $-1.000000000e+00, v28;
	v18 =	vadd.f32 $3.333333430e-01, v18  }
0x110: {  	v16 =	vadd.f32 v21, v16;
	v21 =	vand.u32 $0xFF, v60;
	v30 =	vadd.f32 $1.428571490e-01, v58  }
0x111: {  	v18 =	vmul.f32 v18, v46;
	v61 =	vadd.s32 $0xFFFFFF81, v21;
	v22 =	vshrl.u32 v22, $0x17  }
0x112: {  	v17 =	vmul.f32 v45, v17;
	v29 =	vadd.f32 $-1.000000000e+00, v29;
	v62 =	vmul.f32 v30, v56  }
0x113: {  	v19 =	vcvt.s32.f32 v61;
	v15 =	vmul.f32 v16, v15;
	v18 =	vadd.f32 $1.000000000e+00, v18;
	v63 =	vpop (erf)  }
0x114: {  	v49 =	vshrl.u32 v24, $0x17;
	v29 =	vmul.f32 v63, v29;
	v21 =	vadd.f32 $2.000000030e-01, v62  }
0x115: {  	v33 =	vadd.f32 $-1.000000000e+00, v54;
	v19 =	vmul.f32 $6.931471820e-01, v19;
	v18 =	vmul.f32 v18, v20;
	v34 =	vpop (erf)  }
0x116: {  	v12 =	vadd.f32 v17, v12;
	v40 =	vpop (erf);
	v35 =	vmul.f32 v29, v29;
	v14 =	vmul.f32 v21, v56  }
0x117: {  	v20 =	vand.u32 $0xFF, v39;
	v36 =	vmul.f32 v34, v33;
	v17 =	vmul.f32 v40, v38  }
0x118: {  	v32 =	vld [tilespmem:$0x7A80];
	v12 =	vadd.f32 v15, v12;
	v13 =	vadd.f32 $3.333333430e-01, v14;
	v14 =	vmul.f32 $1.111111120e-01, v35  }
0x119: {  	v20 =	vadd.s32 $0xFFFFFF81, v20;
	v37 =	vmul.f32 v36, v36;
	v45 =	vmul.f32 v17, v17  }
0x11a: {  	v15 =	vadd.f32 v18, v19;
	v46 =	vcvt.s32.f32 v20;
	v14 =	vadd.f32 $1.428571490e-01, v14  }
0x11b: {  	v55 =	vand.u32 $0xFF, v22;
	v42 =	vmul.f32 $1.111111120e-01, v37;
	v48 =	vmul.f32 $1.111111120e-01, v45  }
0x11c: {  	v43 =	vadd.f32 v23, v23;
	v13 =	vmul.f32 v13, v56;
	v14 =	vmul.f32 v14, v35  }
0x11d: {  	v15 =	vmul.f32 v15, v32;
	v44 =	vadd.f32 $1.428571490e-01, v42;
	v23 =	vadd.f32 $1.428571490e-01, v48  }
0x11e: {  	v19 =	vmul.f32 $6.931471820e-01, v46;
	v13 =	vadd.f32 $1.000000000e+00, v13;
	v14 =	vadd.f32 $2.000000030e-01, v14  }
0x11f: {  	v12 =	vadd.f32 v15, v12;
	v15 =	vld [tilespmem:$0x7A90];
	v47 =	vmul.f32 v44, v37;
	v23 =	vmul.f32 v23, v45  }
0x120: {  	v52 =	vadd.f32 v29, v29;
	v13 =	vmul.f32 v13, v43;
	v14 =	vmul.f32 v14, v35  }
0x121: {  	v21 =	vadd.s32 $0xFFFFFF81, v55;
	v20 =	vadd.f32 $2.000000030e-01, v47;
	v51 =	vadd.f32 $2.000000030e-01, v23  }
0x122: {  	v21 =	vcvt.s32.f32 v21;
	v13 =	vadd.f32 v13, v19;
	v14 =	vadd.f32 $3.333333430e-01, v14  }
0x123: {  	v18 =	vadd.f32 v36, v36;
	v20 =	vmul.f32 v20, v37;
	v53 =	vmul.f32 v51, v45  }
0x124: {  	v13 =	vmul.f32 v13, v15;
	v15 =	vand.u32 $0xFF, v49;
	v14 =	vmul.f32 v14, v35  }
0x125: {  	v50 =	vadd.f32 $3.333333430e-01, v20;
	v15 =	vadd.s32 $0xFFFFFF81, v15;
	v19 =	vadd.f32 $3.333333430e-01, v53  }
0x126: {  	v41 =	vld [tilespmem:$0x7B80];
	v17 =	vadd.f32 v17, v17;
	v15 =	vcvt.s32.f32 v15;
	v14 =	vadd.f32 $1.000000000e+00, v14  }
0x127: {  	v56 =	vld [tilespmem:$0x7AA0];
	v23 =	vand.u32 $0xFF, v57;
	v16 =	vmul.f32 v50, v37;
	v19 =	vmul.f32 v19, v45  }
0x128: {  	v54 =	vld [tilespmem:$0x7B90];
	v60 =	vadd.s32 $0xFFFFFF81, v23;
	v15 =	vmul.f32 $6.931471820e-01, v15;
	v14 =	vmul.f32 v14, v52  }
0x129: {  	v58 =	vld [tilespmem:$0x7AB0];
	v59 =	vmul.f32 $6.931471820e-01, v21;
	v21 =	vcvt.s32.f32 v60;
	v16 =	vadd.f32 $1.000000000e+00, v16  }
0x12a: {  	v19 =	vadd.f32 $1.000000000e+00, v19;
	v14 =	vadd.f32 v14, v15;
	v15 =	vld [tilespmem:$0x7BA0]  }
0x12b: {  	v11 =	vadd.f32 v41, v11;
	v62 =	vmul.f32 $6.931471820e-01, v21;
	v16 =	vmul.f32 v16, v18  }
0x12c: {  	v12 =	vadd.f32 v13, v12;
	v17 =	vmul.f32 v19, v17;
	v13 =	vmul.f32 v14, v56;
	v14 =	vld [tilespmem:$0x7AC0]  }
0x12d: {  	v61 =	vld [tilespmem:$0x7BB0];
	v11 =	vadd.f32 v54, v11;
	v16 =	vadd.f32 v16, v59  }
0x12e: {  	s31 =	sadd.s32 $0xA0, s31;
	v63 =	vadd.f32 v17, v62  }
0x12f: {  	p0 =	sne.s32 s31, $0x26C0;
	v12 =	vadd.f32 v13, v12;
	v13 =	vld [tilespmem:$0x7BC0];
	v11 =	vadd.f32 v15, v11;
	v15 =	vmul.f32 v16, v58  }
.Ltmp3:
0x130: {  	_ = 	snop;
	(pc) =	sbr.rel @!p0 .LBB2_5-.Ltmp3, $4  }
0x131: {  	v12 =	vadd.f32 v15, v12;
	v14 =	vmul.f32 v63, v14  }
0x132: {  	v11 =	vadd.f32 v61, v11  }
0x133: {  	v12 =	vadd.f32 v14, v12  }
0x134: {  	s29 =	sadd.s32 $0xA0, s29;
	s30 =	sadd.s32 $0xA0, s30;
	v11 =	vadd.f32 v13, v11  }
.LBB2_2:
0x135: {  	v13 =	vld [tilespmem:s30+$0xFFFFFF70]  }
0x136: {  	v14 =	vld [tilespmem:s29+$0xFFFFFF70];
	_ =	sdelay $0x6  }
0x137: {  	v13 =	vld.idx.msk [tilespmem:v13+s2+$0x0], $0xffff  }
0x138: {  	v14 =	vld.idx.msk [tilespmem:v14+s2+$0x0], $0xffff;
	_ =	sdelay $0x1  }
0x139: {  	s1 =	sadd.s32 s31, s10  }
0x13a: {  	s0 =	sadd.s32 $0xA0, s1  }
0x13b: {  	v15 =	vmov s0  }
0x13c: {  	v15 =	vshll.u32 v15, $0x7;
	v16 =	vshra.s32 v13, $0x8;
	v17 =	vshra.s32 v14, $0x8  }
0x13d: {  	v15 =	vor.u32 v0, v15;
	v13 =	vand.u32 $0xFF, v13;
	v18 =	vmul.u32 v16, v17  }
0x13e: {  	v14 =	vand.u32 $0xFF, v14;
	v13 =	vadd.s32 v15, v13;
	vm0 =	vgt.s32 v16, v17  }
0x13f: {  	[tilespmem:$0x7680] =	vst v13;
	v13 =	vadd.s32 v15, v14;
	v15 =	vsel vm0, v16, v17;
	v14 =	vcvt.s32.f32 v18  }
0x140: {  	[tilespmem:$0x7700] =	vst v13;
	v13 =	vcvt.s32.f32 v15  }
0x141: {  	[tilespmem:$0x7A80] =	vst v14  }
0x142: {  	[tilespmem:$0x7B80] =	vst v13  }
0x143: {  	v13 =	vld [tilespmem:s30+$0xFFFFFF80]  }
0x144: {  	v14 =	vld [tilespmem:s29+$0xFFFFFF80];
	_ =	sdelay $0x6  }
0x145: {  	v13 =	vld.idx.msk [tilespmem:v13+s2+$0x0], $0xffff  }
0x146: {  	v14 =	vld.idx.msk [tilespmem:v14+s2+$0x0], $0xffff;
	_ =	sdelay $0x2  }
0x147: {  	s0 =	sadd.s32 $0xB0, s1  }
0x148: {  	v15 =	vmov s0  }
0x149: {  	v15 =	vshll.u32 v15, $0x7;
	v16 =	vshra.s32 v13, $0x8;
	v17 =	vshra.s32 v14, $0x8  }
0x14a: {  	v15 =	vor.u32 v0, v15;
	v13 =	vand.u32 $0xFF, v13;
	v18 =	vmul.u32 v16, v17  }
0x14b: {  	v14 =	vand.u32 $0xFF, v14;
	v13 =	vadd.s32 v15, v13;
	vm12 =	vgt.s32 v16, v17  }
0x14c: {  	[tilespmem:$0x7690] =	vst v13;
	v13 =	vadd.s32 v15, v14;
	v15 =	vsel vm12, v16, v17;
	v14 =	vcvt.s32.f32 v18  }
0x14d: {  	[tilespmem:$0x7710] =	vst v13;
	v13 =	vcvt.s32.f32 v15  }
0x14e: {  	[tilespmem:$0x7A90] =	vst v14  }
0x14f: {  	[tilespmem:$0x7B90] =	vst v13  }
0x150: {  	v13 =	vld [tilespmem:s30+$0xFFFFFF90]  }
0x151: {  	v14 =	vld [tilespmem:s29+$0xFFFFFF90];
	_ =	sdelay $0x6  }
0x152: {  	v13 =	vld.idx.msk [tilespmem:v13+s2+$0x0], $0xffff  }
0x153: {  	v14 =	vld.idx.msk [tilespmem:v14+s2+$0x0], $0xffff;
	_ =	sdelay $0x2  }
0x154: {  	s0 =	sadd.s32 $0xC0, s1  }
0x155: {  	v15 =	vmov s0  }
0x156: {  	v15 =	vshll.u32 v15, $0x7;
	v16 =	vshra.s32 v13, $0x8;
	v17 =	vshra.s32 v14, $0x8  }
0x157: {  	v15 =	vor.u32 v0, v15;
	v13 =	vand.u32 $0xFF, v13;
	v18 =	vmul.u32 v16, v17  }
0x158: {  	v14 =	vand.u32 $0xFF, v14;
	v13 =	vadd.s32 v15, v13;
	vm13 =	vgt.s32 v16, v17  }
0x159: {  	[tilespmem:$0x76A0] =	vst v13;
	v13 =	vadd.s32 v15, v14;
	v15 =	vsel vm13, v16, v17;
	v14 =	vcvt.s32.f32 v18  }
0x15a: {  	[tilespmem:$0x7720] =	vst v13;
	v13 =	vcvt.s32.f32 v15  }
0x15b: {  	[tilespmem:$0x7AA0] =	vst v14  }
0x15c: {  	[tilespmem:$0x7BA0] =	vst v13  }
0x15d: {  	v13 =	vld [tilespmem:s30+$0xFFFFFFA0]  }
0x15e: {  	v14 =	vld [tilespmem:s29+$0xFFFFFFA0];
	_ =	sdelay $0x6  }
0x15f: {  	v13 =	vld.idx.msk [tilespmem:v13+s2+$0x0], $0xffff  }
0x160: {  	v14 =	vld.idx.msk [tilespmem:v14+s2+$0x0], $0xffff;
	_ =	sdelay $0x2  }
0x161: {  	s0 =	sadd.s32 $0xD0, s1  }
0x162: {  	v15 =	vmov s0  }
0x163: {  	v15 =	vshll.u32 v15, $0x7;
	v16 =	vshra.s32 v13, $0x8;
	v17 =	vshra.s32 v14, $0x8  }
0x164: {  	v15 =	vor.u32 v0, v15;
	v13 =	vand.u32 $0xFF, v13;
	v18 =	vmul.u32 v16, v17  }
0x165: {  	v14 =	vand.u32 $0xFF, v14;
	v13 =	vadd.s32 v15, v13;
	vm14 =	vgt.s32 v16, v17  }
0x166: {  	[tilespmem:$0x76B0] =	vst v13;
	v13 =	vadd.s32 v15, v14;
	v15 =	vsel vm14, v16, v17;
	v14 =	vcvt.s32.f32 v18  }
0x167: {  	[tilespmem:$0x7730] =	vst v13;
	v13 =	vcvt.s32.f32 v15  }
0x168: {  	[tilespmem:$0x7AB0] =	vst v14  }
0x169: {  	[tilespmem:$0x7BB0] =	vst v13  }
0x16a: {  	v13 =	vld [tilespmem:s30+$0xFFFFFFB0]  }
0x16b: {  	v14 =	vld [tilespmem:s29+$0xFFFFFFB0];
	_ =	sdelay $0x6  }
0x16c: {  	v13 =	vld.idx.msk [tilespmem:v13+s2+$0x0], $0xffff  }
0x16d: {  	v14 =	vld.idx.msk [tilespmem:v14+s2+$0x0], $0xffff;
	_ =	sdelay $0x2  }
0x16e: {  	s0 =	sadd.s32 $0xE0, s1  }
0x16f: {  	v15 =	vmov s0  }
0x170: {  	v15 =	vshll.u32 v15, $0x7;
	v16 =	vshra.s32 v13, $0x8;
	v17 =	vshra.s32 v14, $0x8  }
0x171: {  	v15 =	vor.u32 v0, v15;
	v13 =	vand.u32 $0xFF, v13;
	v18 =	vmul.u32 v16, v17  }
0x172: {  	v14 =	vand.u32 $0xFF, v14;
	v13 =	vadd.s32 v15, v13;
	vm15 =	vgt.s32 v16, v17  }
0x173: {  	[tilespmem:$0x76C0] =	vst v13;
	v13 =	vadd.s32 v15, v14;
	v15 =	vsel vm15, v16, v17;
	v14 =	vcvt.s32.f32 v18  }
0x174: {  	[tilespmem:$0x7740] =	vst v13;
	v13 =	vcvt.s32.f32 v15  }
0x175: {  	[tilespmem:$0x7AC0] =	vst v14  }
0x176: {  	[tilespmem:$0x7BC0] =	vst v13  }
0x177: {  	[tilespmem:s16], [sflag:$0x1] =	stream.indirect.gather [hbm4b:s3+s14], $0x1, s15, s14, $0xb8;
	[tilespmem:$0x7D80] =	vst v63  }
0x178: {  	_ = 	snop  }
0x179: {  	[tilespmem:s18], [sflag:$0x1] =	stream.indirect.gather [hbm4b:s3+s14], $0x1, s17, s14, $0xb8;
	[tilespmem:$0x7D80] =	vst v63  }
0x17a: {  	_ =	swait.ge [sflag:s24], $0x50  }
0x17b: {  	[sflag:s24] =	ssyncset.done $0x0  }
0x17c: {  	[sflag:s24] =	ssyncadd.s32 $0xFFFFFFB0  }
0x17d: {  	_ =	swait.ge [sflag:s24], $0x50  }
0x17e: {  	[sflag:s24] =	ssyncset.done $0x0  }
0x17f: {  	[sflag:s24] =	ssyncadd.s32 $0xFFFFFFB0  }
0x180: {  	v13 =	vld [tilespmem:$0x7980]  }
0x181: {  	v14 =	vld [tilespmem:$0x7A00]  }
0x182: {  	v15 =	vld [tilespmem:$0x7990]  }
0x183: {  	v16 =	vld [tilespmem:$0x7A10]  }
0x184: {  	v17 =	vld [tilespmem:$0x79A0]  }
0x185: {  	v18 =	vld [tilespmem:$0x7A20]  }
0x186: {  	v19 =	vld [tilespmem:$0x79B0]  }
0x187: {  	v21 =	vld [tilespmem:$0x7A40];
	v29 =	vmul.f32 v14, v13  }
0x188: {  	v13 =	vld [tilespmem:$0x7A30]  }
0x189: {  	v14 =	vld [tilespmem:$0x79C0];
	v20 =	vand.u32 $0x7FFFFF, v29  }
0x18a: {  	v32 =	vor.u32 $0x3F800000, v20  }
0x18b: {  	v26 =	vmul.f32 v16, v15;
	v20 =	vadd.f32 $1.000000000e+00, v32  }
0x18c: {  	v24 =	vmul.f32 v18, v17  }
0x18d: {  	v15 =	vand.u32 $0x7FFFFF, v26;
	(erf) = vrcp.f32 v20;
	v20 =	vmul.f32 v13, v19  }
0x18e: {  	v34 =	vor.u32 $0x3F800000, v15;
	v16 =	vmul.f32 v21, v14;
	v13 =	vand.u32 $0x7FFFFF, v24  }
0x18f: {  	v14 =	vadd.f32 $1.000000000e+00, v34;
	v33 =	vor.u32 $0x3F800000, v13;
	v13 =	vand.u32 $0x7FFFFF, v20  }
0x190: {  	v15 =	vadd.f32 $1.000000000e+00, v33;
	v30 =	vor.u32 $0x3F800000, v13;
	v13 =	vand.u32 $0x7FFFFF, v16  }
0x191: {  	(erf) = vrcp.f32 v14;
	v14 =	vadd.f32 $1.000000000e+00, v30;
	v25 =	vor.u32 $0x3F800000, v13  }
0x192: {  	(erf) = vrcp.f32 v15;
	v13 =	vadd.f32 $1.000000000e+00, v25  }
0x193: {  	(erf) = vrcp.f32 v14  }
0x194: {  	v28 =	vld [tilespmem:$0x7B00];
	(erf) = vrcp.f32 v13  }
0x195: {  	v23 =	vld [tilespmem:$0x7C00]  }
0x196: {  	v22 =	vld [tilespmem:$0x7B10]  }
0x197: {  	v18 =	vld [tilespmem:$0x7C20]  }
0x198: {  	p0 =	seq.s32 s31, $0x2620;
	v17 =	vld [tilespmem:$0x7B30]  }
.Ltmp4:
0x199: {  	v21 =	vld [tilespmem:$0x7B20];
	v37 =	vpop (erf);
	(pc) =	sbr.rel @p0 .LBB2_4-.Ltmp4, $4  }
0x19a: {  	v19 =	vld [tilespmem:$0x7C10];
	v36 =	vpop (erf)  }
0x19b: {  	v15 =	vld [tilespmem:$0x7B40];
	v35 =	vpop (erf)  }
0x19c: {  	v14 =	vld [tilespmem:$0x7C30];
	v31 =	vpop (erf)  }
0x19d: {  	v13 =	vld [tilespmem:$0x7C40];
	v27 =	vpop (erf)  }
0x19e: {  	v38 =	vld [tilespmem:s30+$0xFFFFFFC0]  }
0x19f: {  	v39 =	vld [tilespmem:s29+$0xFFFFFFC0];
	_ =	sdelay $0x6  }
0x1a0: {  	v38 =	vld.idx.msk [tilespmem:v38+s2+$0x0], $0xffff  }
0x1a1: {  	v39 =	vld.idx.msk [tilespmem:v39+s2+$0x0], $0xffff;
	_ =	sdelay $0x2  }
0x1a2: {  	s0 =	sadd.s32 $0xF0, s1  }
0x1a3: {  	v40 =	vmov s0  }
0x1a4: {  	v40 =	vshll.u32 v40, $0x7;
	v41 =	vshra.s32 v38, $0x8;
	v42 =	vshra.s32 v39, $0x8  }
0x1a5: {  	v40 =	vor.u32 v0, v40;
	v38 =	vand.u32 $0xFF, v38;
	v43 =	vmul.u32 v41, v42  }
0x1a6: {  	v39 =	vand.u32 $0xFF, v39;
	v38 =	vadd.s32 v40, v38;
	vm0 =	vgt.s32 v41, v42  }
0x1a7: {  	v48 =	vadd.s32 v40, v39;
	[tilespmem:$0x7780] =	vst v38;
	v50 =	vsel vm0, v41, v42;
	v49 =	vcvt.s32.f32 v43  }
0x1a8: {  	[tilespmem:$0x7800] =	vst v48;
	v51 =	vcvt.s32.f32 v50  }
0x1a9: {  	[tilespmem:$0x7B00] =	vst v49  }
0x1aa: {  	s0 =	sand.u32 $0x3FE0, s31;
	[tilespmem:$0x7C00] =	vst v51  }
0x1ab: {  	v38 =	vld [tilespmem:s0+$0x2880]  }
0x1ac: {  	v39 =	vld [tilespmem:s0+$0x5000];
	_ =	sdelay $0x6  }
0x1ad: {  	v38 =	vld.idx.msk [tilespmem:v38+s2+$0x0], $0xffff  }
0x1ae: {  	v39 =	vld.idx.msk [tilespmem:v39+s2+$0x0], $0xffff;
	_ =	sdelay $0x2  }
0x1af: {  	s0 =	sadd.s32 $0x100, s1  }
0x1b0: {  	v52 =	vmov s0  }
0x1b1: {  	v40 =	vshll.u32 v52, $0x7;
	v53 =	vshra.s32 v38, $0x8;
	v54 =	vshra.s32 v39, $0x8  }
0x1b2: {  	v40 =	vor.u32 v0, v40;
	v38 =	vand.u32 $0xFF, v38;
	v55 =	vmul.u32 v53, v54  }
0x1b3: {  	v39 =	vand.u32 $0xFF, v39;
	v38 =	vadd.s32 v40, v38;
	vm12 =	vgt.s32 v53, v54  }
0x1b4: {  	v56 =	vadd.s32 v40, v39;
	[tilespmem:$0x7790] =	vst v38;
	v58 =	vsel vm12, v53, v54;
	v57 =	vcvt.s32.f32 v55  }
0x1b5: {  	[tilespmem:$0x7810] =	vst v56;
	v59 =	vcvt.s32.f32 v58  }
0x1b6: {  	[tilespmem:$0x7B10] =	vst v57  }
0x1b7: {  	[tilespmem:$0x7C10] =	vst v59  }
0x1b8: {  	v38 =	vld [tilespmem:s30+$0xFFFFFFE0]  }
0x1b9: {  	v39 =	vld [tilespmem:s29+$0xFFFFFFE0];
	_ =	sdelay $0x6  }
0x1ba: {  	v38 =	vld.idx.msk [tilespmem:v38+s2+$0x0], $0xffff  }
0x1bb: {  	v39 =	vld.idx.msk [tilespmem:v39+s2+$0x0], $0xffff;
	_ =	sdelay $0x2  }
0x1bc: {  	s0 =	sadd.s32 $0x110, s1  }
0x1bd: {  	v60 =	vmov s0  }
0x1be: {  	v40 =	vshll.u32 v60, $0x7;
	v61 =	vshra.s32 v38, $0x8;
	v62 =	vshra.s32 v39, $0x8  }
0x1bf: {  	v40 =	vor.u32 v0, v40;
	v38 =	vand.u32 $0xFF, v38;
	v63 =	vmul.u32 v61, v62  }
0x1c0: {  	v39 =	vand.u32 $0xFF, v39;
	v38 =	vadd.s32 v40, v38;
	vm13 =	vgt.s32 v61, v62  }
0x1c1: {  	v44 =	vadd.s32 v40, v39;
	[tilespmem:$0x77A0] =	vst v38;
	v46 =	vsel vm13, v61, v62;
	v45 =	vcvt.s32.f32 v63  }
0x1c2: {  	[tilespmem:$0x7820] =	vst v44;
	v47 =	vcvt.s32.f32 v46  }
0x1c3: {  	[tilespmem:$0x7B20] =	vst v45  }
0x1c4: {  	[tilespmem:$0x7C20] =	vst v47  }
0x1c5: {  	v38 =	vld [tilespmem:s30+$0xFFFFFFF0]  }
0x1c6: {  	v39 =	vld [tilespmem:s29+$0xFFFFFFF0];
	_ =	sdelay $0x6  }
0x1c7: {  	v38 =	vld.idx.msk [tilespmem:v38+s2+$0x0], $0xffff  }
0x1c8: {  	v39 =	vld.idx.msk [tilespmem:v39+s2+$0x0], $0xffff;
	_ =	sdelay $0x2  }
0x1c9: {  	s0 =	sadd.s32 $0x120, s1  }
0x1ca: {  	v48 =	vmov s0  }
0x1cb: {  	v40 =	vshll.u32 v48, $0x7;
	v49 =	vshra.s32 v38, $0x8;
	v50 =	vshra.s32 v39, $0x8  }
0x1cc: {  	v40 =	vor.u32 v0, v40;
	v38 =	vand.u32 $0xFF, v38;
	v51 =	vmul.u32 v49, v50  }
0x1cd: {  	v39 =	vand.u32 $0xFF, v39;
	v38 =	vadd.s32 v40, v38;
	vm14 =	vgt.s32 v49, v50  }
0x1ce: {  	v52 =	vadd.s32 v40, v39;
	[tilespmem:$0x77B0] =	vst v38;
	v54 =	vsel vm14, v49, v50;
	v53 =	vcvt.s32.f32 v51  }
0x1cf: {  	[tilespmem:$0x7830] =	vst v52;
	v55 =	vcvt.s32.f32 v54  }
0x1d0: {  	[tilespmem:$0x7B30] =	vst v53  }
0x1d1: {  	[tilespmem:$0x7C30] =	vst v55  }
0x1d2: {  	v38 =	vld [tilespmem:s30+$0x0]  }
0x1d3: {  	v39 =	vld [tilespmem:s29+$0x0];
	_ =	sdelay $0x6  }
0x1d4: {  	v38 =	vld.idx.msk [tilespmem:v38+s2+$0x0], $0xffff  }
0x1d5: {  	v39 =	vld.idx.msk [tilespmem:v39+s2+$0x0], $0xffff;
	_ =	sdelay $0x2  }
0x1d6: {  	s1 =	sadd.s32 $0x130, s1  }
0x1d7: {  	v56 =	vmov s1  }
0x1d8: {  	v40 =	vshll.u32 v56, $0x7;
	v57 =	vshra.s32 v38, $0x8;
	v58 =	vshra.s32 v39, $0x8  }
0x1d9: {  	v40 =	vor.u32 v0, v40;
	v38 =	vand.u32 $0xFF, v38;
	v59 =	vmul.u32 v57, v58  }
0x1da: {  	v39 =	vand.u32 $0xFF, v39;
	v38 =	vadd.s32 v40, v38;
	vm15 =	vgt.s32 v57, v58  }
0x1db: {  	v60 =	vadd.s32 v40, v39;
	[tilespmem:$0x77C0] =	vst v38;
	v62 =	vsel vm15, v57, v58;
	v61 =	vcvt.s32.f32 v59  }
0x1dc: {  	[tilespmem:$0x7840] =	vst v60;
	v63 =	vcvt.s32.f32 v62  }
.Ltmp5:
0x1dd: {  	[tilespmem:$0x7B40] =	vst v61;
	(pc) =	sbr.rel .LBB2_4-.Ltmp5, $4  }
0x1de: {  	[tilespmem:$0x7C40] =	vst v63  }
0x1df: {  	[tilespmem:s20], [sflag:$0x2] =	stream.indirect.gather [hbm4b:s3+s14], $0x1, s19, s14, $0xb8;
	[tilespmem:$0x7D80] =	vst v63  }
0x1e0: {  	_ = 	snop  }
0x1e1: {  	[tilespmem:s22], [sflag:$0x2] =	stream.indirect.gather [hbm4b:s3+s14], $0x1, s21, s14, $0xb8;
	[tilespmem:$0x7D80] =	vst v63  }
.LBB2_6:
0x1e2: {  	_ =	sfence.sel $0x180000  }
0x1e3: {  	[bflag:$0x0] =	sbarrier.arrive $0xFFFF  }
0x1e4: {  	_ =	strace $0x9000004D  }
0x1e5: {  	s0 =	stileid.u32;
	[bflag:$0x2] =	sbarrier.arrive $0xFFFF  }
0x1e6: {  	p0 =	sne.s32 s0, $0x0;
	s0 =	rddreg [dreg:$0x1]  }
0x1e7: {  	s0 =	sadd.s32 @!p0 $0x100000, s0  }
0x1e8: {  	[sflag:s0] =	ssyncadd.tile.s32 @!p0 $0x1;
	_ =	shalt  }
.Lfunc_end2:
_tile_overlayer_lowered:
.L_overlay_start_2:
0x1e9: {  	(tag) =	ssettag $0x2  }
0x1ea: {  	s0 =	rddreg [dreg:$0x0];
	s2 =	stileid.u32  }
0x1eb: {  	s1 =	rddreg [dreg:$0x1];
	p0 =	sne.s32 s2, $0x0  }
0x1ec: {  	s3 =	rddreg [dreg:$0x2];
	[bflag:$0x3] =	sbarrier.arrive $0xFFFF;
	s2 =	simm.s32 @!p0 $0x1C03  }
0x1ed: {  	[timem:s3], [sflag:s2] =	dma.local @!p0 [hbm:s0], s1  }
0x1ee: {  	s0 =	simm.s32 @!p0 $0x3  }
0x1ef: {  	_ =	swait.ge @!p0 [sflag:s0], s1  }
0x1f0: {  	s1 =	ssub.s32 @!p0 $0x0, s1;
	[sflag:s0] =	ssyncset.done @!p0 $0x0  }
0x1f1: {  	[sflag:s0] =	ssyncadd.s32 @!p0 s1  }
0x1f2: {  	[bflag:$0x3] =	sbarrier.arrive $0xFFFF  }
0x1f3: {  	_ =	shalt  }

// kernel: sparse-core-data-format-call.cloned.1.call-start
scs
called_computation_lowered:
.L_overlay_start_0:
0x0: {  	s1 =	sld [smem:$0x3FD9]  }
0x1: {  	s2 =	sld [smem:$0x3FFE];
	_ =	sdelay $0x1  }
0x2: {  	s3 =	srdreg.scid  }
0x3: {  	s0 =	sand.u32 $0x1, s3  }
0x4: {  	s17 =	sshll.u32 s0, $0xA;
	s1 =	sadd.s32 s2, s1  }
0x5: {  	s1 =	sadd.s32 s1, s17  }
0x6: {  	[smem:$0x3FC3] =	sst s1  }
0x7: {  	_ = 	snop  }
0x8: {  	(tm) =	ssettm $0x1  }
0x9: {  	s18 =	sld [smem:$0x3FFB];
	_ =	sdelay $0x3  }
0xa: {  	_ =	strace s18  }
0xb: {  	s1 =	sld [smem:$0x3FFC];
	_ =	sdelay $0x3  }
0xc: {  	_ =	strace s1  }
0xd: {  	s1 =	sld [smem:$0x3FFD];
	_ =	sdelay $0x3  }
0xe: {  	_ =	strace s1  }
0xf: {  	_ =	strace $0x8FFFFFFF  }
0x10: {  	s19 =	sld [smem:$0x3FDB];
	_ =	sdelay $0x1  }
0x11: {  	s20 =	simm.s32 $_scs_section_size  }
0x12: {  	s4 =	simm.s32 $_size__tile_overlayer_lowered;
	s5 =	simm.s32 $_tile_overlayer_lowered  }
0x13: {  	s23 =	simm.s32 $0x1BFF;
	s22 =	sshll.u32 s5, $0x1;
	s1 =	sadd.s32 s20, s19  }
0x14: {  	s6 =	simm.s32 $0x0;
	s21 =	sshll.u32 s4, $0x1;
	s4 =	sadd.s32 s22, s1  }
0x15: {  	[timem:s6], [sflag:s23] =	dma.local [hbm:s4], s21  }
0x16: {  	_ =	swait.ge [sflag:s23], s21  }
0x17: {  	s2 =	ssub.s32 $0x0, s21;
	[sflag:s23] =	ssyncset.done $0x0  }
0x18: {  	[sflag:s23] =	ssyncadd.s32 s2;
	_ =	sdelay $0x1  }
0x19: {  	s24 =	simm.s32 $0x1B8B  }
0x1a: {  	_ =	swait.ge [sflag:s24], $0x1  }
0x1b: {  	[sflag:s24] =	ssyncset.done $0x0  }
0x1c: {  	s26 =	simm.s32 $0x1B8E;
	s25 =	sld [smem:$0x3FFE];
	[sflag:s24] =	ssyncadd.s32 $0xFFFFFFFF  }
0x1d: {  	s27 =	simm.s32 $execute0_lowered;
	[smem:$0x3FD2] =	sst s26  }
0x1e: {  	s4 =	sshll.u32 s27, $0x1;
	_ =	strace $0x80000046;
	[dreg:$0x1] =	wrdreg $0xFFFFFFFF  }
0x1f: {  	s28 =	simm.s32 $_size_execute0_lowered;
	s1 =	sadd.s32 s1, s4;
	[dreg:$0x0] =	wrdreg $0x0  }
0x20: {  	s4 =	sshll.u32 s28, $0x1;
	[dreg:$0x2] =	wrdreg s1  }
0x21: {  	[dreg:$0x3] =	wrdreg s4  }
0x22: {  	[dreg:$0x4] =	wrdreg $0xC0  }
0x23: {  	_ =	task [dreg:s6], $0x5FFFF  }
0x24: {  	[dreg:$0x1] =	wrdreg $0xFFFFFFFF  }
0x25: {  	[dreg:$0x0] =	wrdreg $0x60  }
0x26: {  	[dreg:$0x2] =	wrdreg s25  }
0x27: {  	[dreg:$0x3] =	wrdreg $0xA  }
0x28: {  	_ =	task.clear_ibuf [dreg:s6], $0x4FFFF;
	_ =	strace $0x90000046  }
0x29: {  	s29 =	simm.s32 $0xA;
	_ =	strace $0x80000048  }
0x2a: {  	_ =	swait.ge [sflag:s29], $0x1  }
0x2b: {  	[sflag:s29] =	ssyncadd.s32 $0xFFFFFFFF  }
0x2c: {  	_ =	strace $0x90000048  }
0x2d: {  	_ =	sfence  }
0x2e: {  	s30 =	sld [smem:$0x0];
	_ =	sdelay $0x2  }
0x2f: {  	s31 =	sshll.u32 s3, $0xD;
	s3 =	sshrl.u32 s3, $0x2  }
0x30: {  	s2 =	sand.u32 $0x4000, s31;
	s1 =	sadd.s32 s3, s30  }
0x31: {  	s0 =	sor.u32 s2, s0;
	s1 =	sshll.u32 s1, $0x11  }
0x32: {  	s0 =	sor.u32 s1, s0  }
0x33: {  	s0 =	sadd.s32 $0x8F2B, s0  }
0x34: {  	[sflag:s0] =	ssyncadd.remote.s32 $0x1  }
0x35: {  	_ =	sfence.sel $0xFFFF  }
0x36: {  	[dreg:$0x0] =	wrdreg $0xFFFFFFFF;
	(pc) =	sbr.abs _section_cstart, $3  }
0x37: {  	[dreg:$0x1] =	wrdreg $0xFFFFFFFF  }
0x38: {  	_ =	task.clear_ibuf [dreg:s6], $0x2FFFF;
	_ =	strace $0x9FFFFFFF  }
0x39: {  	(tm) =	ssettm $0x7FFFFFFF  }
tec
execute0_lowered:
.L_overlay_start_1:
0x0: {  	(tag) =	ssettag $0x1  }
0x1: {  	s0 =	srdreg.scid  }
0x2: {  	s5 =	rddreg [dreg:$0x0];
	s1 =	sshll.u32 s0, $0x4  }
0x3: {  	s4 =	simm.s32 $0x1;
	s0 =	stileid.u32;
	s1 =	sand.u32 $0x10, s1  }
0x4: {  	s8 =	simm.s32 $0x2;
	s12 =	simm.s32 $0x0;
	s2 =	sor.u32 s0, s1  }
0x5: {  	s11 =	simm.s32 $0x0;
	s9 =	simm.s32 $0x0;
	s2 =	sshll.u32 s2, $0x7  }
0x6: {  	s10 =	simm.s32 $0x0;
	s3 =	sadd.s32 $0x1C00, s5;
	s6 =	ssub.s32 $0x4E200, s2  }
.Ltmp0:
0x7: {  	s1 =	rddreg [dreg:$0x1];
	s7 =	sand.u32 $0xF80, s6;
	(pc) =	sbr.rel .LBB1_1-.Ltmp0, $4  }
0x8: {  	_ =	strace $0x80000047;
	p0 =	sne.s32 s7, $0x0;
	s7 =	simm.s32 $0x1  }
0x9: {  	[sflag:s4] =	ssyncpa.u1 $0x0;
	s6 =	sshrl.u32 s6, $0xC;
	s7 =	simm.s32 @!p0 $0x0  }
0xa: {  	s5 =	sadd.s32 $0x4E3C00, s5;
	[sflag:s8] =	ssyncpa.u1 $0x0;
	s6 =	sadd.s32 s7, s6  }
0xb: {  	s8 =	smov.u32 s2;
	p0 =	por $0x0, $0x0;
	s7 =	sadd.s32 $0x1, s6  }
.LBB1_4:
0xc: {  	s12 =	sshll.u32 s12, $0x7;
	s18 =	sshll.u32 s11, $0x3  }
0xd: {  	v5 =	vld [tilespmem:s16+$0xFFFFFFD0];
	[tilespmem:s15+$0x2040 ss:$0x81] =	vst.msk $0xffff, v4;
	s19 =	sand.u32 $0xFFFFFC00, s12;
	s18 =	sand.u32 $0xFFFFFC00, s18  }
0xe: {  	v58 =	vld [tilespmem:s16+$0xFFFFFFE0];
	[tilespmem:s15+$0x2850 ss:$0x81] =	vst.msk $0xffff, v3;
	s12 =	sand.u32 $0x380, s12;
	s18 =	sadd.s32 s18, s19  }
0xf: {  	s17 =	sshra.s32 s17, $0x2;
	v59 =	vld [tilespmem:s16+$0xFFFFFFF0];
	[tilespmem:s15+$0x3060 ss:$0x81] =	vst.msk $0xffff, v2;
	s12 =	sor.u32 s12, s18  }
0x10: {  	v60 =	vld [tilespmem:s16+$0x0];
	[tilespmem:s15+$0x0 ss:$0x81] =	vst.msk $0xffff, v0;
	s14 =	sadd.s32 s17, s14;
	s12 =	sshrl.u32 s12, $0x7  }
0x11: {  	v61 =	vld [tilespmem:s16+$0x10];
	[tilespmem:s14+$0x3870 ss:$0x81] =	vst.msk $0xffff, v1;
	s28 =	smulhi.u32 $0x1A36E2F, s12  }
0x12: {  	v62 =	vld [tilespmem:s16+$0x20];
	[tilespmem:s14+$0x810 ss:$0x81] =	vst.msk $0xffff, v5  }
0x13: {  	v63 =	vld [tilespmem:s16+$0xFFFFFFC0];
	[tilespmem:s14+$0x1020 ss:$0x81] =	vst.msk $0xffff, v58;
	s15 =	sshrl.u32 s28, $0xB  }
0x14: {  	[tilespmem:s14+$0x1830 ss:$0x81] =	vst.msk $0xffff, v59;
	s15 =	smul.u32 $0x4E200, s15  }
0x15: {  	s29 =	sshrl.u32 s11, $0x3;
	[tilespmem:s14+$0x2040 ss:$0x81] =	vst.msk $0xffff, v60  }
0x16: {  	s30 =	sand.u32 $0xF, s29;
	[tilespmem:s14+$0x2850 ss:$0x81] =	vst.msk $0xffff, v61;
	s12 =	ssub.s32 s12, s15  }
0x17: {  	[tilespmem:s14+$0x3060 ss:$0x81] =	vst.msk $0xffff, v62;
	s15 =	sadd.s32 s5, s30;
	s12 =	sshll.u32 s12, $0x4  }
0x18: {  	s31 =	sand.u32 $0x7, s11;
	[tilespmem:s14+$0x0 ss:$0x81] =	vst.msk $0xffff, v63;
	s12 =	sadd.s32 s12, s15  }
0x19: {  	[hbm4b:s12+s31] =	stream.linear.scatter [tilespmem:s13], [sflag:$0x2], $0x4000, $0x20;
	[tilespmem:$0x10100] =	vst v63  }
.LBB1_5:
0x1a: {  	s13 =	sadd.s32 $0x1000, s8  }
0x1b: {  	s11 =	sadd.s32 $0x80, s9;
	s15 =	smov.u32 s9;
	p2 =	sgt.s32 s13, $0x4E1FF  }
0x1c: {  	s15 =	smov.u32 @p2 s11  }
0x1d: {  	s13 =	smov.u32 @p2 s2;
	p2 =	sgt.s32 s15, $0x7F  }
0x1e: {  	s15 =	simm.s32 @p2 $0x0;
	p2 =	sne.s32 s10, s7  }
.Ltmp1:
0x1f: {  	p1 =	slt.u32 s10, $0x2;
	(pc) =	sbr.rel @!p2 .LBB1_6-.Ltmp1, $4  }
0x20: {  	s14 =	simm.s32 @!p1 $0x2  }
0x21: {  	s12 =	smov.u32 s8;
	p0 =	por !p0, !p0;
	_ =	swait.ge @!p1 [sflag:s14], $0x4000  }
0x22: {  	s11 =	smov.u32 s9;
	[sflag:s14] =	ssyncset.done @!p1 $0x0;
	s8 =	smov.u32 s13  }
0x23: {  	s10 =	sadd.s32 $0x1, s10;
	[sflag:s14] =	ssyncadd.s32 @!p1 $0xFFFFC000;
	s9 =	smov.u32 s15  }
.LBB1_1:
0x24: {  	p1 =	sge.u32 s10, s6  }
0x25: {  	s13 =	sshrl.u32 @!p1 s9, $0x3  }
0x26: {  	s14 =	sshll.u32 @!p1 s8, $0x3;
	s13 =	smul.u32 @!p1 $0x271000, s13  }
0x27: {  	s15 =	sshll.u32 @!p1 s9, $0x7;
	s14 =	sand.u32 @!p1 $0xFFFFFC00, s14  }
0x28: {  	s13 =	sadd.s32 @!p1 s13, s14;
	s14 =	sand.u32 @!p1 $0x380, s15  }
0x29: {  	s15 =	sand.u32 @!p1 $0x7F, s8;
	s13 =	sor.u32 @!p1 s14, s13  }
0x2a: {  	s14 =	sor.u32 @!p1 s15, s13  }
0x2b: {  	s15 =	smulhi.u32 @!p1 $0xD1B71759, s14;
	_ =	sdelay $0x1  }
0x2c: {  	s13 =	smulhi.u32 @!p1 $0xD1B71759, s13;
	s15 =	sshrl.u32 @!p1 s15, $0x12  }
0x2d: {  	s15 =	smul.u32 @!p1 $0x4E200, s15  }
0x2e: {  	s31 =	sadd.s32 $0xFFFFFFFF, s10;
	s16 =	sxor.u32 @!p1 $0xFFFFFFFF, s10;
	s13 =	sshrl.u32 @!p1 s13, $0x12  }
0x2f: {  	s16 =	sshll.u32 @!p1 s16, $0xE;
	s13 =	sand.u32 @!p1 $0x7F, s13;
	s14 =	ssub.s32 @!p1 s14, s15  }
0x30: {  	s13 =	smul.u32 @!p1 $0x9C40, s13;
	s15 =	sshrl.u32 @!p1 s14, $0x3;
	s14 =	sand.u32 @!p1 $0x7, s14  }
0x31: {  	s16 =	sand.u32 @!p1 $0x4000, s16;
	s15 =	sadd.s32 @!p1 s3, s15;
	s14 =	sshll.u32 @!p1 s14, $0x12  }
0x32: {  	s13 =	sadd.s32 @!p1 s13, s15;
	s14 =	sor.u32 @!p1 $0x400, s14;
	s15 =	simm.s32 @!p1 $0x271000  }
0x33: {  	[tilespmem:s16], [sflag:$0x1] =	stream.strided.gather @!p1 [hbm4b:s13+s14], $0x4000, s15, s14, $0x38;
	[tilespmem:$0x10100] =	vst v63  }
0x34: {  	p1 =	sge.u32 s31, s6  }
.Ltmp2:
0x35: {  	_ = 	snop;
	(pc) =	sbr.rel @p1 .LBB1_5-.Ltmp2, $1  }
0x36: {  	_ =	sdelay $0x3  }
0x37: {  	s13 =	simm.s32 $0x1  }
0x38: {  	_ =	swait.ge [sflag:s4], $0x4000;
	s13 =	simm.s32 @!p0 $0x0  }
0x39: {  	[sflag:s4] =	ssyncset.done $0x0;
	s14 =	sshll.u32 s13, $0xE  }
0x3a: {  	[sflag:s4] =	ssyncadd.s32 $0xFFFFC000;
	s16 =	sor.u32 $0x40, s14  }
0x3b: {  	s13 =	smul.u32 $0x10200, s13;
	v0 =	vld [tilespmem:s16+$0x30]  }
0x3c: {  	v1 =	vld [tilespmem:s16+$0xFFFFFFD0]  }
0x3d: {  	s13 =	sshrl.u32 s13, $0x2;
	v5 =	vld [tilespmem:s16+$0xFFFFFFE0]  }
0x3e: {  	v6 =	vld [tilespmem:s16+$0xFFFFFFF0];
	s14 =	sor.u32 $0x8000, s13  }
0x3f: {  	s31 =	sand.u32 $0x1, s10;
	v4 =	vld [tilespmem:s16+$0x0];
	s15 =	sadd.s32 $0x0, s14  }
0x40: {  	v3 =	vld [tilespmem:s16+$0x10];
	s13 =	smul.u32 $0x10200, s31;
	[tilespmem:s15+$0x3870 ss:$0x81] =	vst.msk $0xffff, v0  }
0x41: {  	v2 =	vld [tilespmem:s16+$0x20];
	[tilespmem:s15+$0x810 ss:$0x81] =	vst.msk $0xffff, v1  }
0x42: {  	s13 =	sshrl.u32 s13, $0x2;
	v0 =	vld [tilespmem:s16+$0xFFFFFFC0];
	[tilespmem:s15+$0x1020 ss:$0x81] =	vst.msk $0xffff, v5;
	s16 =	sadd.s32 $0x80, s16  }
0x43: {  	s17 =	simm.s32 $0x4;
	s18 =	simm.s32 $0x8;
	s13 =	sor.u32 $0x8000, s13;
	[tilespmem:s15+$0x1830 ss:$0x81] =	vst.msk $0xffff, v6;
	v1 =	vld [tilespmem:s16+$0x30]  }
.LBB1_3:
0x44: {  	p1 =	sne.s32 s18, $0x1FC;
	v5 =	vld [tilespmem:s16+$0xFFFFFFD0];
	[tilespmem:s15+$0x2040 ss:$0x81] =	vst.msk $0xffff, v4  }
0x45: {  	v6 =	vld [tilespmem:s16+$0xFFFFFFE0];
	[tilespmem:s15+$0x2850 ss:$0x81] =	vst.msk $0xffff, v3  }
0x46: {  	s19 =	sshra.s32 s17, $0x2;
	s17 =	smov.u32 s18;
	v7 =	vld [tilespmem:s16+$0xFFFFFFF0];
	[tilespmem:s15+$0x3060 ss:$0x81] =	vst.msk $0xffff, v2  }
.Ltmp3:
0x47: {  	v4 =	vld [tilespmem:s16+$0x0];
	[tilespmem:s15+$0x0 ss:$0x81] =	vst.msk $0xffff, v0;
	s15 =	sadd.s32 s19, s14;
	(pc) =	sbr.rel @p1 .LBB1_3-.Ltmp3, $4  }
0x48: {  	v3 =	vld [tilespmem:s16+$0x10];
	[tilespmem:s15+$0x3870 ss:$0x81] =	vst.msk $0xffff, v1  }
0x49: {  	[tilespmem:s15+$0x810 ss:$0x81] =	vst.msk $0xffff, v5;
	v2 =	vld [tilespmem:s16+$0x20]  }
0x4a: {  	v0 =	vld [tilespmem:s16+$0xFFFFFFC0];
	[tilespmem:s15+$0x1020 ss:$0x81] =	vst.msk $0xffff, v6;
	s16 =	sadd.s32 $0x80, s16  }
0x4b: {  	s18 =	sadd.s32 $0x4, s18;
	v1 =	vld [tilespmem:s16+$0x30];
	[tilespmem:s15+$0x1830 ss:$0x81] =	vst.msk $0xffff, v7  }
.Ltmp4:
0x4c: {  	_ = 	snop;
	(pc) =	sbr.rel .LBB1_4-.Ltmp4, $1  }
0x4d: {  	_ =	sdelay $0x3  }
.LBB1_6:
0x4e: {  	_ =	sfence.sel $0x180000  }
0x4f: {  	s2 =	simm.s32 $0x1;
	[bflag:$0x0] =	sbarrier.arrive $0xFFFF  }
0x50: {  	s31 =	simm.s32 $0x2;
	[sflag:s2] =	ssyncpa.u1 $0x1  }
0x51: {  	[sflag:s31] =	ssyncpa.u1 $0x1  }
0x52: {  	p0 =	sne.s32 s0, $0x0;
	_ =	strace $0x90000047  }
0x53: {  	s0 =	sadd.s32 @!p0 $0x100000, s1;
	[bflag:$0x2] =	sbarrier.arrive $0xFFFF  }
0x54: {  	[sflag:s0] =	ssyncadd.tile.s32 @!p0 $0x1;
	_ =	shalt  }
.Lfunc_end1:
_tile_overlayer_lowered:
.L_overlay_start_2:
0x55: {  	(tag) =	ssettag $0x2  }
0x56: {  	s0 =	rddreg [dreg:$0x0];
	s2 =	stileid.u32  }
0x57: {  	s1 =	rddreg [dreg:$0x1];
	p0 =	sne.s32 s2, $0x0  }
0x58: {  	s3 =	rddreg [dreg:$0x2];
	[bflag:$0x3] =	sbarrier.arrive $0xFFFF;
	s2 =	simm.s32 @!p0 $0x1C01  }
0x59: {  	[timem:s3], [sflag:s2] =	dma.local @!p0 [hbm:s0], s1  }
0x5a: {  	s0 =	simm.s32 @!p0 $0x1  }
0x5b: {  	_ =	swait.ge @!p0 [sflag:s0], s1  }
0x5c: {  	s1 =	ssub.s32 @!p0 $0x0, s1;
	[sflag:s0] =	ssyncset.done @!p0 $0x0  }
0x5d: {  	[sflag:s0] =	ssyncadd.s32 @!p0 s1  }
0x5e: {  	[bflag:$0x3] =	sbarrier.arrive $0xFFFF  }
0x5f: {  	_ =	shalt  }

</sc_bundles>
